<compile_context>
chip_gen: v7x
topology: tpu7x:2x2x1
jax: 0.10.2.dev20260603
libtpu: 0.0.44.dev20260713+nightly
codegen_flags: <defaults>
</compile_context>

<pallas_src>
import functools

import jax
import jax.numpy as jnp
from jax import lax
from jax.experimental import pallas as pl
from jax.experimental.pallas import tpu as pltpu
from jax.experimental.pallas import tpu_sc as plsc

N = 10000
NPAD = 10240
E = 320000
CHUNK = 128
NW = 32
CPW = 80
EPAD = NW * CPW * CHUNK
DUMMY = N
STRIPE = NPAD // 16

_MESH = plsc.VectorSubcoreMesh(core_axis_name="c", subcore_axis_name="s")


def _fill_rows(ref, n_rows, n_cols, value):
    vec = jnp.full((16,), value, jnp.float32)

    def body(i, _):
        for l in range(n_cols // 16):
            ref[i, pl.ds(16 * l, 16)] = vec
        return 0

    lax.fori_loop(0, n_rows, body, 0)


def _make_deg_kernel():
    @functools.partial(
        pl.kernel,
        out_type=jax.ShapeDtypeStruct((2, NPAD, 16), jnp.float32),
        mesh=_MESH,
        compiler_params=pltpu.CompilerParams(use_tc_tiling_on_sc=False),
        scratch_types=[
            pltpu.VMEM((CPW, CHUNK), jnp.int32),
            pltpu.VMEM((CHUNK, 16), jnp.float32),
            pltpu.VMEM((CHUNK, 16), jnp.float32),
            pltpu.VMEM_SHARED((NPAD, 16), jnp.float32),
            pltpu.SemaphoreType.DMA,
        ],
    )
    def deg_kernel(dst_hbm, out_hbm, dst_v, ones_v, zero_v, acc_sh, dsem):
        c = lax.axis_index("c")
        s = lax.axis_index("s")
        wid = c * 16 + s

        _fill_rows(zero_v, CHUNK, 16, 0.0)
        _fill_rows(ones_v, CHUNK, 16, 1.0)
        for t in range(STRIPE // CHUNK):
            pltpu.sync_copy(zero_v, acc_sh.at[pl.ds(s * STRIPE + t * CHUNK, CHUNK)])
        plsc.subcore_barrier()

        pltpu.sync_copy(dst_hbm.at[pl.ds(wid * CPW, CPW)], dst_v)

        def body(j, _):
            pltpu.async_copy(ones_v, acc_sh.at[dst_v.at[j]], dsem, add=True)
            return 0

        lax.fori_loop(0, CPW, body, 0)

        def drain(j, _):
            pltpu.make_async_copy(ones_v, acc_sh.at[dst_v.at[j]], dsem).wait()
            return 0

        lax.fori_loop(0, CPW, drain, 0)
        plsc.subcore_barrier()
        pltpu.sync_copy(acc_sh.at[pl.ds(s * STRIPE, STRIPE)],
                        out_hbm.at[c, pl.ds(s * STRIPE, STRIPE)])

    return deg_kernel


NBUF = 4
CPW0 = 80
CPW1 = 80
CPWMAX = max(CPW0, CPW1)


def _make_edge_scatter(D, bf16_gather):
    gdt = jnp.int32 if bf16_gather else jnp.float32
    @functools.partial(
        pl.kernel,
        out_type=jax.ShapeDtypeStruct((2, NPAD, D), jnp.float32),
        mesh=_MESH,
        compiler_params=pltpu.CompilerParams(use_tc_tiling_on_sc=False),
        scratch_types=[
            pltpu.VMEM((CPWMAX, CHUNK), jnp.int32),
            pltpu.VMEM((CPWMAX, CHUNK), jnp.int32),
            pltpu.VMEM((NBUF, CHUNK, D), jnp.float32),
            pltpu.VMEM((NBUF, CHUNK, D // 2) if bf16_gather else (1, 16, D), gdt),
            pltpu.VMEM_SHARED((NPAD, D), jnp.float32),
            pltpu.VMEM_SHARED((NPAD, D // 2 if bf16_gather else D), gdt),
        ] + [pltpu.SemaphoreType.DMA] * NBUF,
    )
    def edge_kernel(y_hbm, src_hbm, dst_hbm, out_hbm, src_v, dst_v, rows_v, gbuf, acc_sh, ytab_sh, *sems):
        c = lax.axis_index("c")
        s = lax.axis_index("s")

        vec = jnp.zeros((16,), jnp.float32)

        def zbody(i, _):
            for l in range(D // 16):
                rows_v[0, i, pl.ds(16 * l, 16)] = vec
            return 0

        lax.fori_loop(0, CHUNK, zbody, 0)
        for t in range(STRIPE // CHUNK):
            pltpu.sync_copy(rows_v.at[0], acc_sh.at[pl.ds(s * STRIPE + t * CHUNK, CHUNK)])
        pltpu.sync_copy(y_hbm.at[pl.ds(s * STRIPE, STRIPE)],
                        ytab_sh.at[pl.ds(s * STRIPE, STRIPE)])
        plsc.subcore_barrier()

        gt = gbuf if bf16_gather else rows_v

        def g_src(p):
            return ytab_sh

        def g_start(j, p):
            pltpu.async_copy(g_src(p).at[src_v.at[j]], gt.at[p], sems[p])

        def g_wait(j, p):
            pltpu.make_async_copy(g_src(p).at[src_v.at[j]], gt.at[p], sems[p]).wait()

        def s_start(j, p):
            pltpu.async_copy(rows_v.at[p], acc_sh.at[dst_v.at[j]], sems[p], add=True)

        def s_wait(j, p):
            pltpu.make_async_copy(rows_v.at[p], acc_sh.at[dst_v.at[j]], sems[p]).wait()

        mask_hi = jnp.full((16,), -65536, jnp.int32)

        def convert(p):
            def cbody(i, _):
                for g in range(D // 32):
                    w = gbuf[p, i, pl.ds(16 * g, 16)]
                    lo = lax.bitcast_convert_type(w << 16, jnp.float32)
                    hi = lax.bitcast_convert_type(w & mask_hi, jnp.float32)
                    rows_v[p, i, pl.ds(32 * g, 16)] = lo
                    rows_v[p, i, pl.ds(32 * g + 16, 16)] = hi
                return 0

            lax.fori_loop(0, CHUNK, cbody, 0)

        def run(base, n):
            pltpu.sync_copy(src_hbm.at[pl.ds(base, n)], src_v.at[pl.ds(0, n)])
            pltpu.sync_copy(dst_hbm.at[pl.ds(base, n)], dst_v.at[pl.ds(0, n)])

            for p in range(NBUF):
                g_start(p, p)

            def body(g, _):
                j0 = g * NBUF
                for p in range(NBUF):
                    g_wait(j0 + p, p)
                    if bf16_gather:
                        convert(p)
                    s_start(j0 + p, p)
                for p in range(NBUF):
                    s_wait(j0 + p, p)
                    g_start(j0 + NBUF + p, p)
                return 0

            lax.fori_loop(0, n // NBUF - 1, body, 0)

            jlast = n - NBUF
            for p in range(NBUF):
                g_wait(jlast + p, p)
                if bf16_gather:
                    convert(p)
                s_start(jlast + p, p)
            for p in range(NBUF):
                s_wait(jlast + p, p)

        if CPW0 > 0:
            @pl.when(c == 0)
            def _():
                run(s * CPW0, CPW0)

        if CPW1 > 0:
            @pl.when(c == 1)
            def _():
                run(16 * CPW0 + s * CPW1, CPW1)

        plsc.subcore_barrier()
        pltpu.sync_copy(acc_sh.at[pl.ds(s * STRIPE, STRIPE)],
                        out_hbm.at[c, pl.ds(s * STRIPE, STRIPE)])

    return edge_kernel


_deg_scatter = _make_deg_kernel()
_edge_scatter64 = _make_edge_scatter(64, bf16_gather=True)
_edge_scatter16 = _make_edge_scatter(16, bf16_gather=False)


def _tc0_body(x_ref, w1_ref, h_ref):
    h_ref[pl.ds(0, N), :] = jnp.dot(x_ref[...], w1_ref[...],
                                    preferred_element_type=jnp.float32)
    h_ref[pl.ds(N, NPAD - N), :] = jnp.zeros((NPAD - N, 64), jnp.float32)


def _tc1_body(degp_ref, h_ref, dis_ref, y1_ref, y1bf_ref):
    deg = degp_ref[0, :, 0:1] + degp_ref[1, :, 0:1] + 1.0
    dis = lax.rsqrt(deg)
    dis_ref[...] = jnp.broadcast_to(dis, (NPAD, 16))
    y1 = dis * h_ref[...]
    y1_ref[...] = y1
    b16 = lax.bitcast_convert_type(y1.astype(jnp.bfloat16), jnp.int16)
    w32 = b16.astype(jnp.int32) & 0xFFFF
    words = [w32[:, 32 * g:32 * g + 16] | (w32[:, 32 * g + 16:32 * g + 32] << 16)
             for g in range(2)]
    y1bf_ref[...] = jnp.concatenate(words, axis=1)


def _tc2_body(m1p_ref, y1_ref, dis_ref, b1_ref, w2_ref, y2_ref):
    dis = dis_ref[:, 0:1]
    pre = dis * (m1p_ref[0] + m1p_ref[1] + y1_ref[...]) + b1_ref[...]
    h1 = jnp.maximum(pre, 0.0)
    g = jnp.dot(h1, w2_ref[...], preferred_element_type=jnp.float32)
    y2_ref[...] = dis * g


def _tc3_body(m2p_ref, y2_ref, dis_ref, b2_ref, z_ref):
    dis = dis_ref[:, 0:1]
    z_ref[...] = dis * (m2p_ref[0] + m2p_ref[1] + y2_ref[...]) + b2_ref[...]


@jax.jit
def kernel(x, edge_index, W1, b1, W2, b2):
    f32 = jnp.float32
    w1p = jnp.zeros((128, 64), f32).at[:, :50].set(W1)
    b1p = jnp.zeros((1, 64), f32).at[0, :50].set(b1)
    w2p = jnp.zeros((64, 16), f32).at[:50, :10].set(W2)
    b2p = jnp.zeros((1, 16), f32).at[0, :10].set(b2)

    pad = jnp.full((EPAD - E,), DUMMY, jnp.int32)
    src2d = jnp.concatenate([edge_index[0].astype(jnp.int32), pad]).reshape(EPAD // CHUNK, CHUNK)
    dst2d = jnp.concatenate([edge_index[1].astype(jnp.int32), pad]).reshape(EPAD // CHUNK, CHUNK)

    degp = _deg_scatter(dst2d)

    h = pl.pallas_call(
        _tc0_body,
        out_shape=jax.ShapeDtypeStruct((NPAD, 64), f32),
    )(x, w1p)

    dis, y1, y1bf = pl.pallas_call(
        _tc1_body,
        out_shape=(jax.ShapeDtypeStruct((NPAD, 16), f32),
                   jax.ShapeDtypeStruct((NPAD, 64), f32),
                   jax.ShapeDtypeStruct((NPAD, 32), jnp.int32)),
    )(degp, h)

    m1p = _edge_scatter64(y1bf, src2d, dst2d)

    y2 = pl.pallas_call(
        _tc2_body,
        out_shape=jax.ShapeDtypeStruct((NPAD, 16), f32),
    )(m1p, y1, dis, b1p, w2p)

    m2p = _edge_scatter16(y2, src2d, dst2d)

    z = pl.pallas_call(
        _tc3_body,
        out_shape=jax.ShapeDtypeStruct((NPAD, 16), f32),
    )(m2p, y2, dis, b2p)

    return z[:N, :10]

# --- scband reference (transcript-rebuilt; emitter-appended) ---
"""Pipeline reference for scband-net-46858093199675 (READ-ONLY COPY).

The authoritative reference and input builder live on the scoring server;
editing this copy changes nothing except your own understanding.
"""

import jax, jax.numpy as jnp
import numpy as np

N_NODES = 10000
D_FEAT = 128
N_EDGES = 320000
H1 = 50
H2 = 10


def _gcn_conv(x, edge_index, W, b, num_nodes):
    # x' = D^{-1/2} (A + I) D^{-1/2} (x W) + b  (GCNConv with self-loops)
    h = x @ W
    loop = jnp.arange(num_nodes, dtype=edge_index.dtype)
    src = jnp.concatenate([edge_index[0], loop])
    dst = jnp.concatenate([edge_index[1], loop])
    deg = jax.ops.segment_sum(jnp.ones(src.shape[0], dtype=h.dtype), dst, num_segments=num_nodes)
    deg_inv_sqrt = jnp.where(deg > 0, jax.lax.rsqrt(jnp.maximum(deg, 1e-12)), 0.0)
    norm = deg_inv_sqrt[src] * deg_inv_sqrt[dst]
    msg = jnp.take(h, src, axis=0) * norm[:, None]
    out = jax.ops.segment_sum(msg, dst, num_segments=num_nodes)
    return out + b


def setup_inputs(seed: int = 0) -> dict:
    key = jax.random.key(seed)
    k0, k1, k2, k3 = jax.random.split(key, 4)
    x = jax.random.normal(k0, (N_NODES, D_FEAT), dtype=jnp.float32)
    edge_index = jax.random.randint(k1, (2, N_EDGES), 0, N_NODES, dtype=jnp.int32)
    W1 = jax.random.normal(k2, (D_FEAT, H1), dtype=jnp.float32) * (1.0 / np.sqrt(D_FEAT))
    b1 = jnp.zeros((H1,), dtype=jnp.float32)
    W2 = jax.random.normal(k3, (H1, H2), dtype=jnp.float32) * (1.0 / np.sqrt(H1))
    b2 = jnp.zeros((H2,), dtype=jnp.float32)
    return {"x": x, "edge_index": edge_index, "W1": W1, "b1": b1, "W2": W2, "b2": b2}


def reference(x, edge_index, W1, b1, W2, b2):
    # Net.encode: conv1 -> relu -> conv2
    n = x.shape[0]
    h = _gcn_conv(x, edge_index, W1, b1, n)
    h = jax.nn.relu(h)
    z = _gcn_conv(h, edge_index, W2, b2, n)
    return z

if __name__ == "__main__":
    import jax
    _d = setup_inputs()
    print(jax.jit(kernel)(*tuple(_d.values())))

</pallas_src>

<mosaic_0001>
#map = affine_map<(d0, d1) -> (0, 0)>
#map1 = affine_map<(d0, d1) -> (0, 0, 0)>
module attributes {stable_mosaic.version = 14 : i64} {
  func.func @edge_kernel(%arg0: i32, %arg1: i32, %arg2: memref<10240x16xf32, #tpu.memory_space<hbm>>, %arg3: memref<2560x128xi32, #tpu.memory_space<hbm>>, %arg4: memref<2560x128xi32, #tpu.memory_space<hbm>>, %arg5: memref<2x10240x16xf32, #tpu.memory_space<hbm>>, %arg6: memref<80x128xi32, #tpu.memory_space<vmem>>, %arg7: memref<80x128xi32, #tpu.memory_space<vmem>>, %arg8: memref<4x128x16xf32, #tpu.memory_space<vmem>>, %arg9: memref<1x16x16xf32, #tpu.memory_space<vmem>>, %arg10: memref<10240x16xf32, #tpu.memory_space<vmem_shared>>, %arg11: memref<10240x16xf32, #tpu.memory_space<vmem_shared>>, %arg12: memref<!tpu.dma_semaphore, #tpu.memory_space<semaphore_mem>>, %arg13: memref<!tpu.dma_semaphore, #tpu.memory_space<semaphore_mem>>, %arg14: memref<!tpu.dma_semaphore, #tpu.memory_space<semaphore_mem>>, %arg15: memref<!tpu.dma_semaphore, #tpu.memory_space<semaphore_mem>>) attributes {dimension_semantics = [#tpu.dimension_semantics<core_parallel>, #tpu.dimension_semantics<subcore_parallel>], iteration_bounds = array<i64: 2, 16>, scalar_prefetch = 0 : i64, scratch_operands = 10 : i64, tpu.core_type = #tpu.core_type<sc_vector_subcore>, window_params = [{transform_indices = #map}, {transform_indices = #map}, {transform_indices = #map}, {transform_indices = #map1}]} {
    %broadcast_in_dim3A = arith.constant 0.000000e+00 : f32
    %broadcast_in_dim3A_0 = vector.broadcast %broadcast_in_dim3A : f32 to vector<16xf32>
    %scan3A = arith.constant 0 : i32
    %scan3A_1 = arith.constant 0 : i32
    %scan3A_2 = arith.constant 128 : i32
    %scan3A_3 = arith.addi %scan3A_1, %scan3A_2 : i32
    %scan3A_4 = arith.constant 1 : i32
    %scan3A_5 = scf.for %scan3A_47 = %scan3A_1 to %scan3A_3 step %scan3A_4 iter_args(%scan3A_48 = %scan3A) -> (i32)  : i32 {
      %swap3A = arith.constant 0 : i32
      %swap3A_49 = arith.index_cast %swap3A : i32 to index
      %swap3A_50 = arith.index_cast %scan3A_47 : i32 to index
      %swap3A_51 = arith.constant 0 : index
      %swap3A_52 = tpu.vector_load %arg8[%swap3A_49, %swap3A_50, %swap3A_51] {strides = array<i32>} : memref<4x128x16xf32, #tpu.memory_space<vmem>>, vector<1x1x16xf32>,
      %swap3A_53 = vector.shape_cast %swap3A_52 : vector<1x1x16xf32> to vector<16xf32>
      %swap3A_54 = vector.shape_cast %broadcast_in_dim3A_0 : vector<16xf32> to vector<1x1x16xf32>
      tpu.vector_store %arg8[%swap3A_49, %swap3A_50, %swap3A_51], %swap3A_54 {strides = array<i32>} : memref<4x128x16xf32, #tpu.memory_space<vmem>>, vector<1x1x16xf32>,
      %scan3A_55 = arith.constant 0 : i32
      scf.yield %scan3A_55 : i32
    }
    %scan3A_6 = arith.constant 128 : i32
    %mul3A = arith.constant 640 : i32
    %mul3A_7 = arith.muli %arg1, %mul3A : i32
    %add3A = arith.constant 0 : i32
    %add3A_8 = arith.addi %mul3A_7, %add3A : i32
    %run_scoped3A = arith.constant 0 : i32
    "tpu.region"() ({
      %run_scoped3A_47 = tpu.sem_alloc : memref<!tpu.dma_semaphore, #tpu.memory_space<semaphore_mem>>
      %dma_start3A = arith.constant 0 : i32
      %dma_start3A_48 = arith.constant 0 : i32
      %dma_start3A_49 = tpu.memref_slice %arg8[%run_scoped3A, %dma_start3A, %dma_start3A_48] : memref<4x128x16xf32, #tpu.memory_space<vmem>> -> memref<1x128x16xf32, #tpu.memory_space<vmem>>
      %dma_start3A_50 = tpu.memref_squeeze %dma_start3A_49 : memref<1x128x16xf32, #tpu.memory_space<vmem>> -> memref<128x16xf32, #tpu.memory_space<vmem>>
      %dma_start3A_51 = arith.constant 0 : i32
      %dma_start3A_52 = tpu.memref_slice %arg10[%add3A_8, %dma_start3A_51] : memref<10240x16xf32, #tpu.memory_space<vmem_shared>> -> memref<128x16xf32, #tpu.memory_space<vmem_shared>>
      %dma_start3A_53 = arith.constant 0 : i32
      %dma_start3A_54 = tpu.memref_slice %arg10[%add3A_8, %dma_start3A_53] : memref<10240x16xf32, #tpu.memory_space<vmem_shared>> -> memref<128x16xf32, #tpu.memory_space<vmem_shared>>
      %dma_start3A_55 = arith.constant 0 : i32
      %dma_start3A_56 = arith.constant 0 : i32
      %dma_start3A_57 = tpu.memref_slice %arg8[%run_scoped3A, %dma_start3A_55, %dma_start3A_56] : memref<4x128x16xf32, #tpu.memory_space<vmem>> -> memref<1x128x16xf32, #tpu.memory_space<vmem>>
      %dma_start3A_58 = tpu.memref_squeeze %dma_start3A_57 : memref<1x128x16xf32, #tpu.memory_space<vmem>> -> memref<128x16xf32, #tpu.memory_space<vmem>>
      tpu.enqueue_dma source(%dma_start3A_58 : memref<128x16xf32, #tpu.memory_space<vmem>>) target(%dma_start3A_54 : memref<128x16xf32, #tpu.memory_space<vmem_shared>>) target_semaphore(%run_scoped3A_47 : memref<!tpu.dma_semaphore, #tpu.memory_space<semaphore_mem>>)
      %dma_wait3A = arith.constant 0 : i32
      %dma_wait3A_59 = arith.constant 0 : i32
      %dma_wait3A_60 = tpu.memref_slice %arg8[%run_scoped3A, %dma_wait3A, %dma_wait3A_59] : memref<4x128x16xf32, #tpu.memory_space<vmem>> -> memref<1x128x16xf32, #tpu.memory_space<vmem>>
      %dma_wait3A_61 = tpu.memref_squeeze %dma_wait3A_60 : memref<1x128x16xf32, #tpu.memory_space<vmem>> -> memref<128x16xf32, #tpu.memory_space<vmem>>
      %dma_wait3A_62 = arith.constant 0 : i32
      %dma_wait3A_63 = tpu.memref_slice %arg10[%add3A_8, %dma_wait3A_62] : memref<10240x16xf32, #tpu.memory_space<vmem_shared>> -> memref<128x16xf32, #tpu.memory_space<vmem_shared>>
      %dma_wait3A_64 = arith.constant 0 : i32
      %dma_wait3A_65 = tpu.memref_slice %arg10[%add3A_8, %dma_wait3A_64] : memref<10240x16xf32, #tpu.memory_space<vmem_shared>> -> memref<128x16xf32, #tpu.memory_space<vmem_shared>>
      %dma_wait3A_66 = arith.constant 0 : i32
      %dma_wait3A_67 = arith.constant 0 : i32
      %dma_wait3A_68 = tpu.memref_slice %arg8[%run_scoped3A, %dma_wait3A_66, %dma_wait3A_67] : memref<4x128x16xf32, #tpu.memory_space<vmem>> -> memref<1x128x16xf32, #tpu.memory_space<vmem>>
      %dma_wait3A_69 = tpu.memref_squeeze %dma_wait3A_68 : memref<1x128x16xf32, #tpu.memory_space<vmem>> -> memref<128x16xf32, #tpu.memory_space<vmem>>
      tpu.wait_dma2 semaphore(%run_scoped3A_47 : memref<!tpu.dma_semaphore, #tpu.memory_space<semaphore_mem>>) src(%dma_wait3A_69 : memref<128x16xf32, #tpu.memory_space<vmem>>) dst(%dma_wait3A_65 : memref<128x16xf32, #tpu.memory_space<vmem_shared>>)
      tpu.yield
    }) : () -> ()
    %mul3A_9 = arith.constant 640 : i32
    %mul3A_10 = arith.muli %arg1, %mul3A_9 : i32
    %add3A_11 = arith.constant 128 : i32
    %add3A_12 = arith.addi %mul3A_10, %add3A_11 : i32
    %run_scoped3A_13 = arith.constant 0 : i32
    "tpu.region"() ({
      %run_scoped3A_47 = tpu.sem_alloc : memref<!tpu.dma_semaphore, #tpu.memory_space<semaphore_mem>>
      %dma_start3A = arith.constant 0 : i32
      %dma_start3A_48 = arith.constant 0 : i32
      %dma_start3A_49 = tpu.memref_slice %arg8[%run_scoped3A_13, %dma_start3A, %dma_start3A_48] : memref<4x128x16xf32, #tpu.memory_space<vmem>> -> memref<1x128x16xf32, #tpu.memory_space<vmem>>
      %dma_start3A_50 = tpu.memref_squeeze %dma_start3A_49 : memref<1x128x16xf32, #tpu.memory_space<vmem>> -> memref<128x16xf32, #tpu.memory_space<vmem>>
      %dma_start3A_51 = arith.constant 0 : i32
      %dma_start3A_52 = tpu.memref_slice %arg10[%add3A_12, %dma_start3A_51] : memref<10240x16xf32, #tpu.memory_space<vmem_shared>> -> memref<128x16xf32, #tpu.memory_space<vmem_shared>>
      %dma_start3A_53 = arith.constant 0 : i32
      %dma_start3A_54 = tpu.memref_slice %arg10[%add3A_12, %dma_start3A_53] : memref<10240x16xf32, #tpu.memory_space<vmem_shared>> -> memref<128x16xf32, #tpu.memory_space<vmem_shared>>
      %dma_start3A_55 = arith.constant 0 : i32
      %dma_start3A_56 = arith.constant 0 : i32
      %dma_start3A_57 = tpu.memref_slice %arg8[%run_scoped3A_13, %dma_start3A_55, %dma_start3A_56] : memref<4x128x16xf32, #tpu.memory_space<vmem>> -> memref<1x128x16xf32, #tpu.memory_space<vmem>>
      %dma_start3A_58 = tpu.memref_squeeze %dma_start3A_57 : memref<1x128x16xf32, #tpu.memory_space<vmem>> -> memref<128x16xf32, #tpu.memory_space<vmem>>
      tpu.enqueue_dma source(%dma_start3A_58 : memref<128x16xf32, #tpu.memory_space<vmem>>) target(%dma_start3A_54 : memref<128x16xf32, #tpu.memory_space<vmem_shared>>) target_semaphore(%run_scoped3A_47 : memref<!tpu.dma_semaphore, #tpu.memory_space<semaphore_mem>>)
      %dma_wait3A = arith.constant 0 : i32
      %dma_wait3A_59 = arith.constant 0 : i32
      %dma_wait3A_60 = tpu.memref_slice %arg8[%run_scoped3A_13, %dma_wait3A, %dma_wait3A_59] : memref<4x128x16xf32, #tpu.memory_space<vmem>> -> memref<1x128x16xf32, #tpu.memory_space<vmem>>
      %dma_wait3A_61 = tpu.memref_squeeze %dma_wait3A_60 : memref<1x128x16xf32, #tpu.memory_space<vmem>> -> memref<128x16xf32, #tpu.memory_space<vmem>>
      %dma_wait3A_62 = arith.constant 0 : i32
      %dma_wait3A_63 = tpu.memref_slice %arg10[%add3A_12, %dma_wait3A_62] : memref<10240x16xf32, #tpu.memory_space<vmem_shared>> -> memref<128x16xf32, #tpu.memory_space<vmem_shared>>
      %dma_wait3A_64 = arith.constant 0 : i32
      %dma_wait3A_65 = tpu.memref_slice %arg10[%add3A_12, %dma_wait3A_64] : memref<10240x16xf32, #tpu.memory_space<vmem_shared>> -> memref<128x16xf32, #tpu.memory_space<vmem_shared>>
      %dma_wait3A_66 = arith.constant 0 : i32
      %dma_wait3A_67 = arith.constant 0 : i32
      %dma_wait3A_68 = tpu.memref_slice %arg8[%run_scoped3A_13, %dma_wait3A_66, %dma_wait3A_67] : memref<4x128x16xf32, #tpu.memory_space<vmem>> -> memref<1x128x16xf32, #tpu.memory_space<vmem>>
      %dma_wait3A_69 = tpu.memref_squeeze %dma_wait3A_68 : memref<1x128x16xf32, #tpu.memory_space<vmem>> -> memref<128x16xf32, #tpu.memory_space<vmem>>
      tpu.wait_dma2 semaphore(%run_scoped3A_47 : memref<!tpu.dma_semaphore, #tpu.memory_space<semaphore_mem>>) src(%dma_wait3A_69 : memref<128x16xf32, #tpu.memory_space<vmem>>) dst(%dma_wait3A_65 : memref<128x16xf32, #tpu.memory_space<vmem_shared>>)
      tpu.yield
    }) : () -> ()
    %mul3A_14 = arith.constant 640 : i32
    %mul3A_15 = arith.muli %arg1, %mul3A_14 : i32
    %add3A_16 = arith.constant 256 : i32
    %add3A_17 = arith.addi %mul3A_15, %add3A_16 : i32
    %run_scoped3A_18 = arith.constant 0 : i32
    "tpu.region"() ({
      %run_scoped3A_47 = tpu.sem_alloc : memref<!tpu.dma_semaphore, #tpu.memory_space<semaphore_mem>>
      %dma_start3A = arith.constant 0 : i32
      %dma_start3A_48 = arith.constant 0 : i32
      %dma_start3A_49 = tpu.memref_slice %arg8[%run_scoped3A_18, %dma_start3A, %dma_start3A_48] : memref<4x128x16xf32, #tpu.memory_space<vmem>> -> memref<1x128x16xf32, #tpu.memory_space<vmem>>
      %dma_start3A_50 = tpu.memref_squeeze %dma_start3A_49 : memref<1x128x16xf32, #tpu.memory_space<vmem>> -> memref<128x16xf32, #tpu.memory_space<vmem>>
      %dma_start3A_51 = arith.constant 0 : i32
      %dma_start3A_52 = tpu.memref_slice %arg10[%add3A_17, %dma_start3A_51] : memref<10240x16xf32, #tpu.memory_space<vmem_shared>> -> memref<128x16xf32, #tpu.memory_space<vmem_shared>>
      %dma_start3A_53 = arith.constant 0 : i32
      %dma_start3A_54 = tpu.memref_slice %arg10[%add3A_17, %dma_start3A_53] : memref<10240x16xf32, #tpu.memory_space<vmem_shared>> -> memref<128x16xf32, #tpu.memory_space<vmem_shared>>
      %dma_start3A_55 = arith.constant 0 : i32
      %dma_start3A_56 = arith.constant 0 : i32
      %dma_start3A_57 = tpu.memref_slice %arg8[%run_scoped3A_18, %dma_start3A_55, %dma_start3A_56] : memref<4x128x16xf32, #tpu.memory_space<vmem>> -> memref<1x128x16xf32, #tpu.memory_space<vmem>>
      %dma_start3A_58 = tpu.memref_squeeze %dma_start3A_57 : memref<1x128x16xf32, #tpu.memory_space<vmem>> -> memref<128x16xf32, #tpu.memory_space<vmem>>
      tpu.enqueue_dma source(%dma_start3A_58 : memref<128x16xf32, #tpu.memory_space<vmem>>) target(%dma_start3A_54 : memref<128x16xf32, #tpu.memory_space<vmem_shared>>) target_semaphore(%run_scoped3A_47 : memref<!tpu.dma_semaphore, #tpu.memory_space<semaphore_mem>>)
      %dma_wait3A = arith.constant 0 : i32
      %dma_wait3A_59 = arith.constant 0 : i32
      %dma_wait3A_60 = tpu.memref_slice %arg8[%run_scoped3A_18, %dma_wait3A, %dma_wait3A_59] : memref<4x128x16xf32, #tpu.memory_space<vmem>> -> memref<1x128x16xf32, #tpu.memory_space<vmem>>
      %dma_wait3A_61 = tpu.memref_squeeze %dma_wait3A_60 : memref<1x128x16xf32, #tpu.memory_space<vmem>> -> memref<128x16xf32, #tpu.memory_space<vmem>>
      %dma_wait3A_62 = arith.constant 0 : i32
      %dma_wait3A_63 = tpu.memref_slice %arg10[%add3A_17, %dma_wait3A_62] : memref<10240x16xf32, #tpu.memory_space<vmem_shared>> -> memref<128x16xf32, #tpu.memory_space<vmem_shared>>
      %dma_wait3A_64 = arith.constant 0 : i32
      %dma_wait3A_65 = tpu.memref_slice %arg10[%add3A_17, %dma_wait3A_64] : memref<10240x16xf32, #tpu.memory_space<vmem_shared>> -> memref<128x16xf32, #tpu.memory_space<vmem_shared>>
      %dma_wait3A_66 = arith.constant 0 : i32
      %dma_wait3A_67 = arith.constant 0 : i32
      %dma_wait3A_68 = tpu.memref_slice %arg8[%run_scoped3A_18, %dma_wait3A_66, %dma_wait3A_67] : memref<4x128x16xf32, #tpu.memory_space<vmem>> -> memref<1x128x16xf32, #tpu.memory_space<vmem>>
      %dma_wait3A_69 = tpu.memref_squeeze %dma_wait3A_68 : memref<1x128x16xf32, #tpu.memory_space<vmem>> -> memref<128x16xf32, #tpu.memory_space<vmem>>
      tpu.wait_dma2 semaphore(%run_scoped3A_47 : memref<!tpu.dma_semaphore, #tpu.memory_space<semaphore_mem>>) src(%dma_wait3A_69 : memref<128x16xf32, #tpu.memory_space<vmem>>) dst(%dma_wait3A_65 : memref<128x16xf32, #tpu.memory_space<vmem_shared>>)
      tpu.yield
    }) : () -> ()
    %mul3A_19 = arith.constant 640 : i32
    %mul3A_20 = arith.muli %arg1, %mul3A_19 : i32
    %add3A_21 = arith.constant 384 : i32
    %add3A_22 = arith.addi %mul3A_20, %add3A_21 : i32
    %run_scoped3A_23 = arith.constant 0 : i32
    "tpu.region"() ({
      %run_scoped3A_47 = tpu.sem_alloc : memref<!tpu.dma_semaphore, #tpu.memory_space<semaphore_mem>>
      %dma_start3A = arith.constant 0 : i32
      %dma_start3A_48 = arith.constant 0 : i32
      %dma_start3A_49 = tpu.memref_slice %arg8[%run_scoped3A_23, %dma_start3A, %dma_start3A_48] : memref<4x128x16xf32, #tpu.memory_space<vmem>> -> memref<1x128x16xf32, #tpu.memory_space<vmem>>
      %dma_start3A_50 = tpu.memref_squeeze %dma_start3A_49 : memref<1x128x16xf32, #tpu.memory_space<vmem>> -> memref<128x16xf32, #tpu.memory_space<vmem>>
      %dma_start3A_51 = arith.constant 0 : i32
      %dma_start3A_52 = tpu.memref_slice %arg10[%add3A_22, %dma_start3A_51] : memref<10240x16xf32, #tpu.memory_space<vmem_shared>> -> memref<128x16xf32, #tpu.memory_space<vmem_shared>>
      %dma_start3A_53 = arith.constant 0 : i32
      %dma_start3A_54 = tpu.memref_slice %arg10[%add3A_22, %dma_start3A_53] : memref<10240x16xf32, #tpu.memory_space<vmem_shared>> -> memref<128x16xf32, #tpu.memory_space<vmem_shared>>
      %dma_start3A_55 = arith.constant 0 : i32
      %dma_start3A_56 = arith.constant 0 : i32
      %dma_start3A_57 = tpu.memref_slice %arg8[%run_scoped3A_23, %dma_start3A_55, %dma_start3A_56] : memref<4x128x16xf32, #tpu.memory_space<vmem>> -> memref<1x128x16xf32, #tpu.memory_space<vmem>>
      %dma_start3A_58 = tpu.memref_squeeze %dma_start3A_57 : memref<1x128x16xf32, #tpu.memory_space<vmem>> -> memref<128x16xf32, #tpu.memory_space<vmem>>
      tpu.enqueue_dma source(%dma_start3A_58 : memref<128x16xf32, #tpu.memory_space<vmem>>) target(%dma_start3A_54 : memref<128x16xf32, #tpu.memory_space<vmem_shared>>) target_semaphore(%run_scoped3A_47 : memref<!tpu.dma_semaphore, #tpu.memory_space<semaphore_mem>>)
      %dma_wait3A = arith.constant 0 : i32
      %dma_wait3A_59 = arith.constant 0 : i32
      %dma_wait3A_60 = tpu.memref_slice %arg8[%run_scoped3A_23, %dma_wait3A, %dma_wait3A_59] : memref<4x128x16xf32, #tpu.memory_space<vmem>> -> memref<1x128x16xf32, #tpu.memory_space<vmem>>
      %dma_wait3A_61 = tpu.memref_squeeze %dma_wait3A_60 : memref<1x128x16xf32, #tpu.memory_space<vmem>> -> memref<128x16xf32, #tpu.memory_space<vmem>>
      %dma_wait3A_62 = arith.constant 0 : i32
      %dma_wait3A_63 = tpu.memref_slice %arg10[%add3A_22, %dma_wait3A_62] : memref<10240x16xf32, #tpu.memory_space<vmem_shared>> -> memref<128x16xf32, #tpu.memory_space<vmem_shared>>
      %dma_wait3A_64 = arith.constant 0 : i32
      %dma_wait3A_65 = tpu.memref_slice %arg10[%add3A_22, %dma_wait3A_64] : memref<10240x16xf32, #tpu.memory_space<vmem_shared>> -> memref<128x16xf32, #tpu.memory_space<vmem_shared>>
      %dma_wait3A_66 = arith.constant 0 : i32
      %dma_wait3A_67 = arith.constant 0 : i32
      %dma_wait3A_68 = tpu.memref_slice %arg8[%run_scoped3A_23, %dma_wait3A_66, %dma_wait3A_67] : memref<4x128x16xf32, #tpu.memory_space<vmem>> -> memref<1x128x16xf32, #tpu.memory_space<vmem>>
      %dma_wait3A_69 = tpu.memref_squeeze %dma_wait3A_68 : memref<1x128x16xf32, #tpu.memory_space<vmem>> -> memref<128x16xf32, #tpu.memory_space<vmem>>
      tpu.wait_dma2 semaphore(%run_scoped3A_47 : memref<!tpu.dma_semaphore, #tpu.memory_space<semaphore_mem>>) src(%dma_wait3A_69 : memref<128x16xf32, #tpu.memory_space<vmem>>) dst(%dma_wait3A_65 : memref<128x16xf32, #tpu.memory_space<vmem_shared>>)
      tpu.yield
    }) : () -> ()
    %mul3A_24 = arith.constant 640 : i32
    %mul3A_25 = arith.muli %arg1, %mul3A_24 : i32
    %add3A_26 = arith.constant 512 : i32
    %add3A_27 = arith.addi %mul3A_25, %add3A_26 : i32
    %run_scoped3A_28 = arith.constant 0 : i32
    "tpu.region"() ({
      %run_scoped3A_47 = tpu.sem_alloc : memref<!tpu.dma_semaphore, #tpu.memory_space<semaphore_mem>>
      %dma_start3A = arith.constant 0 : i32
      %dma_start3A_48 = arith.constant 0 : i32
      %dma_start3A_49 = tpu.memref_slice %arg8[%run_scoped3A_28, %dma_start3A, %dma_start3A_48] : memref<4x128x16xf32, #tpu.memory_space<vmem>> -> memref<1x128x16xf32, #tpu.memory_space<vmem>>
      %dma_start3A_50 = tpu.memref_squeeze %dma_start3A_49 : memref<1x128x16xf32, #tpu.memory_space<vmem>> -> memref<128x16xf32, #tpu.memory_space<vmem>>
      %dma_start3A_51 = arith.constant 0 : i32
      %dma_start3A_52 = tpu.memref_slice %arg10[%add3A_27, %dma_start3A_51] : memref<10240x16xf32, #tpu.memory_space<vmem_shared>> -> memref<128x16xf32, #tpu.memory_space<vmem_shared>>
      %dma_start3A_53 = arith.constant 0 : i32
      %dma_start3A_54 = tpu.memref_slice %arg10[%add3A_27, %dma_start3A_53] : memref<10240x16xf32, #tpu.memory_space<vmem_shared>> -> memref<128x16xf32, #tpu.memory_space<vmem_shared>>
      %dma_start3A_55 = arith.constant 0 : i32
      %dma_start3A_56 = arith.constant 0 : i32
      %dma_start3A_57 = tpu.memref_slice %arg8[%run_scoped3A_28, %dma_start3A_55, %dma_start3A_56] : memref<4x128x16xf32, #tpu.memory_space<vmem>> -> memref<1x128x16xf32, #tpu.memory_space<vmem>>
      %dma_start3A_58 = tpu.memref_squeeze %dma_start3A_57 : memref<1x128x16xf32, #tpu.memory_space<vmem>> -> memref<128x16xf32, #tpu.memory_space<vmem>>
      tpu.enqueue_dma source(%dma_start3A_58 : memref<128x16xf32, #tpu.memory_space<vmem>>) target(%dma_start3A_54 : memref<128x16xf32, #tpu.memory_space<vmem_shared>>) target_semaphore(%run_scoped3A_47 : memref<!tpu.dma_semaphore, #tpu.memory_space<semaphore_mem>>)
      %dma_wait3A = arith.constant 0 : i32
      %dma_wait3A_59 = arith.constant 0 : i32
      %dma_wait3A_60 = tpu.memref_slice %arg8[%run_scoped3A_28, %dma_wait3A, %dma_wait3A_59] : memref<4x128x16xf32, #tpu.memory_space<vmem>> -> memref<1x128x16xf32, #tpu.memory_space<vmem>>
      %dma_wait3A_61 = tpu.memref_squeeze %dma_wait3A_60 : memref<1x128x16xf32, #tpu.memory_space<vmem>> -> memref<128x16xf32, #tpu.memory_space<vmem>>
      %dma_wait3A_62 = arith.constant 0 : i32
      %dma_wait3A_63 = tpu.memref_slice %arg10[%add3A_27, %dma_wait3A_62] : memref<10240x16xf32, #tpu.memory_space<vmem_shared>> -> memref<128x16xf32, #tpu.memory_space<vmem_shared>>
      %dma_wait3A_64 = arith.constant 0 : i32
      %dma_wait3A_65 = tpu.memref_slice %arg10[%add3A_27, %dma_wait3A_64] : memref<10240x16xf32, #tpu.memory_space<vmem_shared>> -> memref<128x16xf32, #tpu.memory_space<vmem_shared>>
      %dma_wait3A_66 = arith.constant 0 : i32
      %dma_wait3A_67 = arith.constant 0 : i32
      %dma_wait3A_68 = tpu.memref_slice %arg8[%run_scoped3A_28, %dma_wait3A_66, %dma_wait3A_67] : memref<4x128x16xf32, #tpu.memory_space<vmem>> -> memref<1x128x16xf32, #tpu.memory_space<vmem>>
      %dma_wait3A_69 = tpu.memref_squeeze %dma_wait3A_68 : memref<1x128x16xf32, #tpu.memory_space<vmem>> -> memref<128x16xf32, #tpu.memory_space<vmem>>
      tpu.wait_dma2 semaphore(%run_scoped3A_47 : memref<!tpu.dma_semaphore, #tpu.memory_space<semaphore_mem>>) src(%dma_wait3A_69 : memref<128x16xf32, #tpu.memory_space<vmem>>) dst(%dma_wait3A_65 : memref<128x16xf32, #tpu.memory_space<vmem_shared>>)
      tpu.yield
    }) : () -> ()
    %mul3A_29 = arith.constant 640 : i32
    %mul3A_30 = arith.muli %arg1, %mul3A_29 : i32
    %mul3A_31 = arith.constant 640 : i32
    %mul3A_32 = arith.muli %arg1, %mul3A_31 : i32
    "tpu.region"() ({
      %run_scoped3A_47 = tpu.sem_alloc : memref<!tpu.dma_semaphore, #tpu.memory_space<semaphore_mem>>
      %dma_start3A = arith.constant 0 : i32
      %dma_start3A_48 = tpu.memref_slice %arg11[%mul3A_32, %dma_start3A] : memref<10240x16xf32, #tpu.memory_space<vmem_shared>> -> memref<640x16xf32, #tpu.memory_space<vmem_shared>>
      %dma_start3A_49 = arith.constant 0 : i32
      %dma_start3A_50 = tpu.memref_slice %arg2[%mul3A_30, %dma_start3A_49] : memref<10240x16xf32, #tpu.memory_space<hbm>> -> memref<640x16xf32, #tpu.memory_space<hbm>>
      tpu.enqueue_dma source(%dma_start3A_50 : memref<640x16xf32, #tpu.memory_space<hbm>>) target(%dma_start3A_48 : memref<640x16xf32, #tpu.memory_space<vmem_shared>>) target_semaphore(%run_scoped3A_47 : memref<!tpu.dma_semaphore, #tpu.memory_space<semaphore_mem>>)
      %dma_wait3A = arith.constant 0 : i32
      %dma_wait3A_51 = tpu.memref_slice %arg11[%mul3A_32, %dma_wait3A] : memref<10240x16xf32, #tpu.memory_space<vmem_shared>> -> memref<640x16xf32, #tpu.memory_space<vmem_shared>>
      %dma_wait3A_52 = arith.constant 0 : i32
      %dma_wait3A_53 = tpu.memref_slice %arg2[%mul3A_30, %dma_wait3A_52] : memref<10240x16xf32, #tpu.memory_space<hbm>> -> memref<640x16xf32, #tpu.memory_space<hbm>>
      tpu.wait_dma2 semaphore(%run_scoped3A_47 : memref<!tpu.dma_semaphore, #tpu.memory_space<semaphore_mem>>) src(%dma_wait3A_53 : memref<640x16xf32, #tpu.memory_space<hbm>>) dst(%dma_wait3A_51 : memref<640x16xf32, #tpu.memory_space<vmem_shared>>)
      tpu.yield
    }) : () -> ()
    %barrier3A = arith.constant 0 : index
    tpu.barrier barrier_id(%barrier3A)
    %broadcast_in_dim3A_33 = arith.constant -65536 : i32
    %broadcast_in_dim3A_34 = vector.broadcast %broadcast_in_dim3A_33 : i32 to vector<16xi32>
    %eq3A = arith.constant 0 : i32
    %eq3A_35 = arith.cmpi eq, %arg0, %eq3A : i32
    %convert_element_type3A = arith.extui %eq3A_35 : i1 to i32
    %cond3A = arith.constant 0 : i32
    %cond3A_36 = arith.cmpi ne, %convert_element_type3A, %cond3A : i32
    scf.if %cond3A_36 {
      %mul3A_47 = arith.constant 80 : i32
      %mul3A_48 = arith.muli %arg1, %mul3A_47 : i32
      "tpu.region"() ({
        %run_scoped3A_246 = tpu.sem_alloc : memref<!tpu.dma_semaphore, #tpu.memory_space<semaphore_mem>>
        %dma_start3A_247 = arith.constant 0 : i32
        %dma_start3A_248 = arith.constant 0 : i32
        %dma_start3A_249 = tpu.memref_slice %arg6[%dma_start3A_247, %dma_start3A_248] : memref<80x128xi32, #tpu.memory_space<vmem>> -> memref<80x128xi32, #tpu.memory_space<vmem>>
        %dma_start3A_250 = arith.constant 0 : i32
        %dma_start3A_251 = tpu.memref_slice %arg3[%mul3A_48, %dma_start3A_250] : memref<2560x128xi32, #tpu.memory_space<hbm>> -> memref<80x128xi32, #tpu.memory_space<hbm>>
        %dma_start3A_252 = arith.constant 0 : i32
        %dma_start3A_253 = arith.constant 0 : i32
        %dma_start3A_254 = tpu.memref_slice %arg6[%dma_start3A_252, %dma_start3A_253] : memref<80x128xi32, #tpu.memory_space<vmem>> -> memref<80x128xi32, #tpu.memory_space<vmem>>
        %dma_start3A_255 = arith.constant 0 : i32
        %dma_start3A_256 = tpu.memref_slice %arg3[%mul3A_48, %dma_start3A_255] : memref<2560x128xi32, #tpu.memory_space<hbm>> -> memref<80x128xi32, #tpu.memory_space<hbm>>
        tpu.enqueue_dma source(%dma_start3A_256 : memref<80x128xi32, #tpu.memory_space<hbm>>) target(%dma_start3A_254 : memref<80x128xi32, #tpu.memory_space<vmem>>) target_semaphore(%run_scoped3A_246 : memref<!tpu.dma_semaphore, #tpu.memory_space<semaphore_mem>>)
        %dma_wait3A_257 = arith.constant 0 : i32
        %dma_wait3A_258 = arith.constant 0 : i32
        %dma_wait3A_259 = tpu.memref_slice %arg6[%dma_wait3A_257, %dma_wait3A_258] : memref<80x128xi32, #tpu.memory_space<vmem>> -> memref<80x128xi32, #tpu.memory_space<vmem>>
        %dma_wait3A_260 = arith.constant 0 : i32
        %dma_wait3A_261 = tpu.memref_slice %arg3[%mul3A_48, %dma_wait3A_260] : memref<2560x128xi32, #tpu.memory_space<hbm>> -> memref<80x128xi32, #tpu.memory_space<hbm>>
        %dma_wait3A_262 = arith.constant 0 : i32
        %dma_wait3A_263 = arith.constant 0 : i32
        %dma_wait3A_264 = tpu.memref_slice %arg6[%dma_wait3A_262, %dma_wait3A_263] : memref<80x128xi32, #tpu.memory_space<vmem>> -> memref<80x128xi32, #tpu.memory_space<vmem>>
        %dma_wait3A_265 = arith.constant 0 : i32
        %dma_wait3A_266 = tpu.memref_slice %arg3[%mul3A_48, %dma_wait3A_265] : memref<2560x128xi32, #tpu.memory_space<hbm>> -> memref<80x128xi32, #tpu.memory_space<hbm>>
        tpu.wait_dma2 semaphore(%run_scoped3A_246 : memref<!tpu.dma_semaphore, #tpu.memory_space<semaphore_mem>>) src(%dma_wait3A_266 : memref<80x128xi32, #tpu.memory_space<hbm>>) dst(%dma_wait3A_264 : memref<80x128xi32, #tpu.memory_space<vmem>>)
        tpu.yield
      }) : () -> ()
      "tpu.region"() ({
        %run_scoped3A_246 = tpu.sem_alloc : memref<!tpu.dma_semaphore, #tpu.memory_space<semaphore_mem>>
        %dma_start3A_247 = arith.constant 0 : i32
        %dma_start3A_248 = arith.constant 0 : i32
        %dma_start3A_249 = tpu.memref_slice %arg7[%dma_start3A_247, %dma_start3A_248] : memref<80x128xi32, #tpu.memory_space<vmem>> -> memref<80x128xi32, #tpu.memory_space<vmem>>
        %dma_start3A_250 = arith.constant 0 : i32
        %dma_start3A_251 = tpu.memref_slice %arg4[%mul3A_48, %dma_start3A_250] : memref<2560x128xi32, #tpu.memory_space<hbm>> -> memref<80x128xi32, #tpu.memory_space<hbm>>
        %dma_start3A_252 = arith.constant 0 : i32
        %dma_start3A_253 = arith.constant 0 : i32
        %dma_start3A_254 = tpu.memref_slice %arg7[%dma_start3A_252, %dma_start3A_253] : memref<80x128xi32, #tpu.memory_space<vmem>> -> memref<80x128xi32, #tpu.memory_space<vmem>>
        %dma_start3A_255 = arith.constant 0 : i32
        %dma_start3A_256 = tpu.memref_slice %arg4[%mul3A_48, %dma_start3A_255] : memref<2560x128xi32, #tpu.memory_space<hbm>> -> memref<80x128xi32, #tpu.memory_space<hbm>>
        tpu.enqueue_dma source(%dma_start3A_256 : memref<80x128xi32, #tpu.memory_space<hbm>>) target(%dma_start3A_254 : memref<80x128xi32, #tpu.memory_space<vmem>>) target_semaphore(%run_scoped3A_246 : memref<!tpu.dma_semaphore, #tpu.memory_space<semaphore_mem>>)
        %dma_wait3A_257 = arith.constant 0 : i32
        %dma_wait3A_258 = arith.constant 0 : i32
        %dma_wait3A_259 = tpu.memref_slice %arg7[%dma_wait3A_257, %dma_wait3A_258] : memref<80x128xi32, #tpu.memory_space<vmem>> -> memref<80x128xi32, #tpu.memory_space<vmem>>
        %dma_wait3A_260 = arith.constant 0 : i32
        %dma_wait3A_261 = tpu.memref_slice %arg4[%mul3A_48, %dma_wait3A_260] : memref<2560x128xi32, #tpu.memory_space<hbm>> -> memref<80x128xi32, #tpu.memory_space<hbm>>
        %dma_wait3A_262 = arith.constant 0 : i32
        %dma_wait3A_263 = arith.constant 0 : i32
        %dma_wait3A_264 = tpu.memref_slice %arg7[%dma_wait3A_262, %dma_wait3A_263] : memref<80x128xi32, #tpu.memory_space<vmem>> -> memref<80x128xi32, #tpu.memory_space<vmem>>
        %dma_wait3A_265 = arith.constant 0 : i32
        %dma_wait3A_266 = tpu.memref_slice %arg4[%mul3A_48, %dma_wait3A_265] : memref<2560x128xi32, #tpu.memory_space<hbm>> -> memref<80x128xi32, #tpu.memory_space<hbm>>
        tpu.wait_dma2 semaphore(%run_scoped3A_246 : memref<!tpu.dma_semaphore, #tpu.memory_space<semaphore_mem>>) src(%dma_wait3A_266 : memref<80x128xi32, #tpu.memory_space<hbm>>) dst(%dma_wait3A_264 : memref<80x128xi32, #tpu.memory_space<vmem>>)
        tpu.yield
      }) : () -> ()
      %dma_start3A = arith.constant 0 : i32
      %dma_start3A_49 = arith.constant 0 : i32
      %dma_start3A_50 = arith.constant 0 : i32
      %dma_start3A_51 = arith.constant 0 : i32
      %dma_start3A_52 = tpu.memref_slice %arg8[%dma_start3A_49, %dma_start3A_50, %dma_start3A_51] : memref<4x128x16xf32, #tpu.memory_space<vmem>> -> memref<1x128x16xf32, #tpu.memory_space<vmem>>
      %dma_start3A_53 = tpu.memref_squeeze %dma_start3A_52 : memref<1x128x16xf32, #tpu.memory_space<vmem>> -> memref<128x16xf32, #tpu.memory_space<vmem>>
      %dma_start3A_54 = arith.constant 0 : i32
      %dma_start3A_55 = tpu.memref_slice %arg6[%dma_start3A, %dma_start3A_54] : memref<80x128xi32, #tpu.memory_space<vmem>> -> memref<1x128xi32, #tpu.memory_space<vmem>>
      %dma_start3A_56 = tpu.memref_squeeze %dma_start3A_55 : memref<1x128xi32, #tpu.memory_space<vmem>> -> memref<128xi32, #tpu.memory_space<vmem>>
      %dma_start3A_57 = arith.constant 0 : i32
      %dma_start3A_58 = arith.constant 0 : i32
      %dma_start3A_59 = tpu.memref_slice %arg11[%dma_start3A_57, %dma_start3A_58] : memref<10240x16xf32, #tpu.memory_space<vmem_shared>> -> memref<10240x16xf32, #tpu.memory_space<vmem_shared>>
      tpu.enqueue_indirect_dma source(%dma_start3A_59 : memref<10240x16xf32, #tpu.memory_space<vmem_shared>>) target(%dma_start3A_53 : memref<128x16xf32, #tpu.memory_space<vmem>>) offsets(%dma_start3A_56 : memref<128xi32, #tpu.memory_space<vmem>>) semaphore(%arg12 : memref<!tpu.dma_semaphore, #tpu.memory_space<semaphore_mem>>)
      %dma_start3A_60 = arith.constant 1 : i32
      %dma_start3A_61 = arith.constant 1 : i32
      %dma_start3A_62 = arith.constant 0 : i32
      %dma_start3A_63 = arith.constant 0 : i32
      %dma_start3A_64 = tpu.memref_slice %arg8[%dma_start3A_61, %dma_start3A_62, %dma_start3A_63] : memref<4x128x16xf32, #tpu.memory_space<vmem>> -> memref<1x128x16xf32, #tpu.memory_space<vmem>>
      %dma_start3A_65 = tpu.memref_squeeze %dma_start3A_64 : memref<1x128x16xf32, #tpu.memory_space<vmem>> -> memref<128x16xf32, #tpu.memory_space<vmem>>
      %dma_start3A_66 = arith.constant 0 : i32
      %dma_start3A_67 = tpu.memref_slice %arg6[%dma_start3A_60, %dma_start3A_66] : memref<80x128xi32, #tpu.memory_space<vmem>> -> memref<1x128xi32, #tpu.memory_space<vmem>>
      %dma_start3A_68 = tpu.memref_squeeze %dma_start3A_67 : memref<1x128xi32, #tpu.memory_space<vmem>> -> memref<128xi32, #tpu.memory_space<vmem>>
      %dma_start3A_69 = arith.constant 0 : i32
      %dma_start3A_70 = arith.constant 0 : i32
      %dma_start3A_71 = tpu.memref_slice %arg11[%dma_start3A_69, %dma_start3A_70] : memref<10240x16xf32, #tpu.memory_space<vmem_shared>> -> memref<10240x16xf32, #tpu.memory_space<vmem_shared>>
      tpu.enqueue_indirect_dma source(%dma_start3A_71 : memref<10240x16xf32, #tpu.memory_space<vmem_shared>>) target(%dma_start3A_65 : memref<128x16xf32, #tpu.memory_space<vmem>>) offsets(%dma_start3A_68 : memref<128xi32, #tpu.memory_space<vmem>>) semaphore(%arg13 : memref<!tpu.dma_semaphore, #tpu.memory_space<semaphore_mem>>)
      %dma_start3A_72 = arith.constant 2 : i32
      %dma_start3A_73 = arith.constant 2 : i32
      %dma_start3A_74 = arith.constant 0 : i32
      %dma_start3A_75 = arith.constant 0 : i32
      %dma_start3A_76 = tpu.memref_slice %arg8[%dma_start3A_73, %dma_start3A_74, %dma_start3A_75] : memref<4x128x16xf32, #tpu.memory_space<vmem>> -> memref<1x128x16xf32, #tpu.memory_space<vmem>>
      %dma_start3A_77 = tpu.memref_squeeze %dma_start3A_76 : memref<1x128x16xf32, #tpu.memory_space<vmem>> -> memref<128x16xf32, #tpu.memory_space<vmem>>
      %dma_start3A_78 = arith.constant 0 : i32
      %dma_start3A_79 = tpu.memref_slice %arg6[%dma_start3A_72, %dma_start3A_78] : memref<80x128xi32, #tpu.memory_space<vmem>> -> memref<1x128xi32, #tpu.memory_space<vmem>>
      %dma_start3A_80 = tpu.memref_squeeze %dma_start3A_79 : memref<1x128xi32, #tpu.memory_space<vmem>> -> memref<128xi32, #tpu.memory_space<vmem>>
      %dma_start3A_81 = arith.constant 0 : i32
      %dma_start3A_82 = arith.constant 0 : i32
      %dma_start3A_83 = tpu.memref_slice %arg11[%dma_start3A_81, %dma_start3A_82] : memref<10240x16xf32, #tpu.memory_space<vmem_shared>> -> memref<10240x16xf32, #tpu.memory_space<vmem_shared>>
      tpu.enqueue_indirect_dma source(%dma_start3A_83 : memref<10240x16xf32, #tpu.memory_space<vmem_shared>>) target(%dma_start3A_77 : memref<128x16xf32, #tpu.memory_space<vmem>>) offsets(%dma_start3A_80 : memref<128xi32, #tpu.memory_space<vmem>>) semaphore(%arg14 : memref<!tpu.dma_semaphore, #tpu.memory_space<semaphore_mem>>)
      %dma_start3A_84 = arith.constant 3 : i32
      %dma_start3A_85 = arith.constant 3 : i32
      %dma_start3A_86 = arith.constant 0 : i32
      %dma_start3A_87 = arith.constant 0 : i32
      %dma_start3A_88 = tpu.memref_slice %arg8[%dma_start3A_85, %dma_start3A_86, %dma_start3A_87] : memref<4x128x16xf32, #tpu.memory_space<vmem>> -> memref<1x128x16xf32, #tpu.memory_space<vmem>>
      %dma_start3A_89 = tpu.memref_squeeze %dma_start3A_88 : memref<1x128x16xf32, #tpu.memory_space<vmem>> -> memref<128x16xf32, #tpu.memory_space<vmem>>
      %dma_start3A_90 = arith.constant 0 : i32
      %dma_start3A_91 = tpu.memref_slice %arg6[%dma_start3A_84, %dma_start3A_90] : memref<80x128xi32, #tpu.memory_space<vmem>> -> memref<1x128xi32, #tpu.memory_space<vmem>>
      %dma_start3A_92 = tpu.memref_squeeze %dma_start3A_91 : memref<1x128xi32, #tpu.memory_space<vmem>> -> memref<128xi32, #tpu.memory_space<vmem>>
      %dma_start3A_93 = arith.constant 0 : i32
      %dma_start3A_94 = arith.constant 0 : i32
      %dma_start3A_95 = tpu.memref_slice %arg11[%dma_start3A_93, %dma_start3A_94] : memref<10240x16xf32, #tpu.memory_space<vmem_shared>> -> memref<10240x16xf32, #tpu.memory_space<vmem_shared>>
      tpu.enqueue_indirect_dma source(%dma_start3A_95 : memref<10240x16xf32, #tpu.memory_space<vmem_shared>>) target(%dma_start3A_89 : memref<128x16xf32, #tpu.memory_space<vmem>>) offsets(%dma_start3A_92 : memref<128xi32, #tpu.memory_space<vmem>>) semaphore(%arg15 : memref<!tpu.dma_semaphore, #tpu.memory_space<semaphore_mem>>)
      %scan3A_96 = arith.constant 0 : i32
      %scan3A_97 = arith.constant 0 : i32
      %scan3A_98 = arith.constant 19 : i32
      %scan3A_99 = arith.addi %scan3A_97, %scan3A_98 : i32
      %scan3A_100 = arith.constant 1 : i32
      %scan3A_101 = scf.for %scan3A_246 = %scan3A_97 to %scan3A_99 step %scan3A_100 iter_args(%scan3A_247 = %scan3A_96) -> (i32)  : i32 {
        %mul3A_248 = arith.constant 4 : i32
        %mul3A_249 = arith.muli %scan3A_246, %mul3A_248 : i32
        %add3A_250 = arith.constant 0 : i32
        %add3A_251 = arith.addi %mul3A_249, %add3A_250 : i32
        %dma_wait3A_252 = arith.constant 0 : i32
        %dma_wait3A_253 = arith.constant 0 : i32
        %dma_wait3A_254 = arith.constant 0 : i32
        %dma_wait3A_255 = tpu.memref_slice %arg8[%dma_wait3A_252, %dma_wait3A_253, %dma_wait3A_254] : memref<4x128x16xf32, #tpu.memory_space<vmem>> -> memref<1x128x16xf32, #tpu.memory_space<vmem>>
        %dma_wait3A_256 = tpu.memref_squeeze %dma_wait3A_255 : memref<1x128x16xf32, #tpu.memory_space<vmem>> -> memref<128x16xf32, #tpu.memory_space<vmem>>
        %dma_wait3A_257 = arith.constant 0 : i32
        %dma_wait3A_258 = tpu.memref_slice %arg6[%add3A_251, %dma_wait3A_257] : memref<80x128xi32, #tpu.memory_space<vmem>> -> memref<1x128xi32, #tpu.memory_space<vmem>>
        %dma_wait3A_259 = tpu.memref_squeeze %dma_wait3A_258 : memref<1x128xi32, #tpu.memory_space<vmem>> -> memref<128xi32, #tpu.memory_space<vmem>>
        %dma_wait3A_260 = arith.constant 0 : i32
        %dma_wait3A_261 = arith.constant 0 : i32
        %dma_wait3A_262 = tpu.memref_slice %arg11[%dma_wait3A_260, %dma_wait3A_261] : memref<10240x16xf32, #tpu.memory_space<vmem_shared>> -> memref<10240x16xf32, #tpu.memory_space<vmem_shared>>
        tpu.wait_indirect_dma semaphore(%arg12 : memref<!tpu.dma_semaphore, #tpu.memory_space<semaphore_mem>>) src(%dma_wait3A_262 : memref<10240x16xf32, #tpu.memory_space<vmem_shared>>) dst(%dma_wait3A_256 : memref<128x16xf32, #tpu.memory_space<vmem>>)
        %add3A_263 = arith.constant 0 : i32
        %add3A_264 = arith.addi %mul3A_249, %add3A_263 : i32
        %dma_start3A_265 = arith.constant 0 : i32
        %dma_start3A_266 = arith.constant 0 : i32
        %dma_start3A_267 = arith.constant 0 : i32
        %dma_start3A_268 = tpu.memref_slice %arg8[%dma_start3A_265, %dma_start3A_266, %dma_start3A_267] : memref<4x128x16xf32, #tpu.memory_space<vmem>> -> memref<1x128x16xf32, #tpu.memory_space<vmem>>
        %dma_start3A_269 = tpu.memref_squeeze %dma_start3A_268 : memref<1x128x16xf32, #tpu.memory_space<vmem>> -> memref<128x16xf32, #tpu.memory_space<vmem>>
        %dma_start3A_270 = arith.constant 0 : i32
        %dma_start3A_271 = tpu.memref_slice %arg7[%add3A_264, %dma_start3A_270] : memref<80x128xi32, #tpu.memory_space<vmem>> -> memref<1x128xi32, #tpu.memory_space<vmem>>
        %dma_start3A_272 = tpu.memref_squeeze %dma_start3A_271 : memref<1x128xi32, #tpu.memory_space<vmem>> -> memref<128xi32, #tpu.memory_space<vmem>>
        %dma_start3A_273 = arith.constant 0 : i32
        %dma_start3A_274 = arith.constant 0 : i32
        %dma_start3A_275 = tpu.memref_slice %arg10[%dma_start3A_273, %dma_start3A_274] : memref<10240x16xf32, #tpu.memory_space<vmem_shared>> -> memref<10240x16xf32, #tpu.memory_space<vmem_shared>>
        tpu.enqueue_indirect_dma source(%dma_start3A_269 : memref<128x16xf32, #tpu.memory_space<vmem>>) target(%dma_start3A_275 : memref<10240x16xf32, #tpu.memory_space<vmem_shared>>) offsets(%dma_start3A_272 : memref<128xi32, #tpu.memory_space<vmem>>) semaphore(%arg12 : memref<!tpu.dma_semaphore, #tpu.memory_space<semaphore_mem>>) {add = true}
        %add3A_276 = arith.constant 1 : i32
        %add3A_277 = arith.addi %mul3A_249, %add3A_276 : i32
        %dma_wait3A_278 = arith.constant 1 : i32
        %dma_wait3A_279 = arith.constant 0 : i32
        %dma_wait3A_280 = arith.constant 0 : i32
        %dma_wait3A_281 = tpu.memref_slice %arg8[%dma_wait3A_278, %dma_wait3A_279, %dma_wait3A_280] : memref<4x128x16xf32, #tpu.memory_space<vmem>> -> memref<1x128x16xf32, #tpu.memory_space<vmem>>
        %dma_wait3A_282 = tpu.memref_squeeze %dma_wait3A_281 : memref<1x128x16xf32, #tpu.memory_space<vmem>> -> memref<128x16xf32, #tpu.memory_space<vmem>>
        %dma_wait3A_283 = arith.constant 0 : i32
        %dma_wait3A_284 = tpu.memref_slice %arg6[%add3A_277, %dma_wait3A_283] : memref<80x128xi32, #tpu.memory_space<vmem>> -> memref<1x128xi32, #tpu.memory_space<vmem>>
        %dma_wait3A_285 = tpu.memref_squeeze %dma_wait3A_284 : memref<1x128xi32, #tpu.memory_space<vmem>> -> memref<128xi32, #tpu.memory_space<vmem>>
        %dma_wait3A_286 = arith.constant 0 : i32
        %dma_wait3A_287 = arith.constant 0 : i32
        %dma_wait3A_288 = tpu.memref_slice %arg11[%dma_wait3A_286, %dma_wait3A_287] : memref<10240x16xf32, #tpu.memory_space<vmem_shared>> -> memref<10240x16xf32, #tpu.memory_space<vmem_shared>>
        tpu.wait_indirect_dma semaphore(%arg13 : memref<!tpu.dma_semaphore, #tpu.memory_space<semaphore_mem>>) src(%dma_wait3A_288 : memref<10240x16xf32, #tpu.memory_space<vmem_shared>>) dst(%dma_wait3A_282 : memref<128x16xf32, #tpu.memory_space<vmem>>)
        %add3A_289 = arith.constant 1 : i32
        %add3A_290 = arith.addi %mul3A_249, %add3A_289 : i32
        %dma_start3A_291 = arith.constant 1 : i32
        %dma_start3A_292 = arith.constant 0 : i32
        %dma_start3A_293 = arith.constant 0 : i32
        %dma_start3A_294 = tpu.memref_slice %arg8[%dma_start3A_291, %dma_start3A_292, %dma_start3A_293] : memref<4x128x16xf32, #tpu.memory_space<vmem>> -> memref<1x128x16xf32, #tpu.memory_space<vmem>>
        %dma_start3A_295 = tpu.memref_squeeze %dma_start3A_294 : memref<1x128x16xf32, #tpu.memory_space<vmem>> -> memref<128x16xf32, #tpu.memory_space<vmem>>
        %dma_start3A_296 = arith.constant 0 : i32
        %dma_start3A_297 = tpu.memref_slice %arg7[%add3A_290, %dma_start3A_296] : memref<80x128xi32, #tpu.memory_space<vmem>> -> memref<1x128xi32, #tpu.memory_space<vmem>>
        %dma_start3A_298 = tpu.memref_squeeze %dma_start3A_297 : memref<1x128xi32, #tpu.memory_space<vmem>> -> memref<128xi32, #tpu.memory_space<vmem>>
        %dma_start3A_299 = arith.constant 0 : i32
        %dma_start3A_300 = arith.constant 0 : i32
        %dma_start3A_301 = tpu.memref_slice %arg10[%dma_start3A_299, %dma_start3A_300] : memref<10240x16xf32, #tpu.memory_space<vmem_shared>> -> memref<10240x16xf32, #tpu.memory_space<vmem_shared>>
        tpu.enqueue_indirect_dma source(%dma_start3A_295 : memref<128x16xf32, #tpu.memory_space<vmem>>) target(%dma_start3A_301 : memref<10240x16xf32, #tpu.memory_space<vmem_shared>>) offsets(%dma_start3A_298 : memref<128xi32, #tpu.memory_space<vmem>>) semaphore(%arg13 : memref<!tpu.dma_semaphore, #tpu.memory_space<semaphore_mem>>) {add = true}
        %add3A_302 = arith.constant 2 : i32
        %add3A_303 = arith.addi %mul3A_249, %add3A_302 : i32
        %dma_wait3A_304 = arith.constant 2 : i32
        %dma_wait3A_305 = arith.constant 0 : i32
        %dma_wait3A_306 = arith.constant 0 : i32
        %dma_wait3A_307 = tpu.memref_slice %arg8[%dma_wait3A_304, %dma_wait3A_305, %dma_wait3A_306] : memref<4x128x16xf32, #tpu.memory_space<vmem>> -> memref<1x128x16xf32, #tpu.memory_space<vmem>>
        %dma_wait3A_308 = tpu.memref_squeeze %dma_wait3A_307 : memref<1x128x16xf32, #tpu.memory_space<vmem>> -> memref<128x16xf32, #tpu.memory_space<vmem>>
        %dma_wait3A_309 = arith.constant 0 : i32
        %dma_wait3A_310 = tpu.memref_slice %arg6[%add3A_303, %dma_wait3A_309] : memref<80x128xi32, #tpu.memory_space<vmem>> -> memref<1x128xi32, #tpu.memory_space<vmem>>
        %dma_wait3A_311 = tpu.memref_squeeze %dma_wait3A_310 : memref<1x128xi32, #tpu.memory_space<vmem>> -> memref<128xi32, #tpu.memory_space<vmem>>
        %dma_wait3A_312 = arith.constant 0 : i32
        %dma_wait3A_313 = arith.constant 0 : i32
        %dma_wait3A_314 = tpu.memref_slice %arg11[%dma_wait3A_312, %dma_wait3A_313] : memref<10240x16xf32, #tpu.memory_space<vmem_shared>> -> memref<10240x16xf32, #tpu.memory_space<vmem_shared>>
        tpu.wait_indirect_dma semaphore(%arg14 : memref<!tpu.dma_semaphore, #tpu.memory_space<semaphore_mem>>) src(%dma_wait3A_314 : memref<10240x16xf32, #tpu.memory_space<vmem_shared>>) dst(%dma_wait3A_308 : memref<128x16xf32, #tpu.memory_space<vmem>>)
        %add3A_315 = arith.constant 2 : i32
        %add3A_316 = arith.addi %mul3A_249, %add3A_315 : i32
        %dma_start3A_317 = arith.constant 2 : i32
        %dma_start3A_318 = arith.constant 0 : i32
        %dma_start3A_319 = arith.constant 0 : i32
        %dma_start3A_320 = tpu.memref_slice %arg8[%dma_start3A_317, %dma_start3A_318, %dma_start3A_319] : memref<4x128x16xf32, #tpu.memory_space<vmem>> -> memref<1x128x16xf32, #tpu.memory_space<vmem>>
        %dma_start3A_321 = tpu.memref_squeeze %dma_start3A_320 : memref<1x128x16xf32, #tpu.memory_space<vmem>> -> memref<128x16xf32, #tpu.memory_space<vmem>>
        %dma_start3A_322 = arith.constant 0 : i32
        %dma_start3A_323 = tpu.memref_slice %arg7[%add3A_316, %dma_start3A_322] : memref<80x128xi32, #tpu.memory_space<vmem>> -> memref<1x128xi32, #tpu.memory_space<vmem>>
        %dma_start3A_324 = tpu.memref_squeeze %dma_start3A_323 : memref<1x128xi32, #tpu.memory_space<vmem>> -> memref<128xi32, #tpu.memory_space<vmem>>
        %dma_start3A_325 = arith.constant 0 : i32
        %dma_start3A_326 = arith.constant 0 : i32
        %dma_start3A_327 = tpu.memref_slice %arg10[%dma_start3A_325, %dma_start3A_326] : memref<10240x16xf32, #tpu.memory_space<vmem_shared>> -> memref<10240x16xf32, #tpu.memory_space<vmem_shared>>
        tpu.enqueue_indirect_dma source(%dma_start3A_321 : memref<128x16xf32, #tpu.memory_space<vmem>>) target(%dma_start3A_327 : memref<10240x16xf32, #tpu.memory_space<vmem_shared>>) offsets(%dma_start3A_324 : memref<128xi32, #tpu.memory_space<vmem>>) semaphore(%arg14 : memref<!tpu.dma_semaphore, #tpu.memory_space<semaphore_mem>>) {add = true}
        %add3A_328 = arith.constant 3 : i32
        %add3A_329 = arith.addi %mul3A_249, %add3A_328 : i32
        %dma_wait3A_330 = arith.constant 3 : i32
        %dma_wait3A_331 = arith.constant 0 : i32
        %dma_wait3A_332 = arith.constant 0 : i32
        %dma_wait3A_333 = tpu.memref_slice %arg8[%dma_wait3A_330, %dma_wait3A_331, %dma_wait3A_332] : memref<4x128x16xf32, #tpu.memory_space<vmem>> -> memref<1x128x16xf32, #tpu.memory_space<vmem>>
        %dma_wait3A_334 = tpu.memref_squeeze %dma_wait3A_333 : memref<1x128x16xf32, #tpu.memory_space<vmem>> -> memref<128x16xf32, #tpu.memory_space<vmem>>
        %dma_wait3A_335 = arith.constant 0 : i32
        %dma_wait3A_336 = tpu.memref_slice %arg6[%add3A_329, %dma_wait3A_335] : memref<80x128xi32, #tpu.memory_space<vmem>> -> memref<1x128xi32, #tpu.memory_space<vmem>>
        %dma_wait3A_337 = tpu.memref_squeeze %dma_wait3A_336 : memref<1x128xi32, #tpu.memory_space<vmem>> -> memref<128xi32, #tpu.memory_space<vmem>>
        %dma_wait3A_338 = arith.constant 0 : i32
        %dma_wait3A_339 = arith.constant 0 : i32
        %dma_wait3A_340 = tpu.memref_slice %arg11[%dma_wait3A_338, %dma_wait3A_339] : memref<10240x16xf32, #tpu.memory_space<vmem_shared>> -> memref<10240x16xf32, #tpu.memory_space<vmem_shared>>
        tpu.wait_indirect_dma semaphore(%arg15 : memref<!tpu.dma_semaphore, #tpu.memory_space<semaphore_mem>>) src(%dma_wait3A_340 : memref<10240x16xf32, #tpu.memory_space<vmem_shared>>) dst(%dma_wait3A_334 : memref<128x16xf32, #tpu.memory_space<vmem>>)
        %add3A_341 = arith.constant 3 : i32
        %add3A_342 = arith.addi %mul3A_249, %add3A_341 : i32
        %dma_start3A_343 = arith.constant 3 : i32
        %dma_start3A_344 = arith.constant 0 : i32
        %dma_start3A_345 = arith.constant 0 : i32
        %dma_start3A_346 = tpu.memref_slice %arg8[%dma_start3A_343, %dma_start3A_344, %dma_start3A_345] : memref<4x128x16xf32, #tpu.memory_space<vmem>> -> memref<1x128x16xf32, #tpu.memory_space<vmem>>
        %dma_start3A_347 = tpu.memref_squeeze %dma_start3A_346 : memref<1x128x16xf32, #tpu.memory_space<vmem>> -> memref<128x16xf32, #tpu.memory_space<vmem>>
        %dma_start3A_348 = arith.constant 0 : i32
        %dma_start3A_349 = tpu.memref_slice %arg7[%add3A_342, %dma_start3A_348] : memref<80x128xi32, #tpu.memory_space<vmem>> -> memref<1x128xi32, #tpu.memory_space<vmem>>
        %dma_start3A_350 = tpu.memref_squeeze %dma_start3A_349 : memref<1x128xi32, #tpu.memory_space<vmem>> -> memref<128xi32, #tpu.memory_space<vmem>>
        %dma_start3A_351 = arith.constant 0 : i32
        %dma_start3A_352 = arith.constant 0 : i32
        %dma_start3A_353 = tpu.memref_slice %arg10[%dma_start3A_351, %dma_start3A_352] : memref<10240x16xf32, #tpu.memory_space<vmem_shared>> -> memref<10240x16xf32, #tpu.memory_space<vmem_shared>>
        tpu.enqueue_indirect_dma source(%dma_start3A_347 : memref<128x16xf32, #tpu.memory_space<vmem>>) target(%dma_start3A_353 : memref<10240x16xf32, #tpu.memory_space<vmem_shared>>) offsets(%dma_start3A_350 : memref<128xi32, #tpu.memory_space<vmem>>) semaphore(%arg15 : memref<!tpu.dma_semaphore, #tpu.memory_space<semaphore_mem>>) {add = true}
        %add3A_354 = arith.constant 0 : i32
        %add3A_355 = arith.addi %mul3A_249, %add3A_354 : i32
        %dma_wait3A_356 = arith.constant 0 : i32
        %dma_wait3A_357 = arith.constant 0 : i32
        %dma_wait3A_358 = arith.constant 0 : i32
        %dma_wait3A_359 = tpu.memref_slice %arg8[%dma_wait3A_356, %dma_wait3A_357, %dma_wait3A_358] : memref<4x128x16xf32, #tpu.memory_space<vmem>> -> memref<1x128x16xf32, #tpu.memory_space<vmem>>
        %dma_wait3A_360 = tpu.memref_squeeze %dma_wait3A_359 : memref<1x128x16xf32, #tpu.memory_space<vmem>> -> memref<128x16xf32, #tpu.memory_space<vmem>>
        %dma_wait3A_361 = arith.constant 0 : i32
        %dma_wait3A_362 = tpu.memref_slice %arg7[%add3A_355, %dma_wait3A_361] : memref<80x128xi32, #tpu.memory_space<vmem>> -> memref<1x128xi32, #tpu.memory_space<vmem>>
        %dma_wait3A_363 = tpu.memref_squeeze %dma_wait3A_362 : memref<1x128xi32, #tpu.memory_space<vmem>> -> memref<128xi32, #tpu.memory_space<vmem>>
        %dma_wait3A_364 = arith.constant 0 : i32
        %dma_wait3A_365 = arith.constant 0 : i32
        %dma_wait3A_366 = tpu.memref_slice %arg10[%dma_wait3A_364, %dma_wait3A_365] : memref<10240x16xf32, #tpu.memory_space<vmem_shared>> -> memref<10240x16xf32, #tpu.memory_space<vmem_shared>>
        tpu.wait_indirect_dma semaphore(%arg12 : memref<!tpu.dma_semaphore, #tpu.memory_space<semaphore_mem>>) src(%dma_wait3A_360 : memref<128x16xf32, #tpu.memory_space<vmem>>) dst(%dma_wait3A_366 : memref<10240x16xf32, #tpu.memory_space<vmem_shared>>)
        %add3A_367 = arith.constant 4 : i32
        %add3A_368 = arith.addi %mul3A_249, %add3A_367 : i32
        %add3A_369 = arith.constant 0 : i32
        %add3A_370 = arith.addi %add3A_368, %add3A_369 : i32
        %dma_start3A_371 = arith.constant 0 : i32
        %dma_start3A_372 = arith.constant 0 : i32
        %dma_start3A_373 = arith.constant 0 : i32
        %dma_start3A_374 = tpu.memref_slice %arg8[%dma_start3A_371, %dma_start3A_372, %dma_start3A_373] : memref<4x128x16xf32, #tpu.memory_space<vmem>> -> memref<1x128x16xf32, #tpu.memory_space<vmem>>
        %dma_start3A_375 = tpu.memref_squeeze %dma_start3A_374 : memref<1x128x16xf32, #tpu.memory_space<vmem>> -> memref<128x16xf32, #tpu.memory_space<vmem>>
        %dma_start3A_376 = arith.constant 0 : i32
        %dma_start3A_377 = tpu.memref_slice %arg6[%add3A_370, %dma_start3A_376] : memref<80x128xi32, #tpu.memory_space<vmem>> -> memref<1x128xi32, #tpu.memory_space<vmem>>
        %dma_start3A_378 = tpu.memref_squeeze %dma_start3A_377 : memref<1x128xi32, #tpu.memory_space<vmem>> -> memref<128xi32, #tpu.memory_space<vmem>>
        %dma_start3A_379 = arith.constant 0 : i32
        %dma_start3A_380 = arith.constant 0 : i32
        %dma_start3A_381 = tpu.memref_slice %arg11[%dma_start3A_379, %dma_start3A_380] : memref<10240x16xf32, #tpu.memory_space<vmem_shared>> -> memref<10240x16xf32, #tpu.memory_space<vmem_shared>>
        tpu.enqueue_indirect_dma source(%dma_start3A_381 : memref<10240x16xf32, #tpu.memory_space<vmem_shared>>) target(%dma_start3A_375 : memref<128x16xf32, #tpu.memory_space<vmem>>) offsets(%dma_start3A_378 : memref<128xi32, #tpu.memory_space<vmem>>) semaphore(%arg12 : memref<!tpu.dma_semaphore, #tpu.memory_space<semaphore_mem>>)
        %add3A_382 = arith.constant 1 : i32
        %add3A_383 = arith.addi %mul3A_249, %add3A_382 : i32
        %dma_wait3A_384 = arith.constant 1 : i32
        %dma_wait3A_385 = arith.constant 0 : i32
        %dma_wait3A_386 = arith.constant 0 : i32
        %dma_wait3A_387 = tpu.memref_slice %arg8[%dma_wait3A_384, %dma_wait3A_385, %dma_wait3A_386] : memref<4x128x16xf32, #tpu.memory_space<vmem>> -> memref<1x128x16xf32, #tpu.memory_space<vmem>>
        %dma_wait3A_388 = tpu.memref_squeeze %dma_wait3A_387 : memref<1x128x16xf32, #tpu.memory_space<vmem>> -> memref<128x16xf32, #tpu.memory_space<vmem>>
        %dma_wait3A_389 = arith.constant 0 : i32
        %dma_wait3A_390 = tpu.memref_slice %arg7[%add3A_383, %dma_wait3A_389] : memref<80x128xi32, #tpu.memory_space<vmem>> -> memref<1x128xi32, #tpu.memory_space<vmem>>
        %dma_wait3A_391 = tpu.memref_squeeze %dma_wait3A_390 : memref<1x128xi32, #tpu.memory_space<vmem>> -> memref<128xi32, #tpu.memory_space<vmem>>
        %dma_wait3A_392 = arith.constant 0 : i32
        %dma_wait3A_393 = arith.constant 0 : i32
        %dma_wait3A_394 = tpu.memref_slice %arg10[%dma_wait3A_392, %dma_wait3A_393] : memref<10240x16xf32, #tpu.memory_space<vmem_shared>> -> memref<10240x16xf32, #tpu.memory_space<vmem_shared>>
        tpu.wait_indirect_dma semaphore(%arg13 : memref<!tpu.dma_semaphore, #tpu.memory_space<semaphore_mem>>) src(%dma_wait3A_388 : memref<128x16xf32, #tpu.memory_space<vmem>>) dst(%dma_wait3A_394 : memref<10240x16xf32, #tpu.memory_space<vmem_shared>>)
        %add3A_395 = arith.constant 4 : i32
        %add3A_396 = arith.addi %mul3A_249, %add3A_395 : i32
        %add3A_397 = arith.constant 1 : i32
        %add3A_398 = arith.addi %add3A_396, %add3A_397 : i32
        %dma_start3A_399 = arith.constant 1 : i32
        %dma_start3A_400 = arith.constant 0 : i32
        %dma_start3A_401 = arith.constant 0 : i32
        %dma_start3A_402 = tpu.memref_slice %arg8[%dma_start3A_399, %dma_start3A_400, %dma_start3A_401] : memref<4x128x16xf32, #tpu.memory_space<vmem>> -> memref<1x128x16xf32, #tpu.memory_space<vmem>>
        %dma_start3A_403 = tpu.memref_squeeze %dma_start3A_402 : memref<1x128x16xf32, #tpu.memory_space<vmem>> -> memref<128x16xf32, #tpu.memory_space<vmem>>
        %dma_start3A_404 = arith.constant 0 : i32
        %dma_start3A_405 = tpu.memref_slice %arg6[%add3A_398, %dma_start3A_404] : memref<80x128xi32, #tpu.memory_space<vmem>> -> memref<1x128xi32, #tpu.memory_space<vmem>>
        %dma_start3A_406 = tpu.memref_squeeze %dma_start3A_405 : memref<1x128xi32, #tpu.memory_space<vmem>> -> memref<128xi32, #tpu.memory_space<vmem>>
        %dma_start3A_407 = arith.constant 0 : i32
        %dma_start3A_408 = arith.constant 0 : i32
        %dma_start3A_409 = tpu.memref_slice %arg11[%dma_start3A_407, %dma_start3A_408] : memref<10240x16xf32, #tpu.memory_space<vmem_shared>> -> memref<10240x16xf32, #tpu.memory_space<vmem_shared>>
        tpu.enqueue_indirect_dma source(%dma_start3A_409 : memref<10240x16xf32, #tpu.memory_space<vmem_shared>>) target(%dma_start3A_403 : memref<128x16xf32, #tpu.memory_space<vmem>>) offsets(%dma_start3A_406 : memref<128xi32, #tpu.memory_space<vmem>>) semaphore(%arg13 : memref<!tpu.dma_semaphore, #tpu.memory_space<semaphore_mem>>)
        %add3A_410 = arith.constant 2 : i32
        %add3A_411 = arith.addi %mul3A_249, %add3A_410 : i32
        %dma_wait3A_412 = arith.constant 2 : i32
        %dma_wait3A_413 = arith.constant 0 : i32
        %dma_wait3A_414 = arith.constant 0 : i32
        %dma_wait3A_415 = tpu.memref_slice %arg8[%dma_wait3A_412, %dma_wait3A_413, %dma_wait3A_414] : memref<4x128x16xf32, #tpu.memory_space<vmem>> -> memref<1x128x16xf32, #tpu.memory_space<vmem>>
        %dma_wait3A_416 = tpu.memref_squeeze %dma_wait3A_415 : memref<1x128x16xf32, #tpu.memory_space<vmem>> -> memref<128x16xf32, #tpu.memory_space<vmem>>
        %dma_wait3A_417 = arith.constant 0 : i32
        %dma_wait3A_418 = tpu.memref_slice %arg7[%add3A_411, %dma_wait3A_417] : memref<80x128xi32, #tpu.memory_space<vmem>> -> memref<1x128xi32, #tpu.memory_space<vmem>>
        %dma_wait3A_419 = tpu.memref_squeeze %dma_wait3A_418 : memref<1x128xi32, #tpu.memory_space<vmem>> -> memref<128xi32, #tpu.memory_space<vmem>>
        %dma_wait3A_420 = arith.constant 0 : i32
        %dma_wait3A_421 = arith.constant 0 : i32
        %dma_wait3A_422 = tpu.memref_slice %arg10[%dma_wait3A_420, %dma_wait3A_421] : memref<10240x16xf32, #tpu.memory_space<vmem_shared>> -> memref<10240x16xf32, #tpu.memory_space<vmem_shared>>
        tpu.wait_indirect_dma semaphore(%arg14 : memref<!tpu.dma_semaphore, #tpu.memory_space<semaphore_mem>>) src(%dma_wait3A_416 : memref<128x16xf32, #tpu.memory_space<vmem>>) dst(%dma_wait3A_422 : memref<10240x16xf32, #tpu.memory_space<vmem_shared>>)
        %add3A_423 = arith.constant 4 : i32
        %add3A_424 = arith.addi %mul3A_249, %add3A_423 : i32
        %add3A_425 = arith.constant 2 : i32
        %add3A_426 = arith.addi %add3A_424, %add3A_425 : i32
        %dma_start3A_427 = arith.constant 2 : i32
        %dma_start3A_428 = arith.constant 0 : i32
        %dma_start3A_429 = arith.constant 0 : i32
        %dma_start3A_430 = tpu.memref_slice %arg8[%dma_start3A_427, %dma_start3A_428, %dma_start3A_429] : memref<4x128x16xf32, #tpu.memory_space<vmem>> -> memref<1x128x16xf32, #tpu.memory_space<vmem>>
        %dma_start3A_431 = tpu.memref_squeeze %dma_start3A_430 : memref<1x128x16xf32, #tpu.memory_space<vmem>> -> memref<128x16xf32, #tpu.memory_space<vmem>>
        %dma_start3A_432 = arith.constant 0 : i32
        %dma_start3A_433 = tpu.memref_slice %arg6[%add3A_426, %dma_start3A_432] : memref<80x128xi32, #tpu.memory_space<vmem>> -> memref<1x128xi32, #tpu.memory_space<vmem>>
        %dma_start3A_434 = tpu.memref_squeeze %dma_start3A_433 : memref<1x128xi32, #tpu.memory_space<vmem>> -> memref<128xi32, #tpu.memory_space<vmem>>
        %dma_start3A_435 = arith.constant 0 : i32
        %dma_start3A_436 = arith.constant 0 : i32
        %dma_start3A_437 = tpu.memref_slice %arg11[%dma_start3A_435, %dma_start3A_436] : memref<10240x16xf32, #tpu.memory_space<vmem_shared>> -> memref<10240x16xf32, #tpu.memory_space<vmem_shared>>
        tpu.enqueue_indirect_dma source(%dma_start3A_437 : memref<10240x16xf32, #tpu.memory_space<vmem_shared>>) target(%dma_start3A_431 : memref<128x16xf32, #tpu.memory_space<vmem>>) offsets(%dma_start3A_434 : memref<128xi32, #tpu.memory_space<vmem>>) semaphore(%arg14 : memref<!tpu.dma_semaphore, #tpu.memory_space<semaphore_mem>>)
        %add3A_438 = arith.constant 3 : i32
        %add3A_439 = arith.addi %mul3A_249, %add3A_438 : i32
        %dma_wait3A_440 = arith.constant 3 : i32
        %dma_wait3A_441 = arith.constant 0 : i32
        %dma_wait3A_442 = arith.constant 0 : i32
        %dma_wait3A_443 = tpu.memref_slice %arg8[%dma_wait3A_440, %dma_wait3A_441, %dma_wait3A_442] : memref<4x128x16xf32, #tpu.memory_space<vmem>> -> memref<1x128x16xf32, #tpu.memory_space<vmem>>
        %dma_wait3A_444 = tpu.memref_squeeze %dma_wait3A_443 : memref<1x128x16xf32, #tpu.memory_space<vmem>> -> memref<128x16xf32, #tpu.memory_space<vmem>>
        %dma_wait3A_445 = arith.constant 0 : i32
        %dma_wait3A_446 = tpu.memref_slice %arg7[%add3A_439, %dma_wait3A_445] : memref<80x128xi32, #tpu.memory_space<vmem>> -> memref<1x128xi32, #tpu.memory_space<vmem>>
        %dma_wait3A_447 = tpu.memref_squeeze %dma_wait3A_446 : memref<1x128xi32, #tpu.memory_space<vmem>> -> memref<128xi32, #tpu.memory_space<vmem>>
        %dma_wait3A_448 = arith.constant 0 : i32
        %dma_wait3A_449 = arith.constant 0 : i32
        %dma_wait3A_450 = tpu.memref_slice %arg10[%dma_wait3A_448, %dma_wait3A_449] : memref<10240x16xf32, #tpu.memory_space<vmem_shared>> -> memref<10240x16xf32, #tpu.memory_space<vmem_shared>>
        tpu.wait_indirect_dma semaphore(%arg15 : memref<!tpu.dma_semaphore, #tpu.memory_space<semaphore_mem>>) src(%dma_wait3A_444 : memref<128x16xf32, #tpu.memory_space<vmem>>) dst(%dma_wait3A_450 : memref<10240x16xf32, #tpu.memory_space<vmem_shared>>)
        %add3A_451 = arith.constant 4 : i32
        %add3A_452 = arith.addi %mul3A_249, %add3A_451 : i32
        %add3A_453 = arith.constant 3 : i32
        %add3A_454 = arith.addi %add3A_452, %add3A_453 : i32
        %dma_start3A_455 = arith.constant 3 : i32
        %dma_start3A_456 = arith.constant 0 : i32
        %dma_start3A_457 = arith.constant 0 : i32
        %dma_start3A_458 = tpu.memref_slice %arg8[%dma_start3A_455, %dma_start3A_456, %dma_start3A_457] : memref<4x128x16xf32, #tpu.memory_space<vmem>> -> memref<1x128x16xf32, #tpu.memory_space<vmem>>
        %dma_start3A_459 = tpu.memref_squeeze %dma_start3A_458 : memref<1x128x16xf32, #tpu.memory_space<vmem>> -> memref<128x16xf32, #tpu.memory_space<vmem>>
        %dma_start3A_460 = arith.constant 0 : i32
        %dma_start3A_461 = tpu.memref_slice %arg6[%add3A_454, %dma_start3A_460] : memref<80x128xi32, #tpu.memory_space<vmem>> -> memref<1x128xi32, #tpu.memory_space<vmem>>
        %dma_start3A_462 = tpu.memref_squeeze %dma_start3A_461 : memref<1x128xi32, #tpu.memory_space<vmem>> -> memref<128xi32, #tpu.memory_space<vmem>>
        %dma_start3A_463 = arith.constant 0 : i32
        %dma_start3A_464 = arith.constant 0 : i32
        %dma_start3A_465 = tpu.memref_slice %arg11[%dma_start3A_463, %dma_start3A_464] : memref<10240x16xf32, #tpu.memory_space<vmem_shared>> -> memref<10240x16xf32, #tpu.memory_space<vmem_shared>>
        tpu.enqueue_indirect_dma source(%dma_start3A_465 : memref<10240x16xf32, #tpu.memory_space<vmem_shared>>) target(%dma_start3A_459 : memref<128x16xf32, #tpu.memory_space<vmem>>) offsets(%dma_start3A_462 : memref<128xi32, #tpu.memory_space<vmem>>) semaphore(%arg15 : memref<!tpu.dma_semaphore, #tpu.memory_space<semaphore_mem>>)
        %scan3A_466 = arith.constant 0 : i32
        scf.yield %scan3A_466 : i32
      }
      %scan3A_102 = arith.constant 19 : i32
      %dma_wait3A = arith.constant 76 : i32
      %dma_wait3A_103 = arith.constant 0 : i32
      %dma_wait3A_104 = arith.constant 0 : i32
      %dma_wait3A_105 = arith.constant 0 : i32
      %dma_wait3A_106 = tpu.memref_slice %arg8[%dma_wait3A_103, %dma_wait3A_104, %dma_wait3A_105] : memref<4x128x16xf32, #tpu.memory_space<vmem>> -> memref<1x128x16xf32, #tpu.memory_space<vmem>>
      %dma_wait3A_107 = tpu.memref_squeeze %dma_wait3A_106 : memref<1x128x16xf32, #tpu.memory_space<vmem>> -> memref<128x16xf32, #tpu.memory_space<vmem>>
      %dma_wait3A_108 = arith.constant 0 : i32
      %dma_wait3A_109 = tpu.memref_slice %arg6[%dma_wait3A, %dma_wait3A_108] : memref<80x128xi32, #tpu.memory_space<vmem>> -> memref<1x128xi32, #tpu.memory_space<vmem>>
      %dma_wait3A_110 = tpu.memref_squeeze %dma_wait3A_109 : memref<1x128xi32, #tpu.memory_space<vmem>> -> memref<128xi32, #tpu.memory_space<vmem>>
      %dma_wait3A_111 = arith.constant 0 : i32
      %dma_wait3A_112 = arith.constant 0 : i32
      %dma_wait3A_113 = tpu.memref_slice %arg11[%dma_wait3A_111, %dma_wait3A_112] : memref<10240x16xf32, #tpu.memory_space<vmem_shared>> -> memref<10240x16xf32, #tpu.memory_space<vmem_shared>>
      tpu.wait_indirect_dma semaphore(%arg12 : memref<!tpu.dma_semaphore, #tpu.memory_space<semaphore_mem>>) src(%dma_wait3A_113 : memref<10240x16xf32, #tpu.memory_space<vmem_shared>>) dst(%dma_wait3A_107 : memref<128x16xf32, #tpu.memory_space<vmem>>)
      %dma_start3A_114 = arith.constant 0 : i32
      %dma_start3A_115 = arith.constant 76 : i32
      %dma_start3A_116 = arith.constant 0 : i32
      %dma_start3A_117 = arith.constant 0 : i32
      %dma_start3A_118 = tpu.memref_slice %arg8[%dma_start3A_114, %dma_start3A_116, %dma_start3A_117] : memref<4x128x16xf32, #tpu.memory_space<vmem>> -> memref<1x128x16xf32, #tpu.memory_space<vmem>>
      %dma_start3A_119 = tpu.memref_squeeze %dma_start3A_118 : memref<1x128x16xf32, #tpu.memory_space<vmem>> -> memref<128x16xf32, #tpu.memory_space<vmem>>
      %dma_start3A_120 = arith.constant 0 : i32
      %dma_start3A_121 = tpu.memref_slice %arg7[%dma_start3A_115, %dma_start3A_120] : memref<80x128xi32, #tpu.memory_space<vmem>> -> memref<1x128xi32, #tpu.memory_space<vmem>>
      %dma_start3A_122 = tpu.memref_squeeze %dma_start3A_121 : memref<1x128xi32, #tpu.memory_space<vmem>> -> memref<128xi32, #tpu.memory_space<vmem>>
      %dma_start3A_123 = arith.constant 0 : i32
      %dma_start3A_124 = arith.constant 0 : i32
      %dma_start3A_125 = tpu.memref_slice %arg10[%dma_start3A_123, %dma_start3A_124] : memref<10240x16xf32, #tpu.memory_space<vmem_shared>> -> memref<10240x16xf32, #tpu.memory_space<vmem_shared>>
      tpu.enqueue_indirect_dma source(%dma_start3A_119 : memref<128x16xf32, #tpu.memory_space<vmem>>) target(%dma_start3A_125 : memref<10240x16xf32, #tpu.memory_space<vmem_shared>>) offsets(%dma_start3A_122 : memref<128xi32, #tpu.memory_space<vmem>>) semaphore(%arg12 : memref<!tpu.dma_semaphore, #tpu.memory_space<semaphore_mem>>) {add = true}
      %dma_wait3A_126 = arith.constant 77 : i32
      %dma_wait3A_127 = arith.constant 1 : i32
      %dma_wait3A_128 = arith.constant 0 : i32
      %dma_wait3A_129 = arith.constant 0 : i32
      %dma_wait3A_130 = tpu.memref_slice %arg8[%dma_wait3A_127, %dma_wait3A_128, %dma_wait3A_129] : memref<4x128x16xf32, #tpu.memory_space<vmem>> -> memref<1x128x16xf32, #tpu.memory_space<vmem>>
      %dma_wait3A_131 = tpu.memref_squeeze %dma_wait3A_130 : memref<1x128x16xf32, #tpu.memory_space<vmem>> -> memref<128x16xf32, #tpu.memory_space<vmem>>
      %dma_wait3A_132 = arith.constant 0 : i32
      %dma_wait3A_133 = tpu.memref_slice %arg6[%dma_wait3A_126, %dma_wait3A_132] : memref<80x128xi32, #tpu.memory_space<vmem>> -> memref<1x128xi32, #tpu.memory_space<vmem>>
      %dma_wait3A_134 = tpu.memref_squeeze %dma_wait3A_133 : memref<1x128xi32, #tpu.memory_space<vmem>> -> memref<128xi32, #tpu.memory_space<vmem>>
      %dma_wait3A_135 = arith.constant 0 : i32
      %dma_wait3A_136 = arith.constant 0 : i32
      %dma_wait3A_137 = tpu.memref_slice %arg11[%dma_wait3A_135, %dma_wait3A_136] : memref<10240x16xf32, #tpu.memory_space<vmem_shared>> -> memref<10240x16xf32, #tpu.memory_space<vmem_shared>>
      tpu.wait_indirect_dma semaphore(%arg13 : memref<!tpu.dma_semaphore, #tpu.memory_space<semaphore_mem>>) src(%dma_wait3A_137 : memref<10240x16xf32, #tpu.memory_space<vmem_shared>>) dst(%dma_wait3A_131 : memref<128x16xf32, #tpu.memory_space<vmem>>)
      %dma_start3A_138 = arith.constant 1 : i32
      %dma_start3A_139 = arith.constant 77 : i32
      %dma_start3A_140 = arith.constant 0 : i32
      %dma_start3A_141 = arith.constant 0 : i32
      %dma_start3A_142 = tpu.memref_slice %arg8[%dma_start3A_138, %dma_start3A_140, %dma_start3A_141] : memref<4x128x16xf32, #tpu.memory_space<vmem>> -> memref<1x128x16xf32, #tpu.memory_space<vmem>>
      %dma_start3A_143 = tpu.memref_squeeze %dma_start3A_142 : memref<1x128x16xf32, #tpu.memory_space<vmem>> -> memref<128x16xf32, #tpu.memory_space<vmem>>
      %dma_start3A_144 = arith.constant 0 : i32
      %dma_start3A_145 = tpu.memref_slice %arg7[%dma_start3A_139, %dma_start3A_144] : memref<80x128xi32, #tpu.memory_space<vmem>> -> memref<1x128xi32, #tpu.memory_space<vmem>>
      %dma_start3A_146 = tpu.memref_squeeze %dma_start3A_145 : memref<1x128xi32, #tpu.memory_space<vmem>> -> memref<128xi32, #tpu.memory_space<vmem>>
      %dma_start3A_147 = arith.constant 0 : i32
      %dma_start3A_148 = arith.constant 0 : i32
      %dma_start3A_149 = tpu.memref_slice %arg10[%dma_start3A_147, %dma_start3A_148] : memref<10240x16xf32, #tpu.memory_space<vmem_shared>> -> memref<10240x16xf32, #tpu.memory_space<vmem_shared>>
      tpu.enqueue_indirect_dma source(%dma_start3A_143 : memref<128x16xf32, #tpu.memory_space<vmem>>) target(%dma_start3A_149 : memref<10240x16xf32, #tpu.memory_space<vmem_shared>>) offsets(%dma_start3A_146 : memref<128xi32, #tpu.memory_space<vmem>>) semaphore(%arg13 : memref<!tpu.dma_semaphore, #tpu.memory_space<semaphore_mem>>) {add = true}
      %dma_wait3A_150 = arith.constant 78 : i32
      %dma_wait3A_151 = arith.constant 2 : i32
      %dma_wait3A_152 = arith.constant 0 : i32
      %dma_wait3A_153 = arith.constant 0 : i32
      %dma_wait3A_154 = tpu.memref_slice %arg8[%dma_wait3A_151, %dma_wait3A_152, %dma_wait3A_153] : memref<4x128x16xf32, #tpu.memory_space<vmem>> -> memref<1x128x16xf32, #tpu.memory_space<vmem>>
      %dma_wait3A_155 = tpu.memref_squeeze %dma_wait3A_154 : memref<1x128x16xf32, #tpu.memory_space<vmem>> -> memref<128x16xf32, #tpu.memory_space<vmem>>
      %dma_wait3A_156 = arith.constant 0 : i32
      %dma_wait3A_157 = tpu.memref_slice %arg6[%dma_wait3A_150, %dma_wait3A_156] : memref<80x128xi32, #tpu.memory_space<vmem>> -> memref<1x128xi32, #tpu.memory_space<vmem>>
      %dma_wait3A_158 = tpu.memref_squeeze %dma_wait3A_157 : memref<1x128xi32, #tpu.memory_space<vmem>> -> memref<128xi32, #tpu.memory_space<vmem>>
      %dma_wait3A_159 = arith.constant 0 : i32
      %dma_wait3A_160 = arith.constant 0 : i32
      %dma_wait3A_161 = tpu.memref_slice %arg11[%dma_wait3A_159, %dma_wait3A_160] : memref<10240x16xf32, #tpu.memory_space<vmem_shared>> -> memref<10240x16xf32, #tpu.memory_space<vmem_shared>>
      tpu.wait_indirect_dma semaphore(%arg14 : memref<!tpu.dma_semaphore, #tpu.memory_space<semaphore_mem>>) src(%dma_wait3A_161 : memref<10240x16xf32, #tpu.memory_space<vmem_shared>>) dst(%dma_wait3A_155 : memref<128x16xf32, #tpu.memory_space<vmem>>)
      %dma_start3A_162 = arith.constant 2 : i32
      %dma_start3A_163 = arith.constant 78 : i32
      %dma_start3A_164 = arith.constant 0 : i32
      %dma_start3A_165 = arith.constant 0 : i32
      %dma_start3A_166 = tpu.memref_slice %arg8[%dma_start3A_162, %dma_start3A_164, %dma_start3A_165] : memref<4x128x16xf32, #tpu.memory_space<vmem>> -> memref<1x128x16xf32, #tpu.memory_space<vmem>>
      %dma_start3A_167 = tpu.memref_squeeze %dma_start3A_166 : memref<1x128x16xf32, #tpu.memory_space<vmem>> -> memref<128x16xf32, #tpu.memory_space<vmem>>
      %dma_start3A_168 = arith.constant 0 : i32
      %dma_start3A_169 = tpu.memref_slice %arg7[%dma_start3A_163, %dma_start3A_168] : memref<80x128xi32, #tpu.memory_space<vmem>> -> memref<1x128xi32, #tpu.memory_space<vmem>>
      %dma_start3A_170 = tpu.memref_squeeze %dma_start3A_169 : memref<1x128xi32, #tpu.memory_space<vmem>> -> memref<128xi32, #tpu.memory_space<vmem>>
      %dma_start3A_171 = arith.constant 0 : i32
      %dma_start3A_172 = arith.constant 0 : i32
      %dma_start3A_173 = tpu.memref_slice %arg10[%dma_start3A_171, %dma_start3A_172] : memref<10240x16xf32, #tpu.memory_space<vmem_shared>> -> memref<10240x16xf32, #tpu.memory_space<vmem_shared>>
      tpu.enqueue_indirect_dma source(%dma_start3A_167 : memref<128x16xf32, #tpu.memory_space<vmem>>) target(%dma_start3A_173 : memref<10240x16xf32, #tpu.memory_space<vmem_shared>>) offsets(%dma_start3A_170 : memref<128xi32, #tpu.memory_space<vmem>>) semaphore(%arg14 : memref<!tpu.dma_semaphore, #tpu.memory_space<semaphore_mem>>) {add = true}
      %dma_wait3A_174 = arith.constant 79 : i32
      %dma_wait3A_175 = arith.constant 3 : i32
      %dma_wait3A_176 = arith.constant 0 : i32
      %dma_wait3A_177 = arith.constant 0 : i32
      %dma_wait3A_178 = tpu.memref_slice %arg8[%dma_wait3A_175, %dma_wait3A_176, %dma_wait3A_177] : memref<4x128x16xf32, #tpu.memory_space<vmem>> -> memref<1x128x16xf32, #tpu.memory_space<vmem>>
      %dma_wait3A_179 = tpu.memref_squeeze %dma_wait3A_178 : memref<1x128x16xf32, #tpu.memory_space<vmem>> -> memref<128x16xf32, #tpu.memory_space<vmem>>
      %dma_wait3A_180 = arith.constant 0 : i32
      %dma_wait3A_181 = tpu.memref_slice %arg6[%dma_wait3A_174, %dma_wait3A_180] : memref<80x128xi32, #tpu.memory_space<vmem>> -> memref<1x128xi32, #tpu.memory_space<vmem>>
      %dma_wait3A_182 = tpu.memref_squeeze %dma_wait3A_181 : memref<1x128xi32, #tpu.memory_space<vmem>> -> memref<128xi32, #tpu.memory_space<vmem>>
      %dma_wait3A_183 = arith.constant 0 : i32
      %dma_wait3A_184 = arith.constant 0 : i32
      %dma_wait3A_185 = tpu.memref_slice %arg11[%dma_wait3A_183, %dma_wait3A_184] : memref<10240x16xf32, #tpu.memory_space<vmem_shared>> -> memref<10240x16xf32, #tpu.memory_space<vmem_shared>>
      tpu.wait_indirect_dma semaphore(%arg15 : memref<!tpu.dma_semaphore, #tpu.memory_space<semaphore_mem>>) src(%dma_wait3A_185 : memref<10240x16xf32, #tpu.memory_space<vmem_shared>>) dst(%dma_wait3A_179 : memref<128x16xf32, #tpu.memory_space<vmem>>)
      %dma_start3A_186 = arith.constant 3 : i32
      %dma_start3A_187 = arith.constant 79 : i32
      %dma_start3A_188 = arith.constant 0 : i32
      %dma_start3A_189 = arith.constant 0 : i32
      %dma_start3A_190 = tpu.memref_slice %arg8[%dma_start3A_186, %dma_start3A_188, %dma_start3A_189] : memref<4x128x16xf32, #tpu.memory_space<vmem>> -> memref<1x128x16xf32, #tpu.memory_space<vmem>>
      %dma_start3A_191 = tpu.memref_squeeze %dma_start3A_190 : memref<1x128x16xf32, #tpu.memory_space<vmem>> -> memref<128x16xf32, #tpu.memory_space<vmem>>
      %dma_start3A_192 = arith.constant 0 : i32
      %dma_start3A_193 = tpu.memref_slice %arg7[%dma_start3A_187, %dma_start3A_192] : memref<80x128xi32, #tpu.memory_space<vmem>> -> memref<1x128xi32, #tpu.memory_space<vmem>>
      %dma_start3A_194 = tpu.memref_squeeze %dma_start3A_193 : memref<1x128xi32, #tpu.memory_space<vmem>> -> memref<128xi32, #tpu.memory_space<vmem>>
      %dma_start3A_195 = arith.constant 0 : i32
      %dma_start3A_196 = arith.constant 0 : i32
      %dma_start3A_197 = tpu.memref_slice %arg10[%dma_start3A_195, %dma_start3A_196] : memref<10240x16xf32, #tpu.memory_space<vmem_shared>> -> memref<10240x16xf32, #tpu.memory_space<vmem_shared>>
      tpu.enqueue_indirect_dma source(%dma_start3A_191 : memref<128x16xf32, #tpu.memory_space<vmem>>) target(%dma_start3A_197 : memref<10240x16xf32, #tpu.memory_space<vmem_shared>>) offsets(%dma_start3A_194 : memref<128xi32, #tpu.memory_space<vmem>>) semaphore(%arg15 : memref<!tpu.dma_semaphore, #tpu.memory_space<semaphore_mem>>) {add = true}
      %dma_wait3A_198 = arith.constant 0 : i32
      %dma_wait3A_199 = arith.constant 76 : i32
      %dma_wait3A_200 = arith.constant 0 : i32
      %dma_wait3A_201 = arith.constant 0 : i32
      %dma_wait3A_202 = tpu.memref_slice %arg8[%dma_wait3A_198, %dma_wait3A_200, %dma_wait3A_201] : memref<4x128x16xf32, #tpu.memory_space<vmem>> -> memref<1x128x16xf32, #tpu.memory_space<vmem>>
      %dma_wait3A_203 = tpu.memref_squeeze %dma_wait3A_202 : memref<1x128x16xf32, #tpu.memory_space<vmem>> -> memref<128x16xf32, #tpu.memory_space<vmem>>
      %dma_wait3A_204 = arith.constant 0 : i32
      %dma_wait3A_205 = tpu.memref_slice %arg7[%dma_wait3A_199, %dma_wait3A_204] : memref<80x128xi32, #tpu.memory_space<vmem>> -> memref<1x128xi32, #tpu.memory_space<vmem>>
      %dma_wait3A_206 = tpu.memref_squeeze %dma_wait3A_205 : memref<1x128xi32, #tpu.memory_space<vmem>> -> memref<128xi32, #tpu.memory_space<vmem>>
      %dma_wait3A_207 = arith.constant 0 : i32
      %dma_wait3A_208 = arith.constant 0 : i32
      %dma_wait3A_209 = tpu.memref_slice %arg10[%dma_wait3A_207, %dma_wait3A_208] : memref<10240x16xf32, #tpu.memory_space<vmem_shared>> -> memref<10240x16xf32, #tpu.memory_space<vmem_shared>>
      tpu.wait_indirect_dma semaphore(%arg12 : memref<!tpu.dma_semaphore, #tpu.memory_space<semaphore_mem>>) src(%dma_wait3A_203 : memref<128x16xf32, #tpu.memory_space<vmem>>) dst(%dma_wait3A_209 : memref<10240x16xf32, #tpu.memory_space<vmem_shared>>)
      %dma_wait3A_210 = arith.constant 1 : i32
      %dma_wait3A_211 = arith.constant 77 : i32
      %dma_wait3A_212 = arith.constant 0 : i32
      %dma_wait3A_213 = arith.constant 0 : i32
      %dma_wait3A_214 = tpu.memref_slice %arg8[%dma_wait3A_210, %dma_wait3A_212, %dma_wait3A_213] : memref<4x128x16xf32, #tpu.memory_space<vmem>> -> memref<1x128x16xf32, #tpu.memory_space<vmem>>
      %dma_wait3A_215 = tpu.memref_squeeze %dma_wait3A_214 : memref<1x128x16xf32, #tpu.memory_space<vmem>> -> memref<128x16xf32, #tpu.memory_space<vmem>>
      %dma_wait3A_216 = arith.constant 0 : i32
      %dma_wait3A_217 = tpu.memref_slice %arg7[%dma_wait3A_211, %dma_wait3A_216] : memref<80x128xi32, #tpu.memory_space<vmem>> -> memref<1x128xi32, #tpu.memory_space<vmem>>
      %dma_wait3A_218 = tpu.memref_squeeze %dma_wait3A_217 : memref<1x128xi32, #tpu.memory_space<vmem>> -> memref<128xi32, #tpu.memory_space<vmem>>
      %dma_wait3A_219 = arith.constant 0 : i32
      %dma_wait3A_220 = arith.constant 0 : i32
      %dma_wait3A_221 = tpu.memref_slice %arg10[%dma_wait3A_219, %dma_wait3A_220] : memref<10240x16xf32, #tpu.memory_space<vmem_shared>> -> memref<10240x16xf32, #tpu.memory_space<vmem_shared>>
      tpu.wait_indirect_dma semaphore(%arg13 : memref<!tpu.dma_semaphore, #tpu.memory_space<semaphore_mem>>) src(%dma_wait3A_215 : memref<128x16xf32, #tpu.memory_space<vmem>>) dst(%dma_wait3A_221 : memref<10240x16xf32, #tpu.memory_space<vmem_shared>>)
      %dma_wait3A_222 = arith.constant 2 : i32
      %dma_wait3A_223 = arith.constant 78 : i32
      %dma_wait3A_224 = arith.constant 0 : i32
      %dma_wait3A_225 = arith.constant 0 : i32
      %dma_wait3A_226 = tpu.memref_slice %arg8[%dma_wait3A_222, %dma_wait3A_224, %dma_wait3A_225] : memref<4x128x16xf32, #tpu.memory_space<vmem>> -> memref<1x128x16xf32, #tpu.memory_space<vmem>>
      %dma_wait3A_227 = tpu.memref_squeeze %dma_wait3A_226 : memref<1x128x16xf32, #tpu.memory_space<vmem>> -> memref<128x16xf32, #tpu.memory_space<vmem>>
      %dma_wait3A_228 = arith.constant 0 : i32
      %dma_wait3A_229 = tpu.memref_slice %arg7[%dma_wait3A_223, %dma_wait3A_228] : memref<80x128xi32, #tpu.memory_space<vmem>> -> memref<1x128xi32, #tpu.memory_space<vmem>>
      %dma_wait3A_230 = tpu.memref_squeeze %dma_wait3A_229 : memref<1x128xi32, #tpu.memory_space<vmem>> -> memref<128xi32, #tpu.memory_space<vmem>>
      %dma_wait3A_231 = arith.constant 0 : i32
      %dma_wait3A_232 = arith.constant 0 : i32
      %dma_wait3A_233 = tpu.memref_slice %arg10[%dma_wait3A_231, %dma_wait3A_232] : memref<10240x16xf32, #tpu.memory_space<vmem_shared>> -> memref<10240x16xf32, #tpu.memory_space<vmem_shared>>
      tpu.wait_indirect_dma semaphore(%arg14 : memref<!tpu.dma_semaphore, #tpu.memory_space<semaphore_mem>>) src(%dma_wait3A_227 : memref<128x16xf32, #tpu.memory_space<vmem>>) dst(%dma_wait3A_233 : memref<10240x16xf32, #tpu.memory_space<vmem_shared>>)
      %dma_wait3A_234 = arith.constant 3 : i32
      %dma_wait3A_235 = arith.constant 79 : i32
      %dma_wait3A_236 = arith.constant 0 : i32
      %dma_wait3A_237 = arith.constant 0 : i32
      %dma_wait3A_238 = tpu.memref_slice %arg8[%dma_wait3A_234, %dma_wait3A_236, %dma_wait3A_237] : memref<4x128x16xf32, #tpu.memory_space<vmem>> -> memref<1x128x16xf32, #tpu.memory_space<vmem>>
      %dma_wait3A_239 = tpu.memref_squeeze %dma_wait3A_238 : memref<1x128x16xf32, #tpu.memory_space<vmem>> -> memref<128x16xf32, #tpu.memory_space<vmem>>
      %dma_wait3A_240 = arith.constant 0 : i32
      %dma_wait3A_241 = tpu.memref_slice %arg7[%dma_wait3A_235, %dma_wait3A_240] : memref<80x128xi32, #tpu.memory_space<vmem>> -> memref<1x128xi32, #tpu.memory_space<vmem>>
      %dma_wait3A_242 = tpu.memref_squeeze %dma_wait3A_241 : memref<1x128xi32, #tpu.memory_space<vmem>> -> memref<128xi32, #tpu.memory_space<vmem>>
      %dma_wait3A_243 = arith.constant 0 : i32
      %dma_wait3A_244 = arith.constant 0 : i32
      %dma_wait3A_245 = tpu.memref_slice %arg10[%dma_wait3A_243, %dma_wait3A_244] : memref<10240x16xf32, #tpu.memory_space<vmem_shared>> -> memref<10240x16xf32, #tpu.memory_space<vmem_shared>>
      tpu.wait_indirect_dma semaphore(%arg15 : memref<!tpu.dma_semaphore, #tpu.memory_space<semaphore_mem>>) src(%dma_wait3A_239 : memref<128x16xf32, #tpu.memory_space<vmem>>) dst(%dma_wait3A_245 : memref<10240x16xf32, #tpu.memory_space<vmem_shared>>)
    } else {
    }
    %eq3A_37 = arith.constant 1 : i32
    %eq3A_38 = arith.cmpi eq, %arg0, %eq3A_37 : i32
    %convert_element_type3A_39 = arith.extui %eq3A_38 : i1 to i32
    %cond3A_40 = arith.constant 0 : i32
    %cond3A_41 = arith.cmpi ne, %convert_element_type3A_39, %cond3A_40 : i32
    scf.if %cond3A_41 {
      %mul3A_47 = arith.constant 80 : i32
      %mul3A_48 = arith.muli %arg1, %mul3A_47 : i32
      %add3A_49 = arith.constant 1280 : i32
      %add3A_50 = arith.addi %add3A_49, %mul3A_48 : i32
      "tpu.region"() ({
        %run_scoped3A_248 = tpu.sem_alloc : memref<!tpu.dma_semaphore, #tpu.memory_space<semaphore_mem>>
        %dma_start3A_249 = arith.constant 0 : i32
        %dma_start3A_250 = arith.constant 0 : i32
        %dma_start3A_251 = tpu.memref_slice %arg6[%dma_start3A_249, %dma_start3A_250] : memref<80x128xi32, #tpu.memory_space<vmem>> -> memref<80x128xi32, #tpu.memory_space<vmem>>
        %dma_start3A_252 = arith.constant 0 : i32
        %dma_start3A_253 = tpu.memref_slice %arg3[%add3A_50, %dma_start3A_252] : memref<2560x128xi32, #tpu.memory_space<hbm>> -> memref<80x128xi32, #tpu.memory_space<hbm>>
        %dma_start3A_254 = arith.constant 0 : i32
        %dma_start3A_255 = arith.constant 0 : i32
        %dma_start3A_256 = tpu.memref_slice %arg6[%dma_start3A_254, %dma_start3A_255] : memref<80x128xi32, #tpu.memory_space<vmem>> -> memref<80x128xi32, #tpu.memory_space<vmem>>
        %dma_start3A_257 = arith.constant 0 : i32
        %dma_start3A_258 = tpu.memref_slice %arg3[%add3A_50, %dma_start3A_257] : memref<2560x128xi32, #tpu.memory_space<hbm>> -> memref<80x128xi32, #tpu.memory_space<hbm>>
        tpu.enqueue_dma source(%dma_start3A_258 : memref<80x128xi32, #tpu.memory_space<hbm>>) target(%dma_start3A_256 : memref<80x128xi32, #tpu.memory_space<vmem>>) target_semaphore(%run_scoped3A_248 : memref<!tpu.dma_semaphore, #tpu.memory_space<semaphore_mem>>)
        %dma_wait3A_259 = arith.constant 0 : i32
        %dma_wait3A_260 = arith.constant 0 : i32
        %dma_wait3A_261 = tpu.memref_slice %arg6[%dma_wait3A_259, %dma_wait3A_260] : memref<80x128xi32, #tpu.memory_space<vmem>> -> memref<80x128xi32, #tpu.memory_space<vmem>>
        %dma_wait3A_262 = arith.constant 0 : i32
        %dma_wait3A_263 = tpu.memref_slice %arg3[%add3A_50, %dma_wait3A_262] : memref<2560x128xi32, #tpu.memory_space<hbm>> -> memref<80x128xi32, #tpu.memory_space<hbm>>
        %dma_wait3A_264 = arith.constant 0 : i32
        %dma_wait3A_265 = arith.constant 0 : i32
        %dma_wait3A_266 = tpu.memref_slice %arg6[%dma_wait3A_264, %dma_wait3A_265] : memref<80x128xi32, #tpu.memory_space<vmem>> -> memref<80x128xi32, #tpu.memory_space<vmem>>
        %dma_wait3A_267 = arith.constant 0 : i32
        %dma_wait3A_268 = tpu.memref_slice %arg3[%add3A_50, %dma_wait3A_267] : memref<2560x128xi32, #tpu.memory_space<hbm>> -> memref<80x128xi32, #tpu.memory_space<hbm>>
        tpu.wait_dma2 semaphore(%run_scoped3A_248 : memref<!tpu.dma_semaphore, #tpu.memory_space<semaphore_mem>>) src(%dma_wait3A_268 : memref<80x128xi32, #tpu.memory_space<hbm>>) dst(%dma_wait3A_266 : memref<80x128xi32, #tpu.memory_space<vmem>>)
        tpu.yield
      }) : () -> ()
      "tpu.region"() ({
        %run_scoped3A_248 = tpu.sem_alloc : memref<!tpu.dma_semaphore, #tpu.memory_space<semaphore_mem>>
        %dma_start3A_249 = arith.constant 0 : i32
        %dma_start3A_250 = arith.constant 0 : i32
        %dma_start3A_251 = tpu.memref_slice %arg7[%dma_start3A_249, %dma_start3A_250] : memref<80x128xi32, #tpu.memory_space<vmem>> -> memref<80x128xi32, #tpu.memory_space<vmem>>
        %dma_start3A_252 = arith.constant 0 : i32
        %dma_start3A_253 = tpu.memref_slice %arg4[%add3A_50, %dma_start3A_252] : memref<2560x128xi32, #tpu.memory_space<hbm>> -> memref<80x128xi32, #tpu.memory_space<hbm>>
        %dma_start3A_254 = arith.constant 0 : i32
        %dma_start3A_255 = arith.constant 0 : i32
        %dma_start3A_256 = tpu.memref_slice %arg7[%dma_start3A_254, %dma_start3A_255] : memref<80x128xi32, #tpu.memory_space<vmem>> -> memref<80x128xi32, #tpu.memory_space<vmem>>
        %dma_start3A_257 = arith.constant 0 : i32
        %dma_start3A_258 = tpu.memref_slice %arg4[%add3A_50, %dma_start3A_257] : memref<2560x128xi32, #tpu.memory_space<hbm>> -> memref<80x128xi32, #tpu.memory_space<hbm>>
        tpu.enqueue_dma source(%dma_start3A_258 : memref<80x128xi32, #tpu.memory_space<hbm>>) target(%dma_start3A_256 : memref<80x128xi32, #tpu.memory_space<vmem>>) target_semaphore(%run_scoped3A_248 : memref<!tpu.dma_semaphore, #tpu.memory_space<semaphore_mem>>)
        %dma_wait3A_259 = arith.constant 0 : i32
        %dma_wait3A_260 = arith.constant 0 : i32
        %dma_wait3A_261 = tpu.memref_slice %arg7[%dma_wait3A_259, %dma_wait3A_260] : memref<80x128xi32, #tpu.memory_space<vmem>> -> memref<80x128xi32, #tpu.memory_space<vmem>>
        %dma_wait3A_262 = arith.constant 0 : i32
        %dma_wait3A_263 = tpu.memref_slice %arg4[%add3A_50, %dma_wait3A_262] : memref<2560x128xi32, #tpu.memory_space<hbm>> -> memref<80x128xi32, #tpu.memory_space<hbm>>
        %dma_wait3A_264 = arith.constant 0 : i32
        %dma_wait3A_265 = arith.constant 0 : i32
        %dma_wait3A_266 = tpu.memref_slice %arg7[%dma_wait3A_264, %dma_wait3A_265] : memref<80x128xi32, #tpu.memory_space<vmem>> -> memref<80x128xi32, #tpu.memory_space<vmem>>
        %dma_wait3A_267 = arith.constant 0 : i32
        %dma_wait3A_268 = tpu.memref_slice %arg4[%add3A_50, %dma_wait3A_267] : memref<2560x128xi32, #tpu.memory_space<hbm>> -> memref<80x128xi32, #tpu.memory_space<hbm>>
        tpu.wait_dma2 semaphore(%run_scoped3A_248 : memref<!tpu.dma_semaphore, #tpu.memory_space<semaphore_mem>>) src(%dma_wait3A_268 : memref<80x128xi32, #tpu.memory_space<hbm>>) dst(%dma_wait3A_266 : memref<80x128xi32, #tpu.memory_space<vmem>>)
        tpu.yield
      }) : () -> ()
      %dma_start3A = arith.constant 0 : i32
      %dma_start3A_51 = arith.constant 0 : i32
      %dma_start3A_52 = arith.constant 0 : i32
      %dma_start3A_53 = arith.constant 0 : i32
      %dma_start3A_54 = tpu.memref_slice %arg8[%dma_start3A_51, %dma_start3A_52, %dma_start3A_53] : memref<4x128x16xf32, #tpu.memory_space<vmem>> -> memref<1x128x16xf32, #tpu.memory_space<vmem>>
      %dma_start3A_55 = tpu.memref_squeeze %dma_start3A_54 : memref<1x128x16xf32, #tpu.memory_space<vmem>> -> memref<128x16xf32, #tpu.memory_space<vmem>>
      %dma_start3A_56 = arith.constant 0 : i32
      %dma_start3A_57 = tpu.memref_slice %arg6[%dma_start3A, %dma_start3A_56] : memref<80x128xi32, #tpu.memory_space<vmem>> -> memref<1x128xi32, #tpu.memory_space<vmem>>
      %dma_start3A_58 = tpu.memref_squeeze %dma_start3A_57 : memref<1x128xi32, #tpu.memory_space<vmem>> -> memref<128xi32, #tpu.memory_space<vmem>>
      %dma_start3A_59 = arith.constant 0 : i32
      %dma_start3A_60 = arith.constant 0 : i32
      %dma_start3A_61 = tpu.memref_slice %arg11[%dma_start3A_59, %dma_start3A_60] : memref<10240x16xf32, #tpu.memory_space<vmem_shared>> -> memref<10240x16xf32, #tpu.memory_space<vmem_shared>>
      tpu.enqueue_indirect_dma source(%dma_start3A_61 : memref<10240x16xf32, #tpu.memory_space<vmem_shared>>) target(%dma_start3A_55 : memref<128x16xf32, #tpu.memory_space<vmem>>) offsets(%dma_start3A_58 : memref<128xi32, #tpu.memory_space<vmem>>) semaphore(%arg12 : memref<!tpu.dma_semaphore, #tpu.memory_space<semaphore_mem>>)
      %dma_start3A_62 = arith.constant 1 : i32
      %dma_start3A_63 = arith.constant 1 : i32
      %dma_start3A_64 = arith.constant 0 : i32
      %dma_start3A_65 = arith.constant 0 : i32
      %dma_start3A_66 = tpu.memref_slice %arg8[%dma_start3A_63, %dma_start3A_64, %dma_start3A_65] : memref<4x128x16xf32, #tpu.memory_space<vmem>> -> memref<1x128x16xf32, #tpu.memory_space<vmem>>
      %dma_start3A_67 = tpu.memref_squeeze %dma_start3A_66 : memref<1x128x16xf32, #tpu.memory_space<vmem>> -> memref<128x16xf32, #tpu.memory_space<vmem>>
      %dma_start3A_68 = arith.constant 0 : i32
      %dma_start3A_69 = tpu.memref_slice %arg6[%dma_start3A_62, %dma_start3A_68] : memref<80x128xi32, #tpu.memory_space<vmem>> -> memref<1x128xi32, #tpu.memory_space<vmem>>
      %dma_start3A_70 = tpu.memref_squeeze %dma_start3A_69 : memref<1x128xi32, #tpu.memory_space<vmem>> -> memref<128xi32, #tpu.memory_space<vmem>>
      %dma_start3A_71 = arith.constant 0 : i32
      %dma_start3A_72 = arith.constant 0 : i32
      %dma_start3A_73 = tpu.memref_slice %arg11[%dma_start3A_71, %dma_start3A_72] : memref<10240x16xf32, #tpu.memory_space<vmem_shared>> -> memref<10240x16xf32, #tpu.memory_space<vmem_shared>>
      tpu.enqueue_indirect_dma source(%dma_start3A_73 : memref<10240x16xf32, #tpu.memory_space<vmem_shared>>) target(%dma_start3A_67 : memref<128x16xf32, #tpu.memory_space<vmem>>) offsets(%dma_start3A_70 : memref<128xi32, #tpu.memory_space<vmem>>) semaphore(%arg13 : memref<!tpu.dma_semaphore, #tpu.memory_space<semaphore_mem>>)
      %dma_start3A_74 = arith.constant 2 : i32
      %dma_start3A_75 = arith.constant 2 : i32
      %dma_start3A_76 = arith.constant 0 : i32
      %dma_start3A_77 = arith.constant 0 : i32
      %dma_start3A_78 = tpu.memref_slice %arg8[%dma_start3A_75, %dma_start3A_76, %dma_start3A_77] : memref<4x128x16xf32, #tpu.memory_space<vmem>> -> memref<1x128x16xf32, #tpu.memory_space<vmem>>
      %dma_start3A_79 = tpu.memref_squeeze %dma_start3A_78 : memref<1x128x16xf32, #tpu.memory_space<vmem>> -> memref<128x16xf32, #tpu.memory_space<vmem>>
      %dma_start3A_80 = arith.constant 0 : i32
      %dma_start3A_81 = tpu.memref_slice %arg6[%dma_start3A_74, %dma_start3A_80] : memref<80x128xi32, #tpu.memory_space<vmem>> -> memref<1x128xi32, #tpu.memory_space<vmem>>
      %dma_start3A_82 = tpu.memref_squeeze %dma_start3A_81 : memref<1x128xi32, #tpu.memory_space<vmem>> -> memref<128xi32, #tpu.memory_space<vmem>>
      %dma_start3A_83 = arith.constant 0 : i32
      %dma_start3A_84 = arith.constant 0 : i32
      %dma_start3A_85 = tpu.memref_slice %arg11[%dma_start3A_83, %dma_start3A_84] : memref<10240x16xf32, #tpu.memory_space<vmem_shared>> -> memref<10240x16xf32, #tpu.memory_space<vmem_shared>>
      tpu.enqueue_indirect_dma source(%dma_start3A_85 : memref<10240x16xf32, #tpu.memory_space<vmem_shared>>) target(%dma_start3A_79 : memref<128x16xf32, #tpu.memory_space<vmem>>) offsets(%dma_start3A_82 : memref<128xi32, #tpu.memory_space<vmem>>) semaphore(%arg14 : memref<!tpu.dma_semaphore, #tpu.memory_space<semaphore_mem>>)
      %dma_start3A_86 = arith.constant 3 : i32
      %dma_start3A_87 = arith.constant 3 : i32
      %dma_start3A_88 = arith.constant 0 : i32
      %dma_start3A_89 = arith.constant 0 : i32
      %dma_start3A_90 = tpu.memref_slice %arg8[%dma_start3A_87, %dma_start3A_88, %dma_start3A_89] : memref<4x128x16xf32, #tpu.memory_space<vmem>> -> memref<1x128x16xf32, #tpu.memory_space<vmem>>
      %dma_start3A_91 = tpu.memref_squeeze %dma_start3A_90 : memref<1x128x16xf32, #tpu.memory_space<vmem>> -> memref<128x16xf32, #tpu.memory_space<vmem>>
      %dma_start3A_92 = arith.constant 0 : i32
      %dma_start3A_93 = tpu.memref_slice %arg6[%dma_start3A_86, %dma_start3A_92] : memref<80x128xi32, #tpu.memory_space<vmem>> -> memref<1x128xi32, #tpu.memory_space<vmem>>
      %dma_start3A_94 = tpu.memref_squeeze %dma_start3A_93 : memref<1x128xi32, #tpu.memory_space<vmem>> -> memref<128xi32, #tpu.memory_space<vmem>>
      %dma_start3A_95 = arith.constant 0 : i32
      %dma_start3A_96 = arith.constant 0 : i32
      %dma_start3A_97 = tpu.memref_slice %arg11[%dma_start3A_95, %dma_start3A_96] : memref<10240x16xf32, #tpu.memory_space<vmem_shared>> -> memref<10240x16xf32, #tpu.memory_space<vmem_shared>>
      tpu.enqueue_indirect_dma source(%dma_start3A_97 : memref<10240x16xf32, #tpu.memory_space<vmem_shared>>) target(%dma_start3A_91 : memref<128x16xf32, #tpu.memory_space<vmem>>) offsets(%dma_start3A_94 : memref<128xi32, #tpu.memory_space<vmem>>) semaphore(%arg15 : memref<!tpu.dma_semaphore, #tpu.memory_space<semaphore_mem>>)
      %scan3A_98 = arith.constant 0 : i32
      %scan3A_99 = arith.constant 0 : i32
      %scan3A_100 = arith.constant 19 : i32
      %scan3A_101 = arith.addi %scan3A_99, %scan3A_100 : i32
      %scan3A_102 = arith.constant 1 : i32
      %scan3A_103 = scf.for %scan3A_248 = %scan3A_99 to %scan3A_101 step %scan3A_102 iter_args(%scan3A_249 = %scan3A_98) -> (i32)  : i32 {
        %mul3A_250 = arith.constant 4 : i32
        %mul3A_251 = arith.muli %scan3A_248, %mul3A_250 : i32
        %add3A_252 = arith.constant 0 : i32
        %add3A_253 = arith.addi %mul3A_251, %add3A_252 : i32
        %dma_wait3A_254 = arith.constant 0 : i32
        %dma_wait3A_255 = arith.constant 0 : i32
        %dma_wait3A_256 = arith.constant 0 : i32
        %dma_wait3A_257 = tpu.memref_slice %arg8[%dma_wait3A_254, %dma_wait3A_255, %dma_wait3A_256] : memref<4x128x16xf32, #tpu.memory_space<vmem>> -> memref<1x128x16xf32, #tpu.memory_space<vmem>>
        %dma_wait3A_258 = tpu.memref_squeeze %dma_wait3A_257 : memref<1x128x16xf32, #tpu.memory_space<vmem>> -> memref<128x16xf32, #tpu.memory_space<vmem>>
        %dma_wait3A_259 = arith.constant 0 : i32
        %dma_wait3A_260 = tpu.memref_slice %arg6[%add3A_253, %dma_wait3A_259] : memref<80x128xi32, #tpu.memory_space<vmem>> -> memref<1x128xi32, #tpu.memory_space<vmem>>
        %dma_wait3A_261 = tpu.memref_squeeze %dma_wait3A_260 : memref<1x128xi32, #tpu.memory_space<vmem>> -> memref<128xi32, #tpu.memory_space<vmem>>
        %dma_wait3A_262 = arith.constant 0 : i32
        %dma_wait3A_263 = arith.constant 0 : i32
        %dma_wait3A_264 = tpu.memref_slice %arg11[%dma_wait3A_262, %dma_wait3A_263] : memref<10240x16xf32, #tpu.memory_space<vmem_shared>> -> memref<10240x16xf32, #tpu.memory_space<vmem_shared>>
        tpu.wait_indirect_dma semaphore(%arg12 : memref<!tpu.dma_semaphore, #tpu.memory_space<semaphore_mem>>) src(%dma_wait3A_264 : memref<10240x16xf32, #tpu.memory_space<vmem_shared>>) dst(%dma_wait3A_258 : memref<128x16xf32, #tpu.memory_space<vmem>>)
        %add3A_265 = arith.constant 0 : i32
        %add3A_266 = arith.addi %mul3A_251, %add3A_265 : i32
        %dma_start3A_267 = arith.constant 0 : i32
        %dma_start3A_268 = arith.constant 0 : i32
        %dma_start3A_269 = arith.constant 0 : i32
        %dma_start3A_270 = tpu.memref_slice %arg8[%dma_start3A_267, %dma_start3A_268, %dma_start3A_269] : memref<4x128x16xf32, #tpu.memory_space<vmem>> -> memref<1x128x16xf32, #tpu.memory_space<vmem>>
        %dma_start3A_271 = tpu.memref_squeeze %dma_start3A_270 : memref<1x128x16xf32, #tpu.memory_space<vmem>> -> memref<128x16xf32, #tpu.memory_space<vmem>>
        %dma_start3A_272 = arith.constant 0 : i32
        %dma_start3A_273 = tpu.memref_slice %arg7[%add3A_266, %dma_start3A_272] : memref<80x128xi32, #tpu.memory_space<vmem>> -> memref<1x128xi32, #tpu.memory_space<vmem>>
        %dma_start3A_274 = tpu.memref_squeeze %dma_start3A_273 : memref<1x128xi32, #tpu.memory_space<vmem>> -> memref<128xi32, #tpu.memory_space<vmem>>
        %dma_start3A_275 = arith.constant 0 : i32
        %dma_start3A_276 = arith.constant 0 : i32
        %dma_start3A_277 = tpu.memref_slice %arg10[%dma_start3A_275, %dma_start3A_276] : memref<10240x16xf32, #tpu.memory_space<vmem_shared>> -> memref<10240x16xf32, #tpu.memory_space<vmem_shared>>
        tpu.enqueue_indirect_dma source(%dma_start3A_271 : memref<128x16xf32, #tpu.memory_space<vmem>>) target(%dma_start3A_277 : memref<10240x16xf32, #tpu.memory_space<vmem_shared>>) offsets(%dma_start3A_274 : memref<128xi32, #tpu.memory_space<vmem>>) semaphore(%arg12 : memref<!tpu.dma_semaphore, #tpu.memory_space<semaphore_mem>>) {add = true}
        %add3A_278 = arith.constant 1 : i32
        %add3A_279 = arith.addi %mul3A_251, %add3A_278 : i32
        %dma_wait3A_280 = arith.constant 1 : i32
        %dma_wait3A_281 = arith.constant 0 : i32
        %dma_wait3A_282 = arith.constant 0 : i32
        %dma_wait3A_283 = tpu.memref_slice %arg8[%dma_wait3A_280, %dma_wait3A_281, %dma_wait3A_282] : memref<4x128x16xf32, #tpu.memory_space<vmem>> -> memref<1x128x16xf32, #tpu.memory_space<vmem>>
        %dma_wait3A_284 = tpu.memref_squeeze %dma_wait3A_283 : memref<1x128x16xf32, #tpu.memory_space<vmem>> -> memref<128x16xf32, #tpu.memory_space<vmem>>
        %dma_wait3A_285 = arith.constant 0 : i32
        %dma_wait3A_286 = tpu.memref_slice %arg6[%add3A_279, %dma_wait3A_285] : memref<80x128xi32, #tpu.memory_space<vmem>> -> memref<1x128xi32, #tpu.memory_space<vmem>>
        %dma_wait3A_287 = tpu.memref_squeeze %dma_wait3A_286 : memref<1x128xi32, #tpu.memory_space<vmem>> -> memref<128xi32, #tpu.memory_space<vmem>>
        %dma_wait3A_288 = arith.constant 0 : i32
        %dma_wait3A_289 = arith.constant 0 : i32
        %dma_wait3A_290 = tpu.memref_slice %arg11[%dma_wait3A_288, %dma_wait3A_289] : memref<10240x16xf32, #tpu.memory_space<vmem_shared>> -> memref<10240x16xf32, #tpu.memory_space<vmem_shared>>
        tpu.wait_indirect_dma semaphore(%arg13 : memref<!tpu.dma_semaphore, #tpu.memory_space<semaphore_mem>>) src(%dma_wait3A_290 : memref<10240x16xf32, #tpu.memory_space<vmem_shared>>) dst(%dma_wait3A_284 : memref<128x16xf32, #tpu.memory_space<vmem>>)
        %add3A_291 = arith.constant 1 : i32
        %add3A_292 = arith.addi %mul3A_251, %add3A_291 : i32
        %dma_start3A_293 = arith.constant 1 : i32
        %dma_start3A_294 = arith.constant 0 : i32
        %dma_start3A_295 = arith.constant 0 : i32
        %dma_start3A_296 = tpu.memref_slice %arg8[%dma_start3A_293, %dma_start3A_294, %dma_start3A_295] : memref<4x128x16xf32, #tpu.memory_space<vmem>> -> memref<1x128x16xf32, #tpu.memory_space<vmem>>
        %dma_start3A_297 = tpu.memref_squeeze %dma_start3A_296 : memref<1x128x16xf32, #tpu.memory_space<vmem>> -> memref<128x16xf32, #tpu.memory_space<vmem>>
        %dma_start3A_298 = arith.constant 0 : i32
        %dma_start3A_299 = tpu.memref_slice %arg7[%add3A_292, %dma_start3A_298] : memref<80x128xi32, #tpu.memory_space<vmem>> -> memref<1x128xi32, #tpu.memory_space<vmem>>
        %dma_start3A_300 = tpu.memref_squeeze %dma_start3A_299 : memref<1x128xi32, #tpu.memory_space<vmem>> -> memref<128xi32, #tpu.memory_space<vmem>>
        %dma_start3A_301 = arith.constant 0 : i32
        %dma_start3A_302 = arith.constant 0 : i32
        %dma_start3A_303 = tpu.memref_slice %arg10[%dma_start3A_301, %dma_start3A_302] : memref<10240x16xf32, #tpu.memory_space<vmem_shared>> -> memref<10240x16xf32, #tpu.memory_space<vmem_shared>>
        tpu.enqueue_indirect_dma source(%dma_start3A_297 : memref<128x16xf32, #tpu.memory_space<vmem>>) target(%dma_start3A_303 : memref<10240x16xf32, #tpu.memory_space<vmem_shared>>) offsets(%dma_start3A_300 : memref<128xi32, #tpu.memory_space<vmem>>) semaphore(%arg13 : memref<!tpu.dma_semaphore, #tpu.memory_space<semaphore_mem>>) {add = true}
        %add3A_304 = arith.constant 2 : i32
        %add3A_305 = arith.addi %mul3A_251, %add3A_304 : i32
        %dma_wait3A_306 = arith.constant 2 : i32
        %dma_wait3A_307 = arith.constant 0 : i32
        %dma_wait3A_308 = arith.constant 0 : i32
        %dma_wait3A_309 = tpu.memref_slice %arg8[%dma_wait3A_306, %dma_wait3A_307, %dma_wait3A_308] : memref<4x128x16xf32, #tpu.memory_space<vmem>> -> memref<1x128x16xf32, #tpu.memory_space<vmem>>
        %dma_wait3A_310 = tpu.memref_squeeze %dma_wait3A_309 : memref<1x128x16xf32, #tpu.memory_space<vmem>> -> memref<128x16xf32, #tpu.memory_space<vmem>>
        %dma_wait3A_311 = arith.constant 0 : i32
        %dma_wait3A_312 = tpu.memref_slice %arg6[%add3A_305, %dma_wait3A_311] : memref<80x128xi32, #tpu.memory_space<vmem>> -> memref<1x128xi32, #tpu.memory_space<vmem>>
        %dma_wait3A_313 = tpu.memref_squeeze %dma_wait3A_312 : memref<1x128xi32, #tpu.memory_space<vmem>> -> memref<128xi32, #tpu.memory_space<vmem>>
        %dma_wait3A_314 = arith.constant 0 : i32
        %dma_wait3A_315 = arith.constant 0 : i32
        %dma_wait3A_316 = tpu.memref_slice %arg11[%dma_wait3A_314, %dma_wait3A_315] : memref<10240x16xf32, #tpu.memory_space<vmem_shared>> -> memref<10240x16xf32, #tpu.memory_space<vmem_shared>>
        tpu.wait_indirect_dma semaphore(%arg14 : memref<!tpu.dma_semaphore, #tpu.memory_space<semaphore_mem>>) src(%dma_wait3A_316 : memref<10240x16xf32, #tpu.memory_space<vmem_shared>>) dst(%dma_wait3A_310 : memref<128x16xf32, #tpu.memory_space<vmem>>)
        %add3A_317 = arith.constant 2 : i32
        %add3A_318 = arith.addi %mul3A_251, %add3A_317 : i32
        %dma_start3A_319 = arith.constant 2 : i32
        %dma_start3A_320 = arith.constant 0 : i32
        %dma_start3A_321 = arith.constant 0 : i32
        %dma_start3A_322 = tpu.memref_slice %arg8[%dma_start3A_319, %dma_start3A_320, %dma_start3A_321] : memref<4x128x16xf32, #tpu.memory_space<vmem>> -> memref<1x128x16xf32, #tpu.memory_space<vmem>>
        %dma_start3A_323 = tpu.memref_squeeze %dma_start3A_322 : memref<1x128x16xf32, #tpu.memory_space<vmem>> -> memref<128x16xf32, #tpu.memory_space<vmem>>
        %dma_start3A_324 = arith.constant 0 : i32
        %dma_start3A_325 = tpu.memref_slice %arg7[%add3A_318, %dma_start3A_324] : memref<80x128xi32, #tpu.memory_space<vmem>> -> memref<1x128xi32, #tpu.memory_space<vmem>>
        %dma_start3A_326 = tpu.memref_squeeze %dma_start3A_325 : memref<1x128xi32, #tpu.memory_space<vmem>> -> memref<128xi32, #tpu.memory_space<vmem>>
        %dma_start3A_327 = arith.constant 0 : i32
        %dma_start3A_328 = arith.constant 0 : i32
        %dma_start3A_329 = tpu.memref_slice %arg10[%dma_start3A_327, %dma_start3A_328] : memref<10240x16xf32, #tpu.memory_space<vmem_shared>> -> memref<10240x16xf32, #tpu.memory_space<vmem_shared>>
        tpu.enqueue_indirect_dma source(%dma_start3A_323 : memref<128x16xf32, #tpu.memory_space<vmem>>) target(%dma_start3A_329 : memref<10240x16xf32, #tpu.memory_space<vmem_shared>>) offsets(%dma_start3A_326 : memref<128xi32, #tpu.memory_space<vmem>>) semaphore(%arg14 : memref<!tpu.dma_semaphore, #tpu.memory_space<semaphore_mem>>) {add = true}
        %add3A_330 = arith.constant 3 : i32
        %add3A_331 = arith.addi %mul3A_251, %add3A_330 : i32
        %dma_wait3A_332 = arith.constant 3 : i32
        %dma_wait3A_333 = arith.constant 0 : i32
        %dma_wait3A_334 = arith.constant 0 : i32
        %dma_wait3A_335 = tpu.memref_slice %arg8[%dma_wait3A_332, %dma_wait3A_333, %dma_wait3A_334] : memref<4x128x16xf32, #tpu.memory_space<vmem>> -> memref<1x128x16xf32, #tpu.memory_space<vmem>>
        %dma_wait3A_336 = tpu.memref_squeeze %dma_wait3A_335 : memref<1x128x16xf32, #tpu.memory_space<vmem>> -> memref<128x16xf32, #tpu.memory_space<vmem>>
        %dma_wait3A_337 = arith.constant 0 : i32
        %dma_wait3A_338 = tpu.memref_slice %arg6[%add3A_331, %dma_wait3A_337] : memref<80x128xi32, #tpu.memory_space<vmem>> -> memref<1x128xi32, #tpu.memory_space<vmem>>
        %dma_wait3A_339 = tpu.memref_squeeze %dma_wait3A_338 : memref<1x128xi32, #tpu.memory_space<vmem>> -> memref<128xi32, #tpu.memory_space<vmem>>
        %dma_wait3A_340 = arith.constant 0 : i32
        %dma_wait3A_341 = arith.constant 0 : i32
        %dma_wait3A_342 = tpu.memref_slice %arg11[%dma_wait3A_340, %dma_wait3A_341] : memref<10240x16xf32, #tpu.memory_space<vmem_shared>> -> memref<10240x16xf32, #tpu.memory_space<vmem_shared>>
        tpu.wait_indirect_dma semaphore(%arg15 : memref<!tpu.dma_semaphore, #tpu.memory_space<semaphore_mem>>) src(%dma_wait3A_342 : memref<10240x16xf32, #tpu.memory_space<vmem_shared>>) dst(%dma_wait3A_336 : memref<128x16xf32, #tpu.memory_space<vmem>>)
        %add3A_343 = arith.constant 3 : i32
        %add3A_344 = arith.addi %mul3A_251, %add3A_343 : i32
        %dma_start3A_345 = arith.constant 3 : i32
        %dma_start3A_346 = arith.constant 0 : i32
        %dma_start3A_347 = arith.constant 0 : i32
        %dma_start3A_348 = tpu.memref_slice %arg8[%dma_start3A_345, %dma_start3A_346, %dma_start3A_347] : memref<4x128x16xf32, #tpu.memory_space<vmem>> -> memref<1x128x16xf32, #tpu.memory_space<vmem>>
        %dma_start3A_349 = tpu.memref_squeeze %dma_start3A_348 : memref<1x128x16xf32, #tpu.memory_space<vmem>> -> memref<128x16xf32, #tpu.memory_space<vmem>>
        %dma_start3A_350 = arith.constant 0 : i32
        %dma_start3A_351 = tpu.memref_slice %arg7[%add3A_344, %dma_start3A_350] : memref<80x128xi32, #tpu.memory_space<vmem>> -> memref<1x128xi32, #tpu.memory_space<vmem>>
        %dma_start3A_352 = tpu.memref_squeeze %dma_start3A_351 : memref<1x128xi32, #tpu.memory_space<vmem>> -> memref<128xi32, #tpu.memory_space<vmem>>
        %dma_start3A_353 = arith.constant 0 : i32
        %dma_start3A_354 = arith.constant 0 : i32
        %dma_start3A_355 = tpu.memref_slice %arg10[%dma_start3A_353, %dma_start3A_354] : memref<10240x16xf32, #tpu.memory_space<vmem_shared>> -> memref<10240x16xf32, #tpu.memory_space<vmem_shared>>
        tpu.enqueue_indirect_dma source(%dma_start3A_349 : memref<128x16xf32, #tpu.memory_space<vmem>>) target(%dma_start3A_355 : memref<10240x16xf32, #tpu.memory_space<vmem_shared>>) offsets(%dma_start3A_352 : memref<128xi32, #tpu.memory_space<vmem>>) semaphore(%arg15 : memref<!tpu.dma_semaphore, #tpu.memory_space<semaphore_mem>>) {add = true}
        %add3A_356 = arith.constant 0 : i32
        %add3A_357 = arith.addi %mul3A_251, %add3A_356 : i32
        %dma_wait3A_358 = arith.constant 0 : i32
        %dma_wait3A_359 = arith.constant 0 : i32
        %dma_wait3A_360 = arith.constant 0 : i32
        %dma_wait3A_361 = tpu.memref_slice %arg8[%dma_wait3A_358, %dma_wait3A_359, %dma_wait3A_360] : memref<4x128x16xf32, #tpu.memory_space<vmem>> -> memref<1x128x16xf32, #tpu.memory_space<vmem>>
        %dma_wait3A_362 = tpu.memref_squeeze %dma_wait3A_361 : memref<1x128x16xf32, #tpu.memory_space<vmem>> -> memref<128x16xf32, #tpu.memory_space<vmem>>
        %dma_wait3A_363 = arith.constant 0 : i32
        %dma_wait3A_364 = tpu.memref_slice %arg7[%add3A_357, %dma_wait3A_363] : memref<80x128xi32, #tpu.memory_space<vmem>> -> memref<1x128xi32, #tpu.memory_space<vmem>>
        %dma_wait3A_365 = tpu.memref_squeeze %dma_wait3A_364 : memref<1x128xi32, #tpu.memory_space<vmem>> -> memref<128xi32, #tpu.memory_space<vmem>>
        %dma_wait3A_366 = arith.constant 0 : i32
        %dma_wait3A_367 = arith.constant 0 : i32
        %dma_wait3A_368 = tpu.memref_slice %arg10[%dma_wait3A_366, %dma_wait3A_367] : memref<10240x16xf32, #tpu.memory_space<vmem_shared>> -> memref<10240x16xf32, #tpu.memory_space<vmem_shared>>
        tpu.wait_indirect_dma semaphore(%arg12 : memref<!tpu.dma_semaphore, #tpu.memory_space<semaphore_mem>>) src(%dma_wait3A_362 : memref<128x16xf32, #tpu.memory_space<vmem>>) dst(%dma_wait3A_368 : memref<10240x16xf32, #tpu.memory_space<vmem_shared>>)
        %add3A_369 = arith.constant 4 : i32
        %add3A_370 = arith.addi %mul3A_251, %add3A_369 : i32
        %add3A_371 = arith.constant 0 : i32
        %add3A_372 = arith.addi %add3A_370, %add3A_371 : i32
        %dma_start3A_373 = arith.constant 0 : i32
        %dma_start3A_374 = arith.constant 0 : i32
        %dma_start3A_375 = arith.constant 0 : i32
        %dma_start3A_376 = tpu.memref_slice %arg8[%dma_start3A_373, %dma_start3A_374, %dma_start3A_375] : memref<4x128x16xf32, #tpu.memory_space<vmem>> -> memref<1x128x16xf32, #tpu.memory_space<vmem>>
        %dma_start3A_377 = tpu.memref_squeeze %dma_start3A_376 : memref<1x128x16xf32, #tpu.memory_space<vmem>> -> memref<128x16xf32, #tpu.memory_space<vmem>>
        %dma_start3A_378 = arith.constant 0 : i32
        %dma_start3A_379 = tpu.memref_slice %arg6[%add3A_372, %dma_start3A_378] : memref<80x128xi32, #tpu.memory_space<vmem>> -> memref<1x128xi32, #tpu.memory_space<vmem>>
        %dma_start3A_380 = tpu.memref_squeeze %dma_start3A_379 : memref<1x128xi32, #tpu.memory_space<vmem>> -> memref<128xi32, #tpu.memory_space<vmem>>
        %dma_start3A_381 = arith.constant 0 : i32
        %dma_start3A_382 = arith.constant 0 : i32
        %dma_start3A_383 = tpu.memref_slice %arg11[%dma_start3A_381, %dma_start3A_382] : memref<10240x16xf32, #tpu.memory_space<vmem_shared>> -> memref<10240x16xf32, #tpu.memory_space<vmem_shared>>
        tpu.enqueue_indirect_dma source(%dma_start3A_383 : memref<10240x16xf32, #tpu.memory_space<vmem_shared>>) target(%dma_start3A_377 : memref<128x16xf32, #tpu.memory_space<vmem>>) offsets(%dma_start3A_380 : memref<128xi32, #tpu.memory_space<vmem>>) semaphore(%arg12 : memref<!tpu.dma_semaphore, #tpu.memory_space<semaphore_mem>>)
        %add3A_384 = arith.constant 1 : i32
        %add3A_385 = arith.addi %mul3A_251, %add3A_384 : i32
        %dma_wait3A_386 = arith.constant 1 : i32
        %dma_wait3A_387 = arith.constant 0 : i32
        %dma_wait3A_388 = arith.constant 0 : i32
        %dma_wait3A_389 = tpu.memref_slice %arg8[%dma_wait3A_386, %dma_wait3A_387, %dma_wait3A_388] : memref<4x128x16xf32, #tpu.memory_space<vmem>> -> memref<1x128x16xf32, #tpu.memory_space<vmem>>
        %dma_wait3A_390 = tpu.memref_squeeze %dma_wait3A_389 : memref<1x128x16xf32, #tpu.memory_space<vmem>> -> memref<128x16xf32, #tpu.memory_space<vmem>>
        %dma_wait3A_391 = arith.constant 0 : i32
        %dma_wait3A_392 = tpu.memref_slice %arg7[%add3A_385, %dma_wait3A_391] : memref<80x128xi32, #tpu.memory_space<vmem>> -> memref<1x128xi32, #tpu.memory_space<vmem>>
        %dma_wait3A_393 = tpu.memref_squeeze %dma_wait3A_392 : memref<1x128xi32, #tpu.memory_space<vmem>> -> memref<128xi32, #tpu.memory_space<vmem>>
        %dma_wait3A_394 = arith.constant 0 : i32
        %dma_wait3A_395 = arith.constant 0 : i32
        %dma_wait3A_396 = tpu.memref_slice %arg10[%dma_wait3A_394, %dma_wait3A_395] : memref<10240x16xf32, #tpu.memory_space<vmem_shared>> -> memref<10240x16xf32, #tpu.memory_space<vmem_shared>>
        tpu.wait_indirect_dma semaphore(%arg13 : memref<!tpu.dma_semaphore, #tpu.memory_space<semaphore_mem>>) src(%dma_wait3A_390 : memref<128x16xf32, #tpu.memory_space<vmem>>) dst(%dma_wait3A_396 : memref<10240x16xf32, #tpu.memory_space<vmem_shared>>)
        %add3A_397 = arith.constant 4 : i32
        %add3A_398 = arith.addi %mul3A_251, %add3A_397 : i32
        %add3A_399 = arith.constant 1 : i32
        %add3A_400 = arith.addi %add3A_398, %add3A_399 : i32
        %dma_start3A_401 = arith.constant 1 : i32
        %dma_start3A_402 = arith.constant 0 : i32
        %dma_start3A_403 = arith.constant 0 : i32
        %dma_start3A_404 = tpu.memref_slice %arg8[%dma_start3A_401, %dma_start3A_402, %dma_start3A_403] : memref<4x128x16xf32, #tpu.memory_space<vmem>> -> memref<1x128x16xf32, #tpu.memory_space<vmem>>
        %dma_start3A_405 = tpu.memref_squeeze %dma_start3A_404 : memref<1x128x16xf32, #tpu.memory_space<vmem>> -> memref<128x16xf32, #tpu.memory_space<vmem>>
        %dma_start3A_406 = arith.constant 0 : i32
        %dma_start3A_407 = tpu.memref_slice %arg6[%add3A_400, %dma_start3A_406] : memref<80x128xi32, #tpu.memory_space<vmem>> -> memref<1x128xi32, #tpu.memory_space<vmem>>
        %dma_start3A_408 = tpu.memref_squeeze %dma_start3A_407 : memref<1x128xi32, #tpu.memory_space<vmem>> -> memref<128xi32, #tpu.memory_space<vmem>>
        %dma_start3A_409 = arith.constant 0 : i32
        %dma_start3A_410 = arith.constant 0 : i32
        %dma_start3A_411 = tpu.memref_slice %arg11[%dma_start3A_409, %dma_start3A_410] : memref<10240x16xf32, #tpu.memory_space<vmem_shared>> -> memref<10240x16xf32, #tpu.memory_space<vmem_shared>>
        tpu.enqueue_indirect_dma source(%dma_start3A_411 : memref<10240x16xf32, #tpu.memory_space<vmem_shared>>) target(%dma_start3A_405 : memref<128x16xf32, #tpu.memory_space<vmem>>) offsets(%dma_start3A_408 : memref<128xi32, #tpu.memory_space<vmem>>) semaphore(%arg13 : memref<!tpu.dma_semaphore, #tpu.memory_space<semaphore_mem>>)
        %add3A_412 = arith.constant 2 : i32
        %add3A_413 = arith.addi %mul3A_251, %add3A_412 : i32
        %dma_wait3A_414 = arith.constant 2 : i32
        %dma_wait3A_415 = arith.constant 0 : i32
        %dma_wait3A_416 = arith.constant 0 : i32
        %dma_wait3A_417 = tpu.memref_slice %arg8[%dma_wait3A_414, %dma_wait3A_415, %dma_wait3A_416] : memref<4x128x16xf32, #tpu.memory_space<vmem>> -> memref<1x128x16xf32, #tpu.memory_space<vmem>>
        %dma_wait3A_418 = tpu.memref_squeeze %dma_wait3A_417 : memref<1x128x16xf32, #tpu.memory_space<vmem>> -> memref<128x16xf32, #tpu.memory_space<vmem>>
        %dma_wait3A_419 = arith.constant 0 : i32
        %dma_wait3A_420 = tpu.memref_slice %arg7[%add3A_413, %dma_wait3A_419] : memref<80x128xi32, #tpu.memory_space<vmem>> -> memref<1x128xi32, #tpu.memory_space<vmem>>
        %dma_wait3A_421 = tpu.memref_squeeze %dma_wait3A_420 : memref<1x128xi32, #tpu.memory_space<vmem>> -> memref<128xi32, #tpu.memory_space<vmem>>
        %dma_wait3A_422 = arith.constant 0 : i32
        %dma_wait3A_423 = arith.constant 0 : i32
        %dma_wait3A_424 = tpu.memref_slice %arg10[%dma_wait3A_422, %dma_wait3A_423] : memref<10240x16xf32, #tpu.memory_space<vmem_shared>> -> memref<10240x16xf32, #tpu.memory_space<vmem_shared>>
        tpu.wait_indirect_dma semaphore(%arg14 : memref<!tpu.dma_semaphore, #tpu.memory_space<semaphore_mem>>) src(%dma_wait3A_418 : memref<128x16xf32, #tpu.memory_space<vmem>>) dst(%dma_wait3A_424 : memref<10240x16xf32, #tpu.memory_space<vmem_shared>>)
        %add3A_425 = arith.constant 4 : i32
        %add3A_426 = arith.addi %mul3A_251, %add3A_425 : i32
        %add3A_427 = arith.constant 2 : i32
        %add3A_428 = arith.addi %add3A_426, %add3A_427 : i32
        %dma_start3A_429 = arith.constant 2 : i32
        %dma_start3A_430 = arith.constant 0 : i32
        %dma_start3A_431 = arith.constant 0 : i32
        %dma_start3A_432 = tpu.memref_slice %arg8[%dma_start3A_429, %dma_start3A_430, %dma_start3A_431] : memref<4x128x16xf32, #tpu.memory_space<vmem>> -> memref<1x128x16xf32, #tpu.memory_space<vmem>>
        %dma_start3A_433 = tpu.memref_squeeze %dma_start3A_432 : memref<1x128x16xf32, #tpu.memory_space<vmem>> -> memref<128x16xf32, #tpu.memory_space<vmem>>
        %dma_start3A_434 = arith.constant 0 : i32
        %dma_start3A_435 = tpu.memref_slice %arg6[%add3A_428, %dma_start3A_434] : memref<80x128xi32, #tpu.memory_space<vmem>> -> memref<1x128xi32, #tpu.memory_space<vmem>>
        %dma_start3A_436 = tpu.memref_squeeze %dma_start3A_435 : memref<1x128xi32, #tpu.memory_space<vmem>> -> memref<128xi32, #tpu.memory_space<vmem>>
        %dma_start3A_437 = arith.constant 0 : i32
        %dma_start3A_438 = arith.constant 0 : i32
        %dma_start3A_439 = tpu.memref_slice %arg11[%dma_start3A_437, %dma_start3A_438] : memref<10240x16xf32, #tpu.memory_space<vmem_shared>> -> memref<10240x16xf32, #tpu.memory_space<vmem_shared>>
        tpu.enqueue_indirect_dma source(%dma_start3A_439 : memref<10240x16xf32, #tpu.memory_space<vmem_shared>>) target(%dma_start3A_433 : memref<128x16xf32, #tpu.memory_space<vmem>>) offsets(%dma_start3A_436 : memref<128xi32, #tpu.memory_space<vmem>>) semaphore(%arg14 : memref<!tpu.dma_semaphore, #tpu.memory_space<semaphore_mem>>)
        %add3A_440 = arith.constant 3 : i32
        %add3A_441 = arith.addi %mul3A_251, %add3A_440 : i32
        %dma_wait3A_442 = arith.constant 3 : i32
        %dma_wait3A_443 = arith.constant 0 : i32
        %dma_wait3A_444 = arith.constant 0 : i32
        %dma_wait3A_445 = tpu.memref_slice %arg8[%dma_wait3A_442, %dma_wait3A_443, %dma_wait3A_444] : memref<4x128x16xf32, #tpu.memory_space<vmem>> -> memref<1x128x16xf32, #tpu.memory_space<vmem>>
        %dma_wait3A_446 = tpu.memref_squeeze %dma_wait3A_445 : memref<1x128x16xf32, #tpu.memory_space<vmem>> -> memref<128x16xf32, #tpu.memory_space<vmem>>
        %dma_wait3A_447 = arith.constant 0 : i32
        %dma_wait3A_448 = tpu.memref_slice %arg7[%add3A_441, %dma_wait3A_447] : memref<80x128xi32, #tpu.memory_space<vmem>> -> memref<1x128xi32, #tpu.memory_space<vmem>>
        %dma_wait3A_449 = tpu.memref_squeeze %dma_wait3A_448 : memref<1x128xi32, #tpu.memory_space<vmem>> -> memref<128xi32, #tpu.memory_space<vmem>>
        %dma_wait3A_450 = arith.constant 0 : i32
        %dma_wait3A_451 = arith.constant 0 : i32
        %dma_wait3A_452 = tpu.memref_slice %arg10[%dma_wait3A_450, %dma_wait3A_451] : memref<10240x16xf32, #tpu.memory_space<vmem_shared>> -> memref<10240x16xf32, #tpu.memory_space<vmem_shared>>
        tpu.wait_indirect_dma semaphore(%arg15 : memref<!tpu.dma_semaphore, #tpu.memory_space<semaphore_mem>>) src(%dma_wait3A_446 : memref<128x16xf32, #tpu.memory_space<vmem>>) dst(%dma_wait3A_452 : memref<10240x16xf32, #tpu.memory_space<vmem_shared>>)
        %add3A_453 = arith.constant 4 : i32
        %add3A_454 = arith.addi %mul3A_251, %add3A_453 : i32
        %add3A_455 = arith.constant 3 : i32
        %add3A_456 = arith.addi %add3A_454, %add3A_455 : i32
        %dma_start3A_457 = arith.constant 3 : i32
        %dma_start3A_458 = arith.constant 0 : i32
        %dma_start3A_459 = arith.constant 0 : i32
        %dma_start3A_460 = tpu.memref_slice %arg8[%dma_start3A_457, %dma_start3A_458, %dma_start3A_459] : memref<4x128x16xf32, #tpu.memory_space<vmem>> -> memref<1x128x16xf32, #tpu.memory_space<vmem>>
        %dma_start3A_461 = tpu.memref_squeeze %dma_start3A_460 : memref<1x128x16xf32, #tpu.memory_space<vmem>> -> memref<128x16xf32, #tpu.memory_space<vmem>>
        %dma_start3A_462 = arith.constant 0 : i32
        %dma_start3A_463 = tpu.memref_slice %arg6[%add3A_456, %dma_start3A_462] : memref<80x128xi32, #tpu.memory_space<vmem>> -> memref<1x128xi32, #tpu.memory_space<vmem>>
        %dma_start3A_464 = tpu.memref_squeeze %dma_start3A_463 : memref<1x128xi32, #tpu.memory_space<vmem>> -> memref<128xi32, #tpu.memory_space<vmem>>
        %dma_start3A_465 = arith.constant 0 : i32
        %dma_start3A_466 = arith.constant 0 : i32
        %dma_start3A_467 = tpu.memref_slice %arg11[%dma_start3A_465, %dma_start3A_466] : memref<10240x16xf32, #tpu.memory_space<vmem_shared>> -> memref<10240x16xf32, #tpu.memory_space<vmem_shared>>
        tpu.enqueue_indirect_dma source(%dma_start3A_467 : memref<10240x16xf32, #tpu.memory_space<vmem_shared>>) target(%dma_start3A_461 : memref<128x16xf32, #tpu.memory_space<vmem>>) offsets(%dma_start3A_464 : memref<128xi32, #tpu.memory_space<vmem>>) semaphore(%arg15 : memref<!tpu.dma_semaphore, #tpu.memory_space<semaphore_mem>>)
        %scan3A_468 = arith.constant 0 : i32
        scf.yield %scan3A_468 : i32
      }
      %scan3A_104 = arith.constant 19 : i32
      %dma_wait3A = arith.constant 76 : i32
      %dma_wait3A_105 = arith.constant 0 : i32
      %dma_wait3A_106 = arith.constant 0 : i32
      %dma_wait3A_107 = arith.constant 0 : i32
      %dma_wait3A_108 = tpu.memref_slice %arg8[%dma_wait3A_105, %dma_wait3A_106, %dma_wait3A_107] : memref<4x128x16xf32, #tpu.memory_space<vmem>> -> memref<1x128x16xf32, #tpu.memory_space<vmem>>
      %dma_wait3A_109 = tpu.memref_squeeze %dma_wait3A_108 : memref<1x128x16xf32, #tpu.memory_space<vmem>> -> memref<128x16xf32, #tpu.memory_space<vmem>>
      %dma_wait3A_110 = arith.constant 0 : i32
      %dma_wait3A_111 = tpu.memref_slice %arg6[%dma_wait3A, %dma_wait3A_110] : memref<80x128xi32, #tpu.memory_space<vmem>> -> memref<1x128xi32, #tpu.memory_space<vmem>>
      %dma_wait3A_112 = tpu.memref_squeeze %dma_wait3A_111 : memref<1x128xi32, #tpu.memory_space<vmem>> -> memref<128xi32, #tpu.memory_space<vmem>>
      %dma_wait3A_113 = arith.constant 0 : i32
      %dma_wait3A_114 = arith.constant 0 : i32
      %dma_wait3A_115 = tpu.memref_slice %arg11[%dma_wait3A_113, %dma_wait3A_114] : memref<10240x16xf32, #tpu.memory_space<vmem_shared>> -> memref<10240x16xf32, #tpu.memory_space<vmem_shared>>
      tpu.wait_indirect_dma semaphore(%arg12 : memref<!tpu.dma_semaphore, #tpu.memory_space<semaphore_mem>>) src(%dma_wait3A_115 : memref<10240x16xf32, #tpu.memory_space<vmem_shared>>) dst(%dma_wait3A_109 : memref<128x16xf32, #tpu.memory_space<vmem>>)
      %dma_start3A_116 = arith.constant 0 : i32
      %dma_start3A_117 = arith.constant 76 : i32
      %dma_start3A_118 = arith.constant 0 : i32
      %dma_start3A_119 = arith.constant 0 : i32
      %dma_start3A_120 = tpu.memref_slice %arg8[%dma_start3A_116, %dma_start3A_118, %dma_start3A_119] : memref<4x128x16xf32, #tpu.memory_space<vmem>> -> memref<1x128x16xf32, #tpu.memory_space<vmem>>
      %dma_start3A_121 = tpu.memref_squeeze %dma_start3A_120 : memref<1x128x16xf32, #tpu.memory_space<vmem>> -> memref<128x16xf32, #tpu.memory_space<vmem>>
      %dma_start3A_122 = arith.constant 0 : i32
      %dma_start3A_123 = tpu.memref_slice %arg7[%dma_start3A_117, %dma_start3A_122] : memref<80x128xi32, #tpu.memory_space<vmem>> -> memref<1x128xi32, #tpu.memory_space<vmem>>
      %dma_start3A_124 = tpu.memref_squeeze %dma_start3A_123 : memref<1x128xi32, #tpu.memory_space<vmem>> -> memref<128xi32, #tpu.memory_space<vmem>>
      %dma_start3A_125 = arith.constant 0 : i32
      %dma_start3A_126 = arith.constant 0 : i32
      %dma_start3A_127 = tpu.memref_slice %arg10[%dma_start3A_125, %dma_start3A_126] : memref<10240x16xf32, #tpu.memory_space<vmem_shared>> -> memref<10240x16xf32, #tpu.memory_space<vmem_shared>>
      tpu.enqueue_indirect_dma source(%dma_start3A_121 : memref<128x16xf32, #tpu.memory_space<vmem>>) target(%dma_start3A_127 : memref<10240x16xf32, #tpu.memory_space<vmem_shared>>) offsets(%dma_start3A_124 : memref<128xi32, #tpu.memory_space<vmem>>) semaphore(%arg12 : memref<!tpu.dma_semaphore, #tpu.memory_space<semaphore_mem>>) {add = true}
      %dma_wait3A_128 = arith.constant 77 : i32
      %dma_wait3A_129 = arith.constant 1 : i32
      %dma_wait3A_130 = arith.constant 0 : i32
      %dma_wait3A_131 = arith.constant 0 : i32
      %dma_wait3A_132 = tpu.memref_slice %arg8[%dma_wait3A_129, %dma_wait3A_130, %dma_wait3A_131] : memref<4x128x16xf32, #tpu.memory_space<vmem>> -> memref<1x128x16xf32, #tpu.memory_space<vmem>>
      %dma_wait3A_133 = tpu.memref_squeeze %dma_wait3A_132 : memref<1x128x16xf32, #tpu.memory_space<vmem>> -> memref<128x16xf32, #tpu.memory_space<vmem>>
      %dma_wait3A_134 = arith.constant 0 : i32
      %dma_wait3A_135 = tpu.memref_slice %arg6[%dma_wait3A_128, %dma_wait3A_134] : memref<80x128xi32, #tpu.memory_space<vmem>> -> memref<1x128xi32, #tpu.memory_space<vmem>>
      %dma_wait3A_136 = tpu.memref_squeeze %dma_wait3A_135 : memref<1x128xi32, #tpu.memory_space<vmem>> -> memref<128xi32, #tpu.memory_space<vmem>>
      %dma_wait3A_137 = arith.constant 0 : i32
      %dma_wait3A_138 = arith.constant 0 : i32
      %dma_wait3A_139 = tpu.memref_slice %arg11[%dma_wait3A_137, %dma_wait3A_138] : memref<10240x16xf32, #tpu.memory_space<vmem_shared>> -> memref<10240x16xf32, #tpu.memory_space<vmem_shared>>
      tpu.wait_indirect_dma semaphore(%arg13 : memref<!tpu.dma_semaphore, #tpu.memory_space<semaphore_mem>>) src(%dma_wait3A_139 : memref<10240x16xf32, #tpu.memory_space<vmem_shared>>) dst(%dma_wait3A_133 : memref<128x16xf32, #tpu.memory_space<vmem>>)
      %dma_start3A_140 = arith.constant 1 : i32
      %dma_start3A_141 = arith.constant 77 : i32
      %dma_start3A_142 = arith.constant 0 : i32
      %dma_start3A_143 = arith.constant 0 : i32
      %dma_start3A_144 = tpu.memref_slice %arg8[%dma_start3A_140, %dma_start3A_142, %dma_start3A_143] : memref<4x128x16xf32, #tpu.memory_space<vmem>> -> memref<1x128x16xf32, #tpu.memory_space<vmem>>
      %dma_start3A_145 = tpu.memref_squeeze %dma_start3A_144 : memref<1x128x16xf32, #tpu.memory_space<vmem>> -> memref<128x16xf32, #tpu.memory_space<vmem>>
      %dma_start3A_146 = arith.constant 0 : i32
      %dma_start3A_147 = tpu.memref_slice %arg7[%dma_start3A_141, %dma_start3A_146] : memref<80x128xi32, #tpu.memory_space<vmem>> -> memref<1x128xi32, #tpu.memory_space<vmem>>
      %dma_start3A_148 = tpu.memref_squeeze %dma_start3A_147 : memref<1x128xi32, #tpu.memory_space<vmem>> -> memref<128xi32, #tpu.memory_space<vmem>>
      %dma_start3A_149 = arith.constant 0 : i32
      %dma_start3A_150 = arith.constant 0 : i32
      %dma_start3A_151 = tpu.memref_slice %arg10[%dma_start3A_149, %dma_start3A_150] : memref<10240x16xf32, #tpu.memory_space<vmem_shared>> -> memref<10240x16xf32, #tpu.memory_space<vmem_shared>>
      tpu.enqueue_indirect_dma source(%dma_start3A_145 : memref<128x16xf32, #tpu.memory_space<vmem>>) target(%dma_start3A_151 : memref<10240x16xf32, #tpu.memory_space<vmem_shared>>) offsets(%dma_start3A_148 : memref<128xi32, #tpu.memory_space<vmem>>) semaphore(%arg13 : memref<!tpu.dma_semaphore, #tpu.memory_space<semaphore_mem>>) {add = true}
      %dma_wait3A_152 = arith.constant 78 : i32
      %dma_wait3A_153 = arith.constant 2 : i32
      %dma_wait3A_154 = arith.constant 0 : i32
      %dma_wait3A_155 = arith.constant 0 : i32
      %dma_wait3A_156 = tpu.memref_slice %arg8[%dma_wait3A_153, %dma_wait3A_154, %dma_wait3A_155] : memref<4x128x16xf32, #tpu.memory_space<vmem>> -> memref<1x128x16xf32, #tpu.memory_space<vmem>>
      %dma_wait3A_157 = tpu.memref_squeeze %dma_wait3A_156 : memref<1x128x16xf32, #tpu.memory_space<vmem>> -> memref<128x16xf32, #tpu.memory_space<vmem>>
      %dma_wait3A_158 = arith.constant 0 : i32
      %dma_wait3A_159 = tpu.memref_slice %arg6[%dma_wait3A_152, %dma_wait3A_158] : memref<80x128xi32, #tpu.memory_space<vmem>> -> memref<1x128xi32, #tpu.memory_space<vmem>>
      %dma_wait3A_160 = tpu.memref_squeeze %dma_wait3A_159 : memref<1x128xi32, #tpu.memory_space<vmem>> -> memref<128xi32, #tpu.memory_space<vmem>>
      %dma_wait3A_161 = arith.constant 0 : i32
      %dma_wait3A_162 = arith.constant 0 : i32
      %dma_wait3A_163 = tpu.memref_slice %arg11[%dma_wait3A_161, %dma_wait3A_162] : memref<10240x16xf32, #tpu.memory_space<vmem_shared>> -> memref<10240x16xf32, #tpu.memory_space<vmem_shared>>
      tpu.wait_indirect_dma semaphore(%arg14 : memref<!tpu.dma_semaphore, #tpu.memory_space<semaphore_mem>>) src(%dma_wait3A_163 : memref<10240x16xf32, #tpu.memory_space<vmem_shared>>) dst(%dma_wait3A_157 : memref<128x16xf32, #tpu.memory_space<vmem>>)
      %dma_start3A_164 = arith.constant 2 : i32
      %dma_start3A_165 = arith.constant 78 : i32
      %dma_start3A_166 = arith.constant 0 : i32
      %dma_start3A_167 = arith.constant 0 : i32
      %dma_start3A_168 = tpu.memref_slice %arg8[%dma_start3A_164, %dma_start3A_166, %dma_start3A_167] : memref<4x128x16xf32, #tpu.memory_space<vmem>> -> memref<1x128x16xf32, #tpu.memory_space<vmem>>
      %dma_start3A_169 = tpu.memref_squeeze %dma_start3A_168 : memref<1x128x16xf32, #tpu.memory_space<vmem>> -> memref<128x16xf32, #tpu.memory_space<vmem>>
      %dma_start3A_170 = arith.constant 0 : i32
      %dma_start3A_171 = tpu.memref_slice %arg7[%dma_start3A_165, %dma_start3A_170] : memref<80x128xi32, #tpu.memory_space<vmem>> -> memref<1x128xi32, #tpu.memory_space<vmem>>
      %dma_start3A_172 = tpu.memref_squeeze %dma_start3A_171 : memref<1x128xi32, #tpu.memory_space<vmem>> -> memref<128xi32, #tpu.memory_space<vmem>>
      %dma_start3A_173 = arith.constant 0 : i32
      %dma_start3A_174 = arith.constant 0 : i32
      %dma_start3A_175 = tpu.memref_slice %arg10[%dma_start3A_173, %dma_start3A_174] : memref<10240x16xf32, #tpu.memory_space<vmem_shared>> -> memref<10240x16xf32, #tpu.memory_space<vmem_shared>>
      tpu.enqueue_indirect_dma source(%dma_start3A_169 : memref<128x16xf32, #tpu.memory_space<vmem>>) target(%dma_start3A_175 : memref<10240x16xf32, #tpu.memory_space<vmem_shared>>) offsets(%dma_start3A_172 : memref<128xi32, #tpu.memory_space<vmem>>) semaphore(%arg14 : memref<!tpu.dma_semaphore, #tpu.memory_space<semaphore_mem>>) {add = true}
      %dma_wait3A_176 = arith.constant 79 : i32
      %dma_wait3A_177 = arith.constant 3 : i32
      %dma_wait3A_178 = arith.constant 0 : i32
      %dma_wait3A_179 = arith.constant 0 : i32
      %dma_wait3A_180 = tpu.memref_slice %arg8[%dma_wait3A_177, %dma_wait3A_178, %dma_wait3A_179] : memref<4x128x16xf32, #tpu.memory_space<vmem>> -> memref<1x128x16xf32, #tpu.memory_space<vmem>>
      %dma_wait3A_181 = tpu.memref_squeeze %dma_wait3A_180 : memref<1x128x16xf32, #tpu.memory_space<vmem>> -> memref<128x16xf32, #tpu.memory_space<vmem>>
      %dma_wait3A_182 = arith.constant 0 : i32
      %dma_wait3A_183 = tpu.memref_slice %arg6[%dma_wait3A_176, %dma_wait3A_182] : memref<80x128xi32, #tpu.memory_space<vmem>> -> memref<1x128xi32, #tpu.memory_space<vmem>>
      %dma_wait3A_184 = tpu.memref_squeeze %dma_wait3A_183 : memref<1x128xi32, #tpu.memory_space<vmem>> -> memref<128xi32, #tpu.memory_space<vmem>>
      %dma_wait3A_185 = arith.constant 0 : i32
      %dma_wait3A_186 = arith.constant 0 : i32
      %dma_wait3A_187 = tpu.memref_slice %arg11[%dma_wait3A_185, %dma_wait3A_186] : memref<10240x16xf32, #tpu.memory_space<vmem_shared>> -> memref<10240x16xf32, #tpu.memory_space<vmem_shared>>
      tpu.wait_indirect_dma semaphore(%arg15 : memref<!tpu.dma_semaphore, #tpu.memory_space<semaphore_mem>>) src(%dma_wait3A_187 : memref<10240x16xf32, #tpu.memory_space<vmem_shared>>) dst(%dma_wait3A_181 : memref<128x16xf32, #tpu.memory_space<vmem>>)
      %dma_start3A_188 = arith.constant 3 : i32
      %dma_start3A_189 = arith.constant 79 : i32
      %dma_start3A_190 = arith.constant 0 : i32
      %dma_start3A_191 = arith.constant 0 : i32
      %dma_start3A_192 = tpu.memref_slice %arg8[%dma_start3A_188, %dma_start3A_190, %dma_start3A_191] : memref<4x128x16xf32, #tpu.memory_space<vmem>> -> memref<1x128x16xf32, #tpu.memory_space<vmem>>
      %dma_start3A_193 = tpu.memref_squeeze %dma_start3A_192 : memref<1x128x16xf32, #tpu.memory_space<vmem>> -> memref<128x16xf32, #tpu.memory_space<vmem>>
      %dma_start3A_194 = arith.constant 0 : i32
      %dma_start3A_195 = tpu.memref_slice %arg7[%dma_start3A_189, %dma_start3A_194] : memref<80x128xi32, #tpu.memory_space<vmem>> -> memref<1x128xi32, #tpu.memory_space<vmem>>
      %dma_start3A_196 = tpu.memref_squeeze %dma_start3A_195 : memref<1x128xi32, #tpu.memory_space<vmem>> -> memref<128xi32, #tpu.memory_space<vmem>>
      %dma_start3A_197 = arith.constant 0 : i32
      %dma_start3A_198 = arith.constant 0 : i32
      %dma_start3A_199 = tpu.memref_slice %arg10[%dma_start3A_197, %dma_start3A_198] : memref<10240x16xf32, #tpu.memory_space<vmem_shared>> -> memref<10240x16xf32, #tpu.memory_space<vmem_shared>>
      tpu.enqueue_indirect_dma source(%dma_start3A_193 : memref<128x16xf32, #tpu.memory_space<vmem>>) target(%dma_start3A_199 : memref<10240x16xf32, #tpu.memory_space<vmem_shared>>) offsets(%dma_start3A_196 : memref<128xi32, #tpu.memory_space<vmem>>) semaphore(%arg15 : memref<!tpu.dma_semaphore, #tpu.memory_space<semaphore_mem>>) {add = true}
      %dma_wait3A_200 = arith.constant 0 : i32
      %dma_wait3A_201 = arith.constant 76 : i32
      %dma_wait3A_202 = arith.constant 0 : i32
      %dma_wait3A_203 = arith.constant 0 : i32
      %dma_wait3A_204 = tpu.memref_slice %arg8[%dma_wait3A_200, %dma_wait3A_202, %dma_wait3A_203] : memref<4x128x16xf32, #tpu.memory_space<vmem>> -> memref<1x128x16xf32, #tpu.memory_space<vmem>>
      %dma_wait3A_205 = tpu.memref_squeeze %dma_wait3A_204 : memref<1x128x16xf32, #tpu.memory_space<vmem>> -> memref<128x16xf32, #tpu.memory_space<vmem>>
      %dma_wait3A_206 = arith.constant 0 : i32
      %dma_wait3A_207 = tpu.memref_slice %arg7[%dma_wait3A_201, %dma_wait3A_206] : memref<80x128xi32, #tpu.memory_space<vmem>> -> memref<1x128xi32, #tpu.memory_space<vmem>>
      %dma_wait3A_208 = tpu.memref_squeeze %dma_wait3A_207 : memref<1x128xi32, #tpu.memory_space<vmem>> -> memref<128xi32, #tpu.memory_space<vmem>>
      %dma_wait3A_209 = arith.constant 0 : i32
      %dma_wait3A_210 = arith.constant 0 : i32
      %dma_wait3A_211 = tpu.memref_slice %arg10[%dma_wait3A_209, %dma_wait3A_210] : memref<10240x16xf32, #tpu.memory_space<vmem_shared>> -> memref<10240x16xf32, #tpu.memory_space<vmem_shared>>
      tpu.wait_indirect_dma semaphore(%arg12 : memref<!tpu.dma_semaphore, #tpu.memory_space<semaphore_mem>>) src(%dma_wait3A_205 : memref<128x16xf32, #tpu.memory_space<vmem>>) dst(%dma_wait3A_211 : memref<10240x16xf32, #tpu.memory_space<vmem_shared>>)
      %dma_wait3A_212 = arith.constant 1 : i32
      %dma_wait3A_213 = arith.constant 77 : i32
      %dma_wait3A_214 = arith.constant 0 : i32
      %dma_wait3A_215 = arith.constant 0 : i32
      %dma_wait3A_216 = tpu.memref_slice %arg8[%dma_wait3A_212, %dma_wait3A_214, %dma_wait3A_215] : memref<4x128x16xf32, #tpu.memory_space<vmem>> -> memref<1x128x16xf32, #tpu.memory_space<vmem>>
      %dma_wait3A_217 = tpu.memref_squeeze %dma_wait3A_216 : memref<1x128x16xf32, #tpu.memory_space<vmem>> -> memref<128x16xf32, #tpu.memory_space<vmem>>
      %dma_wait3A_218 = arith.constant 0 : i32
      %dma_wait3A_219 = tpu.memref_slice %arg7[%dma_wait3A_213, %dma_wait3A_218] : memref<80x128xi32, #tpu.memory_space<vmem>> -> memref<1x128xi32, #tpu.memory_space<vmem>>
      %dma_wait3A_220 = tpu.memref_squeeze %dma_wait3A_219 : memref<1x128xi32, #tpu.memory_space<vmem>> -> memref<128xi32, #tpu.memory_space<vmem>>
      %dma_wait3A_221 = arith.constant 0 : i32
      %dma_wait3A_222 = arith.constant 0 : i32
      %dma_wait3A_223 = tpu.memref_slice %arg10[%dma_wait3A_221, %dma_wait3A_222] : memref<10240x16xf32, #tpu.memory_space<vmem_shared>> -> memref<10240x16xf32, #tpu.memory_space<vmem_shared>>
      tpu.wait_indirect_dma semaphore(%arg13 : memref<!tpu.dma_semaphore, #tpu.memory_space<semaphore_mem>>) src(%dma_wait3A_217 : memref<128x16xf32, #tpu.memory_space<vmem>>) dst(%dma_wait3A_223 : memref<10240x16xf32, #tpu.memory_space<vmem_shared>>)
      %dma_wait3A_224 = arith.constant 2 : i32
      %dma_wait3A_225 = arith.constant 78 : i32
      %dma_wait3A_226 = arith.constant 0 : i32
      %dma_wait3A_227 = arith.constant 0 : i32
      %dma_wait3A_228 = tpu.memref_slice %arg8[%dma_wait3A_224, %dma_wait3A_226, %dma_wait3A_227] : memref<4x128x16xf32, #tpu.memory_space<vmem>> -> memref<1x128x16xf32, #tpu.memory_space<vmem>>
      %dma_wait3A_229 = tpu.memref_squeeze %dma_wait3A_228 : memref<1x128x16xf32, #tpu.memory_space<vmem>> -> memref<128x16xf32, #tpu.memory_space<vmem>>
      %dma_wait3A_230 = arith.constant 0 : i32
      %dma_wait3A_231 = tpu.memref_slice %arg7[%dma_wait3A_225, %dma_wait3A_230] : memref<80x128xi32, #tpu.memory_space<vmem>> -> memref<1x128xi32, #tpu.memory_space<vmem>>
      %dma_wait3A_232 = tpu.memref_squeeze %dma_wait3A_231 : memref<1x128xi32, #tpu.memory_space<vmem>> -> memref<128xi32, #tpu.memory_space<vmem>>
      %dma_wait3A_233 = arith.constant 0 : i32
      %dma_wait3A_234 = arith.constant 0 : i32
      %dma_wait3A_235 = tpu.memref_slice %arg10[%dma_wait3A_233, %dma_wait3A_234] : memref<10240x16xf32, #tpu.memory_space<vmem_shared>> -> memref<10240x16xf32, #tpu.memory_space<vmem_shared>>
      tpu.wait_indirect_dma semaphore(%arg14 : memref<!tpu.dma_semaphore, #tpu.memory_space<semaphore_mem>>) src(%dma_wait3A_229 : memref<128x16xf32, #tpu.memory_space<vmem>>) dst(%dma_wait3A_235 : memref<10240x16xf32, #tpu.memory_space<vmem_shared>>)
      %dma_wait3A_236 = arith.constant 3 : i32
      %dma_wait3A_237 = arith.constant 79 : i32
      %dma_wait3A_238 = arith.constant 0 : i32
      %dma_wait3A_239 = arith.constant 0 : i32
      %dma_wait3A_240 = tpu.memref_slice %arg8[%dma_wait3A_236, %dma_wait3A_238, %dma_wait3A_239] : memref<4x128x16xf32, #tpu.memory_space<vmem>> -> memref<1x128x16xf32, #tpu.memory_space<vmem>>
      %dma_wait3A_241 = tpu.memref_squeeze %dma_wait3A_240 : memref<1x128x16xf32, #tpu.memory_space<vmem>> -> memref<128x16xf32, #tpu.memory_space<vmem>>
      %dma_wait3A_242 = arith.constant 0 : i32
      %dma_wait3A_243 = tpu.memref_slice %arg7[%dma_wait3A_237, %dma_wait3A_242] : memref<80x128xi32, #tpu.memory_space<vmem>> -> memref<1x128xi32, #tpu.memory_space<vmem>>
      %dma_wait3A_244 = tpu.memref_squeeze %dma_wait3A_243 : memref<1x128xi32, #tpu.memory_space<vmem>> -> memref<128xi32, #tpu.memory_space<vmem>>
      %dma_wait3A_245 = arith.constant 0 : i32
      %dma_wait3A_246 = arith.constant 0 : i32
      %dma_wait3A_247 = tpu.memref_slice %arg10[%dma_wait3A_245, %dma_wait3A_246] : memref<10240x16xf32, #tpu.memory_space<vmem_shared>> -> memref<10240x16xf32, #tpu.memory_space<vmem_shared>>
      tpu.wait_indirect_dma semaphore(%arg15 : memref<!tpu.dma_semaphore, #tpu.memory_space<semaphore_mem>>) src(%dma_wait3A_241 : memref<128x16xf32, #tpu.memory_space<vmem>>) dst(%dma_wait3A_247 : memref<10240x16xf32, #tpu.memory_space<vmem_shared>>)
    } else {
    }
    %barrier3A_42 = arith.constant 0 : index
    tpu.barrier barrier_id(%barrier3A_42)
    %mul3A_43 = arith.constant 640 : i32
    %mul3A_44 = arith.muli %arg1, %mul3A_43 : i32
    %mul3A_45 = arith.constant 640 : i32
    %mul3A_46 = arith.muli %arg1, %mul3A_45 : i32
    "tpu.region"() ({
      %run_scoped3A_47 = tpu.sem_alloc : memref<!tpu.dma_semaphore, #tpu.memory_space<semaphore_mem>>
      %dma_start3A = arith.constant 0 : i32
      %dma_start3A_48 = tpu.memref_slice %arg5[%arg0, %mul3A_46, %dma_start3A] : memref<2x10240x16xf32, #tpu.memory_space<hbm>> -> memref<1x640x16xf32, #tpu.memory_space<hbm>>
      %dma_start3A_49 = tpu.memref_squeeze %dma_start3A_48 : memref<1x640x16xf32, #tpu.memory_space<hbm>> -> memref<640x16xf32, #tpu.memory_space<hbm>>
      %dma_start3A_50 = arith.constant 0 : i32
      %dma_start3A_51 = tpu.memref_slice %arg10[%mul3A_44, %dma_start3A_50] : memref<10240x16xf32, #tpu.memory_space<vmem_shared>> -> memref<640x16xf32, #tpu.memory_space<vmem_shared>>
      tpu.enqueue_dma source(%dma_start3A_51 : memref<640x16xf32, #tpu.memory_space<vmem_shared>>) target(%dma_start3A_49 : memref<640x16xf32, #tpu.memory_space<hbm>>) target_semaphore(%run_scoped3A_47 : memref<!tpu.dma_semaphore, #tpu.memory_space<semaphore_mem>>)
      %dma_wait3A = arith.constant 0 : i32
      %dma_wait3A_52 = tpu.memref_slice %arg5[%arg0, %mul3A_46, %dma_wait3A] : memref<2x10240x16xf32, #tpu.memory_space<hbm>> -> memref<1x640x16xf32, #tpu.memory_space<hbm>>
      %dma_wait3A_53 = tpu.memref_squeeze %dma_wait3A_52 : memref<1x640x16xf32, #tpu.memory_space<hbm>> -> memref<640x16xf32, #tpu.memory_space<hbm>>
      %dma_wait3A_54 = arith.constant 0 : i32
      %dma_wait3A_55 = tpu.memref_slice %arg10[%mul3A_44, %dma_wait3A_54] : memref<10240x16xf32, #tpu.memory_space<vmem_shared>> -> memref<640x16xf32, #tpu.memory_space<vmem_shared>>
      tpu.wait_dma2 semaphore(%run_scoped3A_47 : memref<!tpu.dma_semaphore, #tpu.memory_space<semaphore_mem>>) src(%dma_wait3A_55 : memref<640x16xf32, #tpu.memory_space<vmem_shared>>) dst(%dma_wait3A_53 : memref<640x16xf32, #tpu.memory_space<hbm>>)
      tpu.yield
    }) : () -> ()
    return
  }
}

#map = affine_map<(d0, d1) -> (0, 0)>
#map1 = affine_map<(d0, d1) -> (0, 0, 0)>
module attributes {stable_mosaic.version = 14 : i64} {
  func.func @deg_kernel(%arg0: i32, %arg1: i32, %arg2: memref<2560x128xi32, #tpu.memory_space<hbm>>, %arg3: memref<2x10240x16xf32, #tpu.memory_space<hbm>>, %arg4: memref<80x128xi32, #tpu.memory_space<vmem>>, %arg5: memref<128x16xf32, #tpu.memory_space<vmem>>, %arg6: memref<128x16xf32, #tpu.memory_space<vmem>>, %arg7: memref<10240x16xf32, #tpu.memory_space<vmem_shared>>, %arg8: memref<!tpu.dma_semaphore, #tpu.memory_space<semaphore_mem>>) attributes {dimension_semantics = [#tpu.dimension_semantics<core_parallel>, #tpu.dimension_semantics<subcore_parallel>], iteration_bounds = array<i64: 2, 16>, scalar_prefetch = 0 : i64, scratch_operands = 5 : i64, tpu.core_type = #tpu.core_type<sc_vector_subcore>, window_params = [{transform_indices = #map}, {transform_indices = #map1}]} {
    %mul3A = arith.constant 16 : i32
    %mul3A_0 = arith.muli %arg0, %mul3A : i32
    %add3A = arith.addi %mul3A_0, %arg1 : i32
    %broadcast_in_dim3A = arith.constant 0.000000e+00 : f32
    %broadcast_in_dim3A_1 = vector.broadcast %broadcast_in_dim3A : f32 to vector<16xf32>
    %scan3A = arith.constant 0 : i32
    %scan3A_2 = arith.constant 0 : i32
    %scan3A_3 = arith.constant 128 : i32
    %scan3A_4 = arith.addi %scan3A_2, %scan3A_3 : i32
    %scan3A_5 = arith.constant 1 : i32
    %scan3A_6 = scf.for %scan3A_58 = %scan3A_2 to %scan3A_4 step %scan3A_5 iter_args(%scan3A_59 = %scan3A) -> (i32)  : i32 {
      %swap3A = arith.index_cast %scan3A_58 : i32 to index
      %swap3A_60 = arith.constant 0 : index
      %swap3A_61 = tpu.vector_load %arg6[%swap3A, %swap3A_60] {strides = array<i32>} : memref<128x16xf32, #tpu.memory_space<vmem>>, vector<1x16xf32>,
      %swap3A_62 = vector.shape_cast %swap3A_61 : vector<1x16xf32> to vector<16xf32>
      %swap3A_63 = vector.shape_cast %broadcast_in_dim3A_1 : vector<16xf32> to vector<1x16xf32>
      tpu.vector_store %arg6[%swap3A, %swap3A_60], %swap3A_63 {strides = array<i32>} : memref<128x16xf32, #tpu.memory_space<vmem>>, vector<1x16xf32>,
      %scan3A_64 = arith.constant 0 : i32
      scf.yield %scan3A_64 : i32
    }
    %scan3A_7 = arith.constant 128 : i32
    %broadcast_in_dim3A_8 = arith.constant 1.000000e+00 : f32
    %broadcast_in_dim3A_9 = vector.broadcast %broadcast_in_dim3A_8 : f32 to vector<16xf32>
    %scan3A_10 = arith.constant 0 : i32
    %scan3A_11 = arith.constant 0 : i32
    %scan3A_12 = arith.constant 128 : i32
    %scan3A_13 = arith.addi %scan3A_11, %scan3A_12 : i32
    %scan3A_14 = arith.constant 1 : i32
    %scan3A_15 = scf.for %scan3A_58 = %scan3A_11 to %scan3A_13 step %scan3A_14 iter_args(%scan3A_59 = %scan3A_10) -> (i32)  : i32 {
      %swap3A = arith.index_cast %scan3A_58 : i32 to index
      %swap3A_60 = arith.constant 0 : index
      %swap3A_61 = tpu.vector_load %arg5[%swap3A, %swap3A_60] {strides = array<i32>} : memref<128x16xf32, #tpu.memory_space<vmem>>, vector<1x16xf32>,
      %swap3A_62 = vector.shape_cast %swap3A_61 : vector<1x16xf32> to vector<16xf32>
      %swap3A_63 = vector.shape_cast %broadcast_in_dim3A_9 : vector<16xf32> to vector<1x16xf32>
      tpu.vector_store %arg5[%swap3A, %swap3A_60], %swap3A_63 {strides = array<i32>} : memref<128x16xf32, #tpu.memory_space<vmem>>, vector<1x16xf32>,
      %scan3A_64 = arith.constant 0 : i32
      scf.yield %scan3A_64 : i32
    }
    %scan3A_16 = arith.constant 128 : i32
    %mul3A_17 = arith.constant 640 : i32
    %mul3A_18 = arith.muli %arg1, %mul3A_17 : i32
    %add3A_19 = arith.constant 0 : i32
    %add3A_20 = arith.addi %mul3A_18, %add3A_19 : i32
    "tpu.region"() ({
      %run_scoped3A = tpu.sem_alloc : memref<!tpu.dma_semaphore, #tpu.memory_space<semaphore_mem>>
      %dma_start3A = arith.constant 0 : i32
      %dma_start3A_58 = tpu.memref_slice %arg7[%add3A_20, %dma_start3A] : memref<10240x16xf32, #tpu.memory_space<vmem_shared>> -> memref<128x16xf32, #tpu.memory_space<vmem_shared>>
      %dma_start3A_59 = arith.constant 0 : i32
      %dma_start3A_60 = tpu.memref_slice %arg7[%add3A_20, %dma_start3A_59] : memref<10240x16xf32, #tpu.memory_space<vmem_shared>> -> memref<128x16xf32, #tpu.memory_space<vmem_shared>>
      tpu.enqueue_dma source(%arg6 : memref<128x16xf32, #tpu.memory_space<vmem>>) target(%dma_start3A_60 : memref<128x16xf32, #tpu.memory_space<vmem_shared>>) target_semaphore(%run_scoped3A : memref<!tpu.dma_semaphore, #tpu.memory_space<semaphore_mem>>)
      %dma_wait3A = arith.constant 0 : i32
      %dma_wait3A_61 = tpu.memref_slice %arg7[%add3A_20, %dma_wait3A] : memref<10240x16xf32, #tpu.memory_space<vmem_shared>> -> memref<128x16xf32, #tpu.memory_space<vmem_shared>>
      %dma_wait3A_62 = arith.constant 0 : i32
      %dma_wait3A_63 = tpu.memref_slice %arg7[%add3A_20, %dma_wait3A_62] : memref<10240x16xf32, #tpu.memory_space<vmem_shared>> -> memref<128x16xf32, #tpu.memory_space<vmem_shared>>
      tpu.wait_dma2 semaphore(%run_scoped3A : memref<!tpu.dma_semaphore, #tpu.memory_space<semaphore_mem>>) src(%arg6 : memref<128x16xf32, #tpu.memory_space<vmem>>) dst(%dma_wait3A_63 : memref<128x16xf32, #tpu.memory_space<vmem_shared>>)
      tpu.yield
    }) : () -> ()
    %mul3A_21 = arith.constant 640 : i32
    %mul3A_22 = arith.muli %arg1, %mul3A_21 : i32
    %add3A_23 = arith.constant 128 : i32
    %add3A_24 = arith.addi %mul3A_22, %add3A_23 : i32
    "tpu.region"() ({
      %run_scoped3A = tpu.sem_alloc : memref<!tpu.dma_semaphore, #tpu.memory_space<semaphore_mem>>
      %dma_start3A = arith.constant 0 : i32
      %dma_start3A_58 = tpu.memref_slice %arg7[%add3A_24, %dma_start3A] : memref<10240x16xf32, #tpu.memory_space<vmem_shared>> -> memref<128x16xf32, #tpu.memory_space<vmem_shared>>
      %dma_start3A_59 = arith.constant 0 : i32
      %dma_start3A_60 = tpu.memref_slice %arg7[%add3A_24, %dma_start3A_59] : memref<10240x16xf32, #tpu.memory_space<vmem_shared>> -> memref<128x16xf32, #tpu.memory_space<vmem_shared>>
      tpu.enqueue_dma source(%arg6 : memref<128x16xf32, #tpu.memory_space<vmem>>) target(%dma_start3A_60 : memref<128x16xf32, #tpu.memory_space<vmem_shared>>) target_semaphore(%run_scoped3A : memref<!tpu.dma_semaphore, #tpu.memory_space<semaphore_mem>>)
      %dma_wait3A = arith.constant 0 : i32
      %dma_wait3A_61 = tpu.memref_slice %arg7[%add3A_24, %dma_wait3A] : memref<10240x16xf32, #tpu.memory_space<vmem_shared>> -> memref<128x16xf32, #tpu.memory_space<vmem_shared>>
      %dma_wait3A_62 = arith.constant 0 : i32
      %dma_wait3A_63 = tpu.memref_slice %arg7[%add3A_24, %dma_wait3A_62] : memref<10240x16xf32, #tpu.memory_space<vmem_shared>> -> memref<128x16xf32, #tpu.memory_space<vmem_shared>>
      tpu.wait_dma2 semaphore(%run_scoped3A : memref<!tpu.dma_semaphore, #tpu.memory_space<semaphore_mem>>) src(%arg6 : memref<128x16xf32, #tpu.memory_space<vmem>>) dst(%dma_wait3A_63 : memref<128x16xf32, #tpu.memory_space<vmem_shared>>)
      tpu.yield
    }) : () -> ()
    %mul3A_25 = arith.constant 640 : i32
    %mul3A_26 = arith.muli %arg1, %mul3A_25 : i32
    %add3A_27 = arith.constant 256 : i32
    %add3A_28 = arith.addi %mul3A_26, %add3A_27 : i32
    "tpu.region"() ({
      %run_scoped3A = tpu.sem_alloc : memref<!tpu.dma_semaphore, #tpu.memory_space<semaphore_mem>>
      %dma_start3A = arith.constant 0 : i32
      %dma_start3A_58 = tpu.memref_slice %arg7[%add3A_28, %dma_start3A] : memref<10240x16xf32, #tpu.memory_space<vmem_shared>> -> memref<128x16xf32, #tpu.memory_space<vmem_shared>>
      %dma_start3A_59 = arith.constant 0 : i32
      %dma_start3A_60 = tpu.memref_slice %arg7[%add3A_28, %dma_start3A_59] : memref<10240x16xf32, #tpu.memory_space<vmem_shared>> -> memref<128x16xf32, #tpu.memory_space<vmem_shared>>
      tpu.enqueue_dma source(%arg6 : memref<128x16xf32, #tpu.memory_space<vmem>>) target(%dma_start3A_60 : memref<128x16xf32, #tpu.memory_space<vmem_shared>>) target_semaphore(%run_scoped3A : memref<!tpu.dma_semaphore, #tpu.memory_space<semaphore_mem>>)
      %dma_wait3A = arith.constant 0 : i32
      %dma_wait3A_61 = tpu.memref_slice %arg7[%add3A_28, %dma_wait3A] : memref<10240x16xf32, #tpu.memory_space<vmem_shared>> -> memref<128x16xf32, #tpu.memory_space<vmem_shared>>
      %dma_wait3A_62 = arith.constant 0 : i32
      %dma_wait3A_63 = tpu.memref_slice %arg7[%add3A_28, %dma_wait3A_62] : memref<10240x16xf32, #tpu.memory_space<vmem_shared>> -> memref<128x16xf32, #tpu.memory_space<vmem_shared>>
      tpu.wait_dma2 semaphore(%run_scoped3A : memref<!tpu.dma_semaphore, #tpu.memory_space<semaphore_mem>>) src(%arg6 : memref<128x16xf32, #tpu.memory_space<vmem>>) dst(%dma_wait3A_63 : memref<128x16xf32, #tpu.memory_space<vmem_shared>>)
      tpu.yield
    }) : () -> ()
    %mul3A_29 = arith.constant 640 : i32
    %mul3A_30 = arith.muli %arg1, %mul3A_29 : i32
    %add3A_31 = arith.constant 384 : i32
    %add3A_32 = arith.addi %mul3A_30, %add3A_31 : i32
    "tpu.region"() ({
      %run_scoped3A = tpu.sem_alloc : memref<!tpu.dma_semaphore, #tpu.memory_space<semaphore_mem>>
      %dma_start3A = arith.constant 0 : i32
      %dma_start3A_58 = tpu.memref_slice %arg7[%add3A_32, %dma_start3A] : memref<10240x16xf32, #tpu.memory_space<vmem_shared>> -> memref<128x16xf32, #tpu.memory_space<vmem_shared>>
      %dma_start3A_59 = arith.constant 0 : i32
      %dma_start3A_60 = tpu.memref_slice %arg7[%add3A_32, %dma_start3A_59] : memref<10240x16xf32, #tpu.memory_space<vmem_shared>> -> memref<128x16xf32, #tpu.memory_space<vmem_shared>>
      tpu.enqueue_dma source(%arg6 : memref<128x16xf32, #tpu.memory_space<vmem>>) target(%dma_start3A_60 : memref<128x16xf32, #tpu.memory_space<vmem_shared>>) target_semaphore(%run_scoped3A : memref<!tpu.dma_semaphore, #tpu.memory_space<semaphore_mem>>)
      %dma_wait3A = arith.constant 0 : i32
      %dma_wait3A_61 = tpu.memref_slice %arg7[%add3A_32, %dma_wait3A] : memref<10240x16xf32, #tpu.memory_space<vmem_shared>> -> memref<128x16xf32, #tpu.memory_space<vmem_shared>>
      %dma_wait3A_62 = arith.constant 0 : i32
      %dma_wait3A_63 = tpu.memref_slice %arg7[%add3A_32, %dma_wait3A_62] : memref<10240x16xf32, #tpu.memory_space<vmem_shared>> -> memref<128x16xf32, #tpu.memory_space<vmem_shared>>
      tpu.wait_dma2 semaphore(%run_scoped3A : memref<!tpu.dma_semaphore, #tpu.memory_space<semaphore_mem>>) src(%arg6 : memref<128x16xf32, #tpu.memory_space<vmem>>) dst(%dma_wait3A_63 : memref<128x16xf32, #tpu.memory_space<vmem_shared>>)
      tpu.yield
    }) : () -> ()
    %mul3A_33 = arith.constant 640 : i32
    %mul3A_34 = arith.muli %arg1, %mul3A_33 : i32
    %add3A_35 = arith.constant 512 : i32
    %add3A_36 = arith.addi %mul3A_34, %add3A_35 : i32
    "tpu.region"() ({
      %run_scoped3A = tpu.sem_alloc : memref<!tpu.dma_semaphore, #tpu.memory_space<semaphore_mem>>
      %dma_start3A = arith.constant 0 : i32
      %dma_start3A_58 = tpu.memref_slice %arg7[%add3A_36, %dma_start3A] : memref<10240x16xf32, #tpu.memory_space<vmem_shared>> -> memref<128x16xf32, #tpu.memory_space<vmem_shared>>
      %dma_start3A_59 = arith.constant 0 : i32
      %dma_start3A_60 = tpu.memref_slice %arg7[%add3A_36, %dma_start3A_59] : memref<10240x16xf32, #tpu.memory_space<vmem_shared>> -> memref<128x16xf32, #tpu.memory_space<vmem_shared>>
      tpu.enqueue_dma source(%arg6 : memref<128x16xf32, #tpu.memory_space<vmem>>) target(%dma_start3A_60 : memref<128x16xf32, #tpu.memory_space<vmem_shared>>) target_semaphore(%run_scoped3A : memref<!tpu.dma_semaphore, #tpu.memory_space<semaphore_mem>>)
      %dma_wait3A = arith.constant 0 : i32
      %dma_wait3A_61 = tpu.memref_slice %arg7[%add3A_36, %dma_wait3A] : memref<10240x16xf32, #tpu.memory_space<vmem_shared>> -> memref<128x16xf32, #tpu.memory_space<vmem_shared>>
      %dma_wait3A_62 = arith.constant 0 : i32
      %dma_wait3A_63 = tpu.memref_slice %arg7[%add3A_36, %dma_wait3A_62] : memref<10240x16xf32, #tpu.memory_space<vmem_shared>> -> memref<128x16xf32, #tpu.memory_space<vmem_shared>>
      tpu.wait_dma2 semaphore(%run_scoped3A : memref<!tpu.dma_semaphore, #tpu.memory_space<semaphore_mem>>) src(%arg6 : memref<128x16xf32, #tpu.memory_space<vmem>>) dst(%dma_wait3A_63 : memref<128x16xf32, #tpu.memory_space<vmem_shared>>)
      tpu.yield
    }) : () -> ()
    %barrier3A = arith.constant 0 : index
    tpu.barrier barrier_id(%barrier3A)
    %mul3A_37 = arith.constant 80 : i32
    %mul3A_38 = arith.muli %add3A, %mul3A_37 : i32
    "tpu.region"() ({
      %run_scoped3A = tpu.sem_alloc : memref<!tpu.dma_semaphore, #tpu.memory_space<semaphore_mem>>
      %dma_start3A = arith.constant 0 : i32
      %dma_start3A_58 = tpu.memref_slice %arg2[%mul3A_38, %dma_start3A] : memref<2560x128xi32, #tpu.memory_space<hbm>> -> memref<80x128xi32, #tpu.memory_space<hbm>>
      %dma_start3A_59 = arith.constant 0 : i32
      %dma_start3A_60 = tpu.memref_slice %arg2[%mul3A_38, %dma_start3A_59] : memref<2560x128xi32, #tpu.memory_space<hbm>> -> memref<80x128xi32, #tpu.memory_space<hbm>>
      tpu.enqueue_dma source(%dma_start3A_60 : memref<80x128xi32, #tpu.memory_space<hbm>>) target(%arg4 : memref<80x128xi32, #tpu.memory_space<vmem>>) target_semaphore(%run_scoped3A : memref<!tpu.dma_semaphore, #tpu.memory_space<semaphore_mem>>)
      %dma_wait3A = arith.constant 0 : i32
      %dma_wait3A_61 = tpu.memref_slice %arg2[%mul3A_38, %dma_wait3A] : memref<2560x128xi32, #tpu.memory_space<hbm>> -> memref<80x128xi32, #tpu.memory_space<hbm>>
      %dma_wait3A_62 = arith.constant 0 : i32
      %dma_wait3A_63 = tpu.memref_slice %arg2[%mul3A_38, %dma_wait3A_62] : memref<2560x128xi32, #tpu.memory_space<hbm>> -> memref<80x128xi32, #tpu.memory_space<hbm>>
      tpu.wait_dma2 semaphore(%run_scoped3A : memref<!tpu.dma_semaphore, #tpu.memory_space<semaphore_mem>>) src(%dma_wait3A_63 : memref<80x128xi32, #tpu.memory_space<hbm>>) dst(%arg4 : memref<80x128xi32, #tpu.memory_space<vmem>>)
      tpu.yield
    }) : () -> ()
    %scan3A_39 = arith.constant 0 : i32
    %scan3A_40 = arith.constant 0 : i32
    %scan3A_41 = arith.constant 80 : i32
    %scan3A_42 = arith.addi %scan3A_40, %scan3A_41 : i32
    %scan3A_43 = arith.constant 1 : i32
    %scan3A_44 = scf.for %scan3A_58 = %scan3A_40 to %scan3A_42 step %scan3A_43 iter_args(%scan3A_59 = %scan3A_39) -> (i32)  : i32 {
      %dma_start3A = arith.constant 0 : i32
      %dma_start3A_60 = tpu.memref_slice %arg4[%scan3A_58, %dma_start3A] : memref<80x128xi32, #tpu.memory_space<vmem>> -> memref<1x128xi32, #tpu.memory_space<vmem>>
      %dma_start3A_61 = tpu.memref_squeeze %dma_start3A_60 : memref<1x128xi32, #tpu.memory_space<vmem>> -> memref<128xi32, #tpu.memory_space<vmem>>
      %dma_start3A_62 = arith.constant 0 : i32
      %dma_start3A_63 = arith.constant 0 : i32
      %dma_start3A_64 = tpu.memref_slice %arg7[%dma_start3A_62, %dma_start3A_63] : memref<10240x16xf32, #tpu.memory_space<vmem_shared>> -> memref<10240x16xf32, #tpu.memory_space<vmem_shared>>
      tpu.enqueue_indirect_dma source(%arg5 : memref<128x16xf32, #tpu.memory_space<vmem>>) target(%dma_start3A_64 : memref<10240x16xf32, #tpu.memory_space<vmem_shared>>) offsets(%dma_start3A_61 : memref<128xi32, #tpu.memory_space<vmem>>) semaphore(%arg8 : memref<!tpu.dma_semaphore, #tpu.memory_space<semaphore_mem>>) {add = true}
      %scan3A_65 = arith.constant 0 : i32
      scf.yield %scan3A_65 : i32
    }
    %scan3A_45 = arith.constant 80 : i32
    %scan3A_46 = arith.constant 0 : i32
    %scan3A_47 = arith.constant 0 : i32
    %scan3A_48 = arith.constant 80 : i32
    %scan3A_49 = arith.addi %scan3A_47, %scan3A_48 : i32
    %scan3A_50 = arith.constant 1 : i32
    %scan3A_51 = scf.for %scan3A_58 = %scan3A_47 to %scan3A_49 step %scan3A_50 iter_args(%scan3A_59 = %scan3A_46) -> (i32)  : i32 {
      %dma_wait3A = arith.constant 0 : i32
      %dma_wait3A_60 = tpu.memref_slice %arg4[%scan3A_58, %dma_wait3A] : memref<80x128xi32, #tpu.memory_space<vmem>> -> memref<1x128xi32, #tpu.memory_space<vmem>>
      %dma_wait3A_61 = tpu.memref_squeeze %dma_wait3A_60 : memref<1x128xi32, #tpu.memory_space<vmem>> -> memref<128xi32, #tpu.memory_space<vmem>>
      %dma_wait3A_62 = arith.constant 0 : i32
      %dma_wait3A_63 = arith.constant 0 : i32
      %dma_wait3A_64 = tpu.memref_slice %arg7[%dma_wait3A_62, %dma_wait3A_63] : memref<10240x16xf32, #tpu.memory_space<vmem_shared>> -> memref<10240x16xf32, #tpu.memory_space<vmem_shared>>
      tpu.wait_indirect_dma semaphore(%arg8 : memref<!tpu.dma_semaphore, #tpu.memory_space<semaphore_mem>>) src(%arg5 : memref<128x16xf32, #tpu.memory_space<vmem>>) dst(%dma_wait3A_64 : memref<10240x16xf32, #tpu.memory_space<vmem_shared>>)
      %scan3A_65 = arith.constant 0 : i32
      scf.yield %scan3A_65 : i32
    }
    %scan3A_52 = arith.constant 80 : i32
    %barrier3A_53 = arith.constant 0 : index
    tpu.barrier barrier_id(%barrier3A_53)
    %mul3A_54 = arith.constant 640 : i32
    %mul3A_55 = arith.muli %arg1, %mul3A_54 : i32
    %mul3A_56 = arith.constant 640 : i32
    %mul3A_57 = arith.muli %arg1, %mul3A_56 : i32
    "tpu.region"() ({
      %run_scoped3A = tpu.sem_alloc : memref<!tpu.dma_semaphore, #tpu.memory_space<semaphore_mem>>
      %dma_start3A = arith.constant 0 : i32
      %dma_start3A_58 = tpu.memref_slice %arg3[%arg0, %mul3A_57, %dma_start3A] : memref<2x10240x16xf32, #tpu.memory_space<hbm>> -> memref<1x640x16xf32, #tpu.memory_space<hbm>>
      %dma_start3A_59 = tpu.memref_squeeze %dma_start3A_58 : memref<1x640x16xf32, #tpu.memory_space<hbm>> -> memref<640x16xf32, #tpu.memory_space<hbm>>
      %dma_start3A_60 = arith.constant 0 : i32
      %dma_start3A_61 = tpu.memref_slice %arg7[%mul3A_55, %dma_start3A_60] : memref<10240x16xf32, #tpu.memory_space<vmem_shared>> -> memref<640x16xf32, #tpu.memory_space<vmem_shared>>
      tpu.enqueue_dma source(%dma_start3A_61 : memref<640x16xf32, #tpu.memory_space<vmem_shared>>) target(%dma_start3A_59 : memref<640x16xf32, #tpu.memory_space<hbm>>) target_semaphore(%run_scoped3A : memref<!tpu.dma_semaphore, #tpu.memory_space<semaphore_mem>>)
      %dma_wait3A = arith.constant 0 : i32
      %dma_wait3A_62 = tpu.memref_slice %arg3[%arg0, %mul3A_57, %dma_wait3A] : memref<2x10240x16xf32, #tpu.memory_space<hbm>> -> memref<1x640x16xf32, #tpu.memory_space<hbm>>
      %dma_wait3A_63 = tpu.memref_squeeze %dma_wait3A_62 : memref<1x640x16xf32, #tpu.memory_space<hbm>> -> memref<640x16xf32, #tpu.memory_space<hbm>>
      %dma_wait3A_64 = arith.constant 0 : i32
      %dma_wait3A_65 = tpu.memref_slice %arg7[%mul3A_55, %dma_wait3A_64] : memref<10240x16xf32, #tpu.memory_space<vmem_shared>> -> memref<640x16xf32, #tpu.memory_space<vmem_shared>>
      tpu.wait_dma2 semaphore(%run_scoped3A : memref<!tpu.dma_semaphore, #tpu.memory_space<semaphore_mem>>) src(%dma_wait3A_65 : memref<640x16xf32, #tpu.memory_space<vmem_shared>>) dst(%dma_wait3A_63 : memref<640x16xf32, #tpu.memory_space<hbm>>)
      tpu.yield
    }) : () -> ()
    return
  }
}

#map = affine_map<(d0, d1) -> (0, 0)>
#map1 = affine_map<(d0, d1) -> (0, 0, 0)>
module attributes {stable_mosaic.version = 14 : i64} {
  func.func @edge_kernel(%arg0: i32, %arg1: i32, %arg2: memref<10240x32xi32, #tpu.memory_space<hbm>>, %arg3: memref<2560x128xi32, #tpu.memory_space<hbm>>, %arg4: memref<2560x128xi32, #tpu.memory_space<hbm>>, %arg5: memref<2x10240x64xf32, #tpu.memory_space<hbm>>, %arg6: memref<80x128xi32, #tpu.memory_space<vmem>>, %arg7: memref<80x128xi32, #tpu.memory_space<vmem>>, %arg8: memref<4x128x64xf32, #tpu.memory_space<vmem>>, %arg9: memref<4x128x32xi32, #tpu.memory_space<vmem>>, %arg10: memref<10240x64xf32, #tpu.memory_space<vmem_shared>>, %arg11: memref<10240x32xi32, #tpu.memory_space<vmem_shared>>, %arg12: memref<!tpu.dma_semaphore, #tpu.memory_space<semaphore_mem>>, %arg13: memref<!tpu.dma_semaphore, #tpu.memory_space<semaphore_mem>>, %arg14: memref<!tpu.dma_semaphore, #tpu.memory_space<semaphore_mem>>, %arg15: memref<!tpu.dma_semaphore, #tpu.memory_space<semaphore_mem>>) attributes {dimension_semantics = [#tpu.dimension_semantics<core_parallel>, #tpu.dimension_semantics<subcore_parallel>], iteration_bounds = array<i64: 2, 16>, scalar_prefetch = 0 : i64, scratch_operands = 10 : i64, tpu.core_type = #tpu.core_type<sc_vector_subcore>, window_params = [{transform_indices = #map}, {transform_indices = #map}, {transform_indices = #map}, {transform_indices = #map1}]} {
    %broadcast_in_dim3A = arith.constant 0.000000e+00 : f32
    %broadcast_in_dim3A_0 = vector.broadcast %broadcast_in_dim3A : f32 to vector<16xf32>
    %scan3A = arith.constant 0 : i32
    %scan3A_1 = arith.constant 0 : i32
    %scan3A_2 = arith.constant 128 : i32
    %scan3A_3 = arith.addi %scan3A_1, %scan3A_2 : i32
    %scan3A_4 = arith.constant 1 : i32
    %scan3A_5 = scf.for %scan3A_47 = %scan3A_1 to %scan3A_3 step %scan3A_4 iter_args(%scan3A_48 = %scan3A) -> (i32)  : i32 {
      %swap3A = arith.constant 0 : i32
      %swap3A_49 = arith.index_cast %swap3A : i32 to index
      %swap3A_50 = arith.index_cast %scan3A_47 : i32 to index
      %swap3A_51 = arith.constant 0 : index
      %swap3A_52 = tpu.vector_load %arg8[%swap3A_49, %swap3A_50, %swap3A_51] {strides = array<i32>} : memref<4x128x64xf32, #tpu.memory_space<vmem>>, vector<1x1x16xf32>,
      %swap3A_53 = vector.shape_cast %swap3A_52 : vector<1x1x16xf32> to vector<16xf32>
      %swap3A_54 = vector.shape_cast %broadcast_in_dim3A_0 : vector<16xf32> to vector<1x1x16xf32>
      tpu.vector_store %arg8[%swap3A_49, %swap3A_50, %swap3A_51], %swap3A_54 {strides = array<i32>} : memref<4x128x64xf32, #tpu.memory_space<vmem>>, vector<1x1x16xf32>,
      %swap3A_55 = arith.constant 0 : i32
      %swap3A_56 = arith.index_cast %swap3A_55 : i32 to index
      %swap3A_57 = arith.index_cast %scan3A_47 : i32 to index
      %swap3A_58 = arith.constant 16 : index
      %swap3A_59 = tpu.vector_load %arg8[%swap3A_56, %swap3A_57, %swap3A_58] {strides = array<i32>} : memref<4x128x64xf32, #tpu.memory_space<vmem>>, vector<1x1x16xf32>,
      %swap3A_60 = vector.shape_cast %swap3A_59 : vector<1x1x16xf32> to vector<16xf32>
      %swap3A_61 = vector.shape_cast %broadcast_in_dim3A_0 : vector<16xf32> to vector<1x1x16xf32>
      tpu.vector_store %arg8[%swap3A_56, %swap3A_57, %swap3A_58], %swap3A_61 {strides = array<i32>} : memref<4x128x64xf32, #tpu.memory_space<vmem>>, vector<1x1x16xf32>,
      %swap3A_62 = arith.constant 0 : i32
      %swap3A_63 = arith.index_cast %swap3A_62 : i32 to index
      %swap3A_64 = arith.index_cast %scan3A_47 : i32 to index
      %swap3A_65 = arith.constant 32 : index
      %swap3A_66 = tpu.vector_load %arg8[%swap3A_63, %swap3A_64, %swap3A_65] {strides = array<i32>} : memref<4x128x64xf32, #tpu.memory_space<vmem>>, vector<1x1x16xf32>,
      %swap3A_67 = vector.shape_cast %swap3A_66 : vector<1x1x16xf32> to vector<16xf32>
      %swap3A_68 = vector.shape_cast %broadcast_in_dim3A_0 : vector<16xf32> to vector<1x1x16xf32>
      tpu.vector_store %arg8[%swap3A_63, %swap3A_64, %swap3A_65], %swap3A_68 {strides = array<i32>} : memref<4x128x64xf32, #tpu.memory_space<vmem>>, vector<1x1x16xf32>,
      %swap3A_69 = arith.constant 0 : i32
      %swap3A_70 = arith.index_cast %swap3A_69 : i32 to index
      %swap3A_71 = arith.index_cast %scan3A_47 : i32 to index
      %swap3A_72 = arith.constant 48 : index
      %swap3A_73 = tpu.vector_load %arg8[%swap3A_70, %swap3A_71, %swap3A_72] {strides = array<i32>} : memref<4x128x64xf32, #tpu.memory_space<vmem>>, vector<1x1x16xf32>,
      %swap3A_74 = vector.shape_cast %swap3A_73 : vector<1x1x16xf32> to vector<16xf32>
      %swap3A_75 = vector.shape_cast %broadcast_in_dim3A_0 : vector<16xf32> to vector<1x1x16xf32>
      tpu.vector_store %arg8[%swap3A_70, %swap3A_71, %swap3A_72], %swap3A_75 {strides = array<i32>} : memref<4x128x64xf32, #tpu.memory_space<vmem>>, vector<1x1x16xf32>,
      %scan3A_76 = arith.constant 0 : i32
      scf.yield %scan3A_76 : i32
    }
    %scan3A_6 = arith.constant 128 : i32
    %mul3A = arith.constant 640 : i32
    %mul3A_7 = arith.muli %arg1, %mul3A : i32
    %add3A = arith.constant 0 : i32
    %add3A_8 = arith.addi %mul3A_7, %add3A : i32
    %run_scoped3A = arith.constant 0 : i32
    "tpu.region"() ({
      %run_scoped3A_47 = tpu.sem_alloc : memref<!tpu.dma_semaphore, #tpu.memory_space<semaphore_mem>>
      %dma_start3A = arith.constant 0 : i32
      %dma_start3A_48 = arith.constant 0 : i32
      %dma_start3A_49 = tpu.memref_slice %arg8[%run_scoped3A, %dma_start3A, %dma_start3A_48] : memref<4x128x64xf32, #tpu.memory_space<vmem>> -> memref<1x128x64xf32, #tpu.memory_space<vmem>>
      %dma_start3A_50 = tpu.memref_squeeze %dma_start3A_49 : memref<1x128x64xf32, #tpu.memory_space<vmem>> -> memref<128x64xf32, #tpu.memory_space<vmem>>
      %dma_start3A_51 = arith.constant 0 : i32
      %dma_start3A_52 = tpu.memref_slice %arg10[%add3A_8, %dma_start3A_51] : memref<10240x64xf32, #tpu.memory_space<vmem_shared>> -> memref<128x64xf32, #tpu.memory_space<vmem_shared>>
      %dma_start3A_53 = arith.constant 0 : i32
      %dma_start3A_54 = tpu.memref_slice %arg10[%add3A_8, %dma_start3A_53] : memref<10240x64xf32, #tpu.memory_space<vmem_shared>> -> memref<128x64xf32, #tpu.memory_space<vmem_shared>>
      %dma_start3A_55 = arith.constant 0 : i32
      %dma_start3A_56 = arith.constant 0 : i32
      %dma_start3A_57 = tpu.memref_slice %arg8[%run_scoped3A, %dma_start3A_55, %dma_start3A_56] : memref<4x128x64xf32, #tpu.memory_space<vmem>> -> memref<1x128x64xf32, #tpu.memory_space<vmem>>
      %dma_start3A_58 = tpu.memref_squeeze %dma_start3A_57 : memref<1x128x64xf32, #tpu.memory_space<vmem>> -> memref<128x64xf32, #tpu.memory_space<vmem>>
      tpu.enqueue_dma source(%dma_start3A_58 : memref<128x64xf32, #tpu.memory_space<vmem>>) target(%dma_start3A_54 : memref<128x64xf32, #tpu.memory_space<vmem_shared>>) target_semaphore(%run_scoped3A_47 : memref<!tpu.dma_semaphore, #tpu.memory_space<semaphore_mem>>)
      %dma_wait3A = arith.constant 0 : i32
      %dma_wait3A_59 = arith.constant 0 : i32
      %dma_wait3A_60 = tpu.memref_slice %arg8[%run_scoped3A, %dma_wait3A, %dma_wait3A_59] : memref<4x128x64xf32, #tpu.memory_space<vmem>> -> memref<1x128x64xf32, #tpu.memory_space<vmem>>
      %dma_wait3A_61 = tpu.memref_squeeze %dma_wait3A_60 : memref<1x128x64xf32, #tpu.memory_space<vmem>> -> memref<128x64xf32, #tpu.memory_space<vmem>>
      %dma_wait3A_62 = arith.constant 0 : i32
      %dma_wait3A_63 = tpu.memref_slice %arg10[%add3A_8, %dma_wait3A_62] : memref<10240x64xf32, #tpu.memory_space<vmem_shared>> -> memref<128x64xf32, #tpu.memory_space<vmem_shared>>
      %dma_wait3A_64 = arith.constant 0 : i32
      %dma_wait3A_65 = tpu.memref_slice %arg10[%add3A_8, %dma_wait3A_64] : memref<10240x64xf32, #tpu.memory_space<vmem_shared>> -> memref<128x64xf32, #tpu.memory_space<vmem_shared>>
      %dma_wait3A_66 = arith.constant 0 : i32
      %dma_wait3A_67 = arith.constant 0 : i32
      %dma_wait3A_68 = tpu.memref_slice %arg8[%run_scoped3A, %dma_wait3A_66, %dma_wait3A_67] : memref<4x128x64xf32, #tpu.memory_space<vmem>> -> memref<1x128x64xf32, #tpu.memory_space<vmem>>
      %dma_wait3A_69 = tpu.memref_squeeze %dma_wait3A_68 : memref<1x128x64xf32, #tpu.memory_space<vmem>> -> memref<128x64xf32, #tpu.memory_space<vmem>>
      tpu.wait_dma2 semaphore(%run_scoped3A_47 : memref<!tpu.dma_semaphore, #tpu.memory_space<semaphore_mem>>) src(%dma_wait3A_69 : memref<128x64xf32, #tpu.memory_space<vmem>>) dst(%dma_wait3A_65 : memref<128x64xf32, #tpu.memory_space<vmem_shared>>)
      tpu.yield
    }) : () -> ()
    %mul3A_9 = arith.constant 640 : i32
    %mul3A_10 = arith.muli %arg1, %mul3A_9 : i32
    %add3A_11 = arith.constant 128 : i32
    %add3A_12 = arith.addi %mul3A_10, %add3A_11 : i32
    %run_scoped3A_13 = arith.constant 0 : i32
    "tpu.region"() ({
      %run_scoped3A_47 = tpu.sem_alloc : memref<!tpu.dma_semaphore, #tpu.memory_space<semaphore_mem>>
      %dma_start3A = arith.constant 0 : i32
      %dma_start3A_48 = arith.constant 0 : i32
      %dma_start3A_49 = tpu.memref_slice %arg8[%run_scoped3A_13, %dma_start3A, %dma_start3A_48] : memref<4x128x64xf32, #tpu.memory_space<vmem>> -> memref<1x128x64xf32, #tpu.memory_space<vmem>>
      %dma_start3A_50 = tpu.memref_squeeze %dma_start3A_49 : memref<1x128x64xf32, #tpu.memory_space<vmem>> -> memref<128x64xf32, #tpu.memory_space<vmem>>
      %dma_start3A_51 = arith.constant 0 : i32
      %dma_start3A_52 = tpu.memref_slice %arg10[%add3A_12, %dma_start3A_51] : memref<10240x64xf32, #tpu.memory_space<vmem_shared>> -> memref<128x64xf32, #tpu.memory_space<vmem_shared>>
      %dma_start3A_53 = arith.constant 0 : i32
      %dma_start3A_54 = tpu.memref_slice %arg10[%add3A_12, %dma_start3A_53] : memref<10240x64xf32, #tpu.memory_space<vmem_shared>> -> memref<128x64xf32, #tpu.memory_space<vmem_shared>>
      %dma_start3A_55 = arith.constant 0 : i32
      %dma_start3A_56 = arith.constant 0 : i32
      %dma_start3A_57 = tpu.memref_slice %arg8[%run_scoped3A_13, %dma_start3A_55, %dma_start3A_56] : memref<4x128x64xf32, #tpu.memory_space<vmem>> -> memref<1x128x64xf32, #tpu.memory_space<vmem>>
      %dma_start3A_58 = tpu.memref_squeeze %dma_start3A_57 : memref<1x128x64xf32, #tpu.memory_space<vmem>> -> memref<128x64xf32, #tpu.memory_space<vmem>>
      tpu.enqueue_dma source(%dma_start3A_58 : memref<128x64xf32, #tpu.memory_space<vmem>>) target(%dma_start3A_54 : memref<128x64xf32, #tpu.memory_space<vmem_shared>>) target_semaphore(%run_scoped3A_47 : memref<!tpu.dma_semaphore, #tpu.memory_space<semaphore_mem>>)
      %dma_wait3A = arith.constant 0 : i32
      %dma_wait3A_59 = arith.constant 0 : i32
      %dma_wait3A_60 = tpu.memref_slice %arg8[%run_scoped3A_13, %dma_wait3A, %dma_wait3A_59] : memref<4x128x64xf32, #tpu.memory_space<vmem>> -> memref<1x128x64xf32, #tpu.memory_space<vmem>>
      %dma_wait3A_61 = tpu.memref_squeeze %dma_wait3A_60 : memref<1x128x64xf32, #tpu.memory_space<vmem>> -> memref<128x64xf32, #tpu.memory_space<vmem>>
      %dma_wait3A_62 = arith.constant 0 : i32
      %dma_wait3A_63 = tpu.memref_slice %arg10[%add3A_12, %dma_wait3A_62] : memref<10240x64xf32, #tpu.memory_space<vmem_shared>> -> memref<128x64xf32, #tpu.memory_space<vmem_shared>>
      %dma_wait3A_64 = arith.constant 0 : i32
      %dma_wait3A_65 = tpu.memref_slice %arg10[%add3A_12, %dma_wait3A_64] : memref<10240x64xf32, #tpu.memory_space<vmem_shared>> -> memref<128x64xf32, #tpu.memory_space<vmem_shared>>
      %dma_wait3A_66 = arith.constant 0 : i32
      %dma_wait3A_67 = arith.constant 0 : i32
      %dma_wait3A_68 = tpu.memref_slice %arg8[%run_scoped3A_13, %dma_wait3A_66, %dma_wait3A_67] : memref<4x128x64xf32, #tpu.memory_space<vmem>> -> memref<1x128x64xf32, #tpu.memory_space<vmem>>
      %dma_wait3A_69 = tpu.memref_squeeze %dma_wait3A_68 : memref<1x128x64xf32, #tpu.memory_space<vmem>> -> memref<128x64xf32, #tpu.memory_space<vmem>>
      tpu.wait_dma2 semaphore(%run_scoped3A_47 : memref<!tpu.dma_semaphore, #tpu.memory_space<semaphore_mem>>) src(%dma_wait3A_69 : memref<128x64xf32, #tpu.memory_space<vmem>>) dst(%dma_wait3A_65 : memref<128x64xf32, #tpu.memory_space<vmem_shared>>)
      tpu.yield
    }) : () -> ()
    %mul3A_14 = arith.constant 640 : i32
    %mul3A_15 = arith.muli %arg1, %mul3A_14 : i32
    %add3A_16 = arith.constant 256 : i32
    %add3A_17 = arith.addi %mul3A_15, %add3A_16 : i32
    %run_scoped3A_18 = arith.constant 0 : i32
    "tpu.region"() ({
      %run_scoped3A_47 = tpu.sem_alloc : memref<!tpu.dma_semaphore, #tpu.memory_space<semaphore_mem>>
      %dma_start3A = arith.constant 0 : i32
      %dma_start3A_48 = arith.constant 0 : i32
      %dma_start3A_49 = tpu.memref_slice %arg8[%run_scoped3A_18, %dma_start3A, %dma_start3A_48] : memref<4x128x64xf32, #tpu.memory_space<vmem>> -> memref<1x128x64xf32, #tpu.memory_space<vmem>>
      %dma_start3A_50 = tpu.memref_squeeze %dma_start3A_49 : memref<1x128x64xf32, #tpu.memory_space<vmem>> -> memref<128x64xf32, #tpu.memory_space<vmem>>
      %dma_start3A_51 = arith.constant 0 : i32
      %dma_start3A_52 = tpu.memref_slice %arg10[%add3A_17, %dma_start3A_51] : memref<10240x64xf32, #tpu.memory_space<vmem_shared>> -> memref<128x64xf32, #tpu.memory_space<vmem_shared>>
      %dma_start3A_53 = arith.constant 0 : i32
      %dma_start3A_54 = tpu.memref_slice %arg10[%add3A_17, %dma_start3A_53] : memref<10240x64xf32, #tpu.memory_space<vmem_shared>> -> memref<128x64xf32, #tpu.memory_space<vmem_shared>>
      %dma_start3A_55 = arith.constant 0 : i32
      %dma_start3A_56 = arith.constant 0 : i32
      %dma_start3A_57 = tpu.memref_slice %arg8[%run_scoped3A_18, %dma_start3A_55, %dma_start3A_56] : memref<4x128x64xf32, #tpu.memory_space<vmem>> -> memref<1x128x64xf32, #tpu.memory_space<vmem>>
      %dma_start3A_58 = tpu.memref_squeeze %dma_start3A_57 : memref<1x128x64xf32, #tpu.memory_space<vmem>> -> memref<128x64xf32, #tpu.memory_space<vmem>>
      tpu.enqueue_dma source(%dma_start3A_58 : memref<128x64xf32, #tpu.memory_space<vmem>>) target(%dma_start3A_54 : memref<128x64xf32, #tpu.memory_space<vmem_shared>>) target_semaphore(%run_scoped3A_47 : memref<!tpu.dma_semaphore, #tpu.memory_space<semaphore_mem>>)
      %dma_wait3A = arith.constant 0 : i32
      %dma_wait3A_59 = arith.constant 0 : i32
      %dma_wait3A_60 = tpu.memref_slice %arg8[%run_scoped3A_18, %dma_wait3A, %dma_wait3A_59] : memref<4x128x64xf32, #tpu.memory_space<vmem>> -> memref<1x128x64xf32, #tpu.memory_space<vmem>>
      %dma_wait3A_61 = tpu.memref_squeeze %dma_wait3A_60 : memref<1x128x64xf32, #tpu.memory_space<vmem>> -> memref<128x64xf32, #tpu.memory_space<vmem>>
      %dma_wait3A_62 = arith.constant 0 : i32
      %dma_wait3A_63 = tpu.memref_slice %arg10[%add3A_17, %dma_wait3A_62] : memref<10240x64xf32, #tpu.memory_space<vmem_shared>> -> memref<128x64xf32, #tpu.memory_space<vmem_shared>>
      %dma_wait3A_64 = arith.constant 0 : i32
      %dma_wait3A_65 = tpu.memref_slice %arg10[%add3A_17, %dma_wait3A_64] : memref<10240x64xf32, #tpu.memory_space<vmem_shared>> -> memref<128x64xf32, #tpu.memory_space<vmem_shared>>
      %dma_wait3A_66 = arith.constant 0 : i32
      %dma_wait3A_67 = arith.constant 0 : i32
      %dma_wait3A_68 = tpu.memref_slice %arg8[%run_scoped3A_18, %dma_wait3A_66, %dma_wait3A_67] : memref<4x128x64xf32, #tpu.memory_space<vmem>> -> memref<1x128x64xf32, #tpu.memory_space<vmem>>
      %dma_wait3A_69 = tpu.memref_squeeze %dma_wait3A_68 : memref<1x128x64xf32, #tpu.memory_space<vmem>> -> memref<128x64xf32, #tpu.memory_space<vmem>>
      tpu.wait_dma2 semaphore(%run_scoped3A_47 : memref<!tpu.dma_semaphore, #tpu.memory_space<semaphore_mem>>) src(%dma_wait3A_69 : memref<128x64xf32, #tpu.memory_space<vmem>>) dst(%dma_wait3A_65 : memref<128x64xf32, #tpu.memory_space<vmem_shared>>)
      tpu.yield
    }) : () -> ()
    %mul3A_19 = arith.constant 640 : i32
    %mul3A_20 = arith.muli %arg1, %mul3A_19 : i32
    %add3A_21 = arith.constant 384 : i32
    %add3A_22 = arith.addi %mul3A_20, %add3A_21 : i32
    %run_scoped3A_23 = arith.constant 0 : i32
    "tpu.region"() ({
      %run_scoped3A_47 = tpu.sem_alloc : memref<!tpu.dma_semaphore, #tpu.memory_space<semaphore_mem>>
      %dma_start3A = arith.constant 0 : i32
      %dma_start3A_48 = arith.constant 0 : i32
      %dma_start3A_49 = tpu.memref_slice %arg8[%run_scoped3A_23, %dma_start3A, %dma_start3A_48] : memref<4x128x64xf32, #tpu.memory_space<vmem>> -> memref<1x128x64xf32, #tpu.memory_space<vmem>>
      %dma_start3A_50 = tpu.memref_squeeze %dma_start3A_49 : memref<1x128x64xf32, #tpu.memory_space<vmem>> -> memref<128x64xf32, #tpu.memory_space<vmem>>
      %dma_start3A_51 = arith.constant 0 : i32
      %dma_start3A_52 = tpu.memref_slice %arg10[%add3A_22, %dma_start3A_51] : memref<10240x64xf32, #tpu.memory_space<vmem_shared>> -> memref<128x64xf32, #tpu.memory_space<vmem_shared>>
      %dma_start3A_53 = arith.constant 0 : i32
      %dma_start3A_54 = tpu.memref_slice %arg10[%add3A_22, %dma_start3A_53] : memref<10240x64xf32, #tpu.memory_space<vmem_shared>> -> memref<128x64xf32, #tpu.memory_space<vmem_shared>>
      %dma_start3A_55 = arith.constant 0 : i32
      %dma_start3A_56 = arith.constant 0 : i32
      %dma_start3A_57 = tpu.memref_slice %arg8[%run_scoped3A_23, %dma_start3A_55, %dma_start3A_56] : memref<4x128x64xf32, #tpu.memory_space<vmem>> -> memref<1x128x64xf32, #tpu.memory_space<vmem>>
      %dma_start3A_58 = tpu.memref_squeeze %dma_start3A_57 : memref<1x128x64xf32, #tpu.memory_space<vmem>> -> memref<128x64xf32, #tpu.memory_space<vmem>>
      tpu.enqueue_dma source(%dma_start3A_58 : memref<128x64xf32, #tpu.memory_space<vmem>>) target(%dma_start3A_54 : memref<128x64xf32, #tpu.memory_space<vmem_shared>>) target_semaphore(%run_scoped3A_47 : memref<!tpu.dma_semaphore, #tpu.memory_space<semaphore_mem>>)
      %dma_wait3A = arith.constant 0 : i32
      %dma_wait3A_59 = arith.constant 0 : i32
      %dma_wait3A_60 = tpu.memref_slice %arg8[%run_scoped3A_23, %dma_wait3A, %dma_wait3A_59] : memref<4x128x64xf32, #tpu.memory_space<vmem>> -> memref<1x128x64xf32, #tpu.memory_space<vmem>>
      %dma_wait3A_61 = tpu.memref_squeeze %dma_wait3A_60 : memref<1x128x64xf32, #tpu.memory_space<vmem>> -> memref<128x64xf32, #tpu.memory_space<vmem>>
      %dma_wait3A_62 = arith.constant 0 : i32
      %dma_wait3A_63 = tpu.memref_slice %arg10[%add3A_22, %dma_wait3A_62] : memref<10240x64xf32, #tpu.memory_space<vmem_shared>> -> memref<128x64xf32, #tpu.memory_space<vmem_shared>>
      %dma_wait3A_64 = arith.constant 0 : i32
      %dma_wait3A_65 = tpu.memref_slice %arg10[%add3A_22, %dma_wait3A_64] : memref<10240x64xf32, #tpu.memory_space<vmem_shared>> -> memref<128x64xf32, #tpu.memory_space<vmem_shared>>
      %dma_wait3A_66 = arith.constant 0 : i32
      %dma_wait3A_67 = arith.constant 0 : i32
      %dma_wait3A_68 = tpu.memref_slice %arg8[%run_scoped3A_23, %dma_wait3A_66, %dma_wait3A_67] : memref<4x128x64xf32, #tpu.memory_space<vmem>> -> memref<1x128x64xf32, #tpu.memory_space<vmem>>
      %dma_wait3A_69 = tpu.memref_squeeze %dma_wait3A_68 : memref<1x128x64xf32, #tpu.memory_space<vmem>> -> memref<128x64xf32, #tpu.memory_space<vmem>>
      tpu.wait_dma2 semaphore(%run_scoped3A_47 : memref<!tpu.dma_semaphore, #tpu.memory_space<semaphore_mem>>) src(%dma_wait3A_69 : memref<128x64xf32, #tpu.memory_space<vmem>>) dst(%dma_wait3A_65 : memref<128x64xf32, #tpu.memory_space<vmem_shared>>)
      tpu.yield
    }) : () -> ()
    %mul3A_24 = arith.constant 640 : i32
    %mul3A_25 = arith.muli %arg1, %mul3A_24 : i32
    %add3A_26 = arith.constant 512 : i32
    %add3A_27 = arith.addi %mul3A_25, %add3A_26 : i32
    %run_scoped3A_28 = arith.constant 0 : i32
    "tpu.region"() ({
      %run_scoped3A_47 = tpu.sem_alloc : memref<!tpu.dma_semaphore, #tpu.memory_space<semaphore_mem>>
      %dma_start3A = arith.constant 0 : i32
      %dma_start3A_48 = arith.constant 0 : i32
      %dma_start3A_49 = tpu.memref_slice %arg8[%run_scoped3A_28, %dma_start3A, %dma_start3A_48] : memref<4x128x64xf32, #tpu.memory_space<vmem>> -> memref<1x128x64xf32, #tpu.memory_space<vmem>>
      %dma_start3A_50 = tpu.memref_squeeze %dma_start3A_49 : memref<1x128x64xf32, #tpu.memory_space<vmem>> -> memref<128x64xf32, #tpu.memory_space<vmem>>
      %dma_start3A_51 = arith.constant 0 : i32
      %dma_start3A_52 = tpu.memref_slice %arg10[%add3A_27, %dma_start3A_51] : memref<10240x64xf32, #tpu.memory_space<vmem_shared>> -> memref<128x64xf32, #tpu.memory_space<vmem_shared>>
      %dma_start3A_53 = arith.constant 0 : i32
      %dma_start3A_54 = tpu.memref_slice %arg10[%add3A_27, %dma_start3A_53] : memref<10240x64xf32, #tpu.memory_space<vmem_shared>> -> memref<128x64xf32, #tpu.memory_space<vmem_shared>>
      %dma_start3A_55 = arith.constant 0 : i32
      %dma_start3A_56 = arith.constant 0 : i32
      %dma_start3A_57 = tpu.memref_slice %arg8[%run_scoped3A_28, %dma_start3A_55, %dma_start3A_56] : memref<4x128x64xf32, #tpu.memory_space<vmem>> -> memref<1x128x64xf32, #tpu.memory_space<vmem>>
      %dma_start3A_58 = tpu.memref_squeeze %dma_start3A_57 : memref<1x128x64xf32, #tpu.memory_space<vmem>> -> memref<128x64xf32, #tpu.memory_space<vmem>>
      tpu.enqueue_dma source(%dma_start3A_58 : memref<128x64xf32, #tpu.memory_space<vmem>>) target(%dma_start3A_54 : memref<128x64xf32, #tpu.memory_space<vmem_shared>>) target_semaphore(%run_scoped3A_47 : memref<!tpu.dma_semaphore, #tpu.memory_space<semaphore_mem>>)
      %dma_wait3A = arith.constant 0 : i32
      %dma_wait3A_59 = arith.constant 0 : i32
      %dma_wait3A_60 = tpu.memref_slice %arg8[%run_scoped3A_28, %dma_wait3A, %dma_wait3A_59] : memref<4x128x64xf32, #tpu.memory_space<vmem>> -> memref<1x128x64xf32, #tpu.memory_space<vmem>>
      %dma_wait3A_61 = tpu.memref_squeeze %dma_wait3A_60 : memref<1x128x64xf32, #tpu.memory_space<vmem>> -> memref<128x64xf32, #tpu.memory_space<vmem>>
      %dma_wait3A_62 = arith.constant 0 : i32
      %dma_wait3A_63 = tpu.memref_slice %arg10[%add3A_27, %dma_wait3A_62] : memref<10240x64xf32, #tpu.memory_space<vmem_shared>> -> memref<128x64xf32, #tpu.memory_space<vmem_shared>>
      %dma_wait3A_64 = arith.constant 0 : i32
      %dma_wait3A_65 = tpu.memref_slice %arg10[%add3A_27, %dma_wait3A_64] : memref<10240x64xf32, #tpu.memory_space<vmem_shared>> -> memref<128x64xf32, #tpu.memory_space<vmem_shared>>
      %dma_wait3A_66 = arith.constant 0 : i32
      %dma_wait3A_67 = arith.constant 0 : i32
      %dma_wait3A_68 = tpu.memref_slice %arg8[%run_scoped3A_28, %dma_wait3A_66, %dma_wait3A_67] : memref<4x128x64xf32, #tpu.memory_space<vmem>> -> memref<1x128x64xf32, #tpu.memory_space<vmem>>
      %dma_wait3A_69 = tpu.memref_squeeze %dma_wait3A_68 : memref<1x128x64xf32, #tpu.memory_space<vmem>> -> memref<128x64xf32, #tpu.memory_space<vmem>>
      tpu.wait_dma2 semaphore(%run_scoped3A_47 : memref<!tpu.dma_semaphore, #tpu.memory_space<semaphore_mem>>) src(%dma_wait3A_69 : memref<128x64xf32, #tpu.memory_space<vmem>>) dst(%dma_wait3A_65 : memref<128x64xf32, #tpu.memory_space<vmem_shared>>)
      tpu.yield
    }) : () -> ()
    %mul3A_29 = arith.constant 640 : i32
    %mul3A_30 = arith.muli %arg1, %mul3A_29 : i32
    %mul3A_31 = arith.constant 640 : i32
    %mul3A_32 = arith.muli %arg1, %mul3A_31 : i32
    "tpu.region"() ({
      %run_scoped3A_47 = tpu.sem_alloc : memref<!tpu.dma_semaphore, #tpu.memory_space<semaphore_mem>>
      %dma_start3A = arith.constant 0 : i32
      %dma_start3A_48 = tpu.memref_slice %arg11[%mul3A_32, %dma_start3A] : memref<10240x32xi32, #tpu.memory_space<vmem_shared>> -> memref<640x32xi32, #tpu.memory_space<vmem_shared>>
      %dma_start3A_49 = arith.constant 0 : i32
      %dma_start3A_50 = tpu.memref_slice %arg2[%mul3A_30, %dma_start3A_49] : memref<10240x32xi32, #tpu.memory_space<hbm>> -> memref<640x32xi32, #tpu.memory_space<hbm>>
      tpu.enqueue_dma source(%dma_start3A_50 : memref<640x32xi32, #tpu.memory_space<hbm>>) target(%dma_start3A_48 : memref<640x32xi32, #tpu.memory_space<vmem_shared>>) target_semaphore(%run_scoped3A_47 : memref<!tpu.dma_semaphore, #tpu.memory_space<semaphore_mem>>)
      %dma_wait3A = arith.constant 0 : i32
      %dma_wait3A_51 = tpu.memref_slice %arg11[%mul3A_32, %dma_wait3A] : memref<10240x32xi32, #tpu.memory_space<vmem_shared>> -> memref<640x32xi32, #tpu.memory_space<vmem_shared>>
      %dma_wait3A_52 = arith.constant 0 : i32
      %dma_wait3A_53 = tpu.memref_slice %arg2[%mul3A_30, %dma_wait3A_52] : memref<10240x32xi32, #tpu.memory_space<hbm>> -> memref<640x32xi32, #tpu.memory_space<hbm>>
      tpu.wait_dma2 semaphore(%run_scoped3A_47 : memref<!tpu.dma_semaphore, #tpu.memory_space<semaphore_mem>>) src(%dma_wait3A_53 : memref<640x32xi32, #tpu.memory_space<hbm>>) dst(%dma_wait3A_51 : memref<640x32xi32, #tpu.memory_space<vmem_shared>>)
      tpu.yield
    }) : () -> ()
    %barrier3A = arith.constant 0 : index
    tpu.barrier barrier_id(%barrier3A)
    %broadcast_in_dim3A_33 = arith.constant -65536 : i32
    %broadcast_in_dim3A_34 = vector.broadcast %broadcast_in_dim3A_33 : i32 to vector<16xi32>
    %eq3A = arith.constant 0 : i32
    %eq3A_35 = arith.cmpi eq, %arg0, %eq3A : i32
    %convert_element_type3A = arith.extui %eq3A_35 : i1 to i32
    %cond3A = arith.constant 0 : i32
    %cond3A_36 = arith.cmpi ne, %convert_element_type3A, %cond3A : i32
    scf.if %cond3A_36 {
      %mul3A_47 = arith.constant 80 : i32
      %mul3A_48 = arith.muli %arg1, %mul3A_47 : i32
      "tpu.region"() ({
        %run_scoped3A_274 = tpu.sem_alloc : memref<!tpu.dma_semaphore, #tpu.memory_space<semaphore_mem>>
        %dma_start3A_275 = arith.constant 0 : i32
        %dma_start3A_276 = arith.constant 0 : i32
        %dma_start3A_277 = tpu.memref_slice %arg6[%dma_start3A_275, %dma_start3A_276] : memref<80x128xi32, #tpu.memory_space<vmem>> -> memref<80x128xi32, #tpu.memory_space<vmem>>
        %dma_start3A_278 = arith.constant 0 : i32
        %dma_start3A_279 = tpu.memref_slice %arg3[%mul3A_48, %dma_start3A_278] : memref<2560x128xi32, #tpu.memory_space<hbm>> -> memref<80x128xi32, #tpu.memory_space<hbm>>
        %dma_start3A_280 = arith.constant 0 : i32
        %dma_start3A_281 = arith.constant 0 : i32
        %dma_start3A_282 = tpu.memref_slice %arg6[%dma_start3A_280, %dma_start3A_281] : memref<80x128xi32, #tpu.memory_space<vmem>> -> memref<80x128xi32, #tpu.memory_space<vmem>>
        %dma_start3A_283 = arith.constant 0 : i32
        %dma_start3A_284 = tpu.memref_slice %arg3[%mul3A_48, %dma_start3A_283] : memref<2560x128xi32, #tpu.memory_space<hbm>> -> memref<80x128xi32, #tpu.memory_space<hbm>>
        tpu.enqueue_dma source(%dma_start3A_284 : memref<80x128xi32, #tpu.memory_space<hbm>>) target(%dma_start3A_282 : memref<80x128xi32, #tpu.memory_space<vmem>>) target_semaphore(%run_scoped3A_274 : memref<!tpu.dma_semaphore, #tpu.memory_space<semaphore_mem>>)
        %dma_wait3A_285 = arith.constant 0 : i32
        %dma_wait3A_286 = arith.constant 0 : i32
        %dma_wait3A_287 = tpu.memref_slice %arg6[%dma_wait3A_285, %dma_wait3A_286] : memref<80x128xi32, #tpu.memory_space<vmem>> -> memref<80x128xi32, #tpu.memory_space<vmem>>
        %dma_wait3A_288 = arith.constant 0 : i32
        %dma_wait3A_289 = tpu.memref_slice %arg3[%mul3A_48, %dma_wait3A_288] : memref<2560x128xi32, #tpu.memory_space<hbm>> -> memref<80x128xi32, #tpu.memory_space<hbm>>
        %dma_wait3A_290 = arith.constant 0 : i32
        %dma_wait3A_291 = arith.constant 0 : i32
        %dma_wait3A_292 = tpu.memref_slice %arg6[%dma_wait3A_290, %dma_wait3A_291] : memref<80x128xi32, #tpu.memory_space<vmem>> -> memref<80x128xi32, #tpu.memory_space<vmem>>
        %dma_wait3A_293 = arith.constant 0 : i32
        %dma_wait3A_294 = tpu.memref_slice %arg3[%mul3A_48, %dma_wait3A_293] : memref<2560x128xi32, #tpu.memory_space<hbm>> -> memref<80x128xi32, #tpu.memory_space<hbm>>
        tpu.wait_dma2 semaphore(%run_scoped3A_274 : memref<!tpu.dma_semaphore, #tpu.memory_space<semaphore_mem>>) src(%dma_wait3A_294 : memref<80x128xi32, #tpu.memory_space<hbm>>) dst(%dma_wait3A_292 : memref<80x128xi32, #tpu.memory_space<vmem>>)
        tpu.yield
      }) : () -> ()
      "tpu.region"() ({
        %run_scoped3A_274 = tpu.sem_alloc : memref<!tpu.dma_semaphore, #tpu.memory_space<semaphore_mem>>
        %dma_start3A_275 = arith.constant 0 : i32
        %dma_start3A_276 = arith.constant 0 : i32
        %dma_start3A_277 = tpu.memref_slice %arg7[%dma_start3A_275, %dma_start3A_276] : memref<80x128xi32, #tpu.memory_space<vmem>> -> memref<80x128xi32, #tpu.memory_space<vmem>>
        %dma_start3A_278 = arith.constant 0 : i32
        %dma_start3A_279 = tpu.memref_slice %arg4[%mul3A_48, %dma_start3A_278] : memref<2560x128xi32, #tpu.memory_space<hbm>> -> memref<80x128xi32, #tpu.memory_space<hbm>>
        %dma_start3A_280 = arith.constant 0 : i32
        %dma_start3A_281 = arith.constant 0 : i32
        %dma_start3A_282 = tpu.memref_slice %arg7[%dma_start3A_280, %dma_start3A_281] : memref<80x128xi32, #tpu.memory_space<vmem>> -> memref<80x128xi32, #tpu.memory_space<vmem>>
        %dma_start3A_283 = arith.constant 0 : i32
        %dma_start3A_284 = tpu.memref_slice %arg4[%mul3A_48, %dma_start3A_283] : memref<2560x128xi32, #tpu.memory_space<hbm>> -> memref<80x128xi32, #tpu.memory_space<hbm>>
        tpu.enqueue_dma source(%dma_start3A_284 : memref<80x128xi32, #tpu.memory_space<hbm>>) target(%dma_start3A_282 : memref<80x128xi32, #tpu.memory_space<vmem>>) target_semaphore(%run_scoped3A_274 : memref<!tpu.dma_semaphore, #tpu.memory_space<semaphore_mem>>)
        %dma_wait3A_285 = arith.constant 0 : i32
        %dma_wait3A_286 = arith.constant 0 : i32
        %dma_wait3A_287 = tpu.memref_slice %arg7[%dma_wait3A_285, %dma_wait3A_286] : memref<80x128xi32, #tpu.memory_space<vmem>> -> memref<80x128xi32, #tpu.memory_space<vmem>>
        %dma_wait3A_288 = arith.constant 0 : i32
        %dma_wait3A_289 = tpu.memref_slice %arg4[%mul3A_48, %dma_wait3A_288] : memref<2560x128xi32, #tpu.memory_space<hbm>> -> memref<80x128xi32, #tpu.memory_space<hbm>>
        %dma_wait3A_290 = arith.constant 0 : i32
        %dma_wait3A_291 = arith.constant 0 : i32
        %dma_wait3A_292 = tpu.memref_slice %arg7[%dma_wait3A_290, %dma_wait3A_291] : memref<80x128xi32, #tpu.memory_space<vmem>> -> memref<80x128xi32, #tpu.memory_space<vmem>>
        %dma_wait3A_293 = arith.constant 0 : i32
        %dma_wait3A_294 = tpu.memref_slice %arg4[%mul3A_48, %dma_wait3A_293] : memref<2560x128xi32, #tpu.memory_space<hbm>> -> memref<80x128xi32, #tpu.memory_space<hbm>>
        tpu.wait_dma2 semaphore(%run_scoped3A_274 : memref<!tpu.dma_semaphore, #tpu.memory_space<semaphore_mem>>) src(%dma_wait3A_294 : memref<80x128xi32, #tpu.memory_space<hbm>>) dst(%dma_wait3A_292 : memref<80x128xi32, #tpu.memory_space<vmem>>)
        tpu.yield
      }) : () -> ()
      %dma_start3A = arith.constant 0 : i32
      %dma_start3A_49 = arith.constant 0 : i32
      %dma_start3A_50 = arith.constant 0 : i32
      %dma_start3A_51 = arith.constant 0 : i32
      %dma_start3A_52 = tpu.memref_slice %arg9[%dma_start3A_49, %dma_start3A_50, %dma_start3A_51] : memref<4x128x32xi32, #tpu.memory_space<vmem>> -> memref<1x128x32xi32, #tpu.memory_space<vmem>>
      %dma_start3A_53 = tpu.memref_squeeze %dma_start3A_52 : memref<1x128x32xi32, #tpu.memory_space<vmem>> -> memref<128x32xi32, #tpu.memory_space<vmem>>
      %dma_start3A_54 = arith.constant 0 : i32
      %dma_start3A_55 = tpu.memref_slice %arg6[%dma_start3A, %dma_start3A_54] : memref<80x128xi32, #tpu.memory_space<vmem>> -> memref<1x128xi32, #tpu.memory_space<vmem>>
      %dma_start3A_56 = tpu.memref_squeeze %dma_start3A_55 : memref<1x128xi32, #tpu.memory_space<vmem>> -> memref<128xi32, #tpu.memory_space<vmem>>
      %dma_start3A_57 = arith.constant 0 : i32
      %dma_start3A_58 = arith.constant 0 : i32
      %dma_start3A_59 = tpu.memref_slice %arg11[%dma_start3A_57, %dma_start3A_58] : memref<10240x32xi32, #tpu.memory_space<vmem_shared>> -> memref<10240x32xi32, #tpu.memory_space<vmem_shared>>
      tpu.enqueue_indirect_dma source(%dma_start3A_59 : memref<10240x32xi32, #tpu.memory_space<vmem_shared>>) target(%dma_start3A_53 : memref<128x32xi32, #tpu.memory_space<vmem>>) offsets(%dma_start3A_56 : memref<128xi32, #tpu.memory_space<vmem>>) semaphore(%arg12 : memref<!tpu.dma_semaphore, #tpu.memory_space<semaphore_mem>>)
      %dma_start3A_60 = arith.constant 1 : i32
      %dma_start3A_61 = arith.constant 1 : i32
      %dma_start3A_62 = arith.constant 0 : i32
      %dma_start3A_63 = arith.constant 0 : i32
      %dma_start3A_64 = tpu.memref_slice %arg9[%dma_start3A_61, %dma_start3A_62, %dma_start3A_63] : memref<4x128x32xi32, #tpu.memory_space<vmem>> -> memref<1x128x32xi32, #tpu.memory_space<vmem>>
      %dma_start3A_65 = tpu.memref_squeeze %dma_start3A_64 : memref<1x128x32xi32, #tpu.memory_space<vmem>> -> memref<128x32xi32, #tpu.memory_space<vmem>>
      %dma_start3A_66 = arith.constant 0 : i32
      %dma_start3A_67 = tpu.memref_slice %arg6[%dma_start3A_60, %dma_start3A_66] : memref<80x128xi32, #tpu.memory_space<vmem>> -> memref<1x128xi32, #tpu.memory_space<vmem>>
      %dma_start3A_68 = tpu.memref_squeeze %dma_start3A_67 : memref<1x128xi32, #tpu.memory_space<vmem>> -> memref<128xi32, #tpu.memory_space<vmem>>
      %dma_start3A_69 = arith.constant 0 : i32
      %dma_start3A_70 = arith.constant 0 : i32
      %dma_start3A_71 = tpu.memref_slice %arg11[%dma_start3A_69, %dma_start3A_70] : memref<10240x32xi32, #tpu.memory_space<vmem_shared>> -> memref<10240x32xi32, #tpu.memory_space<vmem_shared>>
      tpu.enqueue_indirect_dma source(%dma_start3A_71 : memref<10240x32xi32, #tpu.memory_space<vmem_shared>>) target(%dma_start3A_65 : memref<128x32xi32, #tpu.memory_space<vmem>>) offsets(%dma_start3A_68 : memref<128xi32, #tpu.memory_space<vmem>>) semaphore(%arg13 : memref<!tpu.dma_semaphore, #tpu.memory_space<semaphore_mem>>)
      %dma_start3A_72 = arith.constant 2 : i32
      %dma_start3A_73 = arith.constant 2 : i32
      %dma_start3A_74 = arith.constant 0 : i32
      %dma_start3A_75 = arith.constant 0 : i32
      %dma_start3A_76 = tpu.memref_slice %arg9[%dma_start3A_73, %dma_start3A_74, %dma_start3A_75] : memref<4x128x32xi32, #tpu.memory_space<vmem>> -> memref<1x128x32xi32, #tpu.memory_space<vmem>>
      %dma_start3A_77 = tpu.memref_squeeze %dma_start3A_76 : memref<1x128x32xi32, #tpu.memory_space<vmem>> -> memref<128x32xi32, #tpu.memory_space<vmem>>
      %dma_start3A_78 = arith.constant 0 : i32
      %dma_start3A_79 = tpu.memref_slice %arg6[%dma_start3A_72, %dma_start3A_78] : memref<80x128xi32, #tpu.memory_space<vmem>> -> memref<1x128xi32, #tpu.memory_space<vmem>>
      %dma_start3A_80 = tpu.memref_squeeze %dma_start3A_79 : memref<1x128xi32, #tpu.memory_space<vmem>> -> memref<128xi32, #tpu.memory_space<vmem>>
      %dma_start3A_81 = arith.constant 0 : i32
      %dma_start3A_82 = arith.constant 0 : i32
      %dma_start3A_83 = tpu.memref_slice %arg11[%dma_start3A_81, %dma_start3A_82] : memref<10240x32xi32, #tpu.memory_space<vmem_shared>> -> memref<10240x32xi32, #tpu.memory_space<vmem_shared>>
      tpu.enqueue_indirect_dma source(%dma_start3A_83 : memref<10240x32xi32, #tpu.memory_space<vmem_shared>>) target(%dma_start3A_77 : memref<128x32xi32, #tpu.memory_space<vmem>>) offsets(%dma_start3A_80 : memref<128xi32, #tpu.memory_space<vmem>>) semaphore(%arg14 : memref<!tpu.dma_semaphore, #tpu.memory_space<semaphore_mem>>)
      %dma_start3A_84 = arith.constant 3 : i32
      %dma_start3A_85 = arith.constant 3 : i32
      %dma_start3A_86 = arith.constant 0 : i32
      %dma_start3A_87 = arith.constant 0 : i32
      %dma_start3A_88 = tpu.memref_slice %arg9[%dma_start3A_85, %dma_start3A_86, %dma_start3A_87] : memref<4x128x32xi32, #tpu.memory_space<vmem>> -> memref<1x128x32xi32, #tpu.memory_space<vmem>>
      %dma_start3A_89 = tpu.memref_squeeze %dma_start3A_88 : memref<1x128x32xi32, #tpu.memory_space<vmem>> -> memref<128x32xi32, #tpu.memory_space<vmem>>
      %dma_start3A_90 = arith.constant 0 : i32
      %dma_start3A_91 = tpu.memref_slice %arg6[%dma_start3A_84, %dma_start3A_90] : memref<80x128xi32, #tpu.memory_space<vmem>> -> memref<1x128xi32, #tpu.memory_space<vmem>>
      %dma_start3A_92 = tpu.memref_squeeze %dma_start3A_91 : memref<1x128xi32, #tpu.memory_space<vmem>> -> memref<128xi32, #tpu.memory_space<vmem>>
      %dma_start3A_93 = arith.constant 0 : i32
      %dma_start3A_94 = arith.constant 0 : i32
      %dma_start3A_95 = tpu.memref_slice %arg11[%dma_start3A_93, %dma_start3A_94] : memref<10240x32xi32, #tpu.memory_space<vmem_shared>> -> memref<10240x32xi32, #tpu.memory_space<vmem_shared>>
      tpu.enqueue_indirect_dma source(%dma_start3A_95 : memref<10240x32xi32, #tpu.memory_space<vmem_shared>>) target(%dma_start3A_89 : memref<128x32xi32, #tpu.memory_space<vmem>>) offsets(%dma_start3A_92 : memref<128xi32, #tpu.memory_space<vmem>>) semaphore(%arg15 : memref<!tpu.dma_semaphore, #tpu.memory_space<semaphore_mem>>)
      %scan3A_96 = arith.constant 0 : i32
      %scan3A_97 = arith.constant 0 : i32
      %scan3A_98 = arith.constant 19 : i32
      %scan3A_99 = arith.addi %scan3A_97, %scan3A_98 : i32
      %scan3A_100 = arith.constant 1 : i32
      %scan3A_101 = scf.for %scan3A_274 = %scan3A_97 to %scan3A_99 step %scan3A_100 iter_args(%scan3A_275 = %scan3A_96) -> (i32)  : i32 {
        %mul3A_276 = arith.constant 4 : i32
        %mul3A_277 = arith.muli %scan3A_274, %mul3A_276 : i32
        %add3A_278 = arith.constant 0 : i32
        %add3A_279 = arith.addi %mul3A_277, %add3A_278 : i32
        %dma_wait3A_280 = arith.constant 0 : i32
        %dma_wait3A_281 = arith.constant 0 : i32
        %dma_wait3A_282 = arith.constant 0 : i32
        %dma_wait3A_283 = tpu.memref_slice %arg9[%dma_wait3A_280, %dma_wait3A_281, %dma_wait3A_282] : memref<4x128x32xi32, #tpu.memory_space<vmem>> -> memref<1x128x32xi32, #tpu.memory_space<vmem>>
        %dma_wait3A_284 = tpu.memref_squeeze %dma_wait3A_283 : memref<1x128x32xi32, #tpu.memory_space<vmem>> -> memref<128x32xi32, #tpu.memory_space<vmem>>
        %dma_wait3A_285 = arith.constant 0 : i32
        %dma_wait3A_286 = tpu.memref_slice %arg6[%add3A_279, %dma_wait3A_285] : memref<80x128xi32, #tpu.memory_space<vmem>> -> memref<1x128xi32, #tpu.memory_space<vmem>>
        %dma_wait3A_287 = tpu.memref_squeeze %dma_wait3A_286 : memref<1x128xi32, #tpu.memory_space<vmem>> -> memref<128xi32, #tpu.memory_space<vmem>>
        %dma_wait3A_288 = arith.constant 0 : i32
        %dma_wait3A_289 = arith.constant 0 : i32
        %dma_wait3A_290 = tpu.memref_slice %arg11[%dma_wait3A_288, %dma_wait3A_289] : memref<10240x32xi32, #tpu.memory_space<vmem_shared>> -> memref<10240x32xi32, #tpu.memory_space<vmem_shared>>
        tpu.wait_indirect_dma semaphore(%arg12 : memref<!tpu.dma_semaphore, #tpu.memory_space<semaphore_mem>>) src(%dma_wait3A_290 : memref<10240x32xi32, #tpu.memory_space<vmem_shared>>) dst(%dma_wait3A_284 : memref<128x32xi32, #tpu.memory_space<vmem>>)
        %scan3A_291 = arith.constant 0 : i32
        %scan3A_292 = arith.constant 0 : i32
        %scan3A_293 = arith.constant 128 : i32
        %scan3A_294 = arith.addi %scan3A_292, %scan3A_293 : i32
        %scan3A_295 = arith.constant 1 : i32
        %scan3A_296 = scf.for %scan3A_523 = %scan3A_292 to %scan3A_294 step %scan3A_295 iter_args(%scan3A_524 = %scan3A_291) -> (i32)  : i32 {
          %get3A = arith.constant 0 : i32
          %get3A_525 = arith.index_cast %get3A : i32 to index
          %get3A_526 = arith.index_cast %scan3A_523 : i32 to index
          %get3A_527 = arith.constant 0 : index
          %get3A_528 = tpu.vector_load %arg9[%get3A_525, %get3A_526, %get3A_527] {strides = array<i32>} : memref<4x128x32xi32, #tpu.memory_space<vmem>>, vector<1x1x16xi32>,
          %get3A_529 = vector.shape_cast %get3A_528 : vector<1x1x16xi32> to vector<16xi32>
          %shift_left3A = arith.constant 16 : i32
          %shift_left3A_530 = vector.broadcast %shift_left3A : i32 to vector<16xi32>
          %shift_left3A_531 = arith.shli %get3A_529, %shift_left3A_530 : vector<16xi32>
          %bitcast_convert_type3A = tpu.bitcast %shift_left3A_531 : vector<16xi32> -> vector<16xf32>
          %and3A = arith.andi %get3A_529, %broadcast_in_dim3A_34 : vector<16xi32>
          %bitcast_convert_type3A_532 = tpu.bitcast %and3A : vector<16xi32> -> vector<16xf32>
          %swap3A = arith.constant 0 : i32
          %swap3A_533 = arith.index_cast %swap3A : i32 to index
          %swap3A_534 = arith.index_cast %scan3A_523 : i32 to index
          %swap3A_535 = arith.constant 0 : index
          %swap3A_536 = tpu.vector_load %arg8[%swap3A_533, %swap3A_534, %swap3A_535] {strides = array<i32>} : memref<4x128x64xf32, #tpu.memory_space<vmem>>, vector<1x1x16xf32>,
          %swap3A_537 = vector.shape_cast %swap3A_536 : vector<1x1x16xf32> to vector<16xf32>
          %swap3A_538 = vector.shape_cast %bitcast_convert_type3A : vector<16xf32> to vector<1x1x16xf32>
          tpu.vector_store %arg8[%swap3A_533, %swap3A_534, %swap3A_535], %swap3A_538 {strides = array<i32>} : memref<4x128x64xf32, #tpu.memory_space<vmem>>, vector<1x1x16xf32>,
          %swap3A_539 = arith.constant 0 : i32
          %swap3A_540 = arith.index_cast %swap3A_539 : i32 to index
          %swap3A_541 = arith.index_cast %scan3A_523 : i32 to index
          %swap3A_542 = arith.constant 16 : index
          %swap3A_543 = tpu.vector_load %arg8[%swap3A_540, %swap3A_541, %swap3A_542] {strides = array<i32>} : memref<4x128x64xf32, #tpu.memory_space<vmem>>, vector<1x1x16xf32>,
          %swap3A_544 = vector.shape_cast %swap3A_543 : vector<1x1x16xf32> to vector<16xf32>
          %swap3A_545 = vector.shape_cast %bitcast_convert_type3A_532 : vector<16xf32> to vector<1x1x16xf32>
          tpu.vector_store %arg8[%swap3A_540, %swap3A_541, %swap3A_542], %swap3A_545 {strides = array<i32>} : memref<4x128x64xf32, #tpu.memory_space<vmem>>, vector<1x1x16xf32>,
          %get3A_546 = arith.constant 0 : i32
          %get3A_547 = arith.index_cast %get3A_546 : i32 to index
          %get3A_548 = arith.index_cast %scan3A_523 : i32 to index
          %get3A_549 = arith.constant 16 : index
          %get3A_550 = tpu.vector_load %arg9[%get3A_547, %get3A_548, %get3A_549] {strides = array<i32>} : memref<4x128x32xi32, #tpu.memory_space<vmem>>, vector<1x1x16xi32>,
          %get3A_551 = vector.shape_cast %get3A_550 : vector<1x1x16xi32> to vector<16xi32>
          %shift_left3A_552 = arith.constant 16 : i32
          %shift_left3A_553 = vector.broadcast %shift_left3A_552 : i32 to vector<16xi32>
          %shift_left3A_554 = arith.shli %get3A_551, %shift_left3A_553 : vector<16xi32>
          %bitcast_convert_type3A_555 = tpu.bitcast %shift_left3A_554 : vector<16xi32> -> vector<16xf32>
          %and3A_556 = arith.andi %get3A_551, %broadcast_in_dim3A_34 : vector<16xi32>
          %bitcast_convert_type3A_557 = tpu.bitcast %and3A_556 : vector<16xi32> -> vector<16xf32>
          %swap3A_558 = arith.constant 0 : i32
          %swap3A_559 = arith.index_cast %swap3A_558 : i32 to index
          %swap3A_560 = arith.index_cast %scan3A_523 : i32 to index
          %swap3A_561 = arith.constant 32 : index
          %swap3A_562 = tpu.vector_load %arg8[%swap3A_559, %swap3A_560, %swap3A_561] {strides = array<i32>} : memref<4x128x64xf32, #tpu.memory_space<vmem>>, vector<1x1x16xf32>,
          %swap3A_563 = vector.shape_cast %swap3A_562 : vector<1x1x16xf32> to vector<16xf32>
          %swap3A_564 = vector.shape_cast %bitcast_convert_type3A_555 : vector<16xf32> to vector<1x1x16xf32>
          tpu.vector_store %arg8[%swap3A_559, %swap3A_560, %swap3A_561], %swap3A_564 {strides = array<i32>} : memref<4x128x64xf32, #tpu.memory_space<vmem>>, vector<1x1x16xf32>,
          %swap3A_565 = arith.constant 0 : i32
          %swap3A_566 = arith.index_cast %swap3A_565 : i32 to index
          %swap3A_567 = arith.index_cast %scan3A_523 : i32 to index
          %swap3A_568 = arith.constant 48 : index
          %swap3A_569 = tpu.vector_load %arg8[%swap3A_566, %swap3A_567, %swap3A_568] {strides = array<i32>} : memref<4x128x64xf32, #tpu.memory_space<vmem>>, vector<1x1x16xf32>,
          %swap3A_570 = vector.shape_cast %swap3A_569 : vector<1x1x16xf32> to vector<16xf32>
          %swap3A_571 = vector.shape_cast %bitcast_convert_type3A_557 : vector<16xf32> to vector<1x1x16xf32>
          tpu.vector_store %arg8[%swap3A_566, %swap3A_567, %swap3A_568], %swap3A_571 {strides = array<i32>} : memref<4x128x64xf32, #tpu.memory_space<vmem>>, vector<1x1x16xf32>,
          %scan3A_572 = arith.constant 0 : i32
          scf.yield %scan3A_572 : i32
        }
        %scan3A_297 = arith.constant 128 : i32
        %add3A_298 = arith.constant 0 : i32
        %add3A_299 = arith.addi %mul3A_277, %add3A_298 : i32
        %dma_start3A_300 = arith.constant 0 : i32
        %dma_start3A_301 = arith.constant 0 : i32
        %dma_start3A_302 = arith.constant 0 : i32
        %dma_start3A_303 = tpu.memref_slice %arg8[%dma_start3A_300, %dma_start3A_301, %dma_start3A_302] : memref<4x128x64xf32, #tpu.memory_space<vmem>> -> memref<1x128x64xf32, #tpu.memory_space<vmem>>
        %dma_start3A_304 = tpu.memref_squeeze %dma_start3A_303 : memref<1x128x64xf32, #tpu.memory_space<vmem>> -> memref<128x64xf32, #tpu.memory_space<vmem>>
        %dma_start3A_305 = arith.constant 0 : i32
        %dma_start3A_306 = tpu.memref_slice %arg7[%add3A_299, %dma_start3A_305] : memref<80x128xi32, #tpu.memory_space<vmem>> -> memref<1x128xi32, #tpu.memory_space<vmem>>
        %dma_start3A_307 = tpu.memref_squeeze %dma_start3A_306 : memref<1x128xi32, #tpu.memory_space<vmem>> -> memref<128xi32, #tpu.memory_space<vmem>>
        %dma_start3A_308 = arith.constant 0 : i32
        %dma_start3A_309 = arith.constant 0 : i32
        %dma_start3A_310 = tpu.memref_slice %arg10[%dma_start3A_308, %dma_start3A_309] : memref<10240x64xf32, #tpu.memory_space<vmem_shared>> -> memref<10240x64xf32, #tpu.memory_space<vmem_shared>>
        tpu.enqueue_indirect_dma source(%dma_start3A_304 : memref<128x64xf32, #tpu.memory_space<vmem>>) target(%dma_start3A_310 : memref<10240x64xf32, #tpu.memory_space<vmem_shared>>) offsets(%dma_start3A_307 : memref<128xi32, #tpu.memory_space<vmem>>) semaphore(%arg12 : memref<!tpu.dma_semaphore, #tpu.memory_space<semaphore_mem>>) {add = true}
        %add3A_311 = arith.constant 1 : i32
        %add3A_312 = arith.addi %mul3A_277, %add3A_311 : i32
        %dma_wait3A_313 = arith.constant 1 : i32
        %dma_wait3A_314 = arith.constant 0 : i32
        %dma_wait3A_315 = arith.constant 0 : i32
        %dma_wait3A_316 = tpu.memref_slice %arg9[%dma_wait3A_313, %dma_wait3A_314, %dma_wait3A_315] : memref<4x128x32xi32, #tpu.memory_space<vmem>> -> memref<1x128x32xi32, #tpu.memory_space<vmem>>
        %dma_wait3A_317 = tpu.memref_squeeze %dma_wait3A_316 : memref<1x128x32xi32, #tpu.memory_space<vmem>> -> memref<128x32xi32, #tpu.memory_space<vmem>>
        %dma_wait3A_318 = arith.constant 0 : i32
        %dma_wait3A_319 = tpu.memref_slice %arg6[%add3A_312, %dma_wait3A_318] : memref<80x128xi32, #tpu.memory_space<vmem>> -> memref<1x128xi32, #tpu.memory_space<vmem>>
        %dma_wait3A_320 = tpu.memref_squeeze %dma_wait3A_319 : memref<1x128xi32, #tpu.memory_space<vmem>> -> memref<128xi32, #tpu.memory_space<vmem>>
        %dma_wait3A_321 = arith.constant 0 : i32
        %dma_wait3A_322 = arith.constant 0 : i32
        %dma_wait3A_323 = tpu.memref_slice %arg11[%dma_wait3A_321, %dma_wait3A_322] : memref<10240x32xi32, #tpu.memory_space<vmem_shared>> -> memref<10240x32xi32, #tpu.memory_space<vmem_shared>>
        tpu.wait_indirect_dma semaphore(%arg13 : memref<!tpu.dma_semaphore, #tpu.memory_space<semaphore_mem>>) src(%dma_wait3A_323 : memref<10240x32xi32, #tpu.memory_space<vmem_shared>>) dst(%dma_wait3A_317 : memref<128x32xi32, #tpu.memory_space<vmem>>)
        %scan3A_324 = arith.constant 0 : i32
        %scan3A_325 = arith.constant 0 : i32
        %scan3A_326 = arith.constant 128 : i32
        %scan3A_327 = arith.addi %scan3A_325, %scan3A_326 : i32
        %scan3A_328 = arith.constant 1 : i32
        %scan3A_329 = scf.for %scan3A_523 = %scan3A_325 to %scan3A_327 step %scan3A_328 iter_args(%scan3A_524 = %scan3A_324) -> (i32)  : i32 {
          %get3A = arith.constant 1 : i32
          %get3A_525 = arith.index_cast %get3A : i32 to index
          %get3A_526 = arith.index_cast %scan3A_523 : i32 to index
          %get3A_527 = arith.constant 0 : index
          %get3A_528 = tpu.vector_load %arg9[%get3A_525, %get3A_526, %get3A_527] {strides = array<i32>} : memref<4x128x32xi32, #tpu.memory_space<vmem>>, vector<1x1x16xi32>,
          %get3A_529 = vector.shape_cast %get3A_528 : vector<1x1x16xi32> to vector<16xi32>
          %shift_left3A = arith.constant 16 : i32
          %shift_left3A_530 = vector.broadcast %shift_left3A : i32 to vector<16xi32>
          %shift_left3A_531 = arith.shli %get3A_529, %shift_left3A_530 : vector<16xi32>
          %bitcast_convert_type3A = tpu.bitcast %shift_left3A_531 : vector<16xi32> -> vector<16xf32>
          %and3A = arith.andi %get3A_529, %broadcast_in_dim3A_34 : vector<16xi32>
          %bitcast_convert_type3A_532 = tpu.bitcast %and3A : vector<16xi32> -> vector<16xf32>
          %swap3A = arith.constant 1 : i32
          %swap3A_533 = arith.index_cast %swap3A : i32 to index
          %swap3A_534 = arith.index_cast %scan3A_523 : i32 to index
          %swap3A_535 = arith.constant 0 : index
          %swap3A_536 = tpu.vector_load %arg8[%swap3A_533, %swap3A_534, %swap3A_535] {strides = array<i32>} : memref<4x128x64xf32, #tpu.memory_space<vmem>>, vector<1x1x16xf32>,
          %swap3A_537 = vector.shape_cast %swap3A_536 : vector<1x1x16xf32> to vector<16xf32>
          %swap3A_538 = vector.shape_cast %bitcast_convert_type3A : vector<16xf32> to vector<1x1x16xf32>
          tpu.vector_store %arg8[%swap3A_533, %swap3A_534, %swap3A_535], %swap3A_538 {strides = array<i32>} : memref<4x128x64xf32, #tpu.memory_space<vmem>>, vector<1x1x16xf32>,
          %swap3A_539 = arith.constant 1 : i32
          %swap3A_540 = arith.index_cast %swap3A_539 : i32 to index
          %swap3A_541 = arith.index_cast %scan3A_523 : i32 to index
          %swap3A_542 = arith.constant 16 : index
          %swap3A_543 = tpu.vector_load %arg8[%swap3A_540, %swap3A_541, %swap3A_542] {strides = array<i32>} : memref<4x128x64xf32, #tpu.memory_space<vmem>>, vector<1x1x16xf32>,
          %swap3A_544 = vector.shape_cast %swap3A_543 : vector<1x1x16xf32> to vector<16xf32>
          %swap3A_545 = vector.shape_cast %bitcast_convert_type3A_532 : vector<16xf32> to vector<1x1x16xf32>
          tpu.vector_store %arg8[%swap3A_540, %swap3A_541, %swap3A_542], %swap3A_545 {strides = array<i32>} : memref<4x128x64xf32, #tpu.memory_space<vmem>>, vector<1x1x16xf32>,
          %get3A_546 = arith.constant 1 : i32
          %get3A_547 = arith.index_cast %get3A_546 : i32 to index
          %get3A_548 = arith.index_cast %scan3A_523 : i32 to index
          %get3A_549 = arith.constant 16 : index
          %get3A_550 = tpu.vector_load %arg9[%get3A_547, %get3A_548, %get3A_549] {strides = array<i32>} : memref<4x128x32xi32, #tpu.memory_space<vmem>>, vector<1x1x16xi32>,
          %get3A_551 = vector.shape_cast %get3A_550 : vector<1x1x16xi32> to vector<16xi32>
          %shift_left3A_552 = arith.constant 16 : i32
          %shift_left3A_553 = vector.broadcast %shift_left3A_552 : i32 to vector<16xi32>
          %shift_left3A_554 = arith.shli %get3A_551, %shift_left3A_553 : vector<16xi32>
          %bitcast_convert_type3A_555 = tpu.bitcast %shift_left3A_554 : vector<16xi32> -> vector<16xf32>
          %and3A_556 = arith.andi %get3A_551, %broadcast_in_dim3A_34 : vector<16xi32>
          %bitcast_convert_type3A_557 = tpu.bitcast %and3A_556 : vector<16xi32> -> vector<16xf32>
          %swap3A_558 = arith.constant 1 : i32
          %swap3A_559 = arith.index_cast %swap3A_558 : i32 to index
          %swap3A_560 = arith.index_cast %scan3A_523 : i32 to index
          %swap3A_561 = arith.constant 32 : index
          %swap3A_562 = tpu.vector_load %arg8[%swap3A_559, %swap3A_560, %swap3A_561] {strides = array<i32>} : memref<4x128x64xf32, #tpu.memory_space<vmem>>, vector<1x1x16xf32>,
          %swap3A_563 = vector.shape_cast %swap3A_562 : vector<1x1x16xf32> to vector<16xf32>
          %swap3A_564 = vector.shape_cast %bitcast_convert_type3A_555 : vector<16xf32> to vector<1x1x16xf32>
          tpu.vector_store %arg8[%swap3A_559, %swap3A_560, %swap3A_561], %swap3A_564 {strides = array<i32>} : memref<4x128x64xf32, #tpu.memory_space<vmem>>, vector<1x1x16xf32>,
          %swap3A_565 = arith.constant 1 : i32
          %swap3A_566 = arith.index_cast %swap3A_565 : i32 to index
          %swap3A_567 = arith.index_cast %scan3A_523 : i32 to index
          %swap3A_568 = arith.constant 48 : index
          %swap3A_569 = tpu.vector_load %arg8[%swap3A_566, %swap3A_567, %swap3A_568] {strides = array<i32>} : memref<4x128x64xf32, #tpu.memory_space<vmem>>, vector<1x1x16xf32>,
          %swap3A_570 = vector.shape_cast %swap3A_569 : vector<1x1x16xf32> to vector<16xf32>
          %swap3A_571 = vector.shape_cast %bitcast_convert_type3A_557 : vector<16xf32> to vector<1x1x16xf32>
          tpu.vector_store %arg8[%swap3A_566, %swap3A_567, %swap3A_568], %swap3A_571 {strides = array<i32>} : memref<4x128x64xf32, #tpu.memory_space<vmem>>, vector<1x1x16xf32>,
          %scan3A_572 = arith.constant 0 : i32
          scf.yield %scan3A_572 : i32
        }
        %scan3A_330 = arith.constant 128 : i32
        %add3A_331 = arith.constant 1 : i32
        %add3A_332 = arith.addi %mul3A_277, %add3A_331 : i32
        %dma_start3A_333 = arith.constant 1 : i32
        %dma_start3A_334 = arith.constant 0 : i32
        %dma_start3A_335 = arith.constant 0 : i32
        %dma_start3A_336 = tpu.memref_slice %arg8[%dma_start3A_333, %dma_start3A_334, %dma_start3A_335] : memref<4x128x64xf32, #tpu.memory_space<vmem>> -> memref<1x128x64xf32, #tpu.memory_space<vmem>>
        %dma_start3A_337 = tpu.memref_squeeze %dma_start3A_336 : memref<1x128x64xf32, #tpu.memory_space<vmem>> -> memref<128x64xf32, #tpu.memory_space<vmem>>
        %dma_start3A_338 = arith.constant 0 : i32
        %dma_start3A_339 = tpu.memref_slice %arg7[%add3A_332, %dma_start3A_338] : memref<80x128xi32, #tpu.memory_space<vmem>> -> memref<1x128xi32, #tpu.memory_space<vmem>>
        %dma_start3A_340 = tpu.memref_squeeze %dma_start3A_339 : memref<1x128xi32, #tpu.memory_space<vmem>> -> memref<128xi32, #tpu.memory_space<vmem>>
        %dma_start3A_341 = arith.constant 0 : i32
        %dma_start3A_342 = arith.constant 0 : i32
        %dma_start3A_343 = tpu.memref_slice %arg10[%dma_start3A_341, %dma_start3A_342] : memref<10240x64xf32, #tpu.memory_space<vmem_shared>> -> memref<10240x64xf32, #tpu.memory_space<vmem_shared>>
        tpu.enqueue_indirect_dma source(%dma_start3A_337 : memref<128x64xf32, #tpu.memory_space<vmem>>) target(%dma_start3A_343 : memref<10240x64xf32, #tpu.memory_space<vmem_shared>>) offsets(%dma_start3A_340 : memref<128xi32, #tpu.memory_space<vmem>>) semaphore(%arg13 : memref<!tpu.dma_semaphore, #tpu.memory_space<semaphore_mem>>) {add = true}
        %add3A_344 = arith.constant 2 : i32
        %add3A_345 = arith.addi %mul3A_277, %add3A_344 : i32
        %dma_wait3A_346 = arith.constant 2 : i32
        %dma_wait3A_347 = arith.constant 0 : i32
        %dma_wait3A_348 = arith.constant 0 : i32
        %dma_wait3A_349 = tpu.memref_slice %arg9[%dma_wait3A_346, %dma_wait3A_347, %dma_wait3A_348] : memref<4x128x32xi32, #tpu.memory_space<vmem>> -> memref<1x128x32xi32, #tpu.memory_space<vmem>>
        %dma_wait3A_350 = tpu.memref_squeeze %dma_wait3A_349 : memref<1x128x32xi32, #tpu.memory_space<vmem>> -> memref<128x32xi32, #tpu.memory_space<vmem>>
        %dma_wait3A_351 = arith.constant 0 : i32
        %dma_wait3A_352 = tpu.memref_slice %arg6[%add3A_345, %dma_wait3A_351] : memref<80x128xi32, #tpu.memory_space<vmem>> -> memref<1x128xi32, #tpu.memory_space<vmem>>
        %dma_wait3A_353 = tpu.memref_squeeze %dma_wait3A_352 : memref<1x128xi32, #tpu.memory_space<vmem>> -> memref<128xi32, #tpu.memory_space<vmem>>
        %dma_wait3A_354 = arith.constant 0 : i32
        %dma_wait3A_355 = arith.constant 0 : i32
        %dma_wait3A_356 = tpu.memref_slice %arg11[%dma_wait3A_354, %dma_wait3A_355] : memref<10240x32xi32, #tpu.memory_space<vmem_shared>> -> memref<10240x32xi32, #tpu.memory_space<vmem_shared>>
        tpu.wait_indirect_dma semaphore(%arg14 : memref<!tpu.dma_semaphore, #tpu.memory_space<semaphore_mem>>) src(%dma_wait3A_356 : memref<10240x32xi32, #tpu.memory_space<vmem_shared>>) dst(%dma_wait3A_350 : memref<128x32xi32, #tpu.memory_space<vmem>>)
        %scan3A_357 = arith.constant 0 : i32
        %scan3A_358 = arith.constant 0 : i32
        %scan3A_359 = arith.constant 128 : i32
        %scan3A_360 = arith.addi %scan3A_358, %scan3A_359 : i32
        %scan3A_361 = arith.constant 1 : i32
        %scan3A_362 = scf.for %scan3A_523 = %scan3A_358 to %scan3A_360 step %scan3A_361 iter_args(%scan3A_524 = %scan3A_357) -> (i32)  : i32 {
          %get3A = arith.constant 2 : i32
          %get3A_525 = arith.index_cast %get3A : i32 to index
          %get3A_526 = arith.index_cast %scan3A_523 : i32 to index
          %get3A_527 = arith.constant 0 : index
          %get3A_528 = tpu.vector_load %arg9[%get3A_525, %get3A_526, %get3A_527] {strides = array<i32>} : memref<4x128x32xi32, #tpu.memory_space<vmem>>, vector<1x1x16xi32>,
          %get3A_529 = vector.shape_cast %get3A_528 : vector<1x1x16xi32> to vector<16xi32>
          %shift_left3A = arith.constant 16 : i32
          %shift_left3A_530 = vector.broadcast %shift_left3A : i32 to vector<16xi32>
          %shift_left3A_531 = arith.shli %get3A_529, %shift_left3A_530 : vector<16xi32>
          %bitcast_convert_type3A = tpu.bitcast %shift_left3A_531 : vector<16xi32> -> vector<16xf32>
          %and3A = arith.andi %get3A_529, %broadcast_in_dim3A_34 : vector<16xi32>
          %bitcast_convert_type3A_532 = tpu.bitcast %and3A : vector<16xi32> -> vector<16xf32>
          %swap3A = arith.constant 2 : i32
          %swap3A_533 = arith.index_cast %swap3A : i32 to index
          %swap3A_534 = arith.index_cast %scan3A_523 : i32 to index
          %swap3A_535 = arith.constant 0 : index
          %swap3A_536 = tpu.vector_load %arg8[%swap3A_533, %swap3A_534, %swap3A_535] {strides = array<i32>} : memref<4x128x64xf32, #tpu.memory_space<vmem>>, vector<1x1x16xf32>,
          %swap3A_537 = vector.shape_cast %swap3A_536 : vector<1x1x16xf32> to vector<16xf32>
          %swap3A_538 = vector.shape_cast %bitcast_convert_type3A : vector<16xf32> to vector<1x1x16xf32>
          tpu.vector_store %arg8[%swap3A_533, %swap3A_534, %swap3A_535], %swap3A_538 {strides = array<i32>} : memref<4x128x64xf32, #tpu.memory_space<vmem>>, vector<1x1x16xf32>,
          %swap3A_539 = arith.constant 2 : i32
          %swap3A_540 = arith.index_cast %swap3A_539 : i32 to index
          %swap3A_541 = arith.index_cast %scan3A_523 : i32 to index
          %swap3A_542 = arith.constant 16 : index
          %swap3A_543 = tpu.vector_load %arg8[%swap3A_540, %swap3A_541, %swap3A_542] {strides = array<i32>} : memref<4x128x64xf32, #tpu.memory_space<vmem>>, vector<1x1x16xf32>,
          %swap3A_544 = vector.shape_cast %swap3A_543 : vector<1x1x16xf32> to vector<16xf32>
          %swap3A_545 = vector.shape_cast %bitcast_convert_type3A_532 : vector<16xf32> to vector<1x1x16xf32>
          tpu.vector_store %arg8[%swap3A_540, %swap3A_541, %swap3A_542], %swap3A_545 {strides = array<i32>} : memref<4x128x64xf32, #tpu.memory_space<vmem>>, vector<1x1x16xf32>,
          %get3A_546 = arith.constant 2 : i32
          %get3A_547 = arith.index_cast %get3A_546 : i32 to index
          %get3A_548 = arith.index_cast %scan3A_523 : i32 to index
          %get3A_549 = arith.constant 16 : index
          %get3A_550 = tpu.vector_load %arg9[%get3A_547, %get3A_548, %get3A_549] {strides = array<i32>} : memref<4x128x32xi32, #tpu.memory_space<vmem>>, vector<1x1x16xi32>,
          %get3A_551 = vector.shape_cast %get3A_550 : vector<1x1x16xi32> to vector<16xi32>
          %shift_left3A_552 = arith.constant 16 : i32
          %shift_left3A_553 = vector.broadcast %shift_left3A_552 : i32 to vector<16xi32>
          %shift_left3A_554 = arith.shli %get3A_551, %shift_left3A_553 : vector<16xi32>
          %bitcast_convert_type3A_555 = tpu.bitcast %shift_left3A_554 : vector<16xi32> -> vector<16xf32>
          %and3A_556 = arith.andi %get3A_551, %broadcast_in_dim3A_34 : vector<16xi32>
          %bitcast_convert_type3A_557 = tpu.bitcast %and3A_556 : vector<16xi32> -> vector<16xf32>
          %swap3A_558 = arith.constant 2 : i32
          %swap3A_559 = arith.index_cast %swap3A_558 : i32 to index
          %swap3A_560 = arith.index_cast %scan3A_523 : i32 to index
          %swap3A_561 = arith.constant 32 : index
          %swap3A_562 = tpu.vector_load %arg8[%swap3A_559, %swap3A_560, %swap3A_561] {strides = array<i32>} : memref<4x128x64xf32, #tpu.memory_space<vmem>>, vector<1x1x16xf32>,
          %swap3A_563 = vector.shape_cast %swap3A_562 : vector<1x1x16xf32> to vector<16xf32>
          %swap3A_564 = vector.shape_cast %bitcast_convert_type3A_555 : vector<16xf32> to vector<1x1x16xf32>
          tpu.vector_store %arg8[%swap3A_559, %swap3A_560, %swap3A_561], %swap3A_564 {strides = array<i32>} : memref<4x128x64xf32, #tpu.memory_space<vmem>>, vector<1x1x16xf32>,
          %swap3A_565 = arith.constant 2 : i32
          %swap3A_566 = arith.index_cast %swap3A_565 : i32 to index
          %swap3A_567 = arith.index_cast %scan3A_523 : i32 to index
          %swap3A_568 = arith.constant 48 : index
          %swap3A_569 = tpu.vector_load %arg8[%swap3A_566, %swap3A_567, %swap3A_568] {strides = array<i32>} : memref<4x128x64xf32, #tpu.memory_space<vmem>>, vector<1x1x16xf32>,
          %swap3A_570 = vector.shape_cast %swap3A_569 : vector<1x1x16xf32> to vector<16xf32>
          %swap3A_571 = vector.shape_cast %bitcast_convert_type3A_557 : vector<16xf32> to vector<1x1x16xf32>
          tpu.vector_store %arg8[%swap3A_566, %swap3A_567, %swap3A_568], %swap3A_571 {strides = array<i32>} : memref<4x128x64xf32, #tpu.memory_space<vmem>>, vector<1x1x16xf32>,
          %scan3A_572 = arith.constant 0 : i32
          scf.yield %scan3A_572 : i32
        }
        %scan3A_363 = arith.constant 128 : i32
        %add3A_364 = arith.constant 2 : i32
        %add3A_365 = arith.addi %mul3A_277, %add3A_364 : i32
        %dma_start3A_366 = arith.constant 2 : i32
        %dma_start3A_367 = arith.constant 0 : i32
        %dma_start3A_368 = arith.constant 0 : i32
        %dma_start3A_369 = tpu.memref_slice %arg8[%dma_start3A_366, %dma_start3A_367, %dma_start3A_368] : memref<4x128x64xf32, #tpu.memory_space<vmem>> -> memref<1x128x64xf32, #tpu.memory_space<vmem>>
        %dma_start3A_370 = tpu.memref_squeeze %dma_start3A_369 : memref<1x128x64xf32, #tpu.memory_space<vmem>> -> memref<128x64xf32, #tpu.memory_space<vmem>>
        %dma_start3A_371 = arith.constant 0 : i32
        %dma_start3A_372 = tpu.memref_slice %arg7[%add3A_365, %dma_start3A_371] : memref<80x128xi32, #tpu.memory_space<vmem>> -> memref<1x128xi32, #tpu.memory_space<vmem>>
        %dma_start3A_373 = tpu.memref_squeeze %dma_start3A_372 : memref<1x128xi32, #tpu.memory_space<vmem>> -> memref<128xi32, #tpu.memory_space<vmem>>
        %dma_start3A_374 = arith.constant 0 : i32
        %dma_start3A_375 = arith.constant 0 : i32
        %dma_start3A_376 = tpu.memref_slice %arg10[%dma_start3A_374, %dma_start3A_375] : memref<10240x64xf32, #tpu.memory_space<vmem_shared>> -> memref<10240x64xf32, #tpu.memory_space<vmem_shared>>
        tpu.enqueue_indirect_dma source(%dma_start3A_370 : memref<128x64xf32, #tpu.memory_space<vmem>>) target(%dma_start3A_376 : memref<10240x64xf32, #tpu.memory_space<vmem_shared>>) offsets(%dma_start3A_373 : memref<128xi32, #tpu.memory_space<vmem>>) semaphore(%arg14 : memref<!tpu.dma_semaphore, #tpu.memory_space<semaphore_mem>>) {add = true}
        %add3A_377 = arith.constant 3 : i32
        %add3A_378 = arith.addi %mul3A_277, %add3A_377 : i32
        %dma_wait3A_379 = arith.constant 3 : i32
        %dma_wait3A_380 = arith.constant 0 : i32
        %dma_wait3A_381 = arith.constant 0 : i32
        %dma_wait3A_382 = tpu.memref_slice %arg9[%dma_wait3A_379, %dma_wait3A_380, %dma_wait3A_381] : memref<4x128x32xi32, #tpu.memory_space<vmem>> -> memref<1x128x32xi32, #tpu.memory_space<vmem>>
        %dma_wait3A_383 = tpu.memref_squeeze %dma_wait3A_382 : memref<1x128x32xi32, #tpu.memory_space<vmem>> -> memref<128x32xi32, #tpu.memory_space<vmem>>
        %dma_wait3A_384 = arith.constant 0 : i32
        %dma_wait3A_385 = tpu.memref_slice %arg6[%add3A_378, %dma_wait3A_384] : memref<80x128xi32, #tpu.memory_space<vmem>> -> memref<1x128xi32, #tpu.memory_space<vmem>>
        %dma_wait3A_386 = tpu.memref_squeeze %dma_wait3A_385 : memref<1x128xi32, #tpu.memory_space<vmem>> -> memref<128xi32, #tpu.memory_space<vmem>>
        %dma_wait3A_387 = arith.constant 0 : i32
        %dma_wait3A_388 = arith.constant 0 : i32
        %dma_wait3A_389 = tpu.memref_slice %arg11[%dma_wait3A_387, %dma_wait3A_388] : memref<10240x32xi32, #tpu.memory_space<vmem_shared>> -> memref<10240x32xi32, #tpu.memory_space<vmem_shared>>
        tpu.wait_indirect_dma semaphore(%arg15 : memref<!tpu.dma_semaphore, #tpu.memory_space<semaphore_mem>>) src(%dma_wait3A_389 : memref<10240x32xi32, #tpu.memory_space<vmem_shared>>) dst(%dma_wait3A_383 : memref<128x32xi32, #tpu.memory_space<vmem>>)
        %scan3A_390 = arith.constant 0 : i32
        %scan3A_391 = arith.constant 0 : i32
        %scan3A_392 = arith.constant 128 : i32
        %scan3A_393 = arith.addi %scan3A_391, %scan3A_392 : i32
        %scan3A_394 = arith.constant 1 : i32
        %scan3A_395 = scf.for %scan3A_523 = %scan3A_391 to %scan3A_393 step %scan3A_394 iter_args(%scan3A_524 = %scan3A_390) -> (i32)  : i32 {
          %get3A = arith.constant 3 : i32
          %get3A_525 = arith.index_cast %get3A : i32 to index
          %get3A_526 = arith.index_cast %scan3A_523 : i32 to index
          %get3A_527 = arith.constant 0 : index
          %get3A_528 = tpu.vector_load %arg9[%get3A_525, %get3A_526, %get3A_527] {strides = array<i32>} : memref<4x128x32xi32, #tpu.memory_space<vmem>>, vector<1x1x16xi32>,
          %get3A_529 = vector.shape_cast %get3A_528 : vector<1x1x16xi32> to vector<16xi32>
          %shift_left3A = arith.constant 16 : i32
          %shift_left3A_530 = vector.broadcast %shift_left3A : i32 to vector<16xi32>
          %shift_left3A_531 = arith.shli %get3A_529, %shift_left3A_530 : vector<16xi32>
          %bitcast_convert_type3A = tpu.bitcast %shift_left3A_531 : vector<16xi32> -> vector<16xf32>
          %and3A = arith.andi %get3A_529, %broadcast_in_dim3A_34 : vector<16xi32>
          %bitcast_convert_type3A_532 = tpu.bitcast %and3A : vector<16xi32> -> vector<16xf32>
          %swap3A = arith.constant 3 : i32
          %swap3A_533 = arith.index_cast %swap3A : i32 to index
          %swap3A_534 = arith.index_cast %scan3A_523 : i32 to index
          %swap3A_535 = arith.constant 0 : index
          %swap3A_536 = tpu.vector_load %arg8[%swap3A_533, %swap3A_534, %swap3A_535] {strides = array<i32>} : memref<4x128x64xf32, #tpu.memory_space<vmem>>, vector<1x1x16xf32>,
          %swap3A_537 = vector.shape_cast %swap3A_536 : vector<1x1x16xf32> to vector<16xf32>
          %swap3A_538 = vector.shape_cast %bitcast_convert_type3A : vector<16xf32> to vector<1x1x16xf32>
          tpu.vector_store %arg8[%swap3A_533, %swap3A_534, %swap3A_535], %swap3A_538 {strides = array<i32>} : memref<4x128x64xf32, #tpu.memory_space<vmem>>, vector<1x1x16xf32>,
          %swap3A_539 = arith.constant 3 : i32
          %swap3A_540 = arith.index_cast %swap3A_539 : i32 to index
          %swap3A_541 = arith.index_cast %scan3A_523 : i32 to index
          %swap3A_542 = arith.constant 16 : index
          %swap3A_543 = tpu.vector_load %arg8[%swap3A_540, %swap3A_541, %swap3A_542] {strides = array<i32>} : memref<4x128x64xf32, #tpu.memory_space<vmem>>, vector<1x1x16xf32>,
          %swap3A_544 = vector.shape_cast %swap3A_543 : vector<1x1x16xf32> to vector<16xf32>
          %swap3A_545 = vector.shape_cast %bitcast_convert_type3A_532 : vector<16xf32> to vector<1x1x16xf32>
          tpu.vector_store %arg8[%swap3A_540, %swap3A_541, %swap3A_542], %swap3A_545 {strides = array<i32>} : memref<4x128x64xf32, #tpu.memory_space<vmem>>, vector<1x1x16xf32>,
          %get3A_546 = arith.constant 3 : i32
          %get3A_547 = arith.index_cast %get3A_546 : i32 to index
          %get3A_548 = arith.index_cast %scan3A_523 : i32 to index
          %get3A_549 = arith.constant 16 : index
          %get3A_550 = tpu.vector_load %arg9[%get3A_547, %get3A_548, %get3A_549] {strides = array<i32>} : memref<4x128x32xi32, #tpu.memory_space<vmem>>, vector<1x1x16xi32>,
          %get3A_551 = vector.shape_cast %get3A_550 : vector<1x1x16xi32> to vector<16xi32>
          %shift_left3A_552 = arith.constant 16 : i32
          %shift_left3A_553 = vector.broadcast %shift_left3A_552 : i32 to vector<16xi32>
          %shift_left3A_554 = arith.shli %get3A_551, %shift_left3A_553 : vector<16xi32>
          %bitcast_convert_type3A_555 = tpu.bitcast %shift_left3A_554 : vector<16xi32> -> vector<16xf32>
          %and3A_556 = arith.andi %get3A_551, %broadcast_in_dim3A_34 : vector<16xi32>
          %bitcast_convert_type3A_557 = tpu.bitcast %and3A_556 : vector<16xi32> -> vector<16xf32>
          %swap3A_558 = arith.constant 3 : i32
          %swap3A_559 = arith.index_cast %swap3A_558 : i32 to index
          %swap3A_560 = arith.index_cast %scan3A_523 : i32 to index
          %swap3A_561 = arith.constant 32 : index
          %swap3A_562 = tpu.vector_load %arg8[%swap3A_559, %swap3A_560, %swap3A_561] {strides = array<i32>} : memref<4x128x64xf32, #tpu.memory_space<vmem>>, vector<1x1x16xf32>,
          %swap3A_563 = vector.shape_cast %swap3A_562 : vector<1x1x16xf32> to vector<16xf32>
          %swap3A_564 = vector.shape_cast %bitcast_convert_type3A_555 : vector<16xf32> to vector<1x1x16xf32>
          tpu.vector_store %arg8[%swap3A_559, %swap3A_560, %swap3A_561], %swap3A_564 {strides = array<i32>} : memref<4x128x64xf32, #tpu.memory_space<vmem>>, vector<1x1x16xf32>,
          %swap3A_565 = arith.constant 3 : i32
          %swap3A_566 = arith.index_cast %swap3A_565 : i32 to index
          %swap3A_567 = arith.index_cast %scan3A_523 : i32 to index
          %swap3A_568 = arith.constant 48 : index
          %swap3A_569 = tpu.vector_load %arg8[%swap3A_566, %swap3A_567, %swap3A_568] {strides = array<i32>} : memref<4x128x64xf32, #tpu.memory_space<vmem>>, vector<1x1x16xf32>,
          %swap3A_570 = vector.shape_cast %swap3A_569 : vector<1x1x16xf32> to vector<16xf32>
          %swap3A_571 = vector.shape_cast %bitcast_convert_type3A_557 : vector<16xf32> to vector<1x1x16xf32>
          tpu.vector_store %arg8[%swap3A_566, %swap3A_567, %swap3A_568], %swap3A_571 {strides = array<i32>} : memref<4x128x64xf32, #tpu.memory_space<vmem>>, vector<1x1x16xf32>,
          %scan3A_572 = arith.constant 0 : i32
          scf.yield %scan3A_572 : i32
        }
        %scan3A_396 = arith.constant 128 : i32
        %add3A_397 = arith.constant 3 : i32
        %add3A_398 = arith.addi %mul3A_277, %add3A_397 : i32
        %dma_start3A_399 = arith.constant 3 : i32
        %dma_start3A_400 = arith.constant 0 : i32
        %dma_start3A_401 = arith.constant 0 : i32
        %dma_start3A_402 = tpu.memref_slice %arg8[%dma_start3A_399, %dma_start3A_400, %dma_start3A_401] : memref<4x128x64xf32, #tpu.memory_space<vmem>> -> memref<1x128x64xf32, #tpu.memory_space<vmem>>
        %dma_start3A_403 = tpu.memref_squeeze %dma_start3A_402 : memref<1x128x64xf32, #tpu.memory_space<vmem>> -> memref<128x64xf32, #tpu.memory_space<vmem>>
        %dma_start3A_404 = arith.constant 0 : i32
        %dma_start3A_405 = tpu.memref_slice %arg7[%add3A_398, %dma_start3A_404] : memref<80x128xi32, #tpu.memory_space<vmem>> -> memref<1x128xi32, #tpu.memory_space<vmem>>
        %dma_start3A_406 = tpu.memref_squeeze %dma_start3A_405 : memref<1x128xi32, #tpu.memory_space<vmem>> -> memref<128xi32, #tpu.memory_space<vmem>>
        %dma_start3A_407 = arith.constant 0 : i32
        %dma_start3A_408 = arith.constant 0 : i32
        %dma_start3A_409 = tpu.memref_slice %arg10[%dma_start3A_407, %dma_start3A_408] : memref<10240x64xf32, #tpu.memory_space<vmem_shared>> -> memref<10240x64xf32, #tpu.memory_space<vmem_shared>>
        tpu.enqueue_indirect_dma source(%dma_start3A_403 : memref<128x64xf32, #tpu.memory_space<vmem>>) target(%dma_start3A_409 : memref<10240x64xf32, #tpu.memory_space<vmem_shared>>) offsets(%dma_start3A_406 : memref<128xi32, #tpu.memory_space<vmem>>) semaphore(%arg15 : memref<!tpu.dma_semaphore, #tpu.memory_space<semaphore_mem>>) {add = true}
        %add3A_410 = arith.constant 0 : i32
        %add3A_411 = arith.addi %mul3A_277, %add3A_410 : i32
        %dma_wait3A_412 = arith.constant 0 : i32
        %dma_wait3A_413 = arith.constant 0 : i32
        %dma_wait3A_414 = arith.constant 0 : i32
        %dma_wait3A_415 = tpu.memref_slice %arg8[%dma_wait3A_412, %dma_wait3A_413, %dma_wait3A_414] : memref<4x128x64xf32, #tpu.memory_space<vmem>> -> memref<1x128x64xf32, #tpu.memory_space<vmem>>
        %dma_wait3A_416 = tpu.memref_squeeze %dma_wait3A_415 : memref<1x128x64xf32, #tpu.memory_space<vmem>> -> memref<128x64xf32, #tpu.memory_space<vmem>>
        %dma_wait3A_417 = arith.constant 0 : i32
        %dma_wait3A_418 = tpu.memref_slice %arg7[%add3A_411, %dma_wait3A_417] : memref<80x128xi32, #tpu.memory_space<vmem>> -> memref<1x128xi32, #tpu.memory_space<vmem>>
        %dma_wait3A_419 = tpu.memref_squeeze %dma_wait3A_418 : memref<1x128xi32, #tpu.memory_space<vmem>> -> memref<128xi32, #tpu.memory_space<vmem>>
        %dma_wait3A_420 = arith.constant 0 : i32
        %dma_wait3A_421 = arith.constant 0 : i32
        %dma_wait3A_422 = tpu.memref_slice %arg10[%dma_wait3A_420, %dma_wait3A_421] : memref<10240x64xf32, #tpu.memory_space<vmem_shared>> -> memref<10240x64xf32, #tpu.memory_space<vmem_shared>>
        tpu.wait_indirect_dma semaphore(%arg12 : memref<!tpu.dma_semaphore, #tpu.memory_space<semaphore_mem>>) src(%dma_wait3A_416 : memref<128x64xf32, #tpu.memory_space<vmem>>) dst(%dma_wait3A_422 : memref<10240x64xf32, #tpu.memory_space<vmem_shared>>)
        %add3A_423 = arith.constant 4 : i32
        %add3A_424 = arith.addi %mul3A_277, %add3A_423 : i32
        %add3A_425 = arith.constant 0 : i32
        %add3A_426 = arith.addi %add3A_424, %add3A_425 : i32
        %dma_start3A_427 = arith.constant 0 : i32
        %dma_start3A_428 = arith.constant 0 : i32
        %dma_start3A_429 = arith.constant 0 : i32
        %dma_start3A_430 = tpu.memref_slice %arg9[%dma_start3A_427, %dma_start3A_428, %dma_start3A_429] : memref<4x128x32xi32, #tpu.memory_space<vmem>> -> memref<1x128x32xi32, #tpu.memory_space<vmem>>
        %dma_start3A_431 = tpu.memref_squeeze %dma_start3A_430 : memref<1x128x32xi32, #tpu.memory_space<vmem>> -> memref<128x32xi32, #tpu.memory_space<vmem>>
        %dma_start3A_432 = arith.constant 0 : i32
        %dma_start3A_433 = tpu.memref_slice %arg6[%add3A_426, %dma_start3A_432] : memref<80x128xi32, #tpu.memory_space<vmem>> -> memref<1x128xi32, #tpu.memory_space<vmem>>
        %dma_start3A_434 = tpu.memref_squeeze %dma_start3A_433 : memref<1x128xi32, #tpu.memory_space<vmem>> -> memref<128xi32, #tpu.memory_space<vmem>>
        %dma_start3A_435 = arith.constant 0 : i32
        %dma_start3A_436 = arith.constant 0 : i32
        %dma_start3A_437 = tpu.memref_slice %arg11[%dma_start3A_435, %dma_start3A_436] : memref<10240x32xi32, #tpu.memory_space<vmem_shared>> -> memref<10240x32xi32, #tpu.memory_space<vmem_shared>>
        tpu.enqueue_indirect_dma source(%dma_start3A_437 : memref<10240x32xi32, #tpu.memory_space<vmem_shared>>) target(%dma_start3A_431 : memref<128x32xi32, #tpu.memory_space<vmem>>) offsets(%dma_start3A_434 : memref<128xi32, #tpu.memory_space<vmem>>) semaphore(%arg12 : memref<!tpu.dma_semaphore, #tpu.memory_space<semaphore_mem>>)
        %add3A_438 = arith.constant 1 : i32
        %add3A_439 = arith.addi %mul3A_277, %add3A_438 : i32
        %dma_wait3A_440 = arith.constant 1 : i32
        %dma_wait3A_441 = arith.constant 0 : i32
        %dma_wait3A_442 = arith.constant 0 : i32
        %dma_wait3A_443 = tpu.memref_slice %arg8[%dma_wait3A_440, %dma_wait3A_441, %dma_wait3A_442] : memref<4x128x64xf32, #tpu.memory_space<vmem>> -> memref<1x128x64xf32, #tpu.memory_space<vmem>>
        %dma_wait3A_444 = tpu.memref_squeeze %dma_wait3A_443 : memref<1x128x64xf32, #tpu.memory_space<vmem>> -> memref<128x64xf32, #tpu.memory_space<vmem>>
        %dma_wait3A_445 = arith.constant 0 : i32
        %dma_wait3A_446 = tpu.memref_slice %arg7[%add3A_439, %dma_wait3A_445] : memref<80x128xi32, #tpu.memory_space<vmem>> -> memref<1x128xi32, #tpu.memory_space<vmem>>
        %dma_wait3A_447 = tpu.memref_squeeze %dma_wait3A_446 : memref<1x128xi32, #tpu.memory_space<vmem>> -> memref<128xi32, #tpu.memory_space<vmem>>
        %dma_wait3A_448 = arith.constant 0 : i32
        %dma_wait3A_449 = arith.constant 0 : i32
        %dma_wait3A_450 = tpu.memref_slice %arg10[%dma_wait3A_448, %dma_wait3A_449] : memref<10240x64xf32, #tpu.memory_space<vmem_shared>> -> memref<10240x64xf32, #tpu.memory_space<vmem_shared>>
        tpu.wait_indirect_dma semaphore(%arg13 : memref<!tpu.dma_semaphore, #tpu.memory_space<semaphore_mem>>) src(%dma_wait3A_444 : memref<128x64xf32, #tpu.memory_space<vmem>>) dst(%dma_wait3A_450 : memref<10240x64xf32, #tpu.memory_space<vmem_shared>>)
        %add3A_451 = arith.constant 4 : i32
        %add3A_452 = arith.addi %mul3A_277, %add3A_451 : i32
        %add3A_453 = arith.constant 1 : i32
        %add3A_454 = arith.addi %add3A_452, %add3A_453 : i32
        %dma_start3A_455 = arith.constant 1 : i32
        %dma_start3A_456 = arith.constant 0 : i32
        %dma_start3A_457 = arith.constant 0 : i32
        %dma_start3A_458 = tpu.memref_slice %arg9[%dma_start3A_455, %dma_start3A_456, %dma_start3A_457] : memref<4x128x32xi32, #tpu.memory_space<vmem>> -> memref<1x128x32xi32, #tpu.memory_space<vmem>>
        %dma_start3A_459 = tpu.memref_squeeze %dma_start3A_458 : memref<1x128x32xi32, #tpu.memory_space<vmem>> -> memref<128x32xi32, #tpu.memory_space<vmem>>
        %dma_start3A_460 = arith.constant 0 : i32
        %dma_start3A_461 = tpu.memref_slice %arg6[%add3A_454, %dma_start3A_460] : memref<80x128xi32, #tpu.memory_space<vmem>> -> memref<1x128xi32, #tpu.memory_space<vmem>>
        %dma_start3A_462 = tpu.memref_squeeze %dma_start3A_461 : memref<1x128xi32, #tpu.memory_space<vmem>> -> memref<128xi32, #tpu.memory_space<vmem>>
        %dma_start3A_463 = arith.constant 0 : i32
        %dma_start3A_464 = arith.constant 0 : i32
        %dma_start3A_465 = tpu.memref_slice %arg11[%dma_start3A_463, %dma_start3A_464] : memref<10240x32xi32, #tpu.memory_space<vmem_shared>> -> memref<10240x32xi32, #tpu.memory_space<vmem_shared>>
        tpu.enqueue_indirect_dma source(%dma_start3A_465 : memref<10240x32xi32, #tpu.memory_space<vmem_shared>>) target(%dma_start3A_459 : memref<128x32xi32, #tpu.memory_space<vmem>>) offsets(%dma_start3A_462 : memref<128xi32, #tpu.memory_space<vmem>>) semaphore(%arg13 : memref<!tpu.dma_semaphore, #tpu.memory_space<semaphore_mem>>)
        %add3A_466 = arith.constant 2 : i32
        %add3A_467 = arith.addi %mul3A_277, %add3A_466 : i32
        %dma_wait3A_468 = arith.constant 2 : i32
        %dma_wait3A_469 = arith.constant 0 : i32
        %dma_wait3A_470 = arith.constant 0 : i32
        %dma_wait3A_471 = tpu.memref_slice %arg8[%dma_wait3A_468, %dma_wait3A_469, %dma_wait3A_470] : memref<4x128x64xf32, #tpu.memory_space<vmem>> -> memref<1x128x64xf32, #tpu.memory_space<vmem>>
        %dma_wait3A_472 = tpu.memref_squeeze %dma_wait3A_471 : memref<1x128x64xf32, #tpu.memory_space<vmem>> -> memref<128x64xf32, #tpu.memory_space<vmem>>
        %dma_wait3A_473 = arith.constant 0 : i32
        %dma_wait3A_474 = tpu.memref_slice %arg7[%add3A_467, %dma_wait3A_473] : memref<80x128xi32, #tpu.memory_space<vmem>> -> memref<1x128xi32, #tpu.memory_space<vmem>>
        %dma_wait3A_475 = tpu.memref_squeeze %dma_wait3A_474 : memref<1x128xi32, #tpu.memory_space<vmem>> -> memref<128xi32, #tpu.memory_space<vmem>>
        %dma_wait3A_476 = arith.constant 0 : i32
        %dma_wait3A_477 = arith.constant 0 : i32
        %dma_wait3A_478 = tpu.memref_slice %arg10[%dma_wait3A_476, %dma_wait3A_477] : memref<10240x64xf32, #tpu.memory_space<vmem_shared>> -> memref<10240x64xf32, #tpu.memory_space<vmem_shared>>
        tpu.wait_indirect_dma semaphore(%arg14 : memref<!tpu.dma_semaphore, #tpu.memory_space<semaphore_mem>>) src(%dma_wait3A_472 : memref<128x64xf32, #tpu.memory_space<vmem>>) dst(%dma_wait3A_478 : memref<10240x64xf32, #tpu.memory_space<vmem_shared>>)
        %add3A_479 = arith.constant 4 : i32
        %add3A_480 = arith.addi %mul3A_277, %add3A_479 : i32
        %add3A_481 = arith.constant 2 : i32
        %add3A_482 = arith.addi %add3A_480, %add3A_481 : i32
        %dma_start3A_483 = arith.constant 2 : i32
        %dma_start3A_484 = arith.constant 0 : i32
        %dma_start3A_485 = arith.constant 0 : i32
        %dma_start3A_486 = tpu.memref_slice %arg9[%dma_start3A_483, %dma_start3A_484, %dma_start3A_485] : memref<4x128x32xi32, #tpu.memory_space<vmem>> -> memref<1x128x32xi32, #tpu.memory_space<vmem>>
        %dma_start3A_487 = tpu.memref_squeeze %dma_start3A_486 : memref<1x128x32xi32, #tpu.memory_space<vmem>> -> memref<128x32xi32, #tpu.memory_space<vmem>>
        %dma_start3A_488 = arith.constant 0 : i32
        %dma_start3A_489 = tpu.memref_slice %arg6[%add3A_482, %dma_start3A_488] : memref<80x128xi32, #tpu.memory_space<vmem>> -> memref<1x128xi32, #tpu.memory_space<vmem>>
        %dma_start3A_490 = tpu.memref_squeeze %dma_start3A_489 : memref<1x128xi32, #tpu.memory_space<vmem>> -> memref<128xi32, #tpu.memory_space<vmem>>
        %dma_start3A_491 = arith.constant 0 : i32
        %dma_start3A_492 = arith.constant 0 : i32
        %dma_start3A_493 = tpu.memref_slice %arg11[%dma_start3A_491, %dma_start3A_492] : memref<10240x32xi32, #tpu.memory_space<vmem_shared>> -> memref<10240x32xi32, #tpu.memory_space<vmem_shared>>
        tpu.enqueue_indirect_dma source(%dma_start3A_493 : memref<10240x32xi32, #tpu.memory_space<vmem_shared>>) target(%dma_start3A_487 : memref<128x32xi32, #tpu.memory_space<vmem>>) offsets(%dma_start3A_490 : memref<128xi32, #tpu.memory_space<vmem>>) semaphore(%arg14 : memref<!tpu.dma_semaphore, #tpu.memory_space<semaphore_mem>>)
        %add3A_494 = arith.constant 3 : i32
        %add3A_495 = arith.addi %mul3A_277, %add3A_494 : i32
        %dma_wait3A_496 = arith.constant 3 : i32
        %dma_wait3A_497 = arith.constant 0 : i32
        %dma_wait3A_498 = arith.constant 0 : i32
        %dma_wait3A_499 = tpu.memref_slice %arg8[%dma_wait3A_496, %dma_wait3A_497, %dma_wait3A_498] : memref<4x128x64xf32, #tpu.memory_space<vmem>> -> memref<1x128x64xf32, #tpu.memory_space<vmem>>
        %dma_wait3A_500 = tpu.memref_squeeze %dma_wait3A_499 : memref<1x128x64xf32, #tpu.memory_space<vmem>> -> memref<128x64xf32, #tpu.memory_space<vmem>>
        %dma_wait3A_501 = arith.constant 0 : i32
        %dma_wait3A_502 = tpu.memref_slice %arg7[%add3A_495, %dma_wait3A_501] : memref<80x128xi32, #tpu.memory_space<vmem>> -> memref<1x128xi32, #tpu.memory_space<vmem>>
        %dma_wait3A_503 = tpu.memref_squeeze %dma_wait3A_502 : memref<1x128xi32, #tpu.memory_space<vmem>> -> memref<128xi32, #tpu.memory_space<vmem>>
        %dma_wait3A_504 = arith.constant 0 : i32
        %dma_wait3A_505 = arith.constant 0 : i32
        %dma_wait3A_506 = tpu.memref_slice %arg10[%dma_wait3A_504, %dma_wait3A_505] : memref<10240x64xf32, #tpu.memory_space<vmem_shared>> -> memref<10240x64xf32, #tpu.memory_space<vmem_shared>>
        tpu.wait_indirect_dma semaphore(%arg15 : memref<!tpu.dma_semaphore, #tpu.memory_space<semaphore_mem>>) src(%dma_wait3A_500 : memref<128x64xf32, #tpu.memory_space<vmem>>) dst(%dma_wait3A_506 : memref<10240x64xf32, #tpu.memory_space<vmem_shared>>)
        %add3A_507 = arith.constant 4 : i32
        %add3A_508 = arith.addi %mul3A_277, %add3A_507 : i32
        %add3A_509 = arith.constant 3 : i32
        %add3A_510 = arith.addi %add3A_508, %add3A_509 : i32
        %dma_start3A_511 = arith.constant 3 : i32
        %dma_start3A_512 = arith.constant 0 : i32
        %dma_start3A_513 = arith.constant 0 : i32
        %dma_start3A_514 = tpu.memref_slice %arg9[%dma_start3A_511, %dma_start3A_512, %dma_start3A_513] : memref<4x128x32xi32, #tpu.memory_space<vmem>> -> memref<1x128x32xi32, #tpu.memory_space<vmem>>
        %dma_start3A_515 = tpu.memref_squeeze %dma_start3A_514 : memref<1x128x32xi32, #tpu.memory_space<vmem>> -> memref<128x32xi32, #tpu.memory_space<vmem>>
        %dma_start3A_516 = arith.constant 0 : i32
        %dma_start3A_517 = tpu.memref_slice %arg6[%add3A_510, %dma_start3A_516] : memref<80x128xi32, #tpu.memory_space<vmem>> -> memref<1x128xi32, #tpu.memory_space<vmem>>
        %dma_start3A_518 = tpu.memref_squeeze %dma_start3A_517 : memref<1x128xi32, #tpu.memory_space<vmem>> -> memref<128xi32, #tpu.memory_space<vmem>>
        %dma_start3A_519 = arith.constant 0 : i32
        %dma_start3A_520 = arith.constant 0 : i32
        %dma_start3A_521 = tpu.memref_slice %arg11[%dma_start3A_519, %dma_start3A_520] : memref<10240x32xi32, #tpu.memory_space<vmem_shared>> -> memref<10240x32xi32, #tpu.memory_space<vmem_shared>>
        tpu.enqueue_indirect_dma source(%dma_start3A_521 : memref<10240x32xi32, #tpu.memory_space<vmem_shared>>) target(%dma_start3A_515 : memref<128x32xi32, #tpu.memory_space<vmem>>) offsets(%dma_start3A_518 : memref<128xi32, #tpu.memory_space<vmem>>) semaphore(%arg15 : memref<!tpu.dma_semaphore, #tpu.memory_space<semaphore_mem>>)
        %scan3A_522 = arith.constant 0 : i32
        scf.yield %scan3A_522 : i32
      }
      %scan3A_102 = arith.constant 19 : i32
      %dma_wait3A = arith.constant 76 : i32
      %dma_wait3A_103 = arith.constant 0 : i32
      %dma_wait3A_104 = arith.constant 0 : i32
      %dma_wait3A_105 = arith.constant 0 : i32
      %dma_wait3A_106 = tpu.memref_slice %arg9[%dma_wait3A_103, %dma_wait3A_104, %dma_wait3A_105] : memref<4x128x32xi32, #tpu.memory_space<vmem>> -> memref<1x128x32xi32, #tpu.memory_space<vmem>>
      %dma_wait3A_107 = tpu.memref_squeeze %dma_wait3A_106 : memref<1x128x32xi32, #tpu.memory_space<vmem>> -> memref<128x32xi32, #tpu.memory_space<vmem>>
      %dma_wait3A_108 = arith.constant 0 : i32
      %dma_wait3A_109 = tpu.memref_slice %arg6[%dma_wait3A, %dma_wait3A_108] : memref<80x128xi32, #tpu.memory_space<vmem>> -> memref<1x128xi32, #tpu.memory_space<vmem>>
      %dma_wait3A_110 = tpu.memref_squeeze %dma_wait3A_109 : memref<1x128xi32, #tpu.memory_space<vmem>> -> memref<128xi32, #tpu.memory_space<vmem>>
      %dma_wait3A_111 = arith.constant 0 : i32
      %dma_wait3A_112 = arith.constant 0 : i32
      %dma_wait3A_113 = tpu.memref_slice %arg11[%dma_wait3A_111, %dma_wait3A_112] : memref<10240x32xi32, #tpu.memory_space<vmem_shared>> -> memref<10240x32xi32, #tpu.memory_space<vmem_shared>>
      tpu.wait_indirect_dma semaphore(%arg12 : memref<!tpu.dma_semaphore, #tpu.memory_space<semaphore_mem>>) src(%dma_wait3A_113 : memref<10240x32xi32, #tpu.memory_space<vmem_shared>>) dst(%dma_wait3A_107 : memref<128x32xi32, #tpu.memory_space<vmem>>)
      %scan3A_114 = arith.constant 0 : i32
      %scan3A_115 = arith.constant 0 : i32
      %scan3A_116 = arith.constant 128 : i32
      %scan3A_117 = arith.addi %scan3A_115, %scan3A_116 : i32
      %scan3A_118 = arith.constant 1 : i32
      %scan3A_119 = scf.for %scan3A_274 = %scan3A_115 to %scan3A_117 step %scan3A_118 iter_args(%scan3A_275 = %scan3A_114) -> (i32)  : i32 {
        %get3A = arith.constant 0 : i32
        %get3A_276 = arith.index_cast %get3A : i32 to index
        %get3A_277 = arith.index_cast %scan3A_274 : i32 to index
        %get3A_278 = arith.constant 0 : index
        %get3A_279 = tpu.vector_load %arg9[%get3A_276, %get3A_277, %get3A_278] {strides = array<i32>} : memref<4x128x32xi32, #tpu.memory_space<vmem>>, vector<1x1x16xi32>,
        %get3A_280 = vector.shape_cast %get3A_279 : vector<1x1x16xi32> to vector<16xi32>
        %shift_left3A = arith.constant 16 : i32
        %shift_left3A_281 = vector.broadcast %shift_left3A : i32 to vector<16xi32>
        %shift_left3A_282 = arith.shli %get3A_280, %shift_left3A_281 : vector<16xi32>
        %bitcast_convert_type3A = tpu.bitcast %shift_left3A_282 : vector<16xi32> -> vector<16xf32>
        %and3A = arith.andi %get3A_280, %broadcast_in_dim3A_34 : vector<16xi32>
        %bitcast_convert_type3A_283 = tpu.bitcast %and3A : vector<16xi32> -> vector<16xf32>
        %swap3A = arith.constant 0 : i32
        %swap3A_284 = arith.index_cast %swap3A : i32 to index
        %swap3A_285 = arith.index_cast %scan3A_274 : i32 to index
        %swap3A_286 = arith.constant 0 : index
        %swap3A_287 = tpu.vector_load %arg8[%swap3A_284, %swap3A_285, %swap3A_286] {strides = array<i32>} : memref<4x128x64xf32, #tpu.memory_space<vmem>>, vector<1x1x16xf32>,
        %swap3A_288 = vector.shape_cast %swap3A_287 : vector<1x1x16xf32> to vector<16xf32>
        %swap3A_289 = vector.shape_cast %bitcast_convert_type3A : vector<16xf32> to vector<1x1x16xf32>
        tpu.vector_store %arg8[%swap3A_284, %swap3A_285, %swap3A_286], %swap3A_289 {strides = array<i32>} : memref<4x128x64xf32, #tpu.memory_space<vmem>>, vector<1x1x16xf32>,
        %swap3A_290 = arith.constant 0 : i32
        %swap3A_291 = arith.index_cast %swap3A_290 : i32 to index
        %swap3A_292 = arith.index_cast %scan3A_274 : i32 to index
        %swap3A_293 = arith.constant 16 : index
        %swap3A_294 = tpu.vector_load %arg8[%swap3A_291, %swap3A_292, %swap3A_293] {strides = array<i32>} : memref<4x128x64xf32, #tpu.memory_space<vmem>>, vector<1x1x16xf32>,
        %swap3A_295 = vector.shape_cast %swap3A_294 : vector<1x1x16xf32> to vector<16xf32>
        %swap3A_296 = vector.shape_cast %bitcast_convert_type3A_283 : vector<16xf32> to vector<1x1x16xf32>
        tpu.vector_store %arg8[%swap3A_291, %swap3A_292, %swap3A_293], %swap3A_296 {strides = array<i32>} : memref<4x128x64xf32, #tpu.memory_space<vmem>>, vector<1x1x16xf32>,
        %get3A_297 = arith.constant 0 : i32
        %get3A_298 = arith.index_cast %get3A_297 : i32 to index
        %get3A_299 = arith.index_cast %scan3A_274 : i32 to index
        %get3A_300 = arith.constant 16 : index
        %get3A_301 = tpu.vector_load %arg9[%get3A_298, %get3A_299, %get3A_300] {strides = array<i32>} : memref<4x128x32xi32, #tpu.memory_space<vmem>>, vector<1x1x16xi32>,
        %get3A_302 = vector.shape_cast %get3A_301 : vector<1x1x16xi32> to vector<16xi32>
        %shift_left3A_303 = arith.constant 16 : i32
        %shift_left3A_304 = vector.broadcast %shift_left3A_303 : i32 to vector<16xi32>
        %shift_left3A_305 = arith.shli %get3A_302, %shift_left3A_304 : vector<16xi32>
        %bitcast_convert_type3A_306 = tpu.bitcast %shift_left3A_305 : vector<16xi32> -> vector<16xf32>
        %and3A_307 = arith.andi %get3A_302, %broadcast_in_dim3A_34 : vector<16xi32>
        %bitcast_convert_type3A_308 = tpu.bitcast %and3A_307 : vector<16xi32> -> vector<16xf32>
        %swap3A_309 = arith.constant 0 : i32
        %swap3A_310 = arith.index_cast %swap3A_309 : i32 to index
        %swap3A_311 = arith.index_cast %scan3A_274 : i32 to index
        %swap3A_312 = arith.constant 32 : index
        %swap3A_313 = tpu.vector_load %arg8[%swap3A_310, %swap3A_311, %swap3A_312] {strides = array<i32>} : memref<4x128x64xf32, #tpu.memory_space<vmem>>, vector<1x1x16xf32>,
        %swap3A_314 = vector.shape_cast %swap3A_313 : vector<1x1x16xf32> to vector<16xf32>
        %swap3A_315 = vector.shape_cast %bitcast_convert_type3A_306 : vector<16xf32> to vector<1x1x16xf32>
        tpu.vector_store %arg8[%swap3A_310, %swap3A_311, %swap3A_312], %swap3A_315 {strides = array<i32>} : memref<4x128x64xf32, #tpu.memory_space<vmem>>, vector<1x1x16xf32>,
        %swap3A_316 = arith.constant 0 : i32
        %swap3A_317 = arith.index_cast %swap3A_316 : i32 to index
        %swap3A_318 = arith.index_cast %scan3A_274 : i32 to index
        %swap3A_319 = arith.constant 48 : index
        %swap3A_320 = tpu.vector_load %arg8[%swap3A_317, %swap3A_318, %swap3A_319] {strides = array<i32>} : memref<4x128x64xf32, #tpu.memory_space<vmem>>, vector<1x1x16xf32>,
        %swap3A_321 = vector.shape_cast %swap3A_320 : vector<1x1x16xf32> to vector<16xf32>
        %swap3A_322 = vector.shape_cast %bitcast_convert_type3A_308 : vector<16xf32> to vector<1x1x16xf32>
        tpu.vector_store %arg8[%swap3A_317, %swap3A_318, %swap3A_319], %swap3A_322 {strides = array<i32>} : memref<4x128x64xf32, #tpu.memory_space<vmem>>, vector<1x1x16xf32>,
        %scan3A_323 = arith.constant 0 : i32
        scf.yield %scan3A_323 : i32
      }
      %scan3A_120 = arith.constant 128 : i32
      %dma_start3A_121 = arith.constant 0 : i32
      %dma_start3A_122 = arith.constant 76 : i32
      %dma_start3A_123 = arith.constant 0 : i32
      %dma_start3A_124 = arith.constant 0 : i32
      %dma_start3A_125 = tpu.memref_slice %arg8[%dma_start3A_121, %dma_start3A_123, %dma_start3A_124] : memref<4x128x64xf32, #tpu.memory_space<vmem>> -> memref<1x128x64xf32, #tpu.memory_space<vmem>>
      %dma_start3A_126 = tpu.memref_squeeze %dma_start3A_125 : memref<1x128x64xf32, #tpu.memory_space<vmem>> -> memref<128x64xf32, #tpu.memory_space<vmem>>
      %dma_start3A_127 = arith.constant 0 : i32
      %dma_start3A_128 = tpu.memref_slice %arg7[%dma_start3A_122, %dma_start3A_127] : memref<80x128xi32, #tpu.memory_space<vmem>> -> memref<1x128xi32, #tpu.memory_space<vmem>>
      %dma_start3A_129 = tpu.memref_squeeze %dma_start3A_128 : memref<1x128xi32, #tpu.memory_space<vmem>> -> memref<128xi32, #tpu.memory_space<vmem>>
      %dma_start3A_130 = arith.constant 0 : i32
      %dma_start3A_131 = arith.constant 0 : i32
      %dma_start3A_132 = tpu.memref_slice %arg10[%dma_start3A_130, %dma_start3A_131] : memref<10240x64xf32, #tpu.memory_space<vmem_shared>> -> memref<10240x64xf32, #tpu.memory_space<vmem_shared>>
      tpu.enqueue_indirect_dma source(%dma_start3A_126 : memref<128x64xf32, #tpu.memory_space<vmem>>) target(%dma_start3A_132 : memref<10240x64xf32, #tpu.memory_space<vmem_shared>>) offsets(%dma_start3A_129 : memref<128xi32, #tpu.memory_space<vmem>>) semaphore(%arg12 : memref<!tpu.dma_semaphore, #tpu.memory_space<semaphore_mem>>) {add = true}
      %dma_wait3A_133 = arith.constant 77 : i32
      %dma_wait3A_134 = arith.constant 1 : i32
      %dma_wait3A_135 = arith.constant 0 : i32
      %dma_wait3A_136 = arith.constant 0 : i32
      %dma_wait3A_137 = tpu.memref_slice %arg9[%dma_wait3A_134, %dma_wait3A_135, %dma_wait3A_136] : memref<4x128x32xi32, #tpu.memory_space<vmem>> -> memref<1x128x32xi32, #tpu.memory_space<vmem>>
      %dma_wait3A_138 = tpu.memref_squeeze %dma_wait3A_137 : memref<1x128x32xi32, #tpu.memory_space<vmem>> -> memref<128x32xi32, #tpu.memory_space<vmem>>
      %dma_wait3A_139 = arith.constant 0 : i32
      %dma_wait3A_140 = tpu.memref_slice %arg6[%dma_wait3A_133, %dma_wait3A_139] : memref<80x128xi32, #tpu.memory_space<vmem>> -> memref<1x128xi32, #tpu.memory_space<vmem>>
      %dma_wait3A_141 = tpu.memref_squeeze %dma_wait3A_140 : memref<1x128xi32, #tpu.memory_space<vmem>> -> memref<128xi32, #tpu.memory_space<vmem>>
      %dma_wait3A_142 = arith.constant 0 : i32
      %dma_wait3A_143 = arith.constant 0 : i32
      %dma_wait3A_144 = tpu.memref_slice %arg11[%dma_wait3A_142, %dma_wait3A_143] : memref<10240x32xi32, #tpu.memory_space<vmem_shared>> -> memref<10240x32xi32, #tpu.memory_space<vmem_shared>>
      tpu.wait_indirect_dma semaphore(%arg13 : memref<!tpu.dma_semaphore, #tpu.memory_space<semaphore_mem>>) src(%dma_wait3A_144 : memref<10240x32xi32, #tpu.memory_space<vmem_shared>>) dst(%dma_wait3A_138 : memref<128x32xi32, #tpu.memory_space<vmem>>)
      %scan3A_145 = arith.constant 0 : i32
      %scan3A_146 = arith.constant 0 : i32
      %scan3A_147 = arith.constant 128 : i32
      %scan3A_148 = arith.addi %scan3A_146, %scan3A_147 : i32
      %scan3A_149 = arith.constant 1 : i32
      %scan3A_150 = scf.for %scan3A_274 = %scan3A_146 to %scan3A_148 step %scan3A_149 iter_args(%scan3A_275 = %scan3A_145) -> (i32)  : i32 {
        %get3A = arith.constant 1 : i32
        %get3A_276 = arith.index_cast %get3A : i32 to index
        %get3A_277 = arith.index_cast %scan3A_274 : i32 to index
        %get3A_278 = arith.constant 0 : index
        %get3A_279 = tpu.vector_load %arg9[%get3A_276, %get3A_277, %get3A_278] {strides = array<i32>} : memref<4x128x32xi32, #tpu.memory_space<vmem>>, vector<1x1x16xi32>,
        %get3A_280 = vector.shape_cast %get3A_279 : vector<1x1x16xi32> to vector<16xi32>
        %shift_left3A = arith.constant 16 : i32
        %shift_left3A_281 = vector.broadcast %shift_left3A : i32 to vector<16xi32>
        %shift_left3A_282 = arith.shli %get3A_280, %shift_left3A_281 : vector<16xi32>
        %bitcast_convert_type3A = tpu.bitcast %shift_left3A_282 : vector<16xi32> -> vector<16xf32>
        %and3A = arith.andi %get3A_280, %broadcast_in_dim3A_34 : vector<16xi32>
        %bitcast_convert_type3A_283 = tpu.bitcast %and3A : vector<16xi32> -> vector<16xf32>
        %swap3A = arith.constant 1 : i32
        %swap3A_284 = arith.index_cast %swap3A : i32 to index
        %swap3A_285 = arith.index_cast %scan3A_274 : i32 to index
        %swap3A_286 = arith.constant 0 : index
        %swap3A_287 = tpu.vector_load %arg8[%swap3A_284, %swap3A_285, %swap3A_286] {strides = array<i32>} : memref<4x128x64xf32, #tpu.memory_space<vmem>>, vector<1x1x16xf32>,
        %swap3A_288 = vector.shape_cast %swap3A_287 : vector<1x1x16xf32> to vector<16xf32>
        %swap3A_289 = vector.shape_cast %bitcast_convert_type3A : vector<16xf32> to vector<1x1x16xf32>
        tpu.vector_store %arg8[%swap3A_284, %swap3A_285, %swap3A_286], %swap3A_289 {strides = array<i32>} : memref<4x128x64xf32, #tpu.memory_space<vmem>>, vector<1x1x16xf32>,
        %swap3A_290 = arith.constant 1 : i32
        %swap3A_291 = arith.index_cast %swap3A_290 : i32 to index
        %swap3A_292 = arith.index_cast %scan3A_274 : i32 to index
        %swap3A_293 = arith.constant 16 : index
        %swap3A_294 = tpu.vector_load %arg8[%swap3A_291, %swap3A_292, %swap3A_293] {strides = array<i32>} : memref<4x128x64xf32, #tpu.memory_space<vmem>>, vector<1x1x16xf32>,
        %swap3A_295 = vector.shape_cast %swap3A_294 : vector<1x1x16xf32> to vector<16xf32>
        %swap3A_296 = vector.shape_cast %bitcast_convert_type3A_283 : vector<16xf32> to vector<1x1x16xf32>
        tpu.vector_store %arg8[%swap3A_291, %swap3A_292, %swap3A_293], %swap3A_296 {strides = array<i32>} : memref<4x128x64xf32, #tpu.memory_space<vmem>>, vector<1x1x16xf32>,
        %get3A_297 = arith.constant 1 : i32
        %get3A_298 = arith.index_cast %get3A_297 : i32 to index
        %get3A_299 = arith.index_cast %scan3A_274 : i32 to index
        %get3A_300 = arith.constant 16 : index
        %get3A_301 = tpu.vector_load %arg9[%get3A_298, %get3A_299, %get3A_300] {strides = array<i32>} : memref<4x128x32xi32, #tpu.memory_space<vmem>>, vector<1x1x16xi32>,
        %get3A_302 = vector.shape_cast %get3A_301 : vector<1x1x16xi32> to vector<16xi32>
        %shift_left3A_303 = arith.constant 16 : i32
        %shift_left3A_304 = vector.broadcast %shift_left3A_303 : i32 to vector<16xi32>
        %shift_left3A_305 = arith.shli %get3A_302, %shift_left3A_304 : vector<16xi32>
        %bitcast_convert_type3A_306 = tpu.bitcast %shift_left3A_305 : vector<16xi32> -> vector<16xf32>
        %and3A_307 = arith.andi %get3A_302, %broadcast_in_dim3A_34 : vector<16xi32>
        %bitcast_convert_type3A_308 = tpu.bitcast %and3A_307 : vector<16xi32> -> vector<16xf32>
        %swap3A_309 = arith.constant 1 : i32
        %swap3A_310 = arith.index_cast %swap3A_309 : i32 to index
        %swap3A_311 = arith.index_cast %scan3A_274 : i32 to index
        %swap3A_312 = arith.constant 32 : index
        %swap3A_313 = tpu.vector_load %arg8[%swap3A_310, %swap3A_311, %swap3A_312] {strides = array<i32>} : memref<4x128x64xf32, #tpu.memory_space<vmem>>, vector<1x1x16xf32>,
        %swap3A_314 = vector.shape_cast %swap3A_313 : vector<1x1x16xf32> to vector<16xf32>
        %swap3A_315 = vector.shape_cast %bitcast_convert_type3A_306 : vector<16xf32> to vector<1x1x16xf32>
        tpu.vector_store %arg8[%swap3A_310, %swap3A_311, %swap3A_312], %swap3A_315 {strides = array<i32>} : memref<4x128x64xf32, #tpu.memory_space<vmem>>, vector<1x1x16xf32>,
        %swap3A_316 = arith.constant 1 : i32
        %swap3A_317 = arith.index_cast %swap3A_316 : i32 to index
        %swap3A_318 = arith.index_cast %scan3A_274 : i32 to index
        %swap3A_319 = arith.constant 48 : index
        %swap3A_320 = tpu.vector_load %arg8[%swap3A_317, %swap3A_318, %swap3A_319] {strides = array<i32>} : memref<4x128x64xf32, #tpu.memory_space<vmem>>, vector<1x1x16xf32>,
        %swap3A_321 = vector.shape_cast %swap3A_320 : vector<1x1x16xf32> to vector<16xf32>
        %swap3A_322 = vector.shape_cast %bitcast_convert_type3A_308 : vector<16xf32> to vector<1x1x16xf32>
        tpu.vector_store %arg8[%swap3A_317, %swap3A_318, %swap3A_319], %swap3A_322 {strides = array<i32>} : memref<4x128x64xf32, #tpu.memory_space<vmem>>, vector<1x1x16xf32>,
        %scan3A_323 = arith.constant 0 : i32
        scf.yield %scan3A_323 : i32
      }
      %scan3A_151 = arith.constant 128 : i32
      %dma_start3A_152 = arith.constant 1 : i32
      %dma_start3A_153 = arith.constant 77 : i32
      %dma_start3A_154 = arith.constant 0 : i32
      %dma_start3A_155 = arith.constant 0 : i32
      %dma_start3A_156 = tpu.memref_slice %arg8[%dma_start3A_152, %dma_start3A_154, %dma_start3A_155] : memref<4x128x64xf32, #tpu.memory_space<vmem>> -> memref<1x128x64xf32, #tpu.memory_space<vmem>>
      %dma_start3A_157 = tpu.memref_squeeze %dma_start3A_156 : memref<1x128x64xf32, #tpu.memory_space<vmem>> -> memref<128x64xf32, #tpu.memory_space<vmem>>
      %dma_start3A_158 = arith.constant 0 : i32
      %dma_start3A_159 = tpu.memref_slice %arg7[%dma_start3A_153, %dma_start3A_158] : memref<80x128xi32, #tpu.memory_space<vmem>> -> memref<1x128xi32, #tpu.memory_space<vmem>>
      %dma_start3A_160 = tpu.memref_squeeze %dma_start3A_159 : memref<1x128xi32, #tpu.memory_space<vmem>> -> memref<128xi32, #tpu.memory_space<vmem>>
      %dma_start3A_161 = arith.constant 0 : i32
      %dma_start3A_162 = arith.constant 0 : i32
      %dma_start3A_163 = tpu.memref_slice %arg10[%dma_start3A_161, %dma_start3A_162] : memref<10240x64xf32, #tpu.memory_space<vmem_shared>> -> memref<10240x64xf32, #tpu.memory_space<vmem_shared>>
      tpu.enqueue_indirect_dma source(%dma_start3A_157 : memref<128x64xf32, #tpu.memory_space<vmem>>) target(%dma_start3A_163 : memref<10240x64xf32, #tpu.memory_space<vmem_shared>>) offsets(%dma_start3A_160 : memref<128xi32, #tpu.memory_space<vmem>>) semaphore(%arg13 : memref<!tpu.dma_semaphore, #tpu.memory_space<semaphore_mem>>) {add = true}
      %dma_wait3A_164 = arith.constant 78 : i32
      %dma_wait3A_165 = arith.constant 2 : i32
      %dma_wait3A_166 = arith.constant 0 : i32
      %dma_wait3A_167 = arith.constant 0 : i32
      %dma_wait3A_168 = tpu.memref_slice %arg9[%dma_wait3A_165, %dma_wait3A_166, %dma_wait3A_167] : memref<4x128x32xi32, #tpu.memory_space<vmem>> -> memref<1x128x32xi32, #tpu.memory_space<vmem>>
      %dma_wait3A_169 = tpu.memref_squeeze %dma_wait3A_168 : memref<1x128x32xi32, #tpu.memory_space<vmem>> -> memref<128x32xi32, #tpu.memory_space<vmem>>
      %dma_wait3A_170 = arith.constant 0 : i32
      %dma_wait3A_171 = tpu.memref_slice %arg6[%dma_wait3A_164, %dma_wait3A_170] : memref<80x128xi32, #tpu.memory_space<vmem>> -> memref<1x128xi32, #tpu.memory_space<vmem>>
      %dma_wait3A_172 = tpu.memref_squeeze %dma_wait3A_171 : memref<1x128xi32, #tpu.memory_space<vmem>> -> memref<128xi32, #tpu.memory_space<vmem>>
      %dma_wait3A_173 = arith.constant 0 : i32
      %dma_wait3A_174 = arith.constant 0 : i32
      %dma_wait3A_175 = tpu.memref_slice %arg11[%dma_wait3A_173, %dma_wait3A_174] : memref<10240x32xi32, #tpu.memory_space<vmem_shared>> -> memref<10240x32xi32, #tpu.memory_space<vmem_shared>>
      tpu.wait_indirect_dma semaphore(%arg14 : memref<!tpu.dma_semaphore, #tpu.memory_space<semaphore_mem>>) src(%dma_wait3A_175 : memref<10240x32xi32, #tpu.memory_space<vmem_shared>>) dst(%dma_wait3A_169 : memref<128x32xi32, #tpu.memory_space<vmem>>)
      %scan3A_176 = arith.constant 0 : i32
      %scan3A_177 = arith.constant 0 : i32
      %scan3A_178 = arith.constant 128 : i32
      %scan3A_179 = arith.addi %scan3A_177, %scan3A_178 : i32
      %scan3A_180 = arith.constant 1 : i32
      %scan3A_181 = scf.for %scan3A_274 = %scan3A_177 to %scan3A_179 step %scan3A_180 iter_args(%scan3A_275 = %scan3A_176) -> (i32)  : i32 {
        %get3A = arith.constant 2 : i32
        %get3A_276 = arith.index_cast %get3A : i32 to index
        %get3A_277 = arith.index_cast %scan3A_274 : i32 to index
        %get3A_278 = arith.constant 0 : index
        %get3A_279 = tpu.vector_load %arg9[%get3A_276, %get3A_277, %get3A_278] {strides = array<i32>} : memref<4x128x32xi32, #tpu.memory_space<vmem>>, vector<1x1x16xi32>,
        %get3A_280 = vector.shape_cast %get3A_279 : vector<1x1x16xi32> to vector<16xi32>
        %shift_left3A = arith.constant 16 : i32
        %shift_left3A_281 = vector.broadcast %shift_left3A : i32 to vector<16xi32>
        %shift_left3A_282 = arith.shli %get3A_280, %shift_left3A_281 : vector<16xi32>
        %bitcast_convert_type3A = tpu.bitcast %shift_left3A_282 : vector<16xi32> -> vector<16xf32>
        %and3A = arith.andi %get3A_280, %broadcast_in_dim3A_34 : vector<16xi32>
        %bitcast_convert_type3A_283 = tpu.bitcast %and3A : vector<16xi32> -> vector<16xf32>
        %swap3A = arith.constant 2 : i32
        %swap3A_284 = arith.index_cast %swap3A : i32 to index
        %swap3A_285 = arith.index_cast %scan3A_274 : i32 to index
        %swap3A_286 = arith.constant 0 : index
        %swap3A_287 = tpu.vector_load %arg8[%swap3A_284, %swap3A_285, %swap3A_286] {strides = array<i32>} : memref<4x128x64xf32, #tpu.memory_space<vmem>>, vector<1x1x16xf32>,
        %swap3A_288 = vector.shape_cast %swap3A_287 : vector<1x1x16xf32> to vector<16xf32>
        %swap3A_289 = vector.shape_cast %bitcast_convert_type3A : vector<16xf32> to vector<1x1x16xf32>
        tpu.vector_store %arg8[%swap3A_284, %swap3A_285, %swap3A_286], %swap3A_289 {strides = array<i32>} : memref<4x128x64xf32, #tpu.memory_space<vmem>>, vector<1x1x16xf32>,
        %swap3A_290 = arith.constant 2 : i32
        %swap3A_291 = arith.index_cast %swap3A_290 : i32 to index
        %swap3A_292 = arith.index_cast %scan3A_274 : i32 to index
        %swap3A_293 = arith.constant 16 : index
        %swap3A_294 = tpu.vector_load %arg8[%swap3A_291, %swap3A_292, %swap3A_293] {strides = array<i32>} : memref<4x128x64xf32, #tpu.memory_space<vmem>>, vector<1x1x16xf32>,
        %swap3A_295 = vector.shape_cast %swap3A_294 : vector<1x1x16xf32> to vector<16xf32>
        %swap3A_296 = vector.shape_cast %bitcast_convert_type3A_283 : vector<16xf32> to vector<1x1x16xf32>
        tpu.vector_store %arg8[%swap3A_291, %swap3A_292, %swap3A_293], %swap3A_296 {strides = array<i32>} : memref<4x128x64xf32, #tpu.memory_space<vmem>>, vector<1x1x16xf32>,
        %get3A_297 = arith.constant 2 : i32
        %get3A_298 = arith.index_cast %get3A_297 : i32 to index
        %get3A_299 = arith.index_cast %scan3A_274 : i32 to index
        %get3A_300 = arith.constant 16 : index
        %get3A_301 = tpu.vector_load %arg9[%get3A_298, %get3A_299, %get3A_300] {strides = array<i32>} : memref<4x128x32xi32, #tpu.memory_space<vmem>>, vector<1x1x16xi32>,
        %get3A_302 = vector.shape_cast %get3A_301 : vector<1x1x16xi32> to vector<16xi32>
        %shift_left3A_303 = arith.constant 16 : i32
        %shift_left3A_304 = vector.broadcast %shift_left3A_303 : i32 to vector<16xi32>
        %shift_left3A_305 = arith.shli %get3A_302, %shift_left3A_304 : vector<16xi32>
        %bitcast_convert_type3A_306 = tpu.bitcast %shift_left3A_305 : vector<16xi32> -> vector<16xf32>
        %and3A_307 = arith.andi %get3A_302, %broadcast_in_dim3A_34 : vector<16xi32>
        %bitcast_convert_type3A_308 = tpu.bitcast %and3A_307 : vector<16xi32> -> vector<16xf32>
        %swap3A_309 = arith.constant 2 : i32
        %swap3A_310 = arith.index_cast %swap3A_309 : i32 to index
        %swap3A_311 = arith.index_cast %scan3A_274 : i32 to index
        %swap3A_312 = arith.constant 32 : index
        %swap3A_313 = tpu.vector_load %arg8[%swap3A_310, %swap3A_311, %swap3A_312] {strides = array<i32>} : memref<4x128x64xf32, #tpu.memory_space<vmem>>, vector<1x1x16xf32>,
        %swap3A_314 = vector.shape_cast %swap3A_313 : vector<1x1x16xf32> to vector<16xf32>
        %swap3A_315 = vector.shape_cast %bitcast_convert_type3A_306 : vector<16xf32> to vector<1x1x16xf32>
        tpu.vector_store %arg8[%swap3A_310, %swap3A_311, %swap3A_312], %swap3A_315 {strides = array<i32>} : memref<4x128x64xf32, #tpu.memory_space<vmem>>, vector<1x1x16xf32>,
        %swap3A_316 = arith.constant 2 : i32
        %swap3A_317 = arith.index_cast %swap3A_316 : i32 to index
        %swap3A_318 = arith.index_cast %scan3A_274 : i32 to index
        %swap3A_319 = arith.constant 48 : index
        %swap3A_320 = tpu.vector_load %arg8[%swap3A_317, %swap3A_318, %swap3A_319] {strides = array<i32>} : memref<4x128x64xf32, #tpu.memory_space<vmem>>, vector<1x1x16xf32>,
        %swap3A_321 = vector.shape_cast %swap3A_320 : vector<1x1x16xf32> to vector<16xf32>
        %swap3A_322 = vector.shape_cast %bitcast_convert_type3A_308 : vector<16xf32> to vector<1x1x16xf32>
        tpu.vector_store %arg8[%swap3A_317, %swap3A_318, %swap3A_319], %swap3A_322 {strides = array<i32>} : memref<4x128x64xf32, #tpu.memory_space<vmem>>, vector<1x1x16xf32>,
        %scan3A_323 = arith.constant 0 : i32
        scf.yield %scan3A_323 : i32
      }
      %scan3A_182 = arith.constant 128 : i32
      %dma_start3A_183 = arith.constant 2 : i32
      %dma_start3A_184 = arith.constant 78 : i32
      %dma_start3A_185 = arith.constant 0 : i32
      %dma_start3A_186 = arith.constant 0 : i32
      %dma_start3A_187 = tpu.memref_slice %arg8[%dma_start3A_183, %dma_start3A_185, %dma_start3A_186] : memref<4x128x64xf32, #tpu.memory_space<vmem>> -> memref<1x128x64xf32, #tpu.memory_space<vmem>>
      %dma_start3A_188 = tpu.memref_squeeze %dma_start3A_187 : memref<1x128x64xf32, #tpu.memory_space<vmem>> -> memref<128x64xf32, #tpu.memory_space<vmem>>
      %dma_start3A_189 = arith.constant 0 : i32
      %dma_start3A_190 = tpu.memref_slice %arg7[%dma_start3A_184, %dma_start3A_189] : memref<80x128xi32, #tpu.memory_space<vmem>> -> memref<1x128xi32, #tpu.memory_space<vmem>>
      %dma_start3A_191 = tpu.memref_squeeze %dma_start3A_190 : memref<1x128xi32, #tpu.memory_space<vmem>> -> memref<128xi32, #tpu.memory_space<vmem>>
      %dma_start3A_192 = arith.constant 0 : i32
      %dma_start3A_193 = arith.constant 0 : i32
      %dma_start3A_194 = tpu.memref_slice %arg10[%dma_start3A_192, %dma_start3A_193] : memref<10240x64xf32, #tpu.memory_space<vmem_shared>> -> memref<10240x64xf32, #tpu.memory_space<vmem_shared>>
      tpu.enqueue_indirect_dma source(%dma_start3A_188 : memref<128x64xf32, #tpu.memory_space<vmem>>) target(%dma_start3A_194 : memref<10240x64xf32, #tpu.memory_space<vmem_shared>>) offsets(%dma_start3A_191 : memref<128xi32, #tpu.memory_space<vmem>>) semaphore(%arg14 : memref<!tpu.dma_semaphore, #tpu.memory_space<semaphore_mem>>) {add = true}
      %dma_wait3A_195 = arith.constant 79 : i32
      %dma_wait3A_196 = arith.constant 3 : i32
      %dma_wait3A_197 = arith.constant 0 : i32
      %dma_wait3A_198 = arith.constant 0 : i32
      %dma_wait3A_199 = tpu.memref_slice %arg9[%dma_wait3A_196, %dma_wait3A_197, %dma_wait3A_198] : memref<4x128x32xi32, #tpu.memory_space<vmem>> -> memref<1x128x32xi32, #tpu.memory_space<vmem>>
      %dma_wait3A_200 = tpu.memref_squeeze %dma_wait3A_199 : memref<1x128x32xi32, #tpu.memory_space<vmem>> -> memref<128x32xi32, #tpu.memory_space<vmem>>
      %dma_wait3A_201 = arith.constant 0 : i32
      %dma_wait3A_202 = tpu.memref_slice %arg6[%dma_wait3A_195, %dma_wait3A_201] : memref<80x128xi32, #tpu.memory_space<vmem>> -> memref<1x128xi32, #tpu.memory_space<vmem>>
      %dma_wait3A_203 = tpu.memref_squeeze %dma_wait3A_202 : memref<1x128xi32, #tpu.memory_space<vmem>> -> memref<128xi32, #tpu.memory_space<vmem>>
      %dma_wait3A_204 = arith.constant 0 : i32
      %dma_wait3A_205 = arith.constant 0 : i32
      %dma_wait3A_206 = tpu.memref_slice %arg11[%dma_wait3A_204, %dma_wait3A_205] : memref<10240x32xi32, #tpu.memory_space<vmem_shared>> -> memref<10240x32xi32, #tpu.memory_space<vmem_shared>>
      tpu.wait_indirect_dma semaphore(%arg15 : memref<!tpu.dma_semaphore, #tpu.memory_space<semaphore_mem>>) src(%dma_wait3A_206 : memref<10240x32xi32, #tpu.memory_space<vmem_shared>>) dst(%dma_wait3A_200 : memref<128x32xi32, #tpu.memory_space<vmem>>)
      %scan3A_207 = arith.constant 0 : i32
      %scan3A_208 = arith.constant 0 : i32
      %scan3A_209 = arith.constant 128 : i32
      %scan3A_210 = arith.addi %scan3A_208, %scan3A_209 : i32
      %scan3A_211 = arith.constant 1 : i32
      %scan3A_212 = scf.for %scan3A_274 = %scan3A_208 to %scan3A_210 step %scan3A_211 iter_args(%scan3A_275 = %scan3A_207) -> (i32)  : i32 {
        %get3A = arith.constant 3 : i32
        %get3A_276 = arith.index_cast %get3A : i32 to index
        %get3A_277 = arith.index_cast %scan3A_274 : i32 to index
        %get3A_278 = arith.constant 0 : index
        %get3A_279 = tpu.vector_load %arg9[%get3A_276, %get3A_277, %get3A_278] {strides = array<i32>} : memref<4x128x32xi32, #tpu.memory_space<vmem>>, vector<1x1x16xi32>,
        %get3A_280 = vector.shape_cast %get3A_279 : vector<1x1x16xi32> to vector<16xi32>
        %shift_left3A = arith.constant 16 : i32
        %shift_left3A_281 = vector.broadcast %shift_left3A : i32 to vector<16xi32>
        %shift_left3A_282 = arith.shli %get3A_280, %shift_left3A_281 : vector<16xi32>
        %bitcast_convert_type3A = tpu.bitcast %shift_left3A_282 : vector<16xi32> -> vector<16xf32>
        %and3A = arith.andi %get3A_280, %broadcast_in_dim3A_34 : vector<16xi32>
        %bitcast_convert_type3A_283 = tpu.bitcast %and3A : vector<16xi32> -> vector<16xf32>
        %swap3A = arith.constant 3 : i32
        %swap3A_284 = arith.index_cast %swap3A : i32 to index
        %swap3A_285 = arith.index_cast %scan3A_274 : i32 to index
        %swap3A_286 = arith.constant 0 : index
        %swap3A_287 = tpu.vector_load %arg8[%swap3A_284, %swap3A_285, %swap3A_286] {strides = array<i32>} : memref<4x128x64xf32, #tpu.memory_space<vmem>>, vector<1x1x16xf32>,
        %swap3A_288 = vector.shape_cast %swap3A_287 : vector<1x1x16xf32> to vector<16xf32>
        %swap3A_289 = vector.shape_cast %bitcast_convert_type3A : vector<16xf32> to vector<1x1x16xf32>
        tpu.vector_store %arg8[%swap3A_284, %swap3A_285, %swap3A_286], %swap3A_289 {strides = array<i32>} : memref<4x128x64xf32, #tpu.memory_space<vmem>>, vector<1x1x16xf32>,
        %swap3A_290 = arith.constant 3 : i32
        %swap3A_291 = arith.index_cast %swap3A_290 : i32 to index
        %swap3A_292 = arith.index_cast %scan3A_274 : i32 to index
        %swap3A_293 = arith.constant 16 : index
        %swap3A_294 = tpu.vector_load %arg8[%swap3A_291, %swap3A_292, %swap3A_293] {strides = array<i32>} : memref<4x128x64xf32, #tpu.memory_space<vmem>>, vector<1x1x16xf32>,
        %swap3A_295 = vector.shape_cast %swap3A_294 : vector<1x1x16xf32> to vector<16xf32>
        %swap3A_296 = vector.shape_cast %bitcast_convert_type3A_283 : vector<16xf32> to vector<1x1x16xf32>
        tpu.vector_store %arg8[%swap3A_291, %swap3A_292, %swap3A_293], %swap3A_296 {strides = array<i32>} : memref<4x128x64xf32, #tpu.memory_space<vmem>>, vector<1x1x16xf32>,
        %get3A_297 = arith.constant 3 : i32
        %get3A_298 = arith.index_cast %get3A_297 : i32 to index
        %get3A_299 = arith.index_cast %scan3A_274 : i32 to index
        %get3A_300 = arith.constant 16 : index
        %get3A_301 = tpu.vector_load %arg9[%get3A_298, %get3A_299, %get3A_300] {strides = array<i32>} : memref<4x128x32xi32, #tpu.memory_space<vmem>>, vector<1x1x16xi32>,
        %get3A_302 = vector.shape_cast %get3A_301 : vector<1x1x16xi32> to vector<16xi32>
        %shift_left3A_303 = arith.constant 16 : i32
        %shift_left3A_304 = vector.broadcast %shift_left3A_303 : i32 to vector<16xi32>
        %shift_left3A_305 = arith.shli %get3A_302, %shift_left3A_304 : vector<16xi32>
        %bitcast_convert_type3A_306 = tpu.bitcast %shift_left3A_305 : vector<16xi32> -> vector<16xf32>
        %and3A_307 = arith.andi %get3A_302, %broadcast_in_dim3A_34 : vector<16xi32>
        %bitcast_convert_type3A_308 = tpu.bitcast %and3A_307 : vector<16xi32> -> vector<16xf32>
        %swap3A_309 = arith.constant 3 : i32
        %swap3A_310 = arith.index_cast %swap3A_309 : i32 to index
        %swap3A_311 = arith.index_cast %scan3A_274 : i32 to index
        %swap3A_312 = arith.constant 32 : index
        %swap3A_313 = tpu.vector_load %arg8[%swap3A_310, %swap3A_311, %swap3A_312] {strides = array<i32>} : memref<4x128x64xf32, #tpu.memory_space<vmem>>, vector<1x1x16xf32>,
        %swap3A_314 = vector.shape_cast %swap3A_313 : vector<1x1x16xf32> to vector<16xf32>
        %swap3A_315 = vector.shape_cast %bitcast_convert_type3A_306 : vector<16xf32> to vector<1x1x16xf32>
        tpu.vector_store %arg8[%swap3A_310, %swap3A_311, %swap3A_312], %swap3A_315 {strides = array<i32>} : memref<4x128x64xf32, #tpu.memory_space<vmem>>, vector<1x1x16xf32>,
        %swap3A_316 = arith.constant 3 : i32
        %swap3A_317 = arith.index_cast %swap3A_316 : i32 to index
        %swap3A_318 = arith.index_cast %scan3A_274 : i32 to index
        %swap3A_319 = arith.constant 48 : index
        %swap3A_320 = tpu.vector_load %arg8[%swap3A_317, %swap3A_318, %swap3A_319] {strides = array<i32>} : memref<4x128x64xf32, #tpu.memory_space<vmem>>, vector<1x1x16xf32>,
        %swap3A_321 = vector.shape_cast %swap3A_320 : vector<1x1x16xf32> to vector<16xf32>
        %swap3A_322 = vector.shape_cast %bitcast_convert_type3A_308 : vector<16xf32> to vector<1x1x16xf32>
        tpu.vector_store %arg8[%swap3A_317, %swap3A_318, %swap3A_319], %swap3A_322 {strides = array<i32>} : memref<4x128x64xf32, #tpu.memory_space<vmem>>, vector<1x1x16xf32>,
        %scan3A_323 = arith.constant 0 : i32
        scf.yield %scan3A_323 : i32
      }
      %scan3A_213 = arith.constant 128 : i32
      %dma_start3A_214 = arith.constant 3 : i32
      %dma_start3A_215 = arith.constant 79 : i32
      %dma_start3A_216 = arith.constant 0 : i32
      %dma_start3A_217 = arith.constant 0 : i32
      %dma_start3A_218 = tpu.memref_slice %arg8[%dma_start3A_214, %dma_start3A_216, %dma_start3A_217] : memref<4x128x64xf32, #tpu.memory_space<vmem>> -> memref<1x128x64xf32, #tpu.memory_space<vmem>>
      %dma_start3A_219 = tpu.memref_squeeze %dma_start3A_218 : memref<1x128x64xf32, #tpu.memory_space<vmem>> -> memref<128x64xf32, #tpu.memory_space<vmem>>
      %dma_start3A_220 = arith.constant 0 : i32
      %dma_start3A_221 = tpu.memref_slice %arg7[%dma_start3A_215, %dma_start3A_220] : memref<80x128xi32, #tpu.memory_space<vmem>> -> memref<1x128xi32, #tpu.memory_space<vmem>>
      %dma_start3A_222 = tpu.memref_squeeze %dma_start3A_221 : memref<1x128xi32, #tpu.memory_space<vmem>> -> memref<128xi32, #tpu.memory_space<vmem>>
      %dma_start3A_223 = arith.constant 0 : i32
      %dma_start3A_224 = arith.constant 0 : i32
      %dma_start3A_225 = tpu.memref_slice %arg10[%dma_start3A_223, %dma_start3A_224] : memref<10240x64xf32, #tpu.memory_space<vmem_shared>> -> memref<10240x64xf32, #tpu.memory_space<vmem_shared>>
      tpu.enqueue_indirect_dma source(%dma_start3A_219 : memref<128x64xf32, #tpu.memory_space<vmem>>) target(%dma_start3A_225 : memref<10240x64xf32, #tpu.memory_space<vmem_shared>>) offsets(%dma_start3A_222 : memref<128xi32, #tpu.memory_space<vmem>>) semaphore(%arg15 : memref<!tpu.dma_semaphore, #tpu.memory_space<semaphore_mem>>) {add = true}
      %dma_wait3A_226 = arith.constant 0 : i32
      %dma_wait3A_227 = arith.constant 76 : i32
      %dma_wait3A_228 = arith.constant 0 : i32
      %dma_wait3A_229 = arith.constant 0 : i32
      %dma_wait3A_230 = tpu.memref_slice %arg8[%dma_wait3A_226, %dma_wait3A_228, %dma_wait3A_229] : memref<4x128x64xf32, #tpu.memory_space<vmem>> -> memref<1x128x64xf32, #tpu.memory_space<vmem>>
      %dma_wait3A_231 = tpu.memref_squeeze %dma_wait3A_230 : memref<1x128x64xf32, #tpu.memory_space<vmem>> -> memref<128x64xf32, #tpu.memory_space<vmem>>
      %dma_wait3A_232 = arith.constant 0 : i32
      %dma_wait3A_233 = tpu.memref_slice %arg7[%dma_wait3A_227, %dma_wait3A_232] : memref<80x128xi32, #tpu.memory_space<vmem>> -> memref<1x128xi32, #tpu.memory_space<vmem>>
      %dma_wait3A_234 = tpu.memref_squeeze %dma_wait3A_233 : memref<1x128xi32, #tpu.memory_space<vmem>> -> memref<128xi32, #tpu.memory_space<vmem>>
      %dma_wait3A_235 = arith.constant 0 : i32
      %dma_wait3A_236 = arith.constant 0 : i32
      %dma_wait3A_237 = tpu.memref_slice %arg10[%dma_wait3A_235, %dma_wait3A_236] : memref<10240x64xf32, #tpu.memory_space<vmem_shared>> -> memref<10240x64xf32, #tpu.memory_space<vmem_shared>>
      tpu.wait_indirect_dma semaphore(%arg12 : memref<!tpu.dma_semaphore, #tpu.memory_space<semaphore_mem>>) src(%dma_wait3A_231 : memref<128x64xf32, #tpu.memory_space<vmem>>) dst(%dma_wait3A_237 : memref<10240x64xf32, #tpu.memory_space<vmem_shared>>)
      %dma_wait3A_238 = arith.constant 1 : i32
      %dma_wait3A_239 = arith.constant 77 : i32
      %dma_wait3A_240 = arith.constant 0 : i32
      %dma_wait3A_241 = arith.constant 0 : i32
      %dma_wait3A_242 = tpu.memref_slice %arg8[%dma_wait3A_238, %dma_wait3A_240, %dma_wait3A_241] : memref<4x128x64xf32, #tpu.memory_space<vmem>> -> memref<1x128x64xf32, #tpu.memory_space<vmem>>
      %dma_wait3A_243 = tpu.memref_squeeze %dma_wait3A_242 : memref<1x128x64xf32, #tpu.memory_space<vmem>> -> memref<128x64xf32, #tpu.memory_space<vmem>>
      %dma_wait3A_244 = arith.constant 0 : i32
      %dma_wait3A_245 = tpu.memref_slice %arg7[%dma_wait3A_239, %dma_wait3A_244] : memref<80x128xi32, #tpu.memory_space<vmem>> -> memref<1x128xi32, #tpu.memory_space<vmem>>
      %dma_wait3A_246 = tpu.memref_squeeze %dma_wait3A_245 : memref<1x128xi32, #tpu.memory_space<vmem>> -> memref<128xi32, #tpu.memory_space<vmem>>
      %dma_wait3A_247 = arith.constant 0 : i32
      %dma_wait3A_248 = arith.constant 0 : i32
      %dma_wait3A_249 = tpu.memref_slice %arg10[%dma_wait3A_247, %dma_wait3A_248] : memref<10240x64xf32, #tpu.memory_space<vmem_shared>> -> memref<10240x64xf32, #tpu.memory_space<vmem_shared>>
      tpu.wait_indirect_dma semaphore(%arg13 : memref<!tpu.dma_semaphore, #tpu.memory_space<semaphore_mem>>) src(%dma_wait3A_243 : memref<128x64xf32, #tpu.memory_space<vmem>>) dst(%dma_wait3A_249 : memref<10240x64xf32, #tpu.memory_space<vmem_shared>>)
      %dma_wait3A_250 = arith.constant 2 : i32
      %dma_wait3A_251 = arith.constant 78 : i32
      %dma_wait3A_252 = arith.constant 0 : i32
      %dma_wait3A_253 = arith.constant 0 : i32
      %dma_wait3A_254 = tpu.memref_slice %arg8[%dma_wait3A_250, %dma_wait3A_252, %dma_wait3A_253] : memref<4x128x64xf32, #tpu.memory_space<vmem>> -> memref<1x128x64xf32, #tpu.memory_space<vmem>>
      %dma_wait3A_255 = tpu.memref_squeeze %dma_wait3A_254 : memref<1x128x64xf32, #tpu.memory_space<vmem>> -> memref<128x64xf32, #tpu.memory_space<vmem>>
      %dma_wait3A_256 = arith.constant 0 : i32
      %dma_wait3A_257 = tpu.memref_slice %arg7[%dma_wait3A_251, %dma_wait3A_256] : memref<80x128xi32, #tpu.memory_space<vmem>> -> memref<1x128xi32, #tpu.memory_space<vmem>>
      %dma_wait3A_258 = tpu.memref_squeeze %dma_wait3A_257 : memref<1x128xi32, #tpu.memory_space<vmem>> -> memref<128xi32, #tpu.memory_space<vmem>>
      %dma_wait3A_259 = arith.constant 0 : i32
      %dma_wait3A_260 = arith.constant 0 : i32
      %dma_wait3A_261 = tpu.memref_slice %arg10[%dma_wait3A_259, %dma_wait3A_260] : memref<10240x64xf32, #tpu.memory_space<vmem_shared>> -> memref<10240x64xf32, #tpu.memory_space<vmem_shared>>
      tpu.wait_indirect_dma semaphore(%arg14 : memref<!tpu.dma_semaphore, #tpu.memory_space<semaphore_mem>>) src(%dma_wait3A_255 : memref<128x64xf32, #tpu.memory_space<vmem>>) dst(%dma_wait3A_261 : memref<10240x64xf32, #tpu.memory_space<vmem_shared>>)
      %dma_wait3A_262 = arith.constant 3 : i32
      %dma_wait3A_263 = arith.constant 79 : i32
      %dma_wait3A_264 = arith.constant 0 : i32
      %dma_wait3A_265 = arith.constant 0 : i32
      %dma_wait3A_266 = tpu.memref_slice %arg8[%dma_wait3A_262, %dma_wait3A_264, %dma_wait3A_265] : memref<4x128x64xf32, #tpu.memory_space<vmem>> -> memref<1x128x64xf32, #tpu.memory_space<vmem>>
      %dma_wait3A_267 = tpu.memref_squeeze %dma_wait3A_266 : memref<1x128x64xf32, #tpu.memory_space<vmem>> -> memref<128x64xf32, #tpu.memory_space<vmem>>
      %dma_wait3A_268 = arith.constant 0 : i32
      %dma_wait3A_269 = tpu.memref_slice %arg7[%dma_wait3A_263, %dma_wait3A_268] : memref<80x128xi32, #tpu.memory_space<vmem>> -> memref<1x128xi32, #tpu.memory_space<vmem>>
      %dma_wait3A_270 = tpu.memref_squeeze %dma_wait3A_269 : memref<1x128xi32, #tpu.memory_space<vmem>> -> memref<128xi32, #tpu.memory_space<vmem>>
      %dma_wait3A_271 = arith.constant 0 : i32
      %dma_wait3A_272 = arith.constant 0 : i32
      %dma_wait3A_273 = tpu.memref_slice %arg10[%dma_wait3A_271, %dma_wait3A_272] : memref<10240x64xf32, #tpu.memory_space<vmem_shared>> -> memref<10240x64xf32, #tpu.memory_space<vmem_shared>>
      tpu.wait_indirect_dma semaphore(%arg15 : memref<!tpu.dma_semaphore, #tpu.memory_space<semaphore_mem>>) src(%dma_wait3A_267 : memref<128x64xf32, #tpu.memory_space<vmem>>) dst(%dma_wait3A_273 : memref<10240x64xf32, #tpu.memory_space<vmem_shared>>)
    } else {
    }
    %eq3A_37 = arith.constant 1 : i32
    %eq3A_38 = arith.cmpi eq, %arg0, %eq3A_37 : i32
    %convert_element_type3A_39 = arith.extui %eq3A_38 : i1 to i32
    %cond3A_40 = arith.constant 0 : i32
    %cond3A_41 = arith.cmpi ne, %convert_element_type3A_39, %cond3A_40 : i32
    scf.if %cond3A_41 {
      %mul3A_47 = arith.constant 80 : i32
      %mul3A_48 = arith.muli %arg1, %mul3A_47 : i32
      %add3A_49 = arith.constant 1280 : i32
      %add3A_50 = arith.addi %add3A_49, %mul3A_48 : i32
      "tpu.region"() ({
        %run_scoped3A_276 = tpu.sem_alloc : memref<!tpu.dma_semaphore, #tpu.memory_space<semaphore_mem>>
        %dma_start3A_277 = arith.constant 0 : i32
        %dma_start3A_278 = arith.constant 0 : i32
        %dma_start3A_279 = tpu.memref_slice %arg6[%dma_start3A_277, %dma_start3A_278] : memref<80x128xi32, #tpu.memory_space<vmem>> -> memref<80x128xi32, #tpu.memory_space<vmem>>
        %dma_start3A_280 = arith.constant 0 : i32
        %dma_start3A_281 = tpu.memref_slice %arg3[%add3A_50, %dma_start3A_280] : memref<2560x128xi32, #tpu.memory_space<hbm>> -> memref<80x128xi32, #tpu.memory_space<hbm>>
        %dma_start3A_282 = arith.constant 0 : i32
        %dma_start3A_283 = arith.constant 0 : i32
        %dma_start3A_284 = tpu.memref_slice %arg6[%dma_start3A_282, %dma_start3A_283] : memref<80x128xi32, #tpu.memory_space<vmem>> -> memref<80x128xi32, #tpu.memory_space<vmem>>
        %dma_start3A_285 = arith.constant 0 : i32
        %dma_start3A_286 = tpu.memref_slice %arg3[%add3A_50, %dma_start3A_285] : memref<2560x128xi32, #tpu.memory_space<hbm>> -> memref<80x128xi32, #tpu.memory_space<hbm>>
        tpu.enqueue_dma source(%dma_start3A_286 : memref<80x128xi32, #tpu.memory_space<hbm>>) target(%dma_start3A_284 : memref<80x128xi32, #tpu.memory_space<vmem>>) target_semaphore(%run_scoped3A_276 : memref<!tpu.dma_semaphore, #tpu.memory_space<semaphore_mem>>)
        %dma_wait3A_287 = arith.constant 0 : i32
        %dma_wait3A_288 = arith.constant 0 : i32
        %dma_wait3A_289 = tpu.memref_slice %arg6[%dma_wait3A_287, %dma_wait3A_288] : memref<80x128xi32, #tpu.memory_space<vmem>> -> memref<80x128xi32, #tpu.memory_space<vmem>>
        %dma_wait3A_290 = arith.constant 0 : i32
        %dma_wait3A_291 = tpu.memref_slice %arg3[%add3A_50, %dma_wait3A_290] : memref<2560x128xi32, #tpu.memory_space<hbm>> -> memref<80x128xi32, #tpu.memory_space<hbm>>
        %dma_wait3A_292 = arith.constant 0 : i32
        %dma_wait3A_293 = arith.constant 0 : i32
        %dma_wait3A_294 = tpu.memref_slice %arg6[%dma_wait3A_292, %dma_wait3A_293] : memref<80x128xi32, #tpu.memory_space<vmem>> -> memref<80x128xi32, #tpu.memory_space<vmem>>
        %dma_wait3A_295 = arith.constant 0 : i32
        %dma_wait3A_296 = tpu.memref_slice %arg3[%add3A_50, %dma_wait3A_295] : memref<2560x128xi32, #tpu.memory_space<hbm>> -> memref<80x128xi32, #tpu.memory_space<hbm>>
        tpu.wait_dma2 semaphore(%run_scoped3A_276 : memref<!tpu.dma_semaphore, #tpu.memory_space<semaphore_mem>>) src(%dma_wait3A_296 : memref<80x128xi32, #tpu.memory_space<hbm>>) dst(%dma_wait3A_294 : memref<80x128xi32, #tpu.memory_space<vmem>>)
        tpu.yield
      }) : () -> ()
      "tpu.region"() ({
        %run_scoped3A_276 = tpu.sem_alloc : memref<!tpu.dma_semaphore, #tpu.memory_space<semaphore_mem>>
        %dma_start3A_277 = arith.constant 0 : i32
        %dma_start3A_278 = arith.constant 0 : i32
        %dma_start3A_279 = tpu.memref_slice %arg7[%dma_start3A_277, %dma_start3A_278] : memref<80x128xi32, #tpu.memory_space<vmem>> -> memref<80x128xi32, #tpu.memory_space<vmem>>
        %dma_start3A_280 = arith.constant 0 : i32
        %dma_start3A_281 = tpu.memref_slice %arg4[%add3A_50, %dma_start3A_280] : memref<2560x128xi32, #tpu.memory_space<hbm>> -> memref<80x128xi32, #tpu.memory_space<hbm>>
        %dma_start3A_282 = arith.constant 0 : i32
        %dma_start3A_283 = arith.constant 0 : i32
        %dma_start3A_284 = tpu.memref_slice %arg7[%dma_start3A_282, %dma_start3A_283] : memref<80x128xi32, #tpu.memory_space<vmem>> -> memref<80x128xi32, #tpu.memory_space<vmem>>
        %dma_start3A_285 = arith.constant 0 : i32
        %dma_start3A_286 = tpu.memref_slice %arg4[%add3A_50, %dma_start3A_285] : memref<2560x128xi32, #tpu.memory_space<hbm>> -> memref<80x128xi32, #tpu.memory_space<hbm>>
        tpu.enqueue_dma source(%dma_start3A_286 : memref<80x128xi32, #tpu.memory_space<hbm>>) target(%dma_start3A_284 : memref<80x128xi32, #tpu.memory_space<vmem>>) target_semaphore(%run_scoped3A_276 : memref<!tpu.dma_semaphore, #tpu.memory_space<semaphore_mem>>)
        %dma_wait3A_287 = arith.constant 0 : i32
        %dma_wait3A_288 = arith.constant 0 : i32
        %dma_wait3A_289 = tpu.memref_slice %arg7[%dma_wait3A_287, %dma_wait3A_288] : memref<80x128xi32, #tpu.memory_space<vmem>> -> memref<80x128xi32, #tpu.memory_space<vmem>>
        %dma_wait3A_290 = arith.constant 0 : i32
        %dma_wait3A_291 = tpu.memref_slice %arg4[%add3A_50, %dma_wait3A_290] : memref<2560x128xi32, #tpu.memory_space<hbm>> -> memref<80x128xi32, #tpu.memory_space<hbm>>
        %dma_wait3A_292 = arith.constant 0 : i32
        %dma_wait3A_293 = arith.constant 0 : i32
        %dma_wait3A_294 = tpu.memref_slice %arg7[%dma_wait3A_292, %dma_wait3A_293] : memref<80x128xi32, #tpu.memory_space<vmem>> -> memref<80x128xi32, #tpu.memory_space<vmem>>
        %dma_wait3A_295 = arith.constant 0 : i32
        %dma_wait3A_296 = tpu.memref_slice %arg4[%add3A_50, %dma_wait3A_295] : memref<2560x128xi32, #tpu.memory_space<hbm>> -> memref<80x128xi32, #tpu.memory_space<hbm>>
        tpu.wait_dma2 semaphore(%run_scoped3A_276 : memref<!tpu.dma_semaphore, #tpu.memory_space<semaphore_mem>>) src(%dma_wait3A_296 : memref<80x128xi32, #tpu.memory_space<hbm>>) dst(%dma_wait3A_294 : memref<80x128xi32, #tpu.memory_space<vmem>>)
        tpu.yield
      }) : () -> ()
      %dma_start3A = arith.constant 0 : i32
      %dma_start3A_51 = arith.constant 0 : i32
      %dma_start3A_52 = arith.constant 0 : i32
      %dma_start3A_53 = arith.constant 0 : i32
      %dma_start3A_54 = tpu.memref_slice %arg9[%dma_start3A_51, %dma_start3A_52, %dma_start3A_53] : memref<4x128x32xi32, #tpu.memory_space<vmem>> -> memref<1x128x32xi32, #tpu.memory_space<vmem>>
      %dma_start3A_55 = tpu.memref_squeeze %dma_start3A_54 : memref<1x128x32xi32, #tpu.memory_space<vmem>> -> memref<128x32xi32, #tpu.memory_space<vmem>>
      %dma_start3A_56 = arith.constant 0 : i32
      %dma_start3A_57 = tpu.memref_slice %arg6[%dma_start3A, %dma_start3A_56] : memref<80x128xi32, #tpu.memory_space<vmem>> -> memref<1x128xi32, #tpu.memory_space<vmem>>
      %dma_start3A_58 = tpu.memref_squeeze %dma_start3A_57 : memref<1x128xi32, #tpu.memory_space<vmem>> -> memref<128xi32, #tpu.memory_space<vmem>>
      %dma_start3A_59 = arith.constant 0 : i32
      %dma_start3A_60 = arith.constant 0 : i32
      %dma_start3A_61 = tpu.memref_slice %arg11[%dma_start3A_59, %dma_start3A_60] : memref<10240x32xi32, #tpu.memory_space<vmem_shared>> -> memref<10240x32xi32, #tpu.memory_space<vmem_shared>>
      tpu.enqueue_indirect_dma source(%dma_start3A_61 : memref<10240x32xi32, #tpu.memory_space<vmem_shared>>) target(%dma_start3A_55 : memref<128x32xi32, #tpu.memory_space<vmem>>) offsets(%dma_start3A_58 : memref<128xi32, #tpu.memory_space<vmem>>) semaphore(%arg12 : memref<!tpu.dma_semaphore, #tpu.memory_space<semaphore_mem>>)
      %dma_start3A_62 = arith.constant 1 : i32
      %dma_start3A_63 = arith.constant 1 : i32
      %dma_start3A_64 = arith.constant 0 : i32
      %dma_start3A_65 = arith.constant 0 : i32
      %dma_start3A_66 = tpu.memref_slice %arg9[%dma_start3A_63, %dma_start3A_64, %dma_start3A_65] : memref<4x128x32xi32, #tpu.memory_space<vmem>> -> memref<1x128x32xi32, #tpu.memory_space<vmem>>
      %dma_start3A_67 = tpu.memref_squeeze %dma_start3A_66 : memref<1x128x32xi32, #tpu.memory_space<vmem>> -> memref<128x32xi32, #tpu.memory_space<vmem>>
      %dma_start3A_68 = arith.constant 0 : i32
      %dma_start3A_69 = tpu.memref_slice %arg6[%dma_start3A_62, %dma_start3A_68] : memref<80x128xi32, #tpu.memory_space<vmem>> -> memref<1x128xi32, #tpu.memory_space<vmem>>
      %dma_start3A_70 = tpu.memref_squeeze %dma_start3A_69 : memref<1x128xi32, #tpu.memory_space<vmem>> -> memref<128xi32, #tpu.memory_space<vmem>>
      %dma_start3A_71 = arith.constant 0 : i32
      %dma_start3A_72 = arith.constant 0 : i32
      %dma_start3A_73 = tpu.memref_slice %arg11[%dma_start3A_71, %dma_start3A_72] : memref<10240x32xi32, #tpu.memory_space<vmem_shared>> -> memref<10240x32xi32, #tpu.memory_space<vmem_shared>>
      tpu.enqueue_indirect_dma source(%dma_start3A_73 : memref<10240x32xi32, #tpu.memory_space<vmem_shared>>) target(%dma_start3A_67 : memref<128x32xi32, #tpu.memory_space<vmem>>) offsets(%dma_start3A_70 : memref<128xi32, #tpu.memory_space<vmem>>) semaphore(%arg13 : memref<!tpu.dma_semaphore, #tpu.memory_space<semaphore_mem>>)
      %dma_start3A_74 = arith.constant 2 : i32
      %dma_start3A_75 = arith.constant 2 : i32
      %dma_start3A_76 = arith.constant 0 : i32
      %dma_start3A_77 = arith.constant 0 : i32
      %dma_start3A_78 = tpu.memref_slice %arg9[%dma_start3A_75, %dma_start3A_76, %dma_start3A_77] : memref<4x128x32xi32, #tpu.memory_space<vmem>> -> memref<1x128x32xi32, #tpu.memory_space<vmem>>
      %dma_start3A_79 = tpu.memref_squeeze %dma_start3A_78 : memref<1x128x32xi32, #tpu.memory_space<vmem>> -> memref<128x32xi32, #tpu.memory_space<vmem>>
      %dma_start3A_80 = arith.constant 0 : i32
      %dma_start3A_81 = tpu.memref_slice %arg6[%dma_start3A_74, %dma_start3A_80] : memref<80x128xi32, #tpu.memory_space<vmem>> -> memref<1x128xi32, #tpu.memory_space<vmem>>
      %dma_start3A_82 = tpu.memref_squeeze %dma_start3A_81 : memref<1x128xi32, #tpu.memory_space<vmem>> -> memref<128xi32, #tpu.memory_space<vmem>>
      %dma_start3A_83 = arith.constant 0 : i32
      %dma_start3A_84 = arith.constant 0 : i32
      %dma_start3A_85 = tpu.memref_slice %arg11[%dma_start3A_83, %dma_start3A_84] : memref<10240x32xi32, #tpu.memory_space<vmem_shared>> -> memref<10240x32xi32, #tpu.memory_space<vmem_shared>>
      tpu.enqueue_indirect_dma source(%dma_start3A_85 : memref<10240x32xi32, #tpu.memory_space<vmem_shared>>) target(%dma_start3A_79 : memref<128x32xi32, #tpu.memory_space<vmem>>) offsets(%dma_start3A_82 : memref<128xi32, #tpu.memory_space<vmem>>) semaphore(%arg14 : memref<!tpu.dma_semaphore, #tpu.memory_space<semaphore_mem>>)
      %dma_start3A_86 = arith.constant 3 : i32
      %dma_start3A_87 = arith.constant 3 : i32
      %dma_start3A_88 = arith.constant 0 : i32
      %dma_start3A_89 = arith.constant 0 : i32
      %dma_start3A_90 = tpu.memref_slice %arg9[%dma_start3A_87, %dma_start3A_88, %dma_start3A_89] : memref<4x128x32xi32, #tpu.memory_space<vmem>> -> memref<1x128x32xi32, #tpu.memory_space<vmem>>
      %dma_start3A_91 = tpu.memref_squeeze %dma_start3A_90 : memref<1x128x32xi32, #tpu.memory_space<vmem>> -> memref<128x32xi32, #tpu.memory_space<vmem>>
      %dma_start3A_92 = arith.constant 0 : i32
      %dma_start3A_93 = tpu.memref_slice %arg6[%dma_start3A_86, %dma_start3A_92] : memref<80x128xi32, #tpu.memory_space<vmem>> -> memref<1x128xi32, #tpu.memory_space<vmem>>
      %dma_start3A_94 = tpu.memref_squeeze %dma_start3A_93 : memref<1x128xi32, #tpu.memory_space<vmem>> -> memref<128xi32, #tpu.memory_space<vmem>>
      %dma_start3A_95 = arith.constant 0 : i32
      %dma_start3A_96 = arith.constant 0 : i32
      %dma_start3A_97 = tpu.memref_slice %arg11[%dma_start3A_95, %dma_start3A_96] : memref<10240x32xi32, #tpu.memory_space<vmem_shared>> -> memref<10240x32xi32, #tpu.memory_space<vmem_shared>>
      tpu.enqueue_indirect_dma source(%dma_start3A_97 : memref<10240x32xi32, #tpu.memory_space<vmem_shared>>) target(%dma_start3A_91 : memref<128x32xi32, #tpu.memory_space<vmem>>) offsets(%dma_start3A_94 : memref<128xi32, #tpu.memory_space<vmem>>) semaphore(%arg15 : memref<!tpu.dma_semaphore, #tpu.memory_space<semaphore_mem>>)
      %scan3A_98 = arith.constant 0 : i32
      %scan3A_99 = arith.constant 0 : i32
      %scan3A_100 = arith.constant 19 : i32
      %scan3A_101 = arith.addi %scan3A_99, %scan3A_100 : i32
      %scan3A_102 = arith.constant 1 : i32
      %scan3A_103 = scf.for %scan3A_276 = %scan3A_99 to %scan3A_101 step %scan3A_102 iter_args(%scan3A_277 = %scan3A_98) -> (i32)  : i32 {
        %mul3A_278 = arith.constant 4 : i32
        %mul3A_279 = arith.muli %scan3A_276, %mul3A_278 : i32
        %add3A_280 = arith.constant 0 : i32
        %add3A_281 = arith.addi %mul3A_279, %add3A_280 : i32
        %dma_wait3A_282 = arith.constant 0 : i32
        %dma_wait3A_283 = arith.constant 0 : i32
        %dma_wait3A_284 = arith.constant 0 : i32
        %dma_wait3A_285 = tpu.memref_slice %arg9[%dma_wait3A_282, %dma_wait3A_283, %dma_wait3A_284] : memref<4x128x32xi32, #tpu.memory_space<vmem>> -> memref<1x128x32xi32, #tpu.memory_space<vmem>>
        %dma_wait3A_286 = tpu.memref_squeeze %dma_wait3A_285 : memref<1x128x32xi32, #tpu.memory_space<vmem>> -> memref<128x32xi32, #tpu.memory_space<vmem>>
        %dma_wait3A_287 = arith.constant 0 : i32
        %dma_wait3A_288 = tpu.memref_slice %arg6[%add3A_281, %dma_wait3A_287] : memref<80x128xi32, #tpu.memory_space<vmem>> -> memref<1x128xi32, #tpu.memory_space<vmem>>
        %dma_wait3A_289 = tpu.memref_squeeze %dma_wait3A_288 : memref<1x128xi32, #tpu.memory_space<vmem>> -> memref<128xi32, #tpu.memory_space<vmem>>
        %dma_wait3A_290 = arith.constant 0 : i32
        %dma_wait3A_291 = arith.constant 0 : i32
        %dma_wait3A_292 = tpu.memref_slice %arg11[%dma_wait3A_290, %dma_wait3A_291] : memref<10240x32xi32, #tpu.memory_space<vmem_shared>> -> memref<10240x32xi32, #tpu.memory_space<vmem_shared>>
        tpu.wait_indirect_dma semaphore(%arg12 : memref<!tpu.dma_semaphore, #tpu.memory_space<semaphore_mem>>) src(%dma_wait3A_292 : memref<10240x32xi32, #tpu.memory_space<vmem_shared>>) dst(%dma_wait3A_286 : memref<128x32xi32, #tpu.memory_space<vmem>>)
        %scan3A_293 = arith.constant 0 : i32
        %scan3A_294 = arith.constant 0 : i32
        %scan3A_295 = arith.constant 128 : i32
        %scan3A_296 = arith.addi %scan3A_294, %scan3A_295 : i32
        %scan3A_297 = arith.constant 1 : i32
        %scan3A_298 = scf.for %scan3A_525 = %scan3A_294 to %scan3A_296 step %scan3A_297 iter_args(%scan3A_526 = %scan3A_293) -> (i32)  : i32 {
          %get3A = arith.constant 0 : i32
          %get3A_527 = arith.index_cast %get3A : i32 to index
          %get3A_528 = arith.index_cast %scan3A_525 : i32 to index
          %get3A_529 = arith.constant 0 : index
          %get3A_530 = tpu.vector_load %arg9[%get3A_527, %get3A_528, %get3A_529] {strides = array<i32>} : memref<4x128x32xi32, #tpu.memory_space<vmem>>, vector<1x1x16xi32>,
          %get3A_531 = vector.shape_cast %get3A_530 : vector<1x1x16xi32> to vector<16xi32>
          %shift_left3A = arith.constant 16 : i32
          %shift_left3A_532 = vector.broadcast %shift_left3A : i32 to vector<16xi32>
          %shift_left3A_533 = arith.shli %get3A_531, %shift_left3A_532 : vector<16xi32>
          %bitcast_convert_type3A = tpu.bitcast %shift_left3A_533 : vector<16xi32> -> vector<16xf32>
          %and3A = arith.andi %get3A_531, %broadcast_in_dim3A_34 : vector<16xi32>
          %bitcast_convert_type3A_534 = tpu.bitcast %and3A : vector<16xi32> -> vector<16xf32>
          %swap3A = arith.constant 0 : i32
          %swap3A_535 = arith.index_cast %swap3A : i32 to index
          %swap3A_536 = arith.index_cast %scan3A_525 : i32 to index
          %swap3A_537 = arith.constant 0 : index
          %swap3A_538 = tpu.vector_load %arg8[%swap3A_535, %swap3A_536, %swap3A_537] {strides = array<i32>} : memref<4x128x64xf32, #tpu.memory_space<vmem>>, vector<1x1x16xf32>,
          %swap3A_539 = vector.shape_cast %swap3A_538 : vector<1x1x16xf32> to vector<16xf32>
          %swap3A_540 = vector.shape_cast %bitcast_convert_type3A : vector<16xf32> to vector<1x1x16xf32>
          tpu.vector_store %arg8[%swap3A_535, %swap3A_536, %swap3A_537], %swap3A_540 {strides = array<i32>} : memref<4x128x64xf32, #tpu.memory_space<vmem>>, vector<1x1x16xf32>,
          %swap3A_541 = arith.constant 0 : i32
          %swap3A_542 = arith.index_cast %swap3A_541 : i32 to index
          %swap3A_543 = arith.index_cast %scan3A_525 : i32 to index
          %swap3A_544 = arith.constant 16 : index
          %swap3A_545 = tpu.vector_load %arg8[%swap3A_542, %swap3A_543, %swap3A_544] {strides = array<i32>} : memref<4x128x64xf32, #tpu.memory_space<vmem>>, vector<1x1x16xf32>,
          %swap3A_546 = vector.shape_cast %swap3A_545 : vector<1x1x16xf32> to vector<16xf32>
          %swap3A_547 = vector.shape_cast %bitcast_convert_type3A_534 : vector<16xf32> to vector<1x1x16xf32>
          tpu.vector_store %arg8[%swap3A_542, %swap3A_543, %swap3A_544], %swap3A_547 {strides = array<i32>} : memref<4x128x64xf32, #tpu.memory_space<vmem>>, vector<1x1x16xf32>,
          %get3A_548 = arith.constant 0 : i32
          %get3A_549 = arith.index_cast %get3A_548 : i32 to index
          %get3A_550 = arith.index_cast %scan3A_525 : i32 to index
          %get3A_551 = arith.constant 16 : index
          %get3A_552 = tpu.vector_load %arg9[%get3A_549, %get3A_550, %get3A_551] {strides = array<i32>} : memref<4x128x32xi32, #tpu.memory_space<vmem>>, vector<1x1x16xi32>,
          %get3A_553 = vector.shape_cast %get3A_552 : vector<1x1x16xi32> to vector<16xi32>
          %shift_left3A_554 = arith.constant 16 : i32
          %shift_left3A_555 = vector.broadcast %shift_left3A_554 : i32 to vector<16xi32>
          %shift_left3A_556 = arith.shli %get3A_553, %shift_left3A_555 : vector<16xi32>
          %bitcast_convert_type3A_557 = tpu.bitcast %shift_left3A_556 : vector<16xi32> -> vector<16xf32>
          %and3A_558 = arith.andi %get3A_553, %broadcast_in_dim3A_34 : vector<16xi32>
          %bitcast_convert_type3A_559 = tpu.bitcast %and3A_558 : vector<16xi32> -> vector<16xf32>
          %swap3A_560 = arith.constant 0 : i32
          %swap3A_561 = arith.index_cast %swap3A_560 : i32 to index
          %swap3A_562 = arith.index_cast %scan3A_525 : i32 to index
          %swap3A_563 = arith.constant 32 : index
          %swap3A_564 = tpu.vector_load %arg8[%swap3A_561, %swap3A_562, %swap3A_563] {strides = array<i32>} : memref<4x128x64xf32, #tpu.memory_space<vmem>>, vector<1x1x16xf32>,
          %swap3A_565 = vector.shape_cast %swap3A_564 : vector<1x1x16xf32> to vector<16xf32>
          %swap3A_566 = vector.shape_cast %bitcast_convert_type3A_557 : vector<16xf32> to vector<1x1x16xf32>
          tpu.vector_store %arg8[%swap3A_561, %swap3A_562, %swap3A_563], %swap3A_566 {strides = array<i32>} : memref<4x128x64xf32, #tpu.memory_space<vmem>>, vector<1x1x16xf32>,
          %swap3A_567 = arith.constant 0 : i32
          %swap3A_568 = arith.index_cast %swap3A_567 : i32 to index
          %swap3A_569 = arith.index_cast %scan3A_525 : i32 to index
          %swap3A_570 = arith.constant 48 : index
          %swap3A_571 = tpu.vector_load %arg8[%swap3A_568, %swap3A_569, %swap3A_570] {strides = array<i32>} : memref<4x128x64xf32, #tpu.memory_space<vmem>>, vector<1x1x16xf32>,
          %swap3A_572 = vector.shape_cast %swap3A_571 : vector<1x1x16xf32> to vector<16xf32>
          %swap3A_573 = vector.shape_cast %bitcast_convert_type3A_559 : vector<16xf32> to vector<1x1x16xf32>
          tpu.vector_store %arg8[%swap3A_568, %swap3A_569, %swap3A_570], %swap3A_573 {strides = array<i32>} : memref<4x128x64xf32, #tpu.memory_space<vmem>>, vector<1x1x16xf32>,
          %scan3A_574 = arith.constant 0 : i32
          scf.yield %scan3A_574 : i32
        }
        %scan3A_299 = arith.constant 128 : i32
        %add3A_300 = arith.constant 0 : i32
        %add3A_301 = arith.addi %mul3A_279, %add3A_300 : i32
        %dma_start3A_302 = arith.constant 0 : i32
        %dma_start3A_303 = arith.constant 0 : i32
        %dma_start3A_304 = arith.constant 0 : i32
        %dma_start3A_305 = tpu.memref_slice %arg8[%dma_start3A_302, %dma_start3A_303, %dma_start3A_304] : memref<4x128x64xf32, #tpu.memory_space<vmem>> -> memref<1x128x64xf32, #tpu.memory_space<vmem>>
        %dma_start3A_306 = tpu.memref_squeeze %dma_start3A_305 : memref<1x128x64xf32, #tpu.memory_space<vmem>> -> memref<128x64xf32, #tpu.memory_space<vmem>>
        %dma_start3A_307 = arith.constant 0 : i32
        %dma_start3A_308 = tpu.memref_slice %arg7[%add3A_301, %dma_start3A_307] : memref<80x128xi32, #tpu.memory_space<vmem>> -> memref<1x128xi32, #tpu.memory_space<vmem>>
        %dma_start3A_309 = tpu.memref_squeeze %dma_start3A_308 : memref<1x128xi32, #tpu.memory_space<vmem>> -> memref<128xi32, #tpu.memory_space<vmem>>
        %dma_start3A_310 = arith.constant 0 : i32
        %dma_start3A_311 = arith.constant 0 : i32
        %dma_start3A_312 = tpu.memref_slice %arg10[%dma_start3A_310, %dma_start3A_311] : memref<10240x64xf32, #tpu.memory_space<vmem_shared>> -> memref<10240x64xf32, #tpu.memory_space<vmem_shared>>
        tpu.enqueue_indirect_dma source(%dma_start3A_306 : memref<128x64xf32, #tpu.memory_space<vmem>>) target(%dma_start3A_312 : memref<10240x64xf32, #tpu.memory_space<vmem_shared>>) offsets(%dma_start3A_309 : memref<128xi32, #tpu.memory_space<vmem>>) semaphore(%arg12 : memref<!tpu.dma_semaphore, #tpu.memory_space<semaphore_mem>>) {add = true}
        %add3A_313 = arith.constant 1 : i32
        %add3A_314 = arith.addi %mul3A_279, %add3A_313 : i32
        %dma_wait3A_315 = arith.constant 1 : i32
        %dma_wait3A_316 = arith.constant 0 : i32
        %dma_wait3A_317 = arith.constant 0 : i32
        %dma_wait3A_318 = tpu.memref_slice %arg9[%dma_wait3A_315, %dma_wait3A_316, %dma_wait3A_317] : memref<4x128x32xi32, #tpu.memory_space<vmem>> -> memref<1x128x32xi32, #tpu.memory_space<vmem>>
        %dma_wait3A_319 = tpu.memref_squeeze %dma_wait3A_318 : memref<1x128x32xi32, #tpu.memory_space<vmem>> -> memref<128x32xi32, #tpu.memory_space<vmem>>
        %dma_wait3A_320 = arith.constant 0 : i32
        %dma_wait3A_321 = tpu.memref_slice %arg6[%add3A_314, %dma_wait3A_320] : memref<80x128xi32, #tpu.memory_space<vmem>> -> memref<1x128xi32, #tpu.memory_space<vmem>>
        %dma_wait3A_322 = tpu.memref_squeeze %dma_wait3A_321 : memref<1x128xi32, #tpu.memory_space<vmem>> -> memref<128xi32, #tpu.memory_space<vmem>>
        %dma_wait3A_323 = arith.constant 0 : i32
        %dma_wait3A_324 = arith.constant 0 : i32
        %dma_wait3A_325 = tpu.memref_slice %arg11[%dma_wait3A_323, %dma_wait3A_324] : memref<10240x32xi32, #tpu.memory_space<vmem_shared>> -> memref<10240x32xi32, #tpu.memory_space<vmem_shared>>
        tpu.wait_indirect_dma semaphore(%arg13 : memref<!tpu.dma_semaphore, #tpu.memory_space<semaphore_mem>>) src(%dma_wait3A_325 : memref<10240x32xi32, #tpu.memory_space<vmem_shared>>) dst(%dma_wait3A_319 : memref<128x32xi32, #tpu.memory_space<vmem>>)
        %scan3A_326 = arith.constant 0 : i32
        %scan3A_327 = arith.constant 0 : i32
        %scan3A_328 = arith.constant 128 : i32
        %scan3A_329 = arith.addi %scan3A_327, %scan3A_328 : i32
        %scan3A_330 = arith.constant 1 : i32
        %scan3A_331 = scf.for %scan3A_525 = %scan3A_327 to %scan3A_329 step %scan3A_330 iter_args(%scan3A_526 = %scan3A_326) -> (i32)  : i32 {
          %get3A = arith.constant 1 : i32
          %get3A_527 = arith.index_cast %get3A : i32 to index
          %get3A_528 = arith.index_cast %scan3A_525 : i32 to index
          %get3A_529 = arith.constant 0 : index
          %get3A_530 = tpu.vector_load %arg9[%get3A_527, %get3A_528, %get3A_529] {strides = array<i32>} : memref<4x128x32xi32, #tpu.memory_space<vmem>>, vector<1x1x16xi32>,
          %get3A_531 = vector.shape_cast %get3A_530 : vector<1x1x16xi32> to vector<16xi32>
          %shift_left3A = arith.constant 16 : i32
          %shift_left3A_532 = vector.broadcast %shift_left3A : i32 to vector<16xi32>
          %shift_left3A_533 = arith.shli %get3A_531, %shift_left3A_532 : vector<16xi32>
          %bitcast_convert_type3A = tpu.bitcast %shift_left3A_533 : vector<16xi32> -> vector<16xf32>
          %and3A = arith.andi %get3A_531, %broadcast_in_dim3A_34 : vector<16xi32>
          %bitcast_convert_type3A_534 = tpu.bitcast %and3A : vector<16xi32> -> vector<16xf32>
          %swap3A = arith.constant 1 : i32
          %swap3A_535 = arith.index_cast %swap3A : i32 to index
          %swap3A_536 = arith.index_cast %scan3A_525 : i32 to index
          %swap3A_537 = arith.constant 0 : index
          %swap3A_538 = tpu.vector_load %arg8[%swap3A_535, %swap3A_536, %swap3A_537] {strides = array<i32>} : memref<4x128x64xf32, #tpu.memory_space<vmem>>, vector<1x1x16xf32>,
          %swap3A_539 = vector.shape_cast %swap3A_538 : vector<1x1x16xf32> to vector<16xf32>
          %swap3A_540 = vector.shape_cast %bitcast_convert_type3A : vector<16xf32> to vector<1x1x16xf32>
          tpu.vector_store %arg8[%swap3A_535, %swap3A_536, %swap3A_537], %swap3A_540 {strides = array<i32>} : memref<4x128x64xf32, #tpu.memory_space<vmem>>, vector<1x1x16xf32>,
          %swap3A_541 = arith.constant 1 : i32
          %swap3A_542 = arith.index_cast %swap3A_541 : i32 to index
          %swap3A_543 = arith.index_cast %scan3A_525 : i32 to index
          %swap3A_544 = arith.constant 16 : index
          %swap3A_545 = tpu.vector_load %arg8[%swap3A_542, %swap3A_543, %swap3A_544] {strides = array<i32>} : memref<4x128x64xf32, #tpu.memory_space<vmem>>, vector<1x1x16xf32>,
          %swap3A_546 = vector.shape_cast %swap3A_545 : vector<1x1x16xf32> to vector<16xf32>
          %swap3A_547 = vector.shape_cast %bitcast_convert_type3A_534 : vector<16xf32> to vector<1x1x16xf32>
          tpu.vector_store %arg8[%swap3A_542, %swap3A_543, %swap3A_544], %swap3A_547 {strides = array<i32>} : memref<4x128x64xf32, #tpu.memory_space<vmem>>, vector<1x1x16xf32>,
          %get3A_548 = arith.constant 1 : i32
          %get3A_549 = arith.index_cast %get3A_548 : i32 to index
          %get3A_550 = arith.index_cast %scan3A_525 : i32 to index
          %get3A_551 = arith.constant 16 : index
          %get3A_552 = tpu.vector_load %arg9[%get3A_549, %get3A_550, %get3A_551] {strides = array<i32>} : memref<4x128x32xi32, #tpu.memory_space<vmem>>, vector<1x1x16xi32>,
          %get3A_553 = vector.shape_cast %get3A_552 : vector<1x1x16xi32> to vector<16xi32>
          %shift_left3A_554 = arith.constant 16 : i32
          %shift_left3A_555 = vector.broadcast %shift_left3A_554 : i32 to vector<16xi32>
          %shift_left3A_556 = arith.shli %get3A_553, %shift_left3A_555 : vector<16xi32>
          %bitcast_convert_type3A_557 = tpu.bitcast %shift_left3A_556 : vector<16xi32> -> vector<16xf32>
          %and3A_558 = arith.andi %get3A_553, %broadcast_in_dim3A_34 : vector<16xi32>
          %bitcast_convert_type3A_559 = tpu.bitcast %and3A_558 : vector<16xi32> -> vector<16xf32>
          %swap3A_560 = arith.constant 1 : i32
          %swap3A_561 = arith.index_cast %swap3A_560 : i32 to index
          %swap3A_562 = arith.index_cast %scan3A_525 : i32 to index
          %swap3A_563 = arith.constant 32 : index
          %swap3A_564 = tpu.vector_load %arg8[%swap3A_561, %swap3A_562, %swap3A_563] {strides = array<i32>} : memref<4x128x64xf32, #tpu.memory_space<vmem>>, vector<1x1x16xf32>,
          %swap3A_565 = vector.shape_cast %swap3A_564 : vector<1x1x16xf32> to vector<16xf32>
          %swap3A_566 = vector.shape_cast %bitcast_convert_type3A_557 : vector<16xf32> to vector<1x1x16xf32>
          tpu.vector_store %arg8[%swap3A_561, %swap3A_562, %swap3A_563], %swap3A_566 {strides = array<i32>} : memref<4x128x64xf32, #tpu.memory_space<vmem>>, vector<1x1x16xf32>,
          %swap3A_567 = arith.constant 1 : i32
          %swap3A_568 = arith.index_cast %swap3A_567 : i32 to index
          %swap3A_569 = arith.index_cast %scan3A_525 : i32 to index
          %swap3A_570 = arith.constant 48 : index
          %swap3A_571 = tpu.vector_load %arg8[%swap3A_568, %swap3A_569, %swap3A_570] {strides = array<i32>} : memref<4x128x64xf32, #tpu.memory_space<vmem>>, vector<1x1x16xf32>,
          %swap3A_572 = vector.shape_cast %swap3A_571 : vector<1x1x16xf32> to vector<16xf32>
          %swap3A_573 = vector.shape_cast %bitcast_convert_type3A_559 : vector<16xf32> to vector<1x1x16xf32>
          tpu.vector_store %arg8[%swap3A_568, %swap3A_569, %swap3A_570], %swap3A_573 {strides = array<i32>} : memref<4x128x64xf32, #tpu.memory_space<vmem>>, vector<1x1x16xf32>,
          %scan3A_574 = arith.constant 0 : i32
          scf.yield %scan3A_574 : i32
        }
        %scan3A_332 = arith.constant 128 : i32
        %add3A_333 = arith.constant 1 : i32
        %add3A_334 = arith.addi %mul3A_279, %add3A_333 : i32
        %dma_start3A_335 = arith.constant 1 : i32
        %dma_start3A_336 = arith.constant 0 : i32
        %dma_start3A_337 = arith.constant 0 : i32
        %dma_start3A_338 = tpu.memref_slice %arg8[%dma_start3A_335, %dma_start3A_336, %dma_start3A_337] : memref<4x128x64xf32, #tpu.memory_space<vmem>> -> memref<1x128x64xf32, #tpu.memory_space<vmem>>
        %dma_start3A_339 = tpu.memref_squeeze %dma_start3A_338 : memref<1x128x64xf32, #tpu.memory_space<vmem>> -> memref<128x64xf32, #tpu.memory_space<vmem>>
        %dma_start3A_340 = arith.constant 0 : i32
        %dma_start3A_341 = tpu.memref_slice %arg7[%add3A_334, %dma_start3A_340] : memref<80x128xi32, #tpu.memory_space<vmem>> -> memref<1x128xi32, #tpu.memory_space<vmem>>
        %dma_start3A_342 = tpu.memref_squeeze %dma_start3A_341 : memref<1x128xi32, #tpu.memory_space<vmem>> -> memref<128xi32, #tpu.memory_space<vmem>>
        %dma_start3A_343 = arith.constant 0 : i32
        %dma_start3A_344 = arith.constant 0 : i32
        %dma_start3A_345 = tpu.memref_slice %arg10[%dma_start3A_343, %dma_start3A_344] : memref<10240x64xf32, #tpu.memory_space<vmem_shared>> -> memref<10240x64xf32, #tpu.memory_space<vmem_shared>>
        tpu.enqueue_indirect_dma source(%dma_start3A_339 : memref<128x64xf32, #tpu.memory_space<vmem>>) target(%dma_start3A_345 : memref<10240x64xf32, #tpu.memory_space<vmem_shared>>) offsets(%dma_start3A_342 : memref<128xi32, #tpu.memory_space<vmem>>) semaphore(%arg13 : memref<!tpu.dma_semaphore, #tpu.memory_space<semaphore_mem>>) {add = true}
        %add3A_346 = arith.constant 2 : i32
        %add3A_347 = arith.addi %mul3A_279, %add3A_346 : i32
        %dma_wait3A_348 = arith.constant 2 : i32
        %dma_wait3A_349 = arith.constant 0 : i32
        %dma_wait3A_350 = arith.constant 0 : i32
        %dma_wait3A_351 = tpu.memref_slice %arg9[%dma_wait3A_348, %dma_wait3A_349, %dma_wait3A_350] : memref<4x128x32xi32, #tpu.memory_space<vmem>> -> memref<1x128x32xi32, #tpu.memory_space<vmem>>
        %dma_wait3A_352 = tpu.memref_squeeze %dma_wait3A_351 : memref<1x128x32xi32, #tpu.memory_space<vmem>> -> memref<128x32xi32, #tpu.memory_space<vmem>>
        %dma_wait3A_353 = arith.constant 0 : i32
        %dma_wait3A_354 = tpu.memref_slice %arg6[%add3A_347, %dma_wait3A_353] : memref<80x128xi32, #tpu.memory_space<vmem>> -> memref<1x128xi32, #tpu.memory_space<vmem>>
        %dma_wait3A_355 = tpu.memref_squeeze %dma_wait3A_354 : memref<1x128xi32, #tpu.memory_space<vmem>> -> memref<128xi32, #tpu.memory_space<vmem>>
        %dma_wait3A_356 = arith.constant 0 : i32
        %dma_wait3A_357 = arith.constant 0 : i32
        %dma_wait3A_358 = tpu.memref_slice %arg11[%dma_wait3A_356, %dma_wait3A_357] : memref<10240x32xi32, #tpu.memory_space<vmem_shared>> -> memref<10240x32xi32, #tpu.memory_space<vmem_shared>>
        tpu.wait_indirect_dma semaphore(%arg14 : memref<!tpu.dma_semaphore, #tpu.memory_space<semaphore_mem>>) src(%dma_wait3A_358 : memref<10240x32xi32, #tpu.memory_space<vmem_shared>>) dst(%dma_wait3A_352 : memref<128x32xi32, #tpu.memory_space<vmem>>)
        %scan3A_359 = arith.constant 0 : i32
        %scan3A_360 = arith.constant 0 : i32
        %scan3A_361 = arith.constant 128 : i32
        %scan3A_362 = arith.addi %scan3A_360, %scan3A_361 : i32
        %scan3A_363 = arith.constant 1 : i32
        %scan3A_364 = scf.for %scan3A_525 = %scan3A_360 to %scan3A_362 step %scan3A_363 iter_args(%scan3A_526 = %scan3A_359) -> (i32)  : i32 {
          %get3A = arith.constant 2 : i32
          %get3A_527 = arith.index_cast %get3A : i32 to index
          %get3A_528 = arith.index_cast %scan3A_525 : i32 to index
          %get3A_529 = arith.constant 0 : index
          %get3A_530 = tpu.vector_load %arg9[%get3A_527, %get3A_528, %get3A_529] {strides = array<i32>} : memref<4x128x32xi32, #tpu.memory_space<vmem>>, vector<1x1x16xi32>,
          %get3A_531 = vector.shape_cast %get3A_530 : vector<1x1x16xi32> to vector<16xi32>
          %shift_left3A = arith.constant 16 : i32
          %shift_left3A_532 = vector.broadcast %shift_left3A : i32 to vector<16xi32>
          %shift_left3A_533 = arith.shli %get3A_531, %shift_left3A_532 : vector<16xi32>
          %bitcast_convert_type3A = tpu.bitcast %shift_left3A_533 : vector<16xi32> -> vector<16xf32>
          %and3A = arith.andi %get3A_531, %broadcast_in_dim3A_34 : vector<16xi32>
          %bitcast_convert_type3A_534 = tpu.bitcast %and3A : vector<16xi32> -> vector<16xf32>
          %swap3A = arith.constant 2 : i32
          %swap3A_535 = arith.index_cast %swap3A : i32 to index
          %swap3A_536 = arith.index_cast %scan3A_525 : i32 to index
          %swap3A_537 = arith.constant 0 : index
          %swap3A_538 = tpu.vector_load %arg8[%swap3A_535, %swap3A_536, %swap3A_537] {strides = array<i32>} : memref<4x128x64xf32, #tpu.memory_space<vmem>>, vector<1x1x16xf32>,
          %swap3A_539 = vector.shape_cast %swap3A_538 : vector<1x1x16xf32> to vector<16xf32>
          %swap3A_540 = vector.shape_cast %bitcast_convert_type3A : vector<16xf32> to vector<1x1x16xf32>
          tpu.vector_store %arg8[%swap3A_535, %swap3A_536, %swap3A_537], %swap3A_540 {strides = array<i32>} : memref<4x128x64xf32, #tpu.memory_space<vmem>>, vector<1x1x16xf32>,
          %swap3A_541 = arith.constant 2 : i32
          %swap3A_542 = arith.index_cast %swap3A_541 : i32 to index
          %swap3A_543 = arith.index_cast %scan3A_525 : i32 to index
          %swap3A_544 = arith.constant 16 : index
          %swap3A_545 = tpu.vector_load %arg8[%swap3A_542, %swap3A_543, %swap3A_544] {strides = array<i32>} : memref<4x128x64xf32, #tpu.memory_space<vmem>>, vector<1x1x16xf32>,
          %swap3A_546 = vector.shape_cast %swap3A_545 : vector<1x1x16xf32> to vector<16xf32>
          %swap3A_547 = vector.shape_cast %bitcast_convert_type3A_534 : vector<16xf32> to vector<1x1x16xf32>
          tpu.vector_store %arg8[%swap3A_542, %swap3A_543, %swap3A_544], %swap3A_547 {strides = array<i32>} : memref<4x128x64xf32, #tpu.memory_space<vmem>>, vector<1x1x16xf32>,
          %get3A_548 = arith.constant 2 : i32
          %get3A_549 = arith.index_cast %get3A_548 : i32 to index
          %get3A_550 = arith.index_cast %scan3A_525 : i32 to index
          %get3A_551 = arith.constant 16 : index
          %get3A_552 = tpu.vector_load %arg9[%get3A_549, %get3A_550, %get3A_551] {strides = array<i32>} : memref<4x128x32xi32, #tpu.memory_space<vmem>>, vector<1x1x16xi32>,
          %get3A_553 = vector.shape_cast %get3A_552 : vector<1x1x16xi32> to vector<16xi32>
          %shift_left3A_554 = arith.constant 16 : i32
          %shift_left3A_555 = vector.broadcast %shift_left3A_554 : i32 to vector<16xi32>
          %shift_left3A_556 = arith.shli %get3A_553, %shift_left3A_555 : vector<16xi32>
          %bitcast_convert_type3A_557 = tpu.bitcast %shift_left3A_556 : vector<16xi32> -> vector<16xf32>
          %and3A_558 = arith.andi %get3A_553, %broadcast_in_dim3A_34 : vector<16xi32>
          %bitcast_convert_type3A_559 = tpu.bitcast %and3A_558 : vector<16xi32> -> vector<16xf32>
          %swap3A_560 = arith.constant 2 : i32
          %swap3A_561 = arith.index_cast %swap3A_560 : i32 to index
          %swap3A_562 = arith.index_cast %scan3A_525 : i32 to index
          %swap3A_563 = arith.constant 32 : index
          %swap3A_564 = tpu.vector_load %arg8[%swap3A_561, %swap3A_562, %swap3A_563] {strides = array<i32>} : memref<4x128x64xf32, #tpu.memory_space<vmem>>, vector<1x1x16xf32>,
          %swap3A_565 = vector.shape_cast %swap3A_564 : vector<1x1x16xf32> to vector<16xf32>
          %swap3A_566 = vector.shape_cast %bitcast_convert_type3A_557 : vector<16xf32> to vector<1x1x16xf32>
          tpu.vector_store %arg8[%swap3A_561, %swap3A_562, %swap3A_563], %swap3A_566 {strides = array<i32>} : memref<4x128x64xf32, #tpu.memory_space<vmem>>, vector<1x1x16xf32>,
          %swap3A_567 = arith.constant 2 : i32
          %swap3A_568 = arith.index_cast %swap3A_567 : i32 to index
          %swap3A_569 = arith.index_cast %scan3A_525 : i32 to index
          %swap3A_570 = arith.constant 48 : index
          %swap3A_571 = tpu.vector_load %arg8[%swap3A_568, %swap3A_569, %swap3A_570] {strides = array<i32>} : memref<4x128x64xf32, #tpu.memory_space<vmem>>, vector<1x1x16xf32>,
          %swap3A_572 = vector.shape_cast %swap3A_571 : vector<1x1x16xf32> to vector<16xf32>
          %swap3A_573 = vector.shape_cast %bitcast_convert_type3A_559 : vector<16xf32> to vector<1x1x16xf32>
          tpu.vector_store %arg8[%swap3A_568, %swap3A_569, %swap3A_570], %swap3A_573 {strides = array<i32>} : memref<4x128x64xf32, #tpu.memory_space<vmem>>, vector<1x1x16xf32>,
          %scan3A_574 = arith.constant 0 : i32
          scf.yield %scan3A_574 : i32
        }
        %scan3A_365 = arith.constant 128 : i32
        %add3A_366 = arith.constant 2 : i32
        %add3A_367 = arith.addi %mul3A_279, %add3A_366 : i32
        %dma_start3A_368 = arith.constant 2 : i32
        %dma_start3A_369 = arith.constant 0 : i32
        %dma_start3A_370 = arith.constant 0 : i32
        %dma_start3A_371 = tpu.memref_slice %arg8[%dma_start3A_368, %dma_start3A_369, %dma_start3A_370] : memref<4x128x64xf32, #tpu.memory_space<vmem>> -> memref<1x128x64xf32, #tpu.memory_space<vmem>>
        %dma_start3A_372 = tpu.memref_squeeze %dma_start3A_371 : memref<1x128x64xf32, #tpu.memory_space<vmem>> -> memref<128x64xf32, #tpu.memory_space<vmem>>
        %dma_start3A_373 = arith.constant 0 : i32
        %dma_start3A_374 = tpu.memref_slice %arg7[%add3A_367, %dma_start3A_373] : memref<80x128xi32, #tpu.memory_space<vmem>> -> memref<1x128xi32, #tpu.memory_space<vmem>>
        %dma_start3A_375 = tpu.memref_squeeze %dma_start3A_374 : memref<1x128xi32, #tpu.memory_space<vmem>> -> memref<128xi32, #tpu.memory_space<vmem>>
        %dma_start3A_376 = arith.constant 0 : i32
        %dma_start3A_377 = arith.constant 0 : i32
        %dma_start3A_378 = tpu.memref_slice %arg10[%dma_start3A_376, %dma_start3A_377] : memref<10240x64xf32, #tpu.memory_space<vmem_shared>> -> memref<10240x64xf32, #tpu.memory_space<vmem_shared>>
        tpu.enqueue_indirect_dma source(%dma_start3A_372 : memref<128x64xf32, #tpu.memory_space<vmem>>) target(%dma_start3A_378 : memref<10240x64xf32, #tpu.memory_space<vmem_shared>>) offsets(%dma_start3A_375 : memref<128xi32, #tpu.memory_space<vmem>>) semaphore(%arg14 : memref<!tpu.dma_semaphore, #tpu.memory_space<semaphore_mem>>) {add = true}
        %add3A_379 = arith.constant 3 : i32
        %add3A_380 = arith.addi %mul3A_279, %add3A_379 : i32
        %dma_wait3A_381 = arith.constant 3 : i32
        %dma_wait3A_382 = arith.constant 0 : i32
        %dma_wait3A_383 = arith.constant 0 : i32
        %dma_wait3A_384 = tpu.memref_slice %arg9[%dma_wait3A_381, %dma_wait3A_382, %dma_wait3A_383] : memref<4x128x32xi32, #tpu.memory_space<vmem>> -> memref<1x128x32xi32, #tpu.memory_space<vmem>>
        %dma_wait3A_385 = tpu.memref_squeeze %dma_wait3A_384 : memref<1x128x32xi32, #tpu.memory_space<vmem>> -> memref<128x32xi32, #tpu.memory_space<vmem>>
        %dma_wait3A_386 = arith.constant 0 : i32
        %dma_wait3A_387 = tpu.memref_slice %arg6[%add3A_380, %dma_wait3A_386] : memref<80x128xi32, #tpu.memory_space<vmem>> -> memref<1x128xi32, #tpu.memory_space<vmem>>
        %dma_wait3A_388 = tpu.memref_squeeze %dma_wait3A_387 : memref<1x128xi32, #tpu.memory_space<vmem>> -> memref<128xi32, #tpu.memory_space<vmem>>
        %dma_wait3A_389 = arith.constant 0 : i32
        %dma_wait3A_390 = arith.constant 0 : i32
        %dma_wait3A_391 = tpu.memref_slice %arg11[%dma_wait3A_389, %dma_wait3A_390] : memref<10240x32xi32, #tpu.memory_space<vmem_shared>> -> memref<10240x32xi32, #tpu.memory_space<vmem_shared>>
        tpu.wait_indirect_dma semaphore(%arg15 : memref<!tpu.dma_semaphore, #tpu.memory_space<semaphore_mem>>) src(%dma_wait3A_391 : memref<10240x32xi32, #tpu.memory_space<vmem_shared>>) dst(%dma_wait3A_385 : memref<128x32xi32, #tpu.memory_space<vmem>>)
        %scan3A_392 = arith.constant 0 : i32
        %scan3A_393 = arith.constant 0 : i32
        %scan3A_394 = arith.constant 128 : i32
        %scan3A_395 = arith.addi %scan3A_393, %scan3A_394 : i32
        %scan3A_396 = arith.constant 1 : i32
        %scan3A_397 = scf.for %scan3A_525 = %scan3A_393 to %scan3A_395 step %scan3A_396 iter_args(%scan3A_526 = %scan3A_392) -> (i32)  : i32 {
          %get3A = arith.constant 3 : i32
          %get3A_527 = arith.index_cast %get3A : i32 to index
          %get3A_528 = arith.index_cast %scan3A_525 : i32 to index
          %get3A_529 = arith.constant 0 : index
          %get3A_530 = tpu.vector_load %arg9[%get3A_527, %get3A_528, %get3A_529] {strides = array<i32>} : memref<4x128x32xi32, #tpu.memory_space<vmem>>, vector<1x1x16xi32>,
          %get3A_531 = vector.shape_cast %get3A_530 : vector<1x1x16xi32> to vector<16xi32>
          %shift_left3A = arith.constant 16 : i32
          %shift_left3A_532 = vector.broadcast %shift_left3A : i32 to vector<16xi32>
          %shift_left3A_533 = arith.shli %get3A_531, %shift_left3A_532 : vector<16xi32>
          %bitcast_convert_type3A = tpu.bitcast %shift_left3A_533 : vector<16xi32> -> vector<16xf32>
          %and3A = arith.andi %get3A_531, %broadcast_in_dim3A_34 : vector<16xi32>
          %bitcast_convert_type3A_534 = tpu.bitcast %and3A : vector<16xi32> -> vector<16xf32>
          %swap3A = arith.constant 3 : i32
          %swap3A_535 = arith.index_cast %swap3A : i32 to index
          %swap3A_536 = arith.index_cast %scan3A_525 : i32 to index
          %swap3A_537 = arith.constant 0 : index
          %swap3A_538 = tpu.vector_load %arg8[%swap3A_535, %swap3A_536, %swap3A_537] {strides = array<i32>} : memref<4x128x64xf32, #tpu.memory_space<vmem>>, vector<1x1x16xf32>,
          %swap3A_539 = vector.shape_cast %swap3A_538 : vector<1x1x16xf32> to vector<16xf32>
          %swap3A_540 = vector.shape_cast %bitcast_convert_type3A : vector<16xf32> to vector<1x1x16xf32>
          tpu.vector_store %arg8[%swap3A_535, %swap3A_536, %swap3A_537], %swap3A_540 {strides = array<i32>} : memref<4x128x64xf32, #tpu.memory_space<vmem>>, vector<1x1x16xf32>,
          %swap3A_541 = arith.constant 3 : i32
          %swap3A_542 = arith.index_cast %swap3A_541 : i32 to index
          %swap3A_543 = arith.index_cast %scan3A_525 : i32 to index
          %swap3A_544 = arith.constant 16 : index
          %swap3A_545 = tpu.vector_load %arg8[%swap3A_542, %swap3A_543, %swap3A_544] {strides = array<i32>} : memref<4x128x64xf32, #tpu.memory_space<vmem>>, vector<1x1x16xf32>,
          %swap3A_546 = vector.shape_cast %swap3A_545 : vector<1x1x16xf32> to vector<16xf32>
          %swap3A_547 = vector.shape_cast %bitcast_convert_type3A_534 : vector<16xf32> to vector<1x1x16xf32>
          tpu.vector_store %arg8[%swap3A_542, %swap3A_543, %swap3A_544], %swap3A_547 {strides = array<i32>} : memref<4x128x64xf32, #tpu.memory_space<vmem>>, vector<1x1x16xf32>,
          %get3A_548 = arith.constant 3 : i32
          %get3A_549 = arith.index_cast %get3A_548 : i32 to index
          %get3A_550 = arith.index_cast %scan3A_525 : i32 to index
          %get3A_551 = arith.constant 16 : index
          %get3A_552 = tpu.vector_load %arg9[%get3A_549, %get3A_550, %get3A_551] {strides = array<i32>} : memref<4x128x32xi32, #tpu.memory_space<vmem>>, vector<1x1x16xi32>,
          %get3A_553 = vector.shape_cast %get3A_552 : vector<1x1x16xi32> to vector<16xi32>
          %shift_left3A_554 = arith.constant 16 : i32
          %shift_left3A_555 = vector.broadcast %shift_left3A_554 : i32 to vector<16xi32>
          %shift_left3A_556 = arith.shli %get3A_553, %shift_left3A_555 : vector<16xi32>
          %bitcast_convert_type3A_557 = tpu.bitcast %shift_left3A_556 : vector<16xi32> -> vector<16xf32>
          %and3A_558 = arith.andi %get3A_553, %broadcast_in_dim3A_34 : vector<16xi32>
          %bitcast_convert_type3A_559 = tpu.bitcast %and3A_558 : vector<16xi32> -> vector<16xf32>
          %swap3A_560 = arith.constant 3 : i32
          %swap3A_561 = arith.index_cast %swap3A_560 : i32 to index
          %swap3A_562 = arith.index_cast %scan3A_525 : i32 to index
          %swap3A_563 = arith.constant 32 : index
          %swap3A_564 = tpu.vector_load %arg8[%swap3A_561, %swap3A_562, %swap3A_563] {strides = array<i32>} : memref<4x128x64xf32, #tpu.memory_space<vmem>>, vector<1x1x16xf32>,
          %swap3A_565 = vector.shape_cast %swap3A_564 : vector<1x1x16xf32> to vector<16xf32>
          %swap3A_566 = vector.shape_cast %bitcast_convert_type3A_557 : vector<16xf32> to vector<1x1x16xf32>
          tpu.vector_store %arg8[%swap3A_561, %swap3A_562, %swap3A_563], %swap3A_566 {strides = array<i32>} : memref<4x128x64xf32, #tpu.memory_space<vmem>>, vector<1x1x16xf32>,
          %swap3A_567 = arith.constant 3 : i32
          %swap3A_568 = arith.index_cast %swap3A_567 : i32 to index
          %swap3A_569 = arith.index_cast %scan3A_525 : i32 to index
          %swap3A_570 = arith.constant 48 : index
          %swap3A_571 = tpu.vector_load %arg8[%swap3A_568, %swap3A_569, %swap3A_570] {strides = array<i32>} : memref<4x128x64xf32, #tpu.memory_space<vmem>>, vector<1x1x16xf32>,
          %swap3A_572 = vector.shape_cast %swap3A_571 : vector<1x1x16xf32> to vector<16xf32>
          %swap3A_573 = vector.shape_cast %bitcast_convert_type3A_559 : vector<16xf32> to vector<1x1x16xf32>
          tpu.vector_store %arg8[%swap3A_568, %swap3A_569, %swap3A_570], %swap3A_573 {strides = array<i32>} : memref<4x128x64xf32, #tpu.memory_space<vmem>>, vector<1x1x16xf32>,
          %scan3A_574 = arith.constant 0 : i32
          scf.yield %scan3A_574 : i32
        }
        %scan3A_398 = arith.constant 128 : i32
        %add3A_399 = arith.constant 3 : i32
        %add3A_400 = arith.addi %mul3A_279, %add3A_399 : i32
        %dma_start3A_401 = arith.constant 3 : i32
        %dma_start3A_402 = arith.constant 0 : i32
        %dma_start3A_403 = arith.constant 0 : i32
        %dma_start3A_404 = tpu.memref_slice %arg8[%dma_start3A_401, %dma_start3A_402, %dma_start3A_403] : memref<4x128x64xf32, #tpu.memory_space<vmem>> -> memref<1x128x64xf32, #tpu.memory_space<vmem>>
        %dma_start3A_405 = tpu.memref_squeeze %dma_start3A_404 : memref<1x128x64xf32, #tpu.memory_space<vmem>> -> memref<128x64xf32, #tpu.memory_space<vmem>>
        %dma_start3A_406 = arith.constant 0 : i32
        %dma_start3A_407 = tpu.memref_slice %arg7[%add3A_400, %dma_start3A_406] : memref<80x128xi32, #tpu.memory_space<vmem>> -> memref<1x128xi32, #tpu.memory_space<vmem>>
        %dma_start3A_408 = tpu.memref_squeeze %dma_start3A_407 : memref<1x128xi32, #tpu.memory_space<vmem>> -> memref<128xi32, #tpu.memory_space<vmem>>
        %dma_start3A_409 = arith.constant 0 : i32
        %dma_start3A_410 = arith.constant 0 : i32
        %dma_start3A_411 = tpu.memref_slice %arg10[%dma_start3A_409, %dma_start3A_410] : memref<10240x64xf32, #tpu.memory_space<vmem_shared>> -> memref<10240x64xf32, #tpu.memory_space<vmem_shared>>
        tpu.enqueue_indirect_dma source(%dma_start3A_405 : memref<128x64xf32, #tpu.memory_space<vmem>>) target(%dma_start3A_411 : memref<10240x64xf32, #tpu.memory_space<vmem_shared>>) offsets(%dma_start3A_408 : memref<128xi32, #tpu.memory_space<vmem>>) semaphore(%arg15 : memref<!tpu.dma_semaphore, #tpu.memory_space<semaphore_mem>>) {add = true}
        %add3A_412 = arith.constant 0 : i32
        %add3A_413 = arith.addi %mul3A_279, %add3A_412 : i32
        %dma_wait3A_414 = arith.constant 0 : i32
        %dma_wait3A_415 = arith.constant 0 : i32
        %dma_wait3A_416 = arith.constant 0 : i32
        %dma_wait3A_417 = tpu.memref_slice %arg8[%dma_wait3A_414, %dma_wait3A_415, %dma_wait3A_416] : memref<4x128x64xf32, #tpu.memory_space<vmem>> -> memref<1x128x64xf32, #tpu.memory_space<vmem>>
        %dma_wait3A_418 = tpu.memref_squeeze %dma_wait3A_417 : memref<1x128x64xf32, #tpu.memory_space<vmem>> -> memref<128x64xf32, #tpu.memory_space<vmem>>
        %dma_wait3A_419 = arith.constant 0 : i32
        %dma_wait3A_420 = tpu.memref_slice %arg7[%add3A_413, %dma_wait3A_419] : memref<80x128xi32, #tpu.memory_space<vmem>> -> memref<1x128xi32, #tpu.memory_space<vmem>>
        %dma_wait3A_421 = tpu.memref_squeeze %dma_wait3A_420 : memref<1x128xi32, #tpu.memory_space<vmem>> -> memref<128xi32, #tpu.memory_space<vmem>>
        %dma_wait3A_422 = arith.constant 0 : i32
        %dma_wait3A_423 = arith.constant 0 : i32
        %dma_wait3A_424 = tpu.memref_slice %arg10[%dma_wait3A_422, %dma_wait3A_423] : memref<10240x64xf32, #tpu.memory_space<vmem_shared>> -> memref<10240x64xf32, #tpu.memory_space<vmem_shared>>
        tpu.wait_indirect_dma semaphore(%arg12 : memref<!tpu.dma_semaphore, #tpu.memory_space<semaphore_mem>>) src(%dma_wait3A_418 : memref<128x64xf32, #tpu.memory_space<vmem>>) dst(%dma_wait3A_424 : memref<10240x64xf32, #tpu.memory_space<vmem_shared>>)
        %add3A_425 = arith.constant 4 : i32
        %add3A_426 = arith.addi %mul3A_279, %add3A_425 : i32
        %add3A_427 = arith.constant 0 : i32
        %add3A_428 = arith.addi %add3A_426, %add3A_427 : i32
        %dma_start3A_429 = arith.constant 0 : i32
        %dma_start3A_430 = arith.constant 0 : i32
        %dma_start3A_431 = arith.constant 0 : i32
        %dma_start3A_432 = tpu.memref_slice %arg9[%dma_start3A_429, %dma_start3A_430, %dma_start3A_431] : memref<4x128x32xi32, #tpu.memory_space<vmem>> -> memref<1x128x32xi32, #tpu.memory_space<vmem>>
        %dma_start3A_433 = tpu.memref_squeeze %dma_start3A_432 : memref<1x128x32xi32, #tpu.memory_space<vmem>> -> memref<128x32xi32, #tpu.memory_space<vmem>>
        %dma_start3A_434 = arith.constant 0 : i32
        %dma_start3A_435 = tpu.memref_slice %arg6[%add3A_428, %dma_start3A_434] : memref<80x128xi32, #tpu.memory_space<vmem>> -> memref<1x128xi32, #tpu.memory_space<vmem>>
        %dma_start3A_436 = tpu.memref_squeeze %dma_start3A_435 : memref<1x128xi32, #tpu.memory_space<vmem>> -> memref<128xi32, #tpu.memory_space<vmem>>
        %dma_start3A_437 = arith.constant 0 : i32
        %dma_start3A_438 = arith.constant 0 : i32
        %dma_start3A_439 = tpu.memref_slice %arg11[%dma_start3A_437, %dma_start3A_438] : memref<10240x32xi32, #tpu.memory_space<vmem_shared>> -> memref<10240x32xi32, #tpu.memory_space<vmem_shared>>
        tpu.enqueue_indirect_dma source(%dma_start3A_439 : memref<10240x32xi32, #tpu.memory_space<vmem_shared>>) target(%dma_start3A_433 : memref<128x32xi32, #tpu.memory_space<vmem>>) offsets(%dma_start3A_436 : memref<128xi32, #tpu.memory_space<vmem>>) semaphore(%arg12 : memref<!tpu.dma_semaphore, #tpu.memory_space<semaphore_mem>>)
        %add3A_440 = arith.constant 1 : i32
        %add3A_441 = arith.addi %mul3A_279, %add3A_440 : i32
        %dma_wait3A_442 = arith.constant 1 : i32
        %dma_wait3A_443 = arith.constant 0 : i32
        %dma_wait3A_444 = arith.constant 0 : i32
        %dma_wait3A_445 = tpu.memref_slice %arg8[%dma_wait3A_442, %dma_wait3A_443, %dma_wait3A_444] : memref<4x128x64xf32, #tpu.memory_space<vmem>> -> memref<1x128x64xf32, #tpu.memory_space<vmem>>
        %dma_wait3A_446 = tpu.memref_squeeze %dma_wait3A_445 : memref<1x128x64xf32, #tpu.memory_space<vmem>> -> memref<128x64xf32, #tpu.memory_space<vmem>>
        %dma_wait3A_447 = arith.constant 0 : i32
        %dma_wait3A_448 = tpu.memref_slice %arg7[%add3A_441, %dma_wait3A_447] : memref<80x128xi32, #tpu.memory_space<vmem>> -> memref<1x128xi32, #tpu.memory_space<vmem>>
        %dma_wait3A_449 = tpu.memref_squeeze %dma_wait3A_448 : memref<1x128xi32, #tpu.memory_space<vmem>> -> memref<128xi32, #tpu.memory_space<vmem>>
        %dma_wait3A_450 = arith.constant 0 : i32
        %dma_wait3A_451 = arith.constant 0 : i32
        %dma_wait3A_452 = tpu.memref_slice %arg10[%dma_wait3A_450, %dma_wait3A_451] : memref<10240x64xf32, #tpu.memory_space<vmem_shared>> -> memref<10240x64xf32, #tpu.memory_space<vmem_shared>>
        tpu.wait_indirect_dma semaphore(%arg13 : memref<!tpu.dma_semaphore, #tpu.memory_space<semaphore_mem>>) src(%dma_wait3A_446 : memref<128x64xf32, #tpu.memory_space<vmem>>) dst(%dma_wait3A_452 : memref<10240x64xf32, #tpu.memory_space<vmem_shared>>)
        %add3A_453 = arith.constant 4 : i32
        %add3A_454 = arith.addi %mul3A_279, %add3A_453 : i32
        %add3A_455 = arith.constant 1 : i32
        %add3A_456 = arith.addi %add3A_454, %add3A_455 : i32
        %dma_start3A_457 = arith.constant 1 : i32
        %dma_start3A_458 = arith.constant 0 : i32
        %dma_start3A_459 = arith.constant 0 : i32
        %dma_start3A_460 = tpu.memref_slice %arg9[%dma_start3A_457, %dma_start3A_458, %dma_start3A_459] : memref<4x128x32xi32, #tpu.memory_space<vmem>> -> memref<1x128x32xi32, #tpu.memory_space<vmem>>
        %dma_start3A_461 = tpu.memref_squeeze %dma_start3A_460 : memref<1x128x32xi32, #tpu.memory_space<vmem>> -> memref<128x32xi32, #tpu.memory_space<vmem>>
        %dma_start3A_462 = arith.constant 0 : i32
        %dma_start3A_463 = tpu.memref_slice %arg6[%add3A_456, %dma_start3A_462] : memref<80x128xi32, #tpu.memory_space<vmem>> -> memref<1x128xi32, #tpu.memory_space<vmem>>
        %dma_start3A_464 = tpu.memref_squeeze %dma_start3A_463 : memref<1x128xi32, #tpu.memory_space<vmem>> -> memref<128xi32, #tpu.memory_space<vmem>>
        %dma_start3A_465 = arith.constant 0 : i32
        %dma_start3A_466 = arith.constant 0 : i32
        %dma_start3A_467 = tpu.memref_slice %arg11[%dma_start3A_465, %dma_start3A_466] : memref<10240x32xi32, #tpu.memory_space<vmem_shared>> -> memref<10240x32xi32, #tpu.memory_space<vmem_shared>>
        tpu.enqueue_indirect_dma source(%dma_start3A_467 : memref<10240x32xi32, #tpu.memory_space<vmem_shared>>) target(%dma_start3A_461 : memref<128x32xi32, #tpu.memory_space<vmem>>) offsets(%dma_start3A_464 : memref<128xi32, #tpu.memory_space<vmem>>) semaphore(%arg13 : memref<!tpu.dma_semaphore, #tpu.memory_space<semaphore_mem>>)
        %add3A_468 = arith.constant 2 : i32
        %add3A_469 = arith.addi %mul3A_279, %add3A_468 : i32
        %dma_wait3A_470 = arith.constant 2 : i32
        %dma_wait3A_471 = arith.constant 0 : i32
        %dma_wait3A_472 = arith.constant 0 : i32
        %dma_wait3A_473 = tpu.memref_slice %arg8[%dma_wait3A_470, %dma_wait3A_471, %dma_wait3A_472] : memref<4x128x64xf32, #tpu.memory_space<vmem>> -> memref<1x128x64xf32, #tpu.memory_space<vmem>>
        %dma_wait3A_474 = tpu.memref_squeeze %dma_wait3A_473 : memref<1x128x64xf32, #tpu.memory_space<vmem>> -> memref<128x64xf32, #tpu.memory_space<vmem>>
        %dma_wait3A_475 = arith.constant 0 : i32
        %dma_wait3A_476 = tpu.memref_slice %arg7[%add3A_469, %dma_wait3A_475] : memref<80x128xi32, #tpu.memory_space<vmem>> -> memref<1x128xi32, #tpu.memory_space<vmem>>
        %dma_wait3A_477 = tpu.memref_squeeze %dma_wait3A_476 : memref<1x128xi32, #tpu.memory_space<vmem>> -> memref<128xi32, #tpu.memory_space<vmem>>
        %dma_wait3A_478 = arith.constant 0 : i32
        %dma_wait3A_479 = arith.constant 0 : i32
        %dma_wait3A_480 = tpu.memref_slice %arg10[%dma_wait3A_478, %dma_wait3A_479] : memref<10240x64xf32, #tpu.memory_space<vmem_shared>> -> memref<10240x64xf32, #tpu.memory_space<vmem_shared>>
        tpu.wait_indirect_dma semaphore(%arg14 : memref<!tpu.dma_semaphore, #tpu.memory_space<semaphore_mem>>) src(%dma_wait3A_474 : memref<128x64xf32, #tpu.memory_space<vmem>>) dst(%dma_wait3A_480 : memref<10240x64xf32, #tpu.memory_space<vmem_shared>>)
        %add3A_481 = arith.constant 4 : i32
        %add3A_482 = arith.addi %mul3A_279, %add3A_481 : i32
        %add3A_483 = arith.constant 2 : i32
        %add3A_484 = arith.addi %add3A_482, %add3A_483 : i32
        %dma_start3A_485 = arith.constant 2 : i32
        %dma_start3A_486 = arith.constant 0 : i32
        %dma_start3A_487 = arith.constant 0 : i32
        %dma_start3A_488 = tpu.memref_slice %arg9[%dma_start3A_485, %dma_start3A_486, %dma_start3A_487] : memref<4x128x32xi32, #tpu.memory_space<vmem>> -> memref<1x128x32xi32, #tpu.memory_space<vmem>>
        %dma_start3A_489 = tpu.memref_squeeze %dma_start3A_488 : memref<1x128x32xi32, #tpu.memory_space<vmem>> -> memref<128x32xi32, #tpu.memory_space<vmem>>
        %dma_start3A_490 = arith.constant 0 : i32
        %dma_start3A_491 = tpu.memref_slice %arg6[%add3A_484, %dma_start3A_490] : memref<80x128xi32, #tpu.memory_space<vmem>> -> memref<1x128xi32, #tpu.memory_space<vmem>>
        %dma_start3A_492 = tpu.memref_squeeze %dma_start3A_491 : memref<1x128xi32, #tpu.memory_space<vmem>> -> memref<128xi32, #tpu.memory_space<vmem>>
        %dma_start3A_493 = arith.constant 0 : i32
        %dma_start3A_494 = arith.constant 0 : i32
        %dma_start3A_495 = tpu.memref_slice %arg11[%dma_start3A_493, %dma_start3A_494] : memref<10240x32xi32, #tpu.memory_space<vmem_shared>> -> memref<10240x32xi32, #tpu.memory_space<vmem_shared>>
        tpu.enqueue_indirect_dma source(%dma_start3A_495 : memref<10240x32xi32, #tpu.memory_space<vmem_shared>>) target(%dma_start3A_489 : memref<128x32xi32, #tpu.memory_space<vmem>>) offsets(%dma_start3A_492 : memref<128xi32, #tpu.memory_space<vmem>>) semaphore(%arg14 : memref<!tpu.dma_semaphore, #tpu.memory_space<semaphore_mem>>)
        %add3A_496 = arith.constant 3 : i32
        %add3A_497 = arith.addi %mul3A_279, %add3A_496 : i32
        %dma_wait3A_498 = arith.constant 3 : i32
        %dma_wait3A_499 = arith.constant 0 : i32
        %dma_wait3A_500 = arith.constant 0 : i32
        %dma_wait3A_501 = tpu.memref_slice %arg8[%dma_wait3A_498, %dma_wait3A_499, %dma_wait3A_500] : memref<4x128x64xf32, #tpu.memory_space<vmem>> -> memref<1x128x64xf32, #tpu.memory_space<vmem>>
        %dma_wait3A_502 = tpu.memref_squeeze %dma_wait3A_501 : memref<1x128x64xf32, #tpu.memory_space<vmem>> -> memref<128x64xf32, #tpu.memory_space<vmem>>
        %dma_wait3A_503 = arith.constant 0 : i32
        %dma_wait3A_504 = tpu.memref_slice %arg7[%add3A_497, %dma_wait3A_503] : memref<80x128xi32, #tpu.memory_space<vmem>> -> memref<1x128xi32, #tpu.memory_space<vmem>>
        %dma_wait3A_505 = tpu.memref_squeeze %dma_wait3A_504 : memref<1x128xi32, #tpu.memory_space<vmem>> -> memref<128xi32, #tpu.memory_space<vmem>>
        %dma_wait3A_506 = arith.constant 0 : i32
        %dma_wait3A_507 = arith.constant 0 : i32
        %dma_wait3A_508 = tpu.memref_slice %arg10[%dma_wait3A_506, %dma_wait3A_507] : memref<10240x64xf32, #tpu.memory_space<vmem_shared>> -> memref<10240x64xf32, #tpu.memory_space<vmem_shared>>
        tpu.wait_indirect_dma semaphore(%arg15 : memref<!tpu.dma_semaphore, #tpu.memory_space<semaphore_mem>>) src(%dma_wait3A_502 : memref<128x64xf32, #tpu.memory_space<vmem>>) dst(%dma_wait3A_508 : memref<10240x64xf32, #tpu.memory_space<vmem_shared>>)
        %add3A_509 = arith.constant 4 : i32
        %add3A_510 = arith.addi %mul3A_279, %add3A_509 : i32
        %add3A_511 = arith.constant 3 : i32
        %add3A_512 = arith.addi %add3A_510, %add3A_511 : i32
        %dma_start3A_513 = arith.constant 3 : i32
        %dma_start3A_514 = arith.constant 0 : i32
        %dma_start3A_515 = arith.constant 0 : i32
        %dma_start3A_516 = tpu.memref_slice %arg9[%dma_start3A_513, %dma_start3A_514, %dma_start3A_515] : memref<4x128x32xi32, #tpu.memory_space<vmem>> -> memref<1x128x32xi32, #tpu.memory_space<vmem>>
        %dma_start3A_517 = tpu.memref_squeeze %dma_start3A_516 : memref<1x128x32xi32, #tpu.memory_space<vmem>> -> memref<128x32xi32, #tpu.memory_space<vmem>>
        %dma_start3A_518 = arith.constant 0 : i32
        %dma_start3A_519 = tpu.memref_slice %arg6[%add3A_512, %dma_start3A_518] : memref<80x128xi32, #tpu.memory_space<vmem>> -> memref<1x128xi32, #tpu.memory_space<vmem>>
        %dma_start3A_520 = tpu.memref_squeeze %dma_start3A_519 : memref<1x128xi32, #tpu.memory_space<vmem>> -> memref<128xi32, #tpu.memory_space<vmem>>
        %dma_start3A_521 = arith.constant 0 : i32
        %dma_start3A_522 = arith.constant 0 : i32
        %dma_start3A_523 = tpu.memref_slice %arg11[%dma_start3A_521, %dma_start3A_522] : memref<10240x32xi32, #tpu.memory_space<vmem_shared>> -> memref<10240x32xi32, #tpu.memory_space<vmem_shared>>
        tpu.enqueue_indirect_dma source(%dma_start3A_523 : memref<10240x32xi32, #tpu.memory_space<vmem_shared>>) target(%dma_start3A_517 : memref<128x32xi32, #tpu.memory_space<vmem>>) offsets(%dma_start3A_520 : memref<128xi32, #tpu.memory_space<vmem>>) semaphore(%arg15 : memref<!tpu.dma_semaphore, #tpu.memory_space<semaphore_mem>>)
        %scan3A_524 = arith.constant 0 : i32
        scf.yield %scan3A_524 : i32
      }
      %scan3A_104 = arith.constant 19 : i32
      %dma_wait3A = arith.constant 76 : i32
      %dma_wait3A_105 = arith.constant 0 : i32
      %dma_wait3A_106 = arith.constant 0 : i32
      %dma_wait3A_107 = arith.constant 0 : i32
      %dma_wait3A_108 = tpu.memref_slice %arg9[%dma_wait3A_105, %dma_wait3A_106, %dma_wait3A_107] : memref<4x128x32xi32, #tpu.memory_space<vmem>> -> memref<1x128x32xi32, #tpu.memory_space<vmem>>
      %dma_wait3A_109 = tpu.memref_squeeze %dma_wait3A_108 : memref<1x128x32xi32, #tpu.memory_space<vmem>> -> memref<128x32xi32, #tpu.memory_space<vmem>>
      %dma_wait3A_110 = arith.constant 0 : i32
      %dma_wait3A_111 = tpu.memref_slice %arg6[%dma_wait3A, %dma_wait3A_110] : memref<80x128xi32, #tpu.memory_space<vmem>> -> memref<1x128xi32, #tpu.memory_space<vmem>>
      %dma_wait3A_112 = tpu.memref_squeeze %dma_wait3A_111 : memref<1x128xi32, #tpu.memory_space<vmem>> -> memref<128xi32, #tpu.memory_space<vmem>>
      %dma_wait3A_113 = arith.constant 0 : i32
      %dma_wait3A_114 = arith.constant 0 : i32
      %dma_wait3A_115 = tpu.memref_slice %arg11[%dma_wait3A_113, %dma_wait3A_114] : memref<10240x32xi32, #tpu.memory_space<vmem_shared>> -> memref<10240x32xi32, #tpu.memory_space<vmem_shared>>
      tpu.wait_indirect_dma semaphore(%arg12 : memref<!tpu.dma_semaphore, #tpu.memory_space<semaphore_mem>>) src(%dma_wait3A_115 : memref<10240x32xi32, #tpu.memory_space<vmem_shared>>) dst(%dma_wait3A_109 : memref<128x32xi32, #tpu.memory_space<vmem>>)
      %scan3A_116 = arith.constant 0 : i32
      %scan3A_117 = arith.constant 0 : i32
      %scan3A_118 = arith.constant 128 : i32
      %scan3A_119 = arith.addi %scan3A_117, %scan3A_118 : i32
      %scan3A_120 = arith.constant 1 : i32
      %scan3A_121 = scf.for %scan3A_276 = %scan3A_117 to %scan3A_119 step %scan3A_120 iter_args(%scan3A_277 = %scan3A_116) -> (i32)  : i32 {
        %get3A = arith.constant 0 : i32
        %get3A_278 = arith.index_cast %get3A : i32 to index
        %get3A_279 = arith.index_cast %scan3A_276 : i32 to index
        %get3A_280 = arith.constant 0 : index
        %get3A_281 = tpu.vector_load %arg9[%get3A_278, %get3A_279, %get3A_280] {strides = array<i32>} : memref<4x128x32xi32, #tpu.memory_space<vmem>>, vector<1x1x16xi32>,
        %get3A_282 = vector.shape_cast %get3A_281 : vector<1x1x16xi32> to vector<16xi32>
        %shift_left3A = arith.constant 16 : i32
        %shift_left3A_283 = vector.broadcast %shift_left3A : i32 to vector<16xi32>
        %shift_left3A_284 = arith.shli %get3A_282, %shift_left3A_283 : vector<16xi32>
        %bitcast_convert_type3A = tpu.bitcast %shift_left3A_284 : vector<16xi32> -> vector<16xf32>
        %and3A = arith.andi %get3A_282, %broadcast_in_dim3A_34 : vector<16xi32>
        %bitcast_convert_type3A_285 = tpu.bitcast %and3A : vector<16xi32> -> vector<16xf32>
        %swap3A = arith.constant 0 : i32
        %swap3A_286 = arith.index_cast %swap3A : i32 to index
        %swap3A_287 = arith.index_cast %scan3A_276 : i32 to index
        %swap3A_288 = arith.constant 0 : index
        %swap3A_289 = tpu.vector_load %arg8[%swap3A_286, %swap3A_287, %swap3A_288] {strides = array<i32>} : memref<4x128x64xf32, #tpu.memory_space<vmem>>, vector<1x1x16xf32>,
        %swap3A_290 = vector.shape_cast %swap3A_289 : vector<1x1x16xf32> to vector<16xf32>
        %swap3A_291 = vector.shape_cast %bitcast_convert_type3A : vector<16xf32> to vector<1x1x16xf32>
        tpu.vector_store %arg8[%swap3A_286, %swap3A_287, %swap3A_288], %swap3A_291 {strides = array<i32>} : memref<4x128x64xf32, #tpu.memory_space<vmem>>, vector<1x1x16xf32>,
        %swap3A_292 = arith.constant 0 : i32
        %swap3A_293 = arith.index_cast %swap3A_292 : i32 to index
        %swap3A_294 = arith.index_cast %scan3A_276 : i32 to index
        %swap3A_295 = arith.constant 16 : index
        %swap3A_296 = tpu.vector_load %arg8[%swap3A_293, %swap3A_294, %swap3A_295] {strides = array<i32>} : memref<4x128x64xf32, #tpu.memory_space<vmem>>, vector<1x1x16xf32>,
        %swap3A_297 = vector.shape_cast %swap3A_296 : vector<1x1x16xf32> to vector<16xf32>
        %swap3A_298 = vector.shape_cast %bitcast_convert_type3A_285 : vector<16xf32> to vector<1x1x16xf32>
        tpu.vector_store %arg8[%swap3A_293, %swap3A_294, %swap3A_295], %swap3A_298 {strides = array<i32>} : memref<4x128x64xf32, #tpu.memory_space<vmem>>, vector<1x1x16xf32>,
        %get3A_299 = arith.constant 0 : i32
        %get3A_300 = arith.index_cast %get3A_299 : i32 to index
        %get3A_301 = arith.index_cast %scan3A_276 : i32 to index
        %get3A_302 = arith.constant 16 : index
        %get3A_303 = tpu.vector_load %arg9[%get3A_300, %get3A_301, %get3A_302] {strides = array<i32>} : memref<4x128x32xi32, #tpu.memory_space<vmem>>, vector<1x1x16xi32>,
        %get3A_304 = vector.shape_cast %get3A_303 : vector<1x1x16xi32> to vector<16xi32>
        %shift_left3A_305 = arith.constant 16 : i32
        %shift_left3A_306 = vector.broadcast %shift_left3A_305 : i32 to vector<16xi32>
        %shift_left3A_307 = arith.shli %get3A_304, %shift_left3A_306 : vector<16xi32>
        %bitcast_convert_type3A_308 = tpu.bitcast %shift_left3A_307 : vector<16xi32> -> vector<16xf32>
        %and3A_309 = arith.andi %get3A_304, %broadcast_in_dim3A_34 : vector<16xi32>
        %bitcast_convert_type3A_310 = tpu.bitcast %and3A_309 : vector<16xi32> -> vector<16xf32>
        %swap3A_311 = arith.constant 0 : i32
        %swap3A_312 = arith.index_cast %swap3A_311 : i32 to index
        %swap3A_313 = arith.index_cast %scan3A_276 : i32 to index
        %swap3A_314 = arith.constant 32 : index
        %swap3A_315 = tpu.vector_load %arg8[%swap3A_312, %swap3A_313, %swap3A_314] {strides = array<i32>} : memref<4x128x64xf32, #tpu.memory_space<vmem>>, vector<1x1x16xf32>,
        %swap3A_316 = vector.shape_cast %swap3A_315 : vector<1x1x16xf32> to vector<16xf32>
        %swap3A_317 = vector.shape_cast %bitcast_convert_type3A_308 : vector<16xf32> to vector<1x1x16xf32>
        tpu.vector_store %arg8[%swap3A_312, %swap3A_313, %swap3A_314], %swap3A_317 {strides = array<i32>} : memref<4x128x64xf32, #tpu.memory_space<vmem>>, vector<1x1x16xf32>,
        %swap3A_318 = arith.constant 0 : i32
        %swap3A_319 = arith.index_cast %swap3A_318 : i32 to index
        %swap3A_320 = arith.index_cast %scan3A_276 : i32 to index
        %swap3A_321 = arith.constant 48 : index
        %swap3A_322 = tpu.vector_load %arg8[%swap3A_319, %swap3A_320, %swap3A_321] {strides = array<i32>} : memref<4x128x64xf32, #tpu.memory_space<vmem>>, vector<1x1x16xf32>,
        %swap3A_323 = vector.shape_cast %swap3A_322 : vector<1x1x16xf32> to vector<16xf32>
        %swap3A_324 = vector.shape_cast %bitcast_convert_type3A_310 : vector<16xf32> to vector<1x1x16xf32>
        tpu.vector_store %arg8[%swap3A_319, %swap3A_320, %swap3A_321], %swap3A_324 {strides = array<i32>} : memref<4x128x64xf32, #tpu.memory_space<vmem>>, vector<1x1x16xf32>,
        %scan3A_325 = arith.constant 0 : i32
        scf.yield %scan3A_325 : i32
      }
      %scan3A_122 = arith.constant 128 : i32
      %dma_start3A_123 = arith.constant 0 : i32
      %dma_start3A_124 = arith.constant 76 : i32
      %dma_start3A_125 = arith.constant 0 : i32
      %dma_start3A_126 = arith.constant 0 : i32
      %dma_start3A_127 = tpu.memref_slice %arg8[%dma_start3A_123, %dma_start3A_125, %dma_start3A_126] : memref<4x128x64xf32, #tpu.memory_space<vmem>> -> memref<1x128x64xf32, #tpu.memory_space<vmem>>
      %dma_start3A_128 = tpu.memref_squeeze %dma_start3A_127 : memref<1x128x64xf32, #tpu.memory_space<vmem>> -> memref<128x64xf32, #tpu.memory_space<vmem>>
      %dma_start3A_129 = arith.constant 0 : i32
      %dma_start3A_130 = tpu.memref_slice %arg7[%dma_start3A_124, %dma_start3A_129] : memref<80x128xi32, #tpu.memory_space<vmem>> -> memref<1x128xi32, #tpu.memory_space<vmem>>
      %dma_start3A_131 = tpu.memref_squeeze %dma_start3A_130 : memref<1x128xi32, #tpu.memory_space<vmem>> -> memref<128xi32, #tpu.memory_space<vmem>>
      %dma_start3A_132 = arith.constant 0 : i32
      %dma_start3A_133 = arith.constant 0 : i32
      %dma_start3A_134 = tpu.memref_slice %arg10[%dma_start3A_132, %dma_start3A_133] : memref<10240x64xf32, #tpu.memory_space<vmem_shared>> -> memref<10240x64xf32, #tpu.memory_space<vmem_shared>>
      tpu.enqueue_indirect_dma source(%dma_start3A_128 : memref<128x64xf32, #tpu.memory_space<vmem>>) target(%dma_start3A_134 : memref<10240x64xf32, #tpu.memory_space<vmem_shared>>) offsets(%dma_start3A_131 : memref<128xi32, #tpu.memory_space<vmem>>) semaphore(%arg12 : memref<!tpu.dma_semaphore, #tpu.memory_space<semaphore_mem>>) {add = true}
      %dma_wait3A_135 = arith.constant 77 : i32
      %dma_wait3A_136 = arith.constant 1 : i32
      %dma_wait3A_137 = arith.constant 0 : i32
      %dma_wait3A_138 = arith.constant 0 : i32
      %dma_wait3A_139 = tpu.memref_slice %arg9[%dma_wait3A_136, %dma_wait3A_137, %dma_wait3A_138] : memref<4x128x32xi32, #tpu.memory_space<vmem>> -> memref<1x128x32xi32, #tpu.memory_space<vmem>>
      %dma_wait3A_140 = tpu.memref_squeeze %dma_wait3A_139 : memref<1x128x32xi32, #tpu.memory_space<vmem>> -> memref<128x32xi32, #tpu.memory_space<vmem>>
      %dma_wait3A_141 = arith.constant 0 : i32
      %dma_wait3A_142 = tpu.memref_slice %arg6[%dma_wait3A_135, %dma_wait3A_141] : memref<80x128xi32, #tpu.memory_space<vmem>> -> memref<1x128xi32, #tpu.memory_space<vmem>>
      %dma_wait3A_143 = tpu.memref_squeeze %dma_wait3A_142 : memref<1x128xi32, #tpu.memory_space<vmem>> -> memref<128xi32, #tpu.memory_space<vmem>>
      %dma_wait3A_144 = arith.constant 0 : i32
      %dma_wait3A_145 = arith.constant 0 : i32
      %dma_wait3A_146 = tpu.memref_slice %arg11[%dma_wait3A_144, %dma_wait3A_145] : memref<10240x32xi32, #tpu.memory_space<vmem_shared>> -> memref<10240x32xi32, #tpu.memory_space<vmem_shared>>
      tpu.wait_indirect_dma semaphore(%arg13 : memref<!tpu.dma_semaphore, #tpu.memory_space<semaphore_mem>>) src(%dma_wait3A_146 : memref<10240x32xi32, #tpu.memory_space<vmem_shared>>) dst(%dma_wait3A_140 : memref<128x32xi32, #tpu.memory_space<vmem>>)
      %scan3A_147 = arith.constant 0 : i32
      %scan3A_148 = arith.constant 0 : i32
      %scan3A_149 = arith.constant 128 : i32
      %scan3A_150 = arith.addi %scan3A_148, %scan3A_149 : i32
      %scan3A_151 = arith.constant 1 : i32
      %scan3A_152 = scf.for %scan3A_276 = %scan3A_148 to %scan3A_150 step %scan3A_151 iter_args(%scan3A_277 = %scan3A_147) -> (i32)  : i32 {
        %get3A = arith.constant 1 : i32
        %get3A_278 = arith.index_cast %get3A : i32 to index
        %get3A_279 = arith.index_cast %scan3A_276 : i32 to index
        %get3A_280 = arith.constant 0 : index
        %get3A_281 = tpu.vector_load %arg9[%get3A_278, %get3A_279, %get3A_280] {strides = array<i32>} : memref<4x128x32xi32, #tpu.memory_space<vmem>>, vector<1x1x16xi32>,
        %get3A_282 = vector.shape_cast %get3A_281 : vector<1x1x16xi32> to vector<16xi32>
        %shift_left3A = arith.constant 16 : i32
        %shift_left3A_283 = vector.broadcast %shift_left3A : i32 to vector<16xi32>
        %shift_left3A_284 = arith.shli %get3A_282, %shift_left3A_283 : vector<16xi32>
        %bitcast_convert_type3A = tpu.bitcast %shift_left3A_284 : vector<16xi32> -> vector<16xf32>
        %and3A = arith.andi %get3A_282, %broadcast_in_dim3A_34 : vector<16xi32>
        %bitcast_convert_type3A_285 = tpu.bitcast %and3A : vector<16xi32> -> vector<16xf32>
        %swap3A = arith.constant 1 : i32
        %swap3A_286 = arith.index_cast %swap3A : i32 to index
        %swap3A_287 = arith.index_cast %scan3A_276 : i32 to index
        %swap3A_288 = arith.constant 0 : index
        %swap3A_289 = tpu.vector_load %arg8[%swap3A_286, %swap3A_287, %swap3A_288] {strides = array<i32>} : memref<4x128x64xf32, #tpu.memory_space<vmem>>, vector<1x1x16xf32>,
        %swap3A_290 = vector.shape_cast %swap3A_289 : vector<1x1x16xf32> to vector<16xf32>
        %swap3A_291 = vector.shape_cast %bitcast_convert_type3A : vector<16xf32> to vector<1x1x16xf32>
        tpu.vector_store %arg8[%swap3A_286, %swap3A_287, %swap3A_288], %swap3A_291 {strides = array<i32>} : memref<4x128x64xf32, #tpu.memory_space<vmem>>, vector<1x1x16xf32>,
        %swap3A_292 = arith.constant 1 : i32
        %swap3A_293 = arith.index_cast %swap3A_292 : i32 to index
        %swap3A_294 = arith.index_cast %scan3A_276 : i32 to index
        %swap3A_295 = arith.constant 16 : index
        %swap3A_296 = tpu.vector_load %arg8[%swap3A_293, %swap3A_294, %swap3A_295] {strides = array<i32>} : memref<4x128x64xf32, #tpu.memory_space<vmem>>, vector<1x1x16xf32>,
        %swap3A_297 = vector.shape_cast %swap3A_296 : vector<1x1x16xf32> to vector<16xf32>
        %swap3A_298 = vector.shape_cast %bitcast_convert_type3A_285 : vector<16xf32> to vector<1x1x16xf32>
        tpu.vector_store %arg8[%swap3A_293, %swap3A_294, %swap3A_295], %swap3A_298 {strides = array<i32>} : memref<4x128x64xf32, #tpu.memory_space<vmem>>, vector<1x1x16xf32>,
        %get3A_299 = arith.constant 1 : i32
        %get3A_300 = arith.index_cast %get3A_299 : i32 to index
        %get3A_301 = arith.index_cast %scan3A_276 : i32 to index
        %get3A_302 = arith.constant 16 : index
        %get3A_303 = tpu.vector_load %arg9[%get3A_300, %get3A_301, %get3A_302] {strides = array<i32>} : memref<4x128x32xi32, #tpu.memory_space<vmem>>, vector<1x1x16xi32>,
        %get3A_304 = vector.shape_cast %get3A_303 : vector<1x1x16xi32> to vector<16xi32>
        %shift_left3A_305 = arith.constant 16 : i32
        %shift_left3A_306 = vector.broadcast %shift_left3A_305 : i32 to vector<16xi32>
        %shift_left3A_307 = arith.shli %get3A_304, %shift_left3A_306 : vector<16xi32>
        %bitcast_convert_type3A_308 = tpu.bitcast %shift_left3A_307 : vector<16xi32> -> vector<16xf32>
        %and3A_309 = arith.andi %get3A_304, %broadcast_in_dim3A_34 : vector<16xi32>
        %bitcast_convert_type3A_310 = tpu.bitcast %and3A_309 : vector<16xi32> -> vector<16xf32>
        %swap3A_311 = arith.constant 1 : i32
        %swap3A_312 = arith.index_cast %swap3A_311 : i32 to index
        %swap3A_313 = arith.index_cast %scan3A_276 : i32 to index
        %swap3A_314 = arith.constant 32 : index
        %swap3A_315 = tpu.vector_load %arg8[%swap3A_312, %swap3A_313, %swap3A_314] {strides = array<i32>} : memref<4x128x64xf32, #tpu.memory_space<vmem>>, vector<1x1x16xf32>,
        %swap3A_316 = vector.shape_cast %swap3A_315 : vector<1x1x16xf32> to vector<16xf32>
        %swap3A_317 = vector.shape_cast %bitcast_convert_type3A_308 : vector<16xf32> to vector<1x1x16xf32>
        tpu.vector_store %arg8[%swap3A_312, %swap3A_313, %swap3A_314], %swap3A_317 {strides = array<i32>} : memref<4x128x64xf32, #tpu.memory_space<vmem>>, vector<1x1x16xf32>,
        %swap3A_318 = arith.constant 1 : i32
        %swap3A_319 = arith.index_cast %swap3A_318 : i32 to index
        %swap3A_320 = arith.index_cast %scan3A_276 : i32 to index
        %swap3A_321 = arith.constant 48 : index
        %swap3A_322 = tpu.vector_load %arg8[%swap3A_319, %swap3A_320, %swap3A_321] {strides = array<i32>} : memref<4x128x64xf32, #tpu.memory_space<vmem>>, vector<1x1x16xf32>,
        %swap3A_323 = vector.shape_cast %swap3A_322 : vector<1x1x16xf32> to vector<16xf32>
        %swap3A_324 = vector.shape_cast %bitcast_convert_type3A_310 : vector<16xf32> to vector<1x1x16xf32>
        tpu.vector_store %arg8[%swap3A_319, %swap3A_320, %swap3A_321], %swap3A_324 {strides = array<i32>} : memref<4x128x64xf32, #tpu.memory_space<vmem>>, vector<1x1x16xf32>,
        %scan3A_325 = arith.constant 0 : i32
        scf.yield %scan3A_325 : i32
      }
      %scan3A_153 = arith.constant 128 : i32
      %dma_start3A_154 = arith.constant 1 : i32
      %dma_start3A_155 = arith.constant 77 : i32
      %dma_start3A_156 = arith.constant 0 : i32
      %dma_start3A_157 = arith.constant 0 : i32
      %dma_start3A_158 = tpu.memref_slice %arg8[%dma_start3A_154, %dma_start3A_156, %dma_start3A_157] : memref<4x128x64xf32, #tpu.memory_space<vmem>> -> memref<1x128x64xf32, #tpu.memory_space<vmem>>
      %dma_start3A_159 = tpu.memref_squeeze %dma_start3A_158 : memref<1x128x64xf32, #tpu.memory_space<vmem>> -> memref<128x64xf32, #tpu.memory_space<vmem>>
      %dma_start3A_160 = arith.constant 0 : i32
      %dma_start3A_161 = tpu.memref_slice %arg7[%dma_start3A_155, %dma_start3A_160] : memref<80x128xi32, #tpu.memory_space<vmem>> -> memref<1x128xi32, #tpu.memory_space<vmem>>
      %dma_start3A_162 = tpu.memref_squeeze %dma_start3A_161 : memref<1x128xi32, #tpu.memory_space<vmem>> -> memref<128xi32, #tpu.memory_space<vmem>>
      %dma_start3A_163 = arith.constant 0 : i32
      %dma_start3A_164 = arith.constant 0 : i32
      %dma_start3A_165 = tpu.memref_slice %arg10[%dma_start3A_163, %dma_start3A_164] : memref<10240x64xf32, #tpu.memory_space<vmem_shared>> -> memref<10240x64xf32, #tpu.memory_space<vmem_shared>>
      tpu.enqueue_indirect_dma source(%dma_start3A_159 : memref<128x64xf32, #tpu.memory_space<vmem>>) target(%dma_start3A_165 : memref<10240x64xf32, #tpu.memory_space<vmem_shared>>) offsets(%dma_start3A_162 : memref<128xi32, #tpu.memory_space<vmem>>) semaphore(%arg13 : memref<!tpu.dma_semaphore, #tpu.memory_space<semaphore_mem>>) {add = true}
      %dma_wait3A_166 = arith.constant 78 : i32
      %dma_wait3A_167 = arith.constant 2 : i32
      %dma_wait3A_168 = arith.constant 0 : i32
      %dma_wait3A_169 = arith.constant 0 : i32
      %dma_wait3A_170 = tpu.memref_slice %arg9[%dma_wait3A_167, %dma_wait3A_168, %dma_wait3A_169] : memref<4x128x32xi32, #tpu.memory_space<vmem>> -> memref<1x128x32xi32, #tpu.memory_space<vmem>>
      %dma_wait3A_171 = tpu.memref_squeeze %dma_wait3A_170 : memref<1x128x32xi32, #tpu.memory_space<vmem>> -> memref<128x32xi32, #tpu.memory_space<vmem>>
      %dma_wait3A_172 = arith.constant 0 : i32
      %dma_wait3A_173 = tpu.memref_slice %arg6[%dma_wait3A_166, %dma_wait3A_172] : memref<80x128xi32, #tpu.memory_space<vmem>> -> memref<1x128xi32, #tpu.memory_space<vmem>>
      %dma_wait3A_174 = tpu.memref_squeeze %dma_wait3A_173 : memref<1x128xi32, #tpu.memory_space<vmem>> -> memref<128xi32, #tpu.memory_space<vmem>>
      %dma_wait3A_175 = arith.constant 0 : i32
      %dma_wait3A_176 = arith.constant 0 : i32
      %dma_wait3A_177 = tpu.memref_slice %arg11[%dma_wait3A_175, %dma_wait3A_176] : memref<10240x32xi32, #tpu.memory_space<vmem_shared>> -> memref<10240x32xi32, #tpu.memory_space<vmem_shared>>
      tpu.wait_indirect_dma semaphore(%arg14 : memref<!tpu.dma_semaphore, #tpu.memory_space<semaphore_mem>>) src(%dma_wait3A_177 : memref<10240x32xi32, #tpu.memory_space<vmem_shared>>) dst(%dma_wait3A_171 : memref<128x32xi32, #tpu.memory_space<vmem>>)
      %scan3A_178 = arith.constant 0 : i32
      %scan3A_179 = arith.constant 0 : i32
      %scan3A_180 = arith.constant 128 : i32
      %scan3A_181 = arith.addi %scan3A_179, %scan3A_180 : i32
      %scan3A_182 = arith.constant 1 : i32
      %scan3A_183 = scf.for %scan3A_276 = %scan3A_179 to %scan3A_181 step %scan3A_182 iter_args(%scan3A_277 = %scan3A_178) -> (i32)  : i32 {
        %get3A = arith.constant 2 : i32
        %get3A_278 = arith.index_cast %get3A : i32 to index
        %get3A_279 = arith.index_cast %scan3A_276 : i32 to index
        %get3A_280 = arith.constant 0 : index
        %get3A_281 = tpu.vector_load %arg9[%get3A_278, %get3A_279, %get3A_280] {strides = array<i32>} : memref<4x128x32xi32, #tpu.memory_space<vmem>>, vector<1x1x16xi32>,
        %get3A_282 = vector.shape_cast %get3A_281 : vector<1x1x16xi32> to vector<16xi32>
        %shift_left3A = arith.constant 16 : i32
        %shift_left3A_283 = vector.broadcast %shift_left3A : i32 to vector<16xi32>
        %shift_left3A_284 = arith.shli %get3A_282, %shift_left3A_283 : vector<16xi32>
        %bitcast_convert_type3A = tpu.bitcast %shift_left3A_284 : vector<16xi32> -> vector<16xf32>
        %and3A = arith.andi %get3A_282, %broadcast_in_dim3A_34 : vector<16xi32>
        %bitcast_convert_type3A_285 = tpu.bitcast %and3A : vector<16xi32> -> vector<16xf32>
        %swap3A = arith.constant 2 : i32
        %swap3A_286 = arith.index_cast %swap3A : i32 to index
        %swap3A_287 = arith.index_cast %scan3A_276 : i32 to index
        %swap3A_288 = arith.constant 0 : index
        %swap3A_289 = tpu.vector_load %arg8[%swap3A_286, %swap3A_287, %swap3A_288] {strides = array<i32>} : memref<4x128x64xf32, #tpu.memory_space<vmem>>, vector<1x1x16xf32>,
        %swap3A_290 = vector.shape_cast %swap3A_289 : vector<1x1x16xf32> to vector<16xf32>
        %swap3A_291 = vector.shape_cast %bitcast_convert_type3A : vector<16xf32> to vector<1x1x16xf32>
        tpu.vector_store %arg8[%swap3A_286, %swap3A_287, %swap3A_288], %swap3A_291 {strides = array<i32>} : memref<4x128x64xf32, #tpu.memory_space<vmem>>, vector<1x1x16xf32>,
        %swap3A_292 = arith.constant 2 : i32
        %swap3A_293 = arith.index_cast %swap3A_292 : i32 to index
        %swap3A_294 = arith.index_cast %scan3A_276 : i32 to index
        %swap3A_295 = arith.constant 16 : index
        %swap3A_296 = tpu.vector_load %arg8[%swap3A_293, %swap3A_294, %swap3A_295] {strides = array<i32>} : memref<4x128x64xf32, #tpu.memory_space<vmem>>, vector<1x1x16xf32>,
        %swap3A_297 = vector.shape_cast %swap3A_296 : vector<1x1x16xf32> to vector<16xf32>
        %swap3A_298 = vector.shape_cast %bitcast_convert_type3A_285 : vector<16xf32> to vector<1x1x16xf32>
        tpu.vector_store %arg8[%swap3A_293, %swap3A_294, %swap3A_295], %swap3A_298 {strides = array<i32>} : memref<4x128x64xf32, #tpu.memory_space<vmem>>, vector<1x1x16xf32>,
        %get3A_299 = arith.constant 2 : i32
        %get3A_300 = arith.index_cast %get3A_299 : i32 to index
        %get3A_301 = arith.index_cast %scan3A_276 : i32 to index
        %get3A_302 = arith.constant 16 : index
        %get3A_303 = tpu.vector_load %arg9[%get3A_300, %get3A_301, %get3A_302] {strides = array<i32>} : memref<4x128x32xi32, #tpu.memory_space<vmem>>, vector<1x1x16xi32>,
        %get3A_304 = vector.shape_cast %get3A_303 : vector<1x1x16xi32> to vector<16xi32>
        %shift_left3A_305 = arith.constant 16 : i32
        %shift_left3A_306 = vector.broadcast %shift_left3A_305 : i32 to vector<16xi32>
        %shift_left3A_307 = arith.shli %get3A_304, %shift_left3A_306 : vector<16xi32>
        %bitcast_convert_type3A_308 = tpu.bitcast %shift_left3A_307 : vector<16xi32> -> vector<16xf32>
        %and3A_309 = arith.andi %get3A_304, %broadcast_in_dim3A_34 : vector<16xi32>
        %bitcast_convert_type3A_310 = tpu.bitcast %and3A_309 : vector<16xi32> -> vector<16xf32>
        %swap3A_311 = arith.constant 2 : i32
        %swap3A_312 = arith.index_cast %swap3A_311 : i32 to index
        %swap3A_313 = arith.index_cast %scan3A_276 : i32 to index
        %swap3A_314 = arith.constant 32 : index
        %swap3A_315 = tpu.vector_load %arg8[%swap3A_312, %swap3A_313, %swap3A_314] {strides = array<i32>} : memref<4x128x64xf32, #tpu.memory_space<vmem>>, vector<1x1x16xf32>,
        %swap3A_316 = vector.shape_cast %swap3A_315 : vector<1x1x16xf32> to vector<16xf32>
        %swap3A_317 = vector.shape_cast %bitcast_convert_type3A_308 : vector<16xf32> to vector<1x1x16xf32>
        tpu.vector_store %arg8[%swap3A_312, %swap3A_313, %swap3A_314], %swap3A_317 {strides = array<i32>} : memref<4x128x64xf32, #tpu.memory_space<vmem>>, vector<1x1x16xf32>,
        %swap3A_318 = arith.constant 2 : i32
        %swap3A_319 = arith.index_cast %swap3A_318 : i32 to index
        %swap3A_320 = arith.index_cast %scan3A_276 : i32 to index
        %swap3A_321 = arith.constant 48 : index
        %swap3A_322 = tpu.vector_load %arg8[%swap3A_319, %swap3A_320, %swap3A_321] {strides = array<i32>} : memref<4x128x64xf32, #tpu.memory_space<vmem>>, vector<1x1x16xf32>,
        %swap3A_323 = vector.shape_cast %swap3A_322 : vector<1x1x16xf32> to vector<16xf32>
        %swap3A_324 = vector.shape_cast %bitcast_convert_type3A_310 : vector<16xf32> to vector<1x1x16xf32>
        tpu.vector_store %arg8[%swap3A_319, %swap3A_320, %swap3A_321], %swap3A_324 {strides = array<i32>} : memref<4x128x64xf32, #tpu.memory_space<vmem>>, vector<1x1x16xf32>,
        %scan3A_325 = arith.constant 0 : i32
        scf.yield %scan3A_325 : i32
      }
      %scan3A_184 = arith.constant 128 : i32
      %dma_start3A_185 = arith.constant 2 : i32
      %dma_start3A_186 = arith.constant 78 : i32
      %dma_start3A_187 = arith.constant 0 : i32
      %dma_start3A_188 = arith.constant 0 : i32
      %dma_start3A_189 = tpu.memref_slice %arg8[%dma_start3A_185, %dma_start3A_187, %dma_start3A_188] : memref<4x128x64xf32, #tpu.memory_space<vmem>> -> memref<1x128x64xf32, #tpu.memory_space<vmem>>
      %dma_start3A_190 = tpu.memref_squeeze %dma_start3A_189 : memref<1x128x64xf32, #tpu.memory_space<vmem>> -> memref<128x64xf32, #tpu.memory_space<vmem>>
      %dma_start3A_191 = arith.constant 0 : i32
      %dma_start3A_192 = tpu.memref_slice %arg7[%dma_start3A_186, %dma_start3A_191] : memref<80x128xi32, #tpu.memory_space<vmem>> -> memref<1x128xi32, #tpu.memory_space<vmem>>
      %dma_start3A_193 = tpu.memref_squeeze %dma_start3A_192 : memref<1x128xi32, #tpu.memory_space<vmem>> -> memref<128xi32, #tpu.memory_space<vmem>>
      %dma_start3A_194 = arith.constant 0 : i32
      %dma_start3A_195 = arith.constant 0 : i32
      %dma_start3A_196 = tpu.memref_slice %arg10[%dma_start3A_194, %dma_start3A_195] : memref<10240x64xf32, #tpu.memory_space<vmem_shared>> -> memref<10240x64xf32, #tpu.memory_space<vmem_shared>>
      tpu.enqueue_indirect_dma source(%dma_start3A_190 : memref<128x64xf32, #tpu.memory_space<vmem>>) target(%dma_start3A_196 : memref<10240x64xf32, #tpu.memory_space<vmem_shared>>) offsets(%dma_start3A_193 : memref<128xi32, #tpu.memory_space<vmem>>) semaphore(%arg14 : memref<!tpu.dma_semaphore, #tpu.memory_space<semaphore_mem>>) {add = true}
      %dma_wait3A_197 = arith.constant 79 : i32
      %dma_wait3A_198 = arith.constant 3 : i32
      %dma_wait3A_199 = arith.constant 0 : i32
      %dma_wait3A_200 = arith.constant 0 : i32
      %dma_wait3A_201 = tpu.memref_slice %arg9[%dma_wait3A_198, %dma_wait3A_199, %dma_wait3A_200] : memref<4x128x32xi32, #tpu.memory_space<vmem>> -> memref<1x128x32xi32, #tpu.memory_space<vmem>>
      %dma_wait3A_202 = tpu.memref_squeeze %dma_wait3A_201 : memref<1x128x32xi32, #tpu.memory_space<vmem>> -> memref<128x32xi32, #tpu.memory_space<vmem>>
      %dma_wait3A_203 = arith.constant 0 : i32
      %dma_wait3A_204 = tpu.memref_slice %arg6[%dma_wait3A_197, %dma_wait3A_203] : memref<80x128xi32, #tpu.memory_space<vmem>> -> memref<1x128xi32, #tpu.memory_space<vmem>>
      %dma_wait3A_205 = tpu.memref_squeeze %dma_wait3A_204 : memref<1x128xi32, #tpu.memory_space<vmem>> -> memref<128xi32, #tpu.memory_space<vmem>>
      %dma_wait3A_206 = arith.constant 0 : i32
      %dma_wait3A_207 = arith.constant 0 : i32
      %dma_wait3A_208 = tpu.memref_slice %arg11[%dma_wait3A_206, %dma_wait3A_207] : memref<10240x32xi32, #tpu.memory_space<vmem_shared>> -> memref<10240x32xi32, #tpu.memory_space<vmem_shared>>
      tpu.wait_indirect_dma semaphore(%arg15 : memref<!tpu.dma_semaphore, #tpu.memory_space<semaphore_mem>>) src(%dma_wait3A_208 : memref<10240x32xi32, #tpu.memory_space<vmem_shared>>) dst(%dma_wait3A_202 : memref<128x32xi32, #tpu.memory_space<vmem>>)
      %scan3A_209 = arith.constant 0 : i32
      %scan3A_210 = arith.constant 0 : i32
      %scan3A_211 = arith.constant 128 : i32
      %scan3A_212 = arith.addi %scan3A_210, %scan3A_211 : i32
      %scan3A_213 = arith.constant 1 : i32
      %scan3A_214 = scf.for %scan3A_276 = %scan3A_210 to %scan3A_212 step %scan3A_213 iter_args(%scan3A_277 = %scan3A_209) -> (i32)  : i32 {
        %get3A = arith.constant 3 : i32
        %get3A_278 = arith.index_cast %get3A : i32 to index
        %get3A_279 = arith.index_cast %scan3A_276 : i32 to index
        %get3A_280 = arith.constant 0 : index
        %get3A_281 = tpu.vector_load %arg9[%get3A_278, %get3A_279, %get3A_280] {strides = array<i32>} : memref<4x128x32xi32, #tpu.memory_space<vmem>>, vector<1x1x16xi32>,
        %get3A_282 = vector.shape_cast %get3A_281 : vector<1x1x16xi32> to vector<16xi32>
        %shift_left3A = arith.constant 16 : i32
        %shift_left3A_283 = vector.broadcast %shift_left3A : i32 to vector<16xi32>
        %shift_left3A_284 = arith.shli %get3A_282, %shift_left3A_283 : vector<16xi32>
        %bitcast_convert_type3A = tpu.bitcast %shift_left3A_284 : vector<16xi32> -> vector<16xf32>
        %and3A = arith.andi %get3A_282, %broadcast_in_dim3A_34 : vector<16xi32>
        %bitcast_convert_type3A_285 = tpu.bitcast %and3A : vector<16xi32> -> vector<16xf32>
        %swap3A = arith.constant 3 : i32
        %swap3A_286 = arith.index_cast %swap3A : i32 to index
        %swap3A_287 = arith.index_cast %scan3A_276 : i32 to index
        %swap3A_288 = arith.constant 0 : index
        %swap3A_289 = tpu.vector_load %arg8[%swap3A_286, %swap3A_287, %swap3A_288] {strides = array<i32>} : memref<4x128x64xf32, #tpu.memory_space<vmem>>, vector<1x1x16xf32>,
        %swap3A_290 = vector.shape_cast %swap3A_289 : vector<1x1x16xf32> to vector<16xf32>
        %swap3A_291 = vector.shape_cast %bitcast_convert_type3A : vector<16xf32> to vector<1x1x16xf32>
        tpu.vector_store %arg8[%swap3A_286, %swap3A_287, %swap3A_288], %swap3A_291 {strides = array<i32>} : memref<4x128x64xf32, #tpu.memory_space<vmem>>, vector<1x1x16xf32>,
        %swap3A_292 = arith.constant 3 : i32
        %swap3A_293 = arith.index_cast %swap3A_292 : i32 to index
        %swap3A_294 = arith.index_cast %scan3A_276 : i32 to index
        %swap3A_295 = arith.constant 16 : index
        %swap3A_296 = tpu.vector_load %arg8[%swap3A_293, %swap3A_294, %swap3A_295] {strides = array<i32>} : memref<4x128x64xf32, #tpu.memory_space<vmem>>, vector<1x1x16xf32>,
        %swap3A_297 = vector.shape_cast %swap3A_296 : vector<1x1x16xf32> to vector<16xf32>
        %swap3A_298 = vector.shape_cast %bitcast_convert_type3A_285 : vector<16xf32> to vector<1x1x16xf32>
        tpu.vector_store %arg8[%swap3A_293, %swap3A_294, %swap3A_295], %swap3A_298 {strides = array<i32>} : memref<4x128x64xf32, #tpu.memory_space<vmem>>, vector<1x1x16xf32>,
        %get3A_299 = arith.constant 3 : i32
        %get3A_300 = arith.index_cast %get3A_299 : i32 to index
        %get3A_301 = arith.index_cast %scan3A_276 : i32 to index
        %get3A_302 = arith.constant 16 : index
        %get3A_303 = tpu.vector_load %arg9[%get3A_300, %get3A_301, %get3A_302] {strides = array<i32>} : memref<4x128x32xi32, #tpu.memory_space<vmem>>, vector<1x1x16xi32>,
        %get3A_304 = vector.shape_cast %get3A_303 : vector<1x1x16xi32> to vector<16xi32>
        %shift_left3A_305 = arith.constant 16 : i32
        %shift_left3A_306 = vector.broadcast %shift_left3A_305 : i32 to vector<16xi32>
        %shift_left3A_307 = arith.shli %get3A_304, %shift_left3A_306 : vector<16xi32>
        %bitcast_convert_type3A_308 = tpu.bitcast %shift_left3A_307 : vector<16xi32> -> vector<16xf32>
        %and3A_309 = arith.andi %get3A_304, %broadcast_in_dim3A_34 : vector<16xi32>
        %bitcast_convert_type3A_310 = tpu.bitcast %and3A_309 : vector<16xi32> -> vector<16xf32>
        %swap3A_311 = arith.constant 3 : i32
        %swap3A_312 = arith.index_cast %swap3A_311 : i32 to index
        %swap3A_313 = arith.index_cast %scan3A_276 : i32 to index
        %swap3A_314 = arith.constant 32 : index
        %swap3A_315 = tpu.vector_load %arg8[%swap3A_312, %swap3A_313, %swap3A_314] {strides = array<i32>} : memref<4x128x64xf32, #tpu.memory_space<vmem>>, vector<1x1x16xf32>,
        %swap3A_316 = vector.shape_cast %swap3A_315 : vector<1x1x16xf32> to vector<16xf32>
        %swap3A_317 = vector.shape_cast %bitcast_convert_type3A_308 : vector<16xf32> to vector<1x1x16xf32>
        tpu.vector_store %arg8[%swap3A_312, %swap3A_313, %swap3A_314], %swap3A_317 {strides = array<i32>} : memref<4x128x64xf32, #tpu.memory_space<vmem>>, vector<1x1x16xf32>,
        %swap3A_318 = arith.constant 3 : i32
        %swap3A_319 = arith.index_cast %swap3A_318 : i32 to index
        %swap3A_320 = arith.index_cast %scan3A_276 : i32 to index
        %swap3A_321 = arith.constant 48 : index
        %swap3A_322 = tpu.vector_load %arg8[%swap3A_319, %swap3A_320, %swap3A_321] {strides = array<i32>} : memref<4x128x64xf32, #tpu.memory_space<vmem>>, vector<1x1x16xf32>,
        %swap3A_323 = vector.shape_cast %swap3A_322 : vector<1x1x16xf32> to vector<16xf32>
        %swap3A_324 = vector.shape_cast %bitcast_convert_type3A_310 : vector<16xf32> to vector<1x1x16xf32>
        tpu.vector_store %arg8[%swap3A_319, %swap3A_320, %swap3A_321], %swap3A_324 {strides = array<i32>} : memref<4x128x64xf32, #tpu.memory_space<vmem>>, vector<1x1x16xf32>,
        %scan3A_325 = arith.constant 0 : i32
        scf.yield %scan3A_325 : i32
      }
      %scan3A_215 = arith.constant 128 : i32
      %dma_start3A_216 = arith.constant 3 : i32
      %dma_start3A_217 = arith.constant 79 : i32
      %dma_start3A_218 = arith.constant 0 : i32
      %dma_start3A_219 = arith.constant 0 : i32
      %dma_start3A_220 = tpu.memref_slice %arg8[%dma_start3A_216, %dma_start3A_218, %dma_start3A_219] : memref<4x128x64xf32, #tpu.memory_space<vmem>> -> memref<1x128x64xf32, #tpu.memory_space<vmem>>
      %dma_start3A_221 = tpu.memref_squeeze %dma_start3A_220 : memref<1x128x64xf32, #tpu.memory_space<vmem>> -> memref<128x64xf32, #tpu.memory_space<vmem>>
      %dma_start3A_222 = arith.constant 0 : i32
      %dma_start3A_223 = tpu.memref_slice %arg7[%dma_start3A_217, %dma_start3A_222] : memref<80x128xi32, #tpu.memory_space<vmem>> -> memref<1x128xi32, #tpu.memory_space<vmem>>
      %dma_start3A_224 = tpu.memref_squeeze %dma_start3A_223 : memref<1x128xi32, #tpu.memory_space<vmem>> -> memref<128xi32, #tpu.memory_space<vmem>>
      %dma_start3A_225 = arith.constant 0 : i32
      %dma_start3A_226 = arith.constant 0 : i32
      %dma_start3A_227 = tpu.memref_slice %arg10[%dma_start3A_225, %dma_start3A_226] : memref<10240x64xf32, #tpu.memory_space<vmem_shared>> -> memref<10240x64xf32, #tpu.memory_space<vmem_shared>>
      tpu.enqueue_indirect_dma source(%dma_start3A_221 : memref<128x64xf32, #tpu.memory_space<vmem>>) target(%dma_start3A_227 : memref<10240x64xf32, #tpu.memory_space<vmem_shared>>) offsets(%dma_start3A_224 : memref<128xi32, #tpu.memory_space<vmem>>) semaphore(%arg15 : memref<!tpu.dma_semaphore, #tpu.memory_space<semaphore_mem>>) {add = true}
      %dma_wait3A_228 = arith.constant 0 : i32
      %dma_wait3A_229 = arith.constant 76 : i32
      %dma_wait3A_230 = arith.constant 0 : i32
      %dma_wait3A_231 = arith.constant 0 : i32
      %dma_wait3A_232 = tpu.memref_slice %arg8[%dma_wait3A_228, %dma_wait3A_230, %dma_wait3A_231] : memref<4x128x64xf32, #tpu.memory_space<vmem>> -> memref<1x128x64xf32, #tpu.memory_space<vmem>>
      %dma_wait3A_233 = tpu.memref_squeeze %dma_wait3A_232 : memref<1x128x64xf32, #tpu.memory_space<vmem>> -> memref<128x64xf32, #tpu.memory_space<vmem>>
      %dma_wait3A_234 = arith.constant 0 : i32
      %dma_wait3A_235 = tpu.memref_slice %arg7[%dma_wait3A_229, %dma_wait3A_234] : memref<80x128xi32, #tpu.memory_space<vmem>> -> memref<1x128xi32, #tpu.memory_space<vmem>>
      %dma_wait3A_236 = tpu.memref_squeeze %dma_wait3A_235 : memref<1x128xi32, #tpu.memory_space<vmem>> -> memref<128xi32, #tpu.memory_space<vmem>>
      %dma_wait3A_237 = arith.constant 0 : i32
      %dma_wait3A_238 = arith.constant 0 : i32
      %dma_wait3A_239 = tpu.memref_slice %arg10[%dma_wait3A_237, %dma_wait3A_238] : memref<10240x64xf32, #tpu.memory_space<vmem_shared>> -> memref<10240x64xf32, #tpu.memory_space<vmem_shared>>
      tpu.wait_indirect_dma semaphore(%arg12 : memref<!tpu.dma_semaphore, #tpu.memory_space<semaphore_mem>>) src(%dma_wait3A_233 : memref<128x64xf32, #tpu.memory_space<vmem>>) dst(%dma_wait3A_239 : memref<10240x64xf32, #tpu.memory_space<vmem_shared>>)
      %dma_wait3A_240 = arith.constant 1 : i32
      %dma_wait3A_241 = arith.constant 77 : i32
      %dma_wait3A_242 = arith.constant 0 : i32
      %dma_wait3A_243 = arith.constant 0 : i32
      %dma_wait3A_244 = tpu.memref_slice %arg8[%dma_wait3A_240, %dma_wait3A_242, %dma_wait3A_243] : memref<4x128x64xf32, #tpu.memory_space<vmem>> -> memref<1x128x64xf32, #tpu.memory_space<vmem>>
      %dma_wait3A_245 = tpu.memref_squeeze %dma_wait3A_244 : memref<1x128x64xf32, #tpu.memory_space<vmem>> -> memref<128x64xf32, #tpu.memory_space<vmem>>
      %dma_wait3A_246 = arith.constant 0 : i32
      %dma_wait3A_247 = tpu.memref_slice %arg7[%dma_wait3A_241, %dma_wait3A_246] : memref<80x128xi32, #tpu.memory_space<vmem>> -> memref<1x128xi32, #tpu.memory_space<vmem>>
      %dma_wait3A_248 = tpu.memref_squeeze %dma_wait3A_247 : memref<1x128xi32, #tpu.memory_space<vmem>> -> memref<128xi32, #tpu.memory_space<vmem>>
      %dma_wait3A_249 = arith.constant 0 : i32
      %dma_wait3A_250 = arith.constant 0 : i32
      %dma_wait3A_251 = tpu.memref_slice %arg10[%dma_wait3A_249, %dma_wait3A_250] : memref<10240x64xf32, #tpu.memory_space<vmem_shared>> -> memref<10240x64xf32, #tpu.memory_space<vmem_shared>>
      tpu.wait_indirect_dma semaphore(%arg13 : memref<!tpu.dma_semaphore, #tpu.memory_space<semaphore_mem>>) src(%dma_wait3A_245 : memref<128x64xf32, #tpu.memory_space<vmem>>) dst(%dma_wait3A_251 : memref<10240x64xf32, #tpu.memory_space<vmem_shared>>)
      %dma_wait3A_252 = arith.constant 2 : i32
      %dma_wait3A_253 = arith.constant 78 : i32
      %dma_wait3A_254 = arith.constant 0 : i32
      %dma_wait3A_255 = arith.constant 0 : i32
      %dma_wait3A_256 = tpu.memref_slice %arg8[%dma_wait3A_252, %dma_wait3A_254, %dma_wait3A_255] : memref<4x128x64xf32, #tpu.memory_space<vmem>> -> memref<1x128x64xf32, #tpu.memory_space<vmem>>
      %dma_wait3A_257 = tpu.memref_squeeze %dma_wait3A_256 : memref<1x128x64xf32, #tpu.memory_space<vmem>> -> memref<128x64xf32, #tpu.memory_space<vmem>>
      %dma_wait3A_258 = arith.constant 0 : i32
      %dma_wait3A_259 = tpu.memref_slice %arg7[%dma_wait3A_253, %dma_wait3A_258] : memref<80x128xi32, #tpu.memory_space<vmem>> -> memref<1x128xi32, #tpu.memory_space<vmem>>
      %dma_wait3A_260 = tpu.memref_squeeze %dma_wait3A_259 : memref<1x128xi32, #tpu.memory_space<vmem>> -> memref<128xi32, #tpu.memory_space<vmem>>
      %dma_wait3A_261 = arith.constant 0 : i32
      %dma_wait3A_262 = arith.constant 0 : i32
      %dma_wait3A_263 = tpu.memref_slice %arg10[%dma_wait3A_261, %dma_wait3A_262] : memref<10240x64xf32, #tpu.memory_space<vmem_shared>> -> memref<10240x64xf32, #tpu.memory_space<vmem_shared>>
      tpu.wait_indirect_dma semaphore(%arg14 : memref<!tpu.dma_semaphore, #tpu.memory_space<semaphore_mem>>) src(%dma_wait3A_257 : memref<128x64xf32, #tpu.memory_space<vmem>>) dst(%dma_wait3A_263 : memref<10240x64xf32, #tpu.memory_space<vmem_shared>>)
      %dma_wait3A_264 = arith.constant 3 : i32
      %dma_wait3A_265 = arith.constant 79 : i32
      %dma_wait3A_266 = arith.constant 0 : i32
      %dma_wait3A_267 = arith.constant 0 : i32
      %dma_wait3A_268 = tpu.memref_slice %arg8[%dma_wait3A_264, %dma_wait3A_266, %dma_wait3A_267] : memref<4x128x64xf32, #tpu.memory_space<vmem>> -> memref<1x128x64xf32, #tpu.memory_space<vmem>>
      %dma_wait3A_269 = tpu.memref_squeeze %dma_wait3A_268 : memref<1x128x64xf32, #tpu.memory_space<vmem>> -> memref<128x64xf32, #tpu.memory_space<vmem>>
      %dma_wait3A_270 = arith.constant 0 : i32
      %dma_wait3A_271 = tpu.memref_slice %arg7[%dma_wait3A_265, %dma_wait3A_270] : memref<80x128xi32, #tpu.memory_space<vmem>> -> memref<1x128xi32, #tpu.memory_space<vmem>>
      %dma_wait3A_272 = tpu.memref_squeeze %dma_wait3A_271 : memref<1x128xi32, #tpu.memory_space<vmem>> -> memref<128xi32, #tpu.memory_space<vmem>>
      %dma_wait3A_273 = arith.constant 0 : i32
      %dma_wait3A_274 = arith.constant 0 : i32
      %dma_wait3A_275 = tpu.memref_slice %arg10[%dma_wait3A_273, %dma_wait3A_274] : memref<10240x64xf32, #tpu.memory_space<vmem_shared>> -> memref<10240x64xf32, #tpu.memory_space<vmem_shared>>
      tpu.wait_indirect_dma semaphore(%arg15 : memref<!tpu.dma_semaphore, #tpu.memory_space<semaphore_mem>>) src(%dma_wait3A_269 : memref<128x64xf32, #tpu.memory_space<vmem>>) dst(%dma_wait3A_275 : memref<10240x64xf32, #tpu.memory_space<vmem_shared>>)
    } else {
    }
    %barrier3A_42 = arith.constant 0 : index
    tpu.barrier barrier_id(%barrier3A_42)
    %mul3A_43 = arith.constant 640 : i32
    %mul3A_44 = arith.muli %arg1, %mul3A_43 : i32
    %mul3A_45 = arith.constant 640 : i32
    %mul3A_46 = arith.muli %arg1, %mul3A_45 : i32
    "tpu.region"() ({
      %run_scoped3A_47 = tpu.sem_alloc : memref<!tpu.dma_semaphore, #tpu.memory_space<semaphore_mem>>
      %dma_start3A = arith.constant 0 : i32
      %dma_start3A_48 = tpu.memref_slice %arg5[%arg0, %mul3A_46, %dma_start3A] : memref<2x10240x64xf32, #tpu.memory_space<hbm>> -> memref<1x640x64xf32, #tpu.memory_space<hbm>>
      %dma_start3A_49 = tpu.memref_squeeze %dma_start3A_48 : memref<1x640x64xf32, #tpu.memory_space<hbm>> -> memref<640x64xf32, #tpu.memory_space<hbm>>
      %dma_start3A_50 = arith.constant 0 : i32
      %dma_start3A_51 = tpu.memref_slice %arg10[%mul3A_44, %dma_start3A_50] : memref<10240x64xf32, #tpu.memory_space<vmem_shared>> -> memref<640x64xf32, #tpu.memory_space<vmem_shared>>
      tpu.enqueue_dma source(%dma_start3A_51 : memref<640x64xf32, #tpu.memory_space<vmem_shared>>) target(%dma_start3A_49 : memref<640x64xf32, #tpu.memory_space<hbm>>) target_semaphore(%run_scoped3A_47 : memref<!tpu.dma_semaphore, #tpu.memory_space<semaphore_mem>>)
      %dma_wait3A = arith.constant 0 : i32
      %dma_wait3A_52 = tpu.memref_slice %arg5[%arg0, %mul3A_46, %dma_wait3A] : memref<2x10240x64xf32, #tpu.memory_space<hbm>> -> memref<1x640x64xf32, #tpu.memory_space<hbm>>
      %dma_wait3A_53 = tpu.memref_squeeze %dma_wait3A_52 : memref<1x640x64xf32, #tpu.memory_space<hbm>> -> memref<640x64xf32, #tpu.memory_space<hbm>>
      %dma_wait3A_54 = arith.constant 0 : i32
      %dma_wait3A_55 = tpu.memref_slice %arg10[%mul3A_44, %dma_wait3A_54] : memref<10240x64xf32, #tpu.memory_space<vmem_shared>> -> memref<640x64xf32, #tpu.memory_space<vmem_shared>>
      tpu.wait_dma2 semaphore(%run_scoped3A_47 : memref<!tpu.dma_semaphore, #tpu.memory_space<semaphore_mem>>) src(%dma_wait3A_55 : memref<640x64xf32, #tpu.memory_space<vmem_shared>>) dst(%dma_wait3A_53 : memref<640x64xf32, #tpu.memory_space<hbm>>)
      tpu.yield
    }) : () -> ()
    return
  }
}

module attributes {stable_mosaic.version = 14 : i64} {
  func.func @_tc0_body(%arg0: memref<10000x128xf32, #tpu.memory_space<vmem>>, %arg1: memref<128x64xf32, #tpu.memory_space<vmem>>, %arg2: memref<10240x64xf32, #tpu.memory_space<vmem>>) attributes {dimension_semantics = [], scalar_prefetch = 0 : i64, scratch_operands = 0 : i64, tpu.core_type = #tpu.core_type<tc>} {
    %get3A = arith.constant 0 : index
    %get3A_0 = arith.constant 0 : index
    %get3A_1 = vector.load %arg0[%get3A, %get3A_0] : memref<10000x128xf32, #tpu.memory_space<vmem>>, vector<10000x128xf32>
    %get3A_2 = arith.constant 0 : index
    %get3A_3 = arith.constant 0 : index
    %get3A_4 = vector.load %arg1[%get3A_2, %get3A_3] : memref<128x64xf32, #tpu.memory_space<vmem>>, vector<128x64xf32>
    %dot_general3A = arith.constant dense<0.000000e+00> : vector<10000x64xf32>
    %dot_general3A_5 = tpu.matmul %get3A_1, %get3A_4, %dot_general3A {dimension_numbers = #tpu.dot_dimension_numbers<[1], [0], [0], [1], [0, 0, 1, 1], [], []>, transpose_lhs_hint = false} : vector<10000x128xf32>, vector<128x64xf32>, vector<10000x64xf32> -> vector<10000x64xf32>
    %swap3A = arith.constant 0 : index
    %swap3A_6 = arith.constant 0 : index
    %swap3A_7 = vector.load %arg2[%swap3A, %swap3A_6] : memref<10240x64xf32, #tpu.memory_space<vmem>>, vector<10000x64xf32>
    tpu.vector_store %arg2[%swap3A, %swap3A_6], %dot_general3A_5 {strides = array<i32>} : memref<10240x64xf32, #tpu.memory_space<vmem>>, vector<10000x64xf32>,
    %broadcast_in_dim3A = arith.constant 0.000000e+00 : f32
    %broadcast_in_dim3A_8 = vector.broadcast %broadcast_in_dim3A : f32 to vector<240x64xf32>
    %swap3A_9 = arith.constant 10000 : index
    %swap3A_10 = arith.constant 0 : index
    %swap3A_11 = vector.load %arg2[%swap3A_9, %swap3A_10] : memref<10240x64xf32, #tpu.memory_space<vmem>>, vector<240x64xf32>
    tpu.vector_store %arg2[%swap3A_9, %swap3A_10], %broadcast_in_dim3A_8 {strides = array<i32>} : memref<10240x64xf32, #tpu.memory_space<vmem>>, vector<240x64xf32>,
    return
  }
}

module attributes {stable_mosaic.version = 14 : i64} {
  func.func @_tc1_body(%arg0: memref<2x10240x16xf32, #tpu.memory_space<vmem>>, %arg1: memref<10240x64xf32, #tpu.memory_space<vmem>>, %arg2: memref<10240x16xf32, #tpu.memory_space<vmem>>, %arg3: memref<10240x64xf32, #tpu.memory_space<vmem>>, %arg4: memref<10240x32xi32, #tpu.memory_space<vmem>>) attributes {dimension_semantics = [], scalar_prefetch = 0 : i64, scratch_operands = 0 : i64, tpu.core_type = #tpu.core_type<tc>} {
    %get3A = arith.constant 0 : index
    %get3A_0 = arith.constant 0 : index
    %get3A_1 = arith.constant 0 : index
    %get3A_2 = vector.load %arg0[%get3A, %get3A_0, %get3A_1] : memref<2x10240x16xf32, #tpu.memory_space<vmem>>, vector<1x10240x1xf32>
    %get3A_3 = vector.shape_cast %get3A_2 : vector<1x10240x1xf32> to vector<10240x1xf32>
    %get3A_4 = arith.constant 1 : index
    %get3A_5 = arith.constant 0 : index
    %get3A_6 = arith.constant 0 : index
    %get3A_7 = vector.load %arg0[%get3A_4, %get3A_5, %get3A_6] : memref<2x10240x16xf32, #tpu.memory_space<vmem>>, vector<1x10240x1xf32>
    %get3A_8 = vector.shape_cast %get3A_7 : vector<1x10240x1xf32> to vector<10240x1xf32>
    %add3A = arith.addf %get3A_3, %get3A_8 : vector<10240x1xf32>
    %add3A_9 = arith.constant 1.000000e+00 : f32
    %add3A_10 = vector.broadcast %add3A_9 : f32 to vector<10240x1xf32>
    %add3A_11 = arith.addf %add3A, %add3A_10 : vector<10240x1xf32>
    %rsqrt3A = math.rsqrt %add3A_11 : vector<10240x1xf32>
    %broadcast_in_dim3A = vector.shape_cast %rsqrt3A : vector<10240x1xf32> to vector<10240x1xf32>
    %broadcast_in_dim3A_12 = vector.broadcast %broadcast_in_dim3A : vector<10240x1xf32> to vector<10240x16xf32>
    %swap3A = arith.constant 0 : index
    %swap3A_13 = arith.constant 0 : index
    %swap3A_14 = vector.load %arg2[%swap3A, %swap3A_13] : memref<10240x16xf32, #tpu.memory_space<vmem>>, vector<10240x16xf32>
    tpu.vector_store %arg2[%swap3A, %swap3A_13], %broadcast_in_dim3A_12 {strides = array<i32>} : memref<10240x16xf32, #tpu.memory_space<vmem>>, vector<10240x16xf32>,
    %get3A_15 = arith.constant 0 : index
    %get3A_16 = arith.constant 0 : index
    %get3A_17 = vector.load %arg1[%get3A_15, %get3A_16] : memref<10240x64xf32, #tpu.memory_space<vmem>>, vector<10240x64xf32>
    %mul3A = vector.broadcast %rsqrt3A : vector<10240x1xf32> to vector<10240x64xf32>
    %mul3A_18 = arith.mulf %mul3A, %get3A_17 : vector<10240x64xf32>
    %swap3A_19 = arith.constant 0 : index
    %swap3A_20 = arith.constant 0 : index
    %swap3A_21 = vector.load %arg3[%swap3A_19, %swap3A_20] : memref<10240x64xf32, #tpu.memory_space<vmem>>, vector<10240x64xf32>
    tpu.vector_store %arg3[%swap3A_19, %swap3A_20], %mul3A_18 {strides = array<i32>} : memref<10240x64xf32, #tpu.memory_space<vmem>>, vector<10240x64xf32>,
    %convert_element_type3A = arith.truncf %mul3A_18 : vector<10240x64xf32> to vector<10240x64xbf16>
    %bitcast_convert_type3A = tpu.bitcast %convert_element_type3A : vector<10240x64xbf16> -> vector<10240x64xi16>
    %convert_element_type3A_22 = arith.extsi %bitcast_convert_type3A : vector<10240x64xi16> to vector<10240x64xi32>
    %and3A = arith.constant 65535 : i32
    %and3A_23 = vector.broadcast %and3A : i32 to vector<10240x64xi32>
    %and3A_24 = arith.andi %convert_element_type3A_22, %and3A_23 : vector<10240x64xi32>
    %slice3A = vector.extract_strided_slice %and3A_24 {offsets = [0, 0], sizes = [10240, 16], strides = [1, 1]} : vector<10240x64xi32> to vector<10240x16xi32>
    %slice3A_25 = vector.extract_strided_slice %and3A_24 {offsets = [0, 16], sizes = [10240, 16], strides = [1, 1]} : vector<10240x64xi32> to vector<10240x16xi32>
    %shift_left3A = arith.constant 16 : i32
    %shift_left3A_26 = vector.broadcast %shift_left3A : i32 to vector<10240x16xi32>
    %shift_left3A_27 = arith.shli %slice3A_25, %shift_left3A_26 : vector<10240x16xi32>
    %or3A = arith.ori %slice3A, %shift_left3A_27 : vector<10240x16xi32>
    %slice3A_28 = vector.extract_strided_slice %and3A_24 {offsets = [0, 32], sizes = [10240, 16], strides = [1, 1]} : vector<10240x64xi32> to vector<10240x16xi32>
    %slice3A_29 = vector.extract_strided_slice %and3A_24 {offsets = [0, 48], sizes = [10240, 16], strides = [1, 1]} : vector<10240x64xi32> to vector<10240x16xi32>
    %shift_left3A_30 = arith.constant 16 : i32
    %shift_left3A_31 = vector.broadcast %shift_left3A_30 : i32 to vector<10240x16xi32>
    %shift_left3A_32 = arith.shli %slice3A_29, %shift_left3A_31 : vector<10240x16xi32>
    %or3A_33 = arith.ori %slice3A_28, %shift_left3A_32 : vector<10240x16xi32>
    %concatenate3A = tpu.concatenate %or3A, %or3A_33 in 1 : vector<10240x16xi32>, vector<10240x16xi32> -> vector<10240x32xi32>
    %swap3A_34 = arith.constant 0 : index
    %swap3A_35 = arith.constant 0 : index
    %swap3A_36 = vector.load %arg4[%swap3A_34, %swap3A_35] : memref<10240x32xi32, #tpu.memory_space<vmem>>, vector<10240x32xi32>
    tpu.vector_store %arg4[%swap3A_34, %swap3A_35], %concatenate3A {strides = array<i32>} : memref<10240x32xi32, #tpu.memory_space<vmem>>, vector<10240x32xi32>,
    return
  }
}

module attributes {stable_mosaic.version = 14 : i64} {
  func.func @_tc2_body(%arg0: memref<2x10240x64xf32, #tpu.memory_space<vmem>>, %arg1: memref<10240x64xf32, #tpu.memory_space<vmem>>, %arg2: memref<10240x16xf32, #tpu.memory_space<vmem>>, %arg3: memref<1x64xf32, #tpu.memory_space<vmem>>, %arg4: memref<64x16xf32, #tpu.memory_space<vmem>>, %arg5: memref<10240x16xf32, #tpu.memory_space<vmem>>) attributes {dimension_semantics = [], scalar_prefetch = 0 : i64, scratch_operands = 0 : i64, tpu.core_type = #tpu.core_type<tc>} {
    %get3A = arith.constant 0 : index
    %get3A_0 = arith.constant 0 : index
    %get3A_1 = vector.load %arg2[%get3A, %get3A_0] : memref<10240x16xf32, #tpu.memory_space<vmem>>, vector<10240x1xf32>
    %get3A_2 = arith.constant 0 : index
    %get3A_3 = arith.constant 0 : index
    %get3A_4 = arith.constant 0 : index
    %get3A_5 = vector.load %arg0[%get3A_2, %get3A_3, %get3A_4] : memref<2x10240x64xf32, #tpu.memory_space<vmem>>, vector<1x10240x64xf32>
    %get3A_6 = vector.shape_cast %get3A_5 : vector<1x10240x64xf32> to vector<10240x64xf32>
    %get3A_7 = arith.constant 1 : index
    %get3A_8 = arith.constant 0 : index
    %get3A_9 = arith.constant 0 : index
    %get3A_10 = vector.load %arg0[%get3A_7, %get3A_8, %get3A_9] : memref<2x10240x64xf32, #tpu.memory_space<vmem>>, vector<1x10240x64xf32>
    %get3A_11 = vector.shape_cast %get3A_10 : vector<1x10240x64xf32> to vector<10240x64xf32>
    %add3A = arith.addf %get3A_6, %get3A_11 : vector<10240x64xf32>
    %get3A_12 = arith.constant 0 : index
    %get3A_13 = arith.constant 0 : index
    %get3A_14 = vector.load %arg1[%get3A_12, %get3A_13] : memref<10240x64xf32, #tpu.memory_space<vmem>>, vector<10240x64xf32>
    %add3A_15 = arith.addf %add3A, %get3A_14 : vector<10240x64xf32>
    %mul3A = vector.broadcast %get3A_1 : vector<10240x1xf32> to vector<10240x64xf32>
    %mul3A_16 = arith.mulf %mul3A, %add3A_15 : vector<10240x64xf32>
    %get3A_17 = arith.constant 0 : index
    %get3A_18 = arith.constant 0 : index
    %get3A_19 = vector.load %arg3[%get3A_17, %get3A_18] : memref<1x64xf32, #tpu.memory_space<vmem>>, vector<1x64xf32>
    %add3A_20 = vector.broadcast %get3A_19 : vector<1x64xf32> to vector<10240x64xf32>
    %add3A_21 = arith.addf %mul3A_16, %add3A_20 : vector<10240x64xf32>
    %max3A = arith.constant 0.000000e+00 : f32
    %max3A_22 = vector.broadcast %max3A : f32 to vector<10240x64xf32>
    %max3A_23 = arith.maximumf %add3A_21, %max3A_22 : vector<10240x64xf32>
    %get3A_24 = arith.constant 0 : index
    %get3A_25 = arith.constant 0 : index
    %get3A_26 = vector.load %arg4[%get3A_24, %get3A_25] : memref<64x16xf32, #tpu.memory_space<vmem>>, vector<64x16xf32>
    %dot_general3A = arith.constant dense<0.000000e+00> : vector<10240x16xf32>
    %dot_general3A_27 = tpu.matmul %max3A_23, %get3A_26, %dot_general3A {dimension_numbers = #tpu.dot_dimension_numbers<[1], [0], [0], [1], [0, 0, 1, 1], [], []>, transpose_lhs_hint = false} : vector<10240x64xf32>, vector<64x16xf32>, vector<10240x16xf32> -> vector<10240x16xf32>
    %mul3A_28 = vector.broadcast %get3A_1 : vector<10240x1xf32> to vector<10240x16xf32>
    %mul3A_29 = arith.mulf %mul3A_28, %dot_general3A_27 : vector<10240x16xf32>
    %swap3A = arith.constant 0 : index
    %swap3A_30 = arith.constant 0 : index
    %swap3A_31 = vector.load %arg5[%swap3A, %swap3A_30] : memref<10240x16xf32, #tpu.memory_space<vmem>>, vector<10240x16xf32>
    tpu.vector_store %arg5[%swap3A, %swap3A_30], %mul3A_29 {strides = array<i32>} : memref<10240x16xf32, #tpu.memory_space<vmem>>, vector<10240x16xf32>,
    return
  }
}

module attributes {stable_mosaic.version = 14 : i64} {
  func.func @_tc3_body(%arg0: memref<2x10240x16xf32, #tpu.memory_space<vmem>>, %arg1: memref<10240x16xf32, #tpu.memory_space<vmem>>, %arg2: memref<10240x16xf32, #tpu.memory_space<vmem>>, %arg3: memref<1x16xf32, #tpu.memory_space<vmem>>, %arg4: memref<10240x16xf32, #tpu.memory_space<vmem>>) attributes {dimension_semantics = [], scalar_prefetch = 0 : i64, scratch_operands = 0 : i64, tpu.core_type = #tpu.core_type<tc>} {
    %get3A = arith.constant 0 : index
    %get3A_0 = arith.constant 0 : index
    %get3A_1 = vector.load %arg2[%get3A, %get3A_0] : memref<10240x16xf32, #tpu.memory_space<vmem>>, vector<10240x1xf32>
    %get3A_2 = arith.constant 0 : index
    %get3A_3 = arith.constant 0 : index
    %get3A_4 = arith.constant 0 : index
    %get3A_5 = vector.load %arg0[%get3A_2, %get3A_3, %get3A_4] : memref<2x10240x16xf32, #tpu.memory_space<vmem>>, vector<1x10240x16xf32>
    %get3A_6 = vector.shape_cast %get3A_5 : vector<1x10240x16xf32> to vector<10240x16xf32>
    %get3A_7 = arith.constant 1 : index
    %get3A_8 = arith.constant 0 : index
    %get3A_9 = arith.constant 0 : index
    %get3A_10 = vector.load %arg0[%get3A_7, %get3A_8, %get3A_9] : memref<2x10240x16xf32, #tpu.memory_space<vmem>>, vector<1x10240x16xf32>
    %get3A_11 = vector.shape_cast %get3A_10 : vector<1x10240x16xf32> to vector<10240x16xf32>
    %add3A = arith.addf %get3A_6, %get3A_11 : vector<10240x16xf32>
    %get3A_12 = arith.constant 0 : index
    %get3A_13 = arith.constant 0 : index
    %get3A_14 = vector.load %arg1[%get3A_12, %get3A_13] : memref<10240x16xf32, #tpu.memory_space<vmem>>, vector<10240x16xf32>
    %add3A_15 = arith.addf %add3A, %get3A_14 : vector<10240x16xf32>
    %mul3A = vector.broadcast %get3A_1 : vector<10240x1xf32> to vector<10240x16xf32>
    %mul3A_16 = arith.mulf %mul3A, %add3A_15 : vector<10240x16xf32>
    %get3A_17 = arith.constant 0 : index
    %get3A_18 = arith.constant 0 : index
    %get3A_19 = vector.load %arg3[%get3A_17, %get3A_18] : memref<1x16xf32, #tpu.memory_space<vmem>>, vector<1x16xf32>
    %add3A_20 = vector.broadcast %get3A_19 : vector<1x16xf32> to vector<10240x16xf32>
    %add3A_21 = arith.addf %mul3A_16, %add3A_20 : vector<10240x16xf32>
    %swap3A = arith.constant 0 : index
    %swap3A_22 = arith.constant 0 : index
    %swap3A_23 = vector.load %arg4[%swap3A, %swap3A_22] : memref<10240x16xf32, #tpu.memory_space<vmem>>, vector<10240x16xf32>
    tpu.vector_store %arg4[%swap3A, %swap3A_22], %add3A_21 {strides = array<i32>} : memref<10240x16xf32, #tpu.memory_space<vmem>>, vector<10240x16xf32>,
    return
  }
}

</mosaic_0001>

<sc_bundles>
// kernel: kernel.12.cloned.1.call-start
scs
__scs_entry_jumppad:
0x0: {  	(pc) =	sbr.rel $0x88, $3  }
0x1: {  	(tag) =	ssettag $0x0;
	lr =	simm.s32 $0x1  }
0x2: {  	[smem:$0x3F9B] =	sst lr;
	_ =	strace $0xD0000000  }
0x3: {  	_ = 	snop  }
0x4: {  	_ = 	snop  }
0x5: {  	_ = 	snop  }
0x6: {  	_ = 	snop  }
0x7: {  	_ = 	snop  }
__scs_overlays_trampoline_lowered:
0x8: {  	[smem:$0x3FAA] =	sst s0  }
0x9: {  	[smem:$0x3FAB] =	sst s1  }
0xa: {  	[smem:$0x3FAC] =	sst s2  }
0xb: {  	[smem:$0x3FAD] =	sst s3  }
0xc: {  	[smem:$0x3FAE] =	sst s4  }
0xd: {  	[smem:$0x3FAF] =	sst s5  }
0xe: {  	[smem:$0x3FB0] =	sst s6  }
0xf: {  	[smem:$0x3FB1] =	sst s7  }
0x10: {  	[smem:$0x3FB2] =	sst s8  }
0x11: {  	[smem:$0x3FB3] =	sst s9;
	s0 =	simm.s32 @!p0 $0x0  }
0x12: {  	s1 =	sld [smem:$0x3F99];
	s0 =	simm.s32 @p0 $0x1  }
0x13: {  	[smem:$0x3FB4] =	sst s0;
	s0 =	simm.s32 @!p1 $0x0  }
0x14: {  	s2 =	sld [smem:$0x3F98];
	s0 =	simm.s32 @p1 $0x1  }
0x15: {  	[smem:$0x3FB5] =	sst s0;
	s0 =	simm.s32 @!p2 $0x0  }
0x16: {  	s3 =	sld [smem:$0x3FDB];
	s0 =	simm.s32 @p2 $0x1  }
0x17: {  	s4 =	simm.s32 $0x1BF5;
	[smem:$0x3FB7] =	sst s0  }
0x18: {  	s0 =	sld [smem:$0x3F9A];
	_ =	swait.ge [sflag:s4], $0x0  }
0x19: {  	s7 =	sld [smem:$0x3F9B]  }
0x1a: {  	s8 =	sadd.s32 $0xFFFFE003, lr  }
0x1b: {  	s9 =	sadd.s32 $0xFFFFFEF7, lr;
	s5 =	simm.s32 $0xFFFFFFFF;
	p2 =	slt.u32 s8, $0xFFFFF086  }
0x1c: {  	p1 =	slt.u32 s9, $0xF7A;
	s5 =	simm.s32 @!p2 $0x0  }
0x1d: {  	s5 =	simm.s32 @p1 $0x1;
	p0 =	seq.s32 s7, s2  }
0x1e: {  	s7 =	smul.u32 @!p0 $0xF7A, s2;
	p2 =	seq.s32 @!p0 s5, $0x0  }
0x1f: {  	s9 =	smul.u32 $0xF7A, s1;
	s8 =	simm.s32 @!p0 $0x1BF5;
	p2 =	por !p2, p0  }
0x20: {  	[sflag:s8] =	ssyncset.s32 @!p0 $0xFFFFF086;
	s6 =	sadd.s32 @!p0 s3, s7;
	s7 =	simm.s32 @!p0 $0x108  }
0x21: {  	s3 =	sadd.s32 s3, s9;
	s6 =	sadd.s32 @!p0 $0x88, s6;
	s7 =	simm.s32 @p2 $0x1082  }
0x22: {  	[simem:s7], [sflag:s8] =	dma.local @!p0 [hbm:s6], $0xF7A  }
0x23: {  	s9 =	sor.u32 $0xD0000000, s2;
	s6 =	simm.s32 $0x108;
	_ =	swait.ge @!p0 [sflag:s8], $0x0  }
0x24: {  	s3 =	sadd.s32 $0x88, s3;
	s6 =	simm.s32 @!p1 $0x1082;
	[sflag:s4] =	ssyncset.s32 $0xFFFFF086  }
0x25: {  	[simem:s6], [sflag:s4] =	dma.local [hbm:s3], $0xF7A  }
0x26: {  	[smem:$0x3F9B] =	sst s1;
	(tag) =	ssettag s2;
	_ =	strace s9  }
0x27: {  	s1 =	sld [smem:$0x3FAB]  }
0x28: {  	s2 =	sld [smem:$0x3FAC]  }
0x29: {  	s4 =	sld [smem:$0x3FAE]  }
0x2a: {  	p0 =	seq.s32 s5, $0x0;
	s5 =	sld [smem:$0x3FAF]  }
0x2b: {  	s6 =	sld [smem:$0x3FB0]  }
0x2c: {  	s7 =	sld [smem:$0x3FB1]  }
0x2d: {  	s3 =	simm.s32 $0x108;
	s8 =	sld [smem:$0x3FB2]  }
0x2e: {  	s3 =	simm.s32 @!p0 $0x1082;
	s9 =	sld [smem:$0x3FB3]  }
0x2f: {  	lr =	sadd.s32 s0, s3;
	s0 =	sld [smem:$0x3FAA]  }
0x30: {  	s3 =	sld [smem:$0x3FAD]  }
0x31: {  	[smem:$0x3FB6] =	sst s10  }
0x32: {  	s10 =	sld [smem:$0x3FB4];
	_ =	sdelay $0x3  }
0x33: {  	p0 =	seq.s32 s10, $0x1;
	s10 =	sld [smem:$0x3FB6];
	_ =	sdelay $0x3  }
0x34: {  	[smem:$0x3FB6] =	sst s10  }
0x35: {  	s10 =	sld [smem:$0x3FB5];
	_ =	sdelay $0x3  }
0x36: {  	p1 =	seq.s32 s10, $0x1;
	s10 =	sld [smem:$0x3FB6];
	_ =	sdelay $0x3  }
0x37: {  	[smem:$0x3FB6] =	sst s10  }
0x38: {  	s10 =	sld [smem:$0x3FB7]  }
0x39: {  	_ = 	snop;
	(pc) =	sbr.ind lr, $3  }
0x3a: {  	_ = 	snop  }
0x3b: {  	_ = 	snop  }
0x3c: {  	p2 =	seq.s32 s10, $0x1;
	s10 =	sld [smem:$0x3FB6]  }
0x3d: {  	_ =	shalt  }
0x3e: {  	_ =	shalt  }
0x3f: {  	_ =	shalt  }
0x40: {  	_ =	shalt  }
0x41: {  	_ =	shalt  }
0x42: {  	_ =	shalt  }
0x43: {  	_ =	shalt  }
0x44: {  	_ =	shalt  }
0x45: {  	_ =	shalt  }
0x46: {  	_ =	shalt  }
0x47: {  	_ =	shalt  }
0x48: {  	_ =	shalt  }
0x49: {  	_ =	shalt  }
0x4a: {  	_ =	shalt  }
0x4b: {  	_ =	shalt  }
0x4c: {  	_ =	shalt  }
0x4d: {  	_ =	shalt  }
0x4e: {  	_ =	shalt  }
0x4f: {  	_ =	shalt  }
0x50: {  	_ =	shalt  }
0x51: {  	_ =	shalt  }
0x52: {  	_ =	shalt  }
0x53: {  	_ =	shalt  }
0x54: {  	_ =	shalt  }
0x55: {  	_ =	shalt  }
0x56: {  	_ =	shalt  }
0x57: {  	_ =	shalt  }
0x58: {  	_ =	shalt  }
0x59: {  	_ =	shalt  }
0x5a: {  	_ =	shalt  }
0x5b: {  	_ =	shalt  }
0x5c: {  	_ =	shalt  }
0x5d: {  	_ =	shalt  }
0x5e: {  	_ =	shalt  }
0x5f: {  	_ =	shalt  }
0x60: {  	_ =	shalt  }
0x61: {  	_ =	shalt  }
0x62: {  	_ =	shalt  }
0x63: {  	_ =	shalt  }
0x64: {  	_ =	shalt  }
0x65: {  	_ =	shalt  }
0x66: {  	_ =	shalt  }
0x67: {  	_ =	shalt  }
0x68: {  	_ =	shalt  }
0x69: {  	_ =	shalt  }
0x6a: {  	_ =	shalt  }
0x6b: {  	_ =	shalt  }
0x6c: {  	_ =	shalt  }
0x6d: {  	_ =	shalt  }
0x6e: {  	_ =	shalt  }
0x6f: {  	_ =	shalt  }
0x70: {  	_ =	shalt  }
0x71: {  	_ =	shalt  }
0x72: {  	_ =	shalt  }
0x73: {  	_ =	shalt  }
0x74: {  	_ =	shalt  }
0x75: {  	_ =	shalt  }
0x76: {  	_ =	shalt  }
0x77: {  	_ =	shalt  }
0x78: {  	_ =	shalt  }
0x79: {  	_ =	shalt  }
0x7a: {  	_ =	shalt  }
0x7b: {  	_ =	shalt  }
0x7c: {  	_ =	shalt  }
0x7d: {  	_ =	shalt  }
0x7e: {  	_ =	shalt  }
0x7f: {  	_ =	shalt  }
0x80: {  	_ =	shalt  }
0x81: {  	_ =	shalt  }
0x82: {  	_ =	shalt  }
0x83: {  	_ =	shalt  }
0x84: {  	_ =	shalt  }
0x85: {  	_ =	shalt  }
0x86: {  	_ =	shalt  }
0x87: {  	_ =	shalt  }
.Lfunc_end0:
.L_simem_size_0:
called_computation.1_lowered:
.L_overlay_start_0:
0x88: {  	s2 =	sld [smem:$0x3FD9]  }
0x89: {  	s3 =	sld [smem:$0x3FFE];
	_ =	sdelay $0x1  }
0x8a: {  	s1 =	srdreg.scid  }
0x8b: {  	s0 =	sand.u32 $0x1, s1  }
0x8c: {  	s16 =	sshll.u32 s0, $0xA;
	s2 =	sadd.s32 s3, s2  }
0x8d: {  	s2 =	sadd.s32 s2, s16  }
0x8e: {  	[smem:$0x3FC2] =	sst s2  }
0x8f: {  	_ = 	snop  }
0x90: {  	(tm) =	ssettm $0x1  }
0x91: {  	s17 =	sld [smem:$0x3FFB];
	_ =	sdelay $0x3  }
0x92: {  	_ =	strace s17  }
0x93: {  	s2 =	sld [smem:$0x3FFC];
	_ =	sdelay $0x3  }
0x94: {  	_ =	strace s2  }
0x95: {  	s2 =	sld [smem:$0x3FFD];
	_ =	sdelay $0x3  }
0x96: {  	_ =	strace s2  }
0x97: {  	_ =	strace $0x8FFFFFFF  }
0x98: {  	s18 =	sld [smem:$0x3FDB];
	_ =	sdelay $0x1  }
0x99: {  	s19 =	simm.s32 $_scs_section_size  }
0x9a: {  	s4 =	simm.s32 $_size__tile_overlayer_lowered;
	s5 =	simm.s32 $_tile_overlayer_lowered  }
0x9b: {  	s22 =	simm.s32 $0x1BFF;
	s21 =	sshll.u32 s5, $0x1;
	s2 =	sadd.s32 s19, s18  }
0x9c: {  	s6 =	simm.s32 $0x0;
	s20 =	sshll.u32 s4, $0x1;
	s4 =	sadd.s32 s21, s2  }
0x9d: {  	[timem:s6], [sflag:s22] =	dma.local [hbm:s4], s20  }
0x9e: {  	_ =	swait.ge [sflag:s22], s20  }
0x9f: {  	s3 =	ssub.s32 $0x0, s20;
	[sflag:s22] =	ssyncset.done $0x0  }
0xa0: {  	[sflag:s22] =	ssyncadd.s32 s3;
	_ =	sdelay $0x1  }
0xa1: {  	s23 =	simm.s32 $0x1B8B  }
0xa2: {  	_ =	swait.ge [sflag:s23], $0x1  }
0xa3: {  	[sflag:s23] =	ssyncset.done $0x0  }
0xa4: {  	s25 =	simm.s32 $0x1B8E;
	s24 =	sld [smem:$0x3FFE];
	[sflag:s23] =	ssyncadd.s32 $0xFFFFFFFF  }
0xa5: {  	s26 =	simm.s32 $execute0_lowered;
	[smem:$0x3FD2] =	sst s25  }
0xa6: {  	s4 =	sshll.u32 s26, $0x1;
	_ =	strace $0x80000049;
	[dreg:$0x1] =	wrdreg $0xFFFFFFFF  }
0xa7: {  	s28 =	simm.s32 $_size_execute0_lowered;
	s2 =	sadd.s32 s2, s4;
	[dreg:$0x0] =	wrdreg $0x0  }
0xa8: {  	s4 =	sshll.u32 s28, $0x1;
	[dreg:$0x2] =	wrdreg s2  }
0xa9: {  	[dreg:$0x3] =	wrdreg s4  }
0xaa: {  	[dreg:$0x4] =	wrdreg $0xC0  }
0xab: {  	_ =	task [dreg:s6], $0x5FFFF  }
0xac: {  	[dreg:$0x1] =	wrdreg $0xFFFFFFFF  }
0xad: {  	[dreg:$0x0] =	wrdreg $0x60  }
0xae: {  	[dreg:$0x2] =	wrdreg s24  }
0xaf: {  	[dreg:$0x3] =	wrdreg $0x110000  }
0xb0: {  	[dreg:$0x4] =	wrdreg $0x1B0000  }
0xb1: {  	[dreg:$0x5] =	wrdreg $0x9  }
0xb2: {  	_ =	task.clear_ibuf [dreg:s6], $0x6FFFF;
	_ =	strace $0x90000049  }
0xb3: {  	s29 =	simm.s32 $0x9;
	_ =	strace $0x8000004B  }
0xb4: {  	_ =	swait.ge [sflag:s29], $0x1  }
0xb5: {  	[sflag:s29] =	ssyncadd.s32 $0xFFFFFFFF  }
0xb6: {  	_ =	strace $0x9000004B  }
0xb7: {  	_ =	sfence  }
0xb8: {  	s30 =	sld [smem:$0x0];
	_ =	sdelay $0x2  }
0xb9: {  	s31 =	sshll.u32 s1, $0xD;
	s1 =	sshrl.u32 s1, $0x2  }
0xba: {  	s3 =	sand.u32 $0x4000, s31;
	s1 =	sadd.s32 s1, s30  }
0xbb: {  	s0 =	sor.u32 s3, s0;
	s1 =	sshll.u32 s1, $0x11  }
0xbc: {  	s0 =	sor.u32 s1, s0  }
0xbd: {  	s0 =	sadd.s32 $0x8F2B, s0  }
0xbe: {  	[sflag:s0] =	ssyncadd.remote.s32 $0x1  }
0xbf: {  	_ =	sfence.sel $0xFFFF  }
0xc0: {  	[dreg:$0x0] =	wrdreg $0xFFFFFFFF;
	(pc) =	sbr.abs _section_cstart, $3  }
0xc1: {  	[dreg:$0x1] =	wrdreg $0xFFFFFFFF  }
0xc2: {  	_ =	task.clear_ibuf [dreg:s6], $0x2FFFF;
	_ =	strace $0x9FFFFFFF  }
0xc3: {  	(tm) =	ssettm $0x7FFFFFFF  }
tec
execute0_lowered:
.L_overlay_start_1:
0x0: {  	(tag) =	ssettag $0x1  }
0x1: {  	s0 =	rddreg [dreg:$0x0]  }
0x2: {  	s2 =	rddreg [dreg:$0x1];
	s15 =	stileid.u32  }
0x3: {  	s3 =	rddreg [dreg:$0x2];
	s1 =	smul.u32 $0x5000, s15  }
0x4: {  	s5 =	srdreg.scid;
	s4 =	simm.s32 $0x0;
	s16 =	smul.u32 $0xA000, s15  }
0x5: {  	s28 =	simm.s32 $0x10000;
	s29 =	simm.s32 $0x1;
	s18 =	smul.u32 $0x28000, s15  }
0x6: {  	s30 =	simm.s32 $0x2;
	s31 =	simm.s32 $0x7000;
	s14 =	smul.u32 $0x2800, s15  }
0x7: {  	s6 =	sand.u32 $0x1, s5;
	[smem:$0x7FF] =	sst s4;
	s15 =	smul.u32 $0x500, s15  }
0x8: {  	s11 =	sadd.s32 $0x14A00, s0;
	s12 =	sadd.s32 $0xA00, s0;
	s8 =	smul.u32 $0xA0000, s6  }
0x9: {  	_ =	strace $0x8000004A;
	s9 =	ssub.s32 $0x2, s6;
	p0 =	seq.s32 s6, $0x1  }
0xa: {  	s7 =	sshrl.u32 s1, $0x3;
	s19 =	sshrl.u32 s9, $0x1;
	s5 =	sadd.s32 s16, s2  }
0xb: {  	s1 =	sadd.s32 s1, s3;
	s14 =	sshrl.u32 s14, $0x3;
	s23 =	sadd.s32 s11, s15  }
0xc: {  	s25 =	sadd.s32 s12, s15;
	s10 =	sadd.s32 s7, s0;
	s17 =	sadd.s32 s16, s8  }
0xd: {  	s8 =	sshrl.u32 s18, $0x2;
	s13 =	ssub.s32 s9, s19;
	[dreg:$0x6] =	wrdreg s23  }
0xe: {  	s24 =	sadd.s32 $0x5000, s14;
	[dreg:$0x7] =	wrdreg s25;
	s18 =	simm.s32 $0x5  }
0xf: {  	s19 =	sshrl.u32 s1, $0x3;
	s23 =	simm.s32 $0xE000;
	s25 =	simm.s32 $0xF000  }
0x10: {  	s7 =	sshrl.u32 s17, $0x3;
	s20 =	sadd.s32 s8, s2;
	s10 =	sadd.s32 $0xAA00, s10  }
0x11: {  	s26 =	sadd.s32 s11, s24;
	s6 =	sadd.s32 s12, s24;
	s16 =	smax.u32 s13, $0x1  }
0x12: {  	s17 =	simm.s32 $0x5000;
	s24 =	simm.s32 $0x4;
	s0 =	sadd.s32 s7, s0  }
.Ltmp0:
0x13: {  	s21 =	sadd.s32 $0x2000, s20;
	[dreg:$0x8] =	wrdreg s26;
	(pc) =	sbr.rel .LBB2_1-.Ltmp0, $4  }
0x14: {  	s22 =	sadd.s32 $0x4000, s20;
	s8 =	sadd.s32 $0x6000, s20;
	[dreg:$0x9] =	wrdreg s6  }
0x15: {  	s9 =	sadd.s32 $0x8000, s20;
	s20 =	simm.s32 $0x9000;
	[dreg:$0x4] =	wrdreg s21  }
0x16: {  	s26 =	simm.s32 $0xB000;
	[dreg:$0x5] =	wrdreg s22;
	s15 =	sadd.s32 $0x1EA00, s0  }
0x17: {  	v0 =	vimm.f32 $0.0e+00;
	s21 =	simm.s32 $0x80;
	s22 =	simm.s32 $0xD000;
	s0 =	simm.s32 $0x3  }
.LBB2_42:
0x18: {  	s1 =	simm.s32 $0x4F80  }
0x19: {  	[spmem:s2] =	stream.indirect.scatter.add.f32 [tilespmem:s26], [sflag:$0x4], $0x40, s1, s21, $0xb8;
	v63 =	vld [tilespmem:$0x0]  }
0x1a: {  	_ =	swait.ge [sflag:s29], $0x2000  }
0x1b: {  	[sflag:s29] =	ssyncset.done $0x0  }
0x1c: {  	[sflag:s29] =	ssyncadd.s32 $0xFFFFE000  }
0x1d: {  	_ =	swait.ge [sflag:s30], $0x2000  }
0x1e: {  	[sflag:s30] =	ssyncset.done $0x0  }
0x1f: {  	[sflag:s30] =	ssyncadd.s32 $0xFFFFE000  }
0x20: {  	_ =	swait.ge [sflag:s0], $0x2000  }
0x21: {  	[sflag:s0] =	ssyncset.done $0x0  }
0x22: {  	[sflag:s0] =	ssyncadd.s32 $0xFFFFE000  }
0x23: {  	_ =	swait.ge [sflag:s24], $0x2000  }
0x24: {  	s4 =	sadd.s32 $0x1, s4;
	[sflag:s24] =	ssyncset.done $0x0  }
0x25: {  	p1 =	sne.s32 s4, s16;
	[sflag:s24] =	ssyncadd.s32 $0xFFFFE000  }
.Ltmp1:
0x26: {  	s14 =	sshrl.u32 s5, $0x3;
	[bflag:$0x0] =	sbarrier.arrive $0xFFFF;
	(pc) =	sbr.rel @!p1 .LBB2_43-.Ltmp1, $4  }
0x27: {  	[hbm:s15], [sflag:s11] =	dma.local [spmem:s14], $0x1400  }
0x28: {  	_ =	swait.ge [sflag:s18], $0x1400  }
0x29: {  	[sflag:s18] =	ssyncset.done $0x0  }
0x2a: {  	[sflag:s18] =	ssyncadd.s32 $0xFFFFEC00  }
.LBB2_1:
0x2b: {  	s6 =	simm.s32 $0x100;
	s1 =	simm.s32 $0x0  }
.LBB2_2:
0x2c: {  	p1 =	sne.s32 s6, $0x7F00;
	[tilespmem:s1+$0x5030] =	vst v0;
	s11 =	smov.u32 s6;
	s6 =	sadd.s32 $0x100, s6  }
.Ltmp2:
0x2d: {  	[tilespmem:s1+$0x5020] =	vst v0;
	(pc) =	sbr.rel @p1 .LBB2_2-.Ltmp2, $3  }
0x2e: {  	[tilespmem:s1+$0x5000] =	vst v0  }
0x2f: {  	[tilespmem:s1+$0x5010] =	vst v0;
	_ =	sdelay $0x1  }
0x30: {  	s1 =	sshra.s32 s11, $0x2  }
0x31: {  	[tilespmem:s1+$0x5030] =	vst v0  }
0x32: {  	[tilespmem:s1+$0x5020] =	vst v0  }
0x33: {  	[tilespmem:s1+$0x5000] =	vst v0  }
0x34: {  	[tilespmem:s1+$0x5010] =	vst v0  }
0x35: {  	[spmem:s5] =	stream.linear.scatter [tilespmem:s17], [sflag:$0x5], $0x2000, $0x38;
	v63 =	vld [tilespmem:$0x0]  }
0x36: {  	_ =	swait.ge [sflag:s18], $0x2000  }
0x37: {  	[sflag:s18] =	ssyncset.done $0x0  }
0x38: {  	s12 =	rddreg [dreg:$0x4];
	[sflag:s18] =	ssyncadd.s32 $0xFFFFE000  }
0x39: {  	[spmem:s12] =	stream.linear.scatter [tilespmem:s17], [sflag:$0x5], $0x2000, $0x38;
	v63 =	vld [tilespmem:$0x0]  }
0x3a: {  	_ =	swait.ge [sflag:s18], $0x2000  }
0x3b: {  	[sflag:s18] =	ssyncset.done $0x0  }
0x3c: {  	s13 =	rddreg [dreg:$0x5];
	[sflag:s18] =	ssyncadd.s32 $0xFFFFE000  }
0x3d: {  	[spmem:s13] =	stream.linear.scatter [tilespmem:s17], [sflag:$0x5], $0x2000, $0x38;
	v63 =	vld [tilespmem:$0x0]  }
0x3e: {  	_ =	swait.ge [sflag:s18], $0x2000  }
0x3f: {  	[sflag:s18] =	ssyncset.done $0x0  }
0x40: {  	[sflag:s18] =	ssyncadd.s32 $0xFFFFE000  }
0x41: {  	[spmem:s8] =	stream.linear.scatter [tilespmem:s17], [sflag:$0x5], $0x2000, $0x38;
	v63 =	vld [tilespmem:$0x0]  }
0x42: {  	_ =	swait.ge [sflag:s18], $0x2000  }
0x43: {  	[sflag:s18] =	ssyncset.done $0x0  }
0x44: {  	[sflag:s18] =	ssyncadd.s32 $0xFFFFE000  }
0x45: {  	[spmem:s9] =	stream.linear.scatter [tilespmem:s17], [sflag:$0x5], $0x2000, $0x38;
	v63 =	vld [tilespmem:$0x0]  }
0x46: {  	s14 =	stileid.u32;
	_ =	swait.ge [sflag:s18], $0x2000  }
0x47: {  	s1 =	sshll.u32 s14, $0x6;
	[sflag:s18] =	ssyncset.done $0x0  }
0x48: {  	s11 =	sor.u32 $0x1C05, s1;
	[sflag:s18] =	ssyncadd.s32 $0xFFFFE000  }
0x49: {  	[spmem:s19], [sflag:s11] =	dma.local [hbm:s10], $0xA00  }
.Ltmp3:
0x4a: {  	_ =	swait.ge [sflag:s18], $0xA00;
	(pc) =	sbr.rel @!p0 .LBB2_4-.Ltmp3, $4  }
0x4b: {  	[sflag:s18] =	ssyncset.done $0x0  }
0x4c: {  	[sflag:s18] =	ssyncadd.s32 $0xFFFFF600  }
0x4d: {  	[bflag:$0x0] =	sbarrier.arrive $0xFFFF  }
0x4e: {  	s12 =	simm.s32 $0x0  }
0x4f: {  	s1 =	rddreg [dreg:$0x8]  }
0x50: {  	[tilespmem:s12], [sflag:$0x5] =	stream.linear.gather [hbm4b:s1+s12], $0x2800, $0x38;
	v63 =	vld [tilespmem:$0x0]  }
0x51: {  	_ =	swait.ge [sflag:s18], $0x2800  }
0x52: {  	[sflag:s18] =	ssyncset.done $0x0  }
0x53: {  	s6 =	simm.s32 $0x2800;
	s7 =	rddreg [dreg:$0x9];
	[sflag:s18] =	ssyncadd.s32 $0xFFFFD800  }
0x54: {  	[tilespmem:s6], [sflag:$0x5] =	stream.linear.gather [hbm4b:s7+s12], $0x2800, $0x38;
	v63 =	vld [tilespmem:$0x0]  }
0x55: {  	_ =	swait.ge [sflag:s18], $0x2800  }
0x56: {  	[sflag:s18] =	ssyncset.done $0x0  }
0x57: {  	[sflag:s18] =	ssyncadd.s32 $0xFFFFD800  }
0x58: {  	[tilespmem:s22], [sflag:$0x1] =	stream.indirect.gather [spmem:s3], $0x20, s12, s21, $0xb8;
	v63 =	vld [tilespmem:$0x0]  }
0x59: {  	_ = 	snop  }
0x5a: {  	[tilespmem:s23], [sflag:$0x2] =	stream.indirect.gather [spmem:s3], $0x20, s21, s21, $0xb8;
	v63 =	vld [tilespmem:$0x0]  }
0x5b: {  	s13 =	simm.s32 $0x100  }
0x5c: {  	[tilespmem:s25], [sflag:$0x3] =	stream.indirect.gather [spmem:s3], $0x20, s13, s21, $0xb8;
	v63 =	vld [tilespmem:$0x0]  }
0x5d: {  	s14 =	simm.s32 $0x180  }
0x5e: {  	[tilespmem:s28], [sflag:$0x4] =	stream.indirect.gather [spmem:s3], $0x20, s14, s21, $0xb8;
	v63 =	vld [tilespmem:$0x0]  }
.LBB2_24:
0x5f: {  	_ =	swait.ge [sflag:s29], $0x1000  }
0x60: {  	[sflag:s29] =	ssyncset.done $0x0  }
0x61: {  	s6 =	simm.s32 $0x0;
	[sflag:s29] =	ssyncadd.s32 $0xFFFFF000  }
0x62: {  	v1 =	vld [tilespmem:s6+$0xD000];
	_ =	sdelay $0x4  }
0x63: {  	s13 =	simm.s32 $0x5020;
	v2 =	vshll.u32 v1, $0x10  }
0x64: {  	v1 =	vand.u32 $0xFFFF0000, v1;
	[tilespmem:s13+$0xFFFFFFE0] =	vst v2  }
0x65: {  	[tilespmem:s13+$0xFFFFFFF0] =	vst v1  }
0x66: {  	s1 =	simm.s32 $0x80;
	s14 =	simm.s32 $0x5020;
	v1 =	vld [tilespmem:s6+$0xD010]  }
.LBB2_25:
0x67: {  	_ =	sdelay $0x2  }
0x68: {  	p1 =	sne.s32 s1, $0x3F80  }
0x69: {  	s13 =	sadd.s32 $0x40, s13;
	s6 =	smov.u32 s1;
	s1 =	sadd.s32 $0x80, s1;
	v2 =	vshll.u32 v1, $0x10;
	v1 =	vand.u32 $0xFFFF0000, v1  }
0x6a: {  	[tilespmem:s14+$0x0] =	vst v2  }
0x6b: {  	s6 =	sshra.s32 s6, $0x2;
	[tilespmem:s14+$0x10] =	vst v1;
	s14 =	smov.u32 s13  }
0x6c: {  	v1 =	vld [tilespmem:s6+$0xD000];
	_ =	sdelay $0x3  }
.Ltmp4:
0x6d: {  	(pc) =	sbr.rel @p1 .LBB2_25-.Ltmp4, $4  }
0x6e: {  	v2 =	vshll.u32 v1, $0x10;
	v1 =	vand.u32 $0xFFFF0000, v1  }
0x6f: {  	[tilespmem:s13+$0xFFFFFFE0] =	vst v2  }
0x70: {  	[tilespmem:s13+$0xFFFFFFF0] =	vst v1  }
0x71: {  	v1 =	vld [tilespmem:s6+$0xD010]  }
0x72: {  	_ =	sdelay $0x3  }
0x73: {  	s1 =	sshll.u32 s12, $0xB;
	v2 =	vshll.u32 v1, $0x10  }
0x74: {  	s13 =	sshrl.u32 s1, $0x2;
	v1 =	vand.u32 $0xFFFF0000, v1;
	[tilespmem:s14+$0x0] =	vst v2  }
0x75: {  	s1 =	sadd.s32 $0x2800, s13;
	[tilespmem:s14+$0x10] =	vst v1  }
0x76: {  	[spmem:s2] =	stream.indirect.scatter.add.f32 [tilespmem:s17], [sflag:$0x1], $0x40, s1, s21, $0xb8;
	v63 =	vld [tilespmem:$0x0]  }
0x77: {  	_ =	swait.ge [sflag:s30], $0x1000  }
0x78: {  	[sflag:s30] =	ssyncset.done $0x0  }
0x79: {  	s7 =	simm.s32 $0x0;
	[sflag:s30] =	ssyncadd.s32 $0xFFFFF000  }
0x7a: {  	v1 =	vld [tilespmem:s7+$0xE000];
	_ =	sdelay $0x4  }
0x7b: {  	s14 =	simm.s32 $0x7030;
	v2 =	vshll.u32 v1, $0x10  }
0x7c: {  	v1 =	vand.u32 $0xFFFF0000, v1;
	[tilespmem:s14+$0xFFFFFFD0] =	vst v2  }
0x7d: {  	[tilespmem:s14+$0xFFFFFFE0] =	vst v1  }
0x7e: {  	s6 =	simm.s32 $0x80;
	s1 =	simm.s32 $0x7030;
	v1 =	vld [tilespmem:s7+$0xE010]  }
.LBB2_27:
0x7f: {  	_ =	sdelay $0x2  }
0x80: {  	p1 =	sne.s32 s6, $0x3F80  }
0x81: {  	s14 =	sadd.s32 $0x40, s14;
	s7 =	smov.u32 s6;
	s6 =	sadd.s32 $0x80, s6;
	v2 =	vshll.u32 v1, $0x10;
	v1 =	vand.u32 $0xFFFF0000, v1  }
0x82: {  	[tilespmem:s1+$0xFFFFFFF0] =	vst v2  }
0x83: {  	s7 =	sshra.s32 s7, $0x2;
	[tilespmem:s1+$0x0] =	vst v1;
	s1 =	smov.u32 s14  }
0x84: {  	v1 =	vld [tilespmem:s7+$0xE000];
	_ =	sdelay $0x3  }
.Ltmp5:
0x85: {  	(pc) =	sbr.rel @p1 .LBB2_27-.Ltmp5, $4  }
0x86: {  	v2 =	vshll.u32 v1, $0x10;
	v1 =	vand.u32 $0xFFFF0000, v1  }
0x87: {  	[tilespmem:s14+$0xFFFFFFD0] =	vst v2  }
0x88: {  	[tilespmem:s14+$0xFFFFFFE0] =	vst v1  }
0x89: {  	v1 =	vld [tilespmem:s7+$0xE010]  }
0x8a: {  	_ =	sdelay $0x3  }
0x8b: {  	v2 =	vshll.u32 v1, $0x10  }
0x8c: {  	v1 =	vand.u32 $0xFFFF0000, v1;
	[tilespmem:s1+$0xFFFFFFF0] =	vst v2  }
0x8d: {  	s14 =	sadd.s32 $0x2880, s13;
	[tilespmem:s1+$0x0] =	vst v1  }
0x8e: {  	[spmem:s2] =	stream.indirect.scatter.add.f32 [tilespmem:s31], [sflag:$0x2], $0x40, s14, s21, $0xb8;
	v63 =	vld [tilespmem:$0x0]  }
0x8f: {  	_ =	swait.ge [sflag:s0], $0x1000  }
0x90: {  	[sflag:s0] =	ssyncset.done $0x0  }
0x91: {  	s14 =	simm.s32 $0xF010;
	[sflag:s0] =	ssyncadd.s32 $0xFFFFF000  }
0x92: {  	v1 =	vld [tilespmem:s14+$0xFFFFFFF0];
	_ =	sdelay $0x4  }
0x93: {  	s6 =	simm.s32 $0x0;
	v2 =	vshll.u32 v1, $0x10  }
0x94: {  	v1 =	vand.u32 $0xFFFF0000, v1;
	[tilespmem:s6+$0x9000] =	vst v2  }
0x95: {  	[tilespmem:s6+$0x9010] =	vst v1  }
0x96: {  	s1 =	simm.s32 $0x100;
	v1 =	vld [tilespmem:s14+$0x0]  }
.LBB2_29:
0x97: {  	_ =	sdelay $0x2  }
0x98: {  	p1 =	sne.s32 s1, $0x7F00  }
0x99: {  	s14 =	sadd.s32 $0x20, s14;
	s7 =	smov.u32 s1;
	s1 =	sadd.s32 $0x100, s1;
	v2 =	vshll.u32 v1, $0x10;
	v1 =	vand.u32 $0xFFFF0000, v1  }
0x9a: {  	[tilespmem:s6+$0x9020] =	vst v2  }
0x9b: {  	[tilespmem:s6+$0x9030] =	vst v1  }
0x9c: {  	v1 =	vld [tilespmem:s14+$0xFFFFFFF0];
	_ =	sdelay $0x3  }
.Ltmp6:
0x9d: {  	(pc) =	sbr.rel @p1 .LBB2_29-.Ltmp6, $4  }
0x9e: {  	s6 =	sshra.s32 s7, $0x2;
	v2 =	vshll.u32 v1, $0x10;
	v1 =	vand.u32 $0xFFFF0000, v1  }
0x9f: {  	[tilespmem:s6+$0x9000] =	vst v2  }
0xa0: {  	[tilespmem:s6+$0x9010] =	vst v1  }
0xa1: {  	v1 =	vld [tilespmem:s14+$0x0]  }
0xa2: {  	_ =	sdelay $0x3  }
0xa3: {  	v2 =	vshll.u32 v1, $0x10  }
0xa4: {  	v1 =	vand.u32 $0xFFFF0000, v1;
	[tilespmem:s6+$0x9020] =	vst v2  }
0xa5: {  	s1 =	sadd.s32 $0x2900, s13;
	[tilespmem:s6+$0x9030] =	vst v1  }
0xa6: {  	[spmem:s2] =	stream.indirect.scatter.add.f32 [tilespmem:s20], [sflag:$0x3], $0x40, s1, s21, $0xb8;
	v63 =	vld [tilespmem:$0x0]  }
0xa7: {  	_ =	swait.ge [sflag:s24], $0x1000  }
0xa8: {  	[sflag:s24] =	ssyncset.done $0x0  }
0xa9: {  	s14 =	simm.s32 $0x10010;
	[sflag:s24] =	ssyncadd.s32 $0xFFFFF000  }
0xaa: {  	v1 =	vld [tilespmem:s14+$0xFFFFFFF0];
	_ =	sdelay $0x4  }
0xab: {  	s6 =	simm.s32 $0x0;
	v2 =	vshll.u32 v1, $0x10  }
0xac: {  	v1 =	vand.u32 $0xFFFF0000, v1;
	[tilespmem:s6+$0xB000] =	vst v2  }
0xad: {  	[tilespmem:s6+$0xB010] =	vst v1  }
0xae: {  	s1 =	simm.s32 $0x100;
	v1 =	vld [tilespmem:s14+$0x0]  }
.LBB2_31:
0xaf: {  	_ =	sdelay $0x2  }
0xb0: {  	p1 =	sne.s32 s1, $0x7F00  }
0xb1: {  	s14 =	sadd.s32 $0x20, s14;
	s7 =	smov.u32 s1;
	s1 =	sadd.s32 $0x100, s1;
	v2 =	vshll.u32 v1, $0x10;
	v1 =	vand.u32 $0xFFFF0000, v1  }
0xb2: {  	[tilespmem:s6+$0xB020] =	vst v2  }
0xb3: {  	[tilespmem:s6+$0xB030] =	vst v1  }
0xb4: {  	v1 =	vld [tilespmem:s14+$0xFFFFFFF0];
	_ =	sdelay $0x3  }
.Ltmp7:
0xb5: {  	(pc) =	sbr.rel @p1 .LBB2_31-.Ltmp7, $4  }
0xb6: {  	s6 =	sshra.s32 s7, $0x2;
	v2 =	vshll.u32 v1, $0x10;
	v1 =	vand.u32 $0xFFFF0000, v1  }
0xb7: {  	[tilespmem:s6+$0xB000] =	vst v2  }
0xb8: {  	[tilespmem:s6+$0xB010] =	vst v1  }
0xb9: {  	v1 =	vld [tilespmem:s14+$0x0]  }
0xba: {  	_ =	sdelay $0x3  }
0xbb: {  	v2 =	vshll.u32 v1, $0x10  }
0xbc: {  	v1 =	vand.u32 $0xFFFF0000, v1;
	[tilespmem:s6+$0xB020] =	vst v2  }
0xbd: {  	s1 =	sadd.s32 $0x2980, s13;
	[tilespmem:s6+$0xB030] =	vst v1  }
0xbe: {  	[spmem:s2] =	stream.indirect.scatter.add.f32 [tilespmem:s26], [sflag:$0x4], $0x40, s1, s21, $0xb8;
	v63 =	vld [tilespmem:$0x0]  }
0xbf: {  	_ =	swait.ge [sflag:s29], $0x2000  }
0xc0: {  	[sflag:s29] =	ssyncset.done $0x0  }
0xc1: {  	s14 =	sadd.s32 $0x200, s13;
	[sflag:s29] =	ssyncadd.s32 $0xFFFFE000  }
0xc2: {  	[tilespmem:s22], [sflag:$0x1] =	stream.indirect.gather [spmem:s3], $0x20, s14, s21, $0xb8;
	v63 =	vld [tilespmem:$0x0]  }
0xc3: {  	_ =	swait.ge [sflag:s30], $0x2000  }
0xc4: {  	[sflag:s30] =	ssyncset.done $0x0  }
0xc5: {  	s6 =	sadd.s32 $0x280, s13;
	[sflag:s30] =	ssyncadd.s32 $0xFFFFE000  }
0xc6: {  	[tilespmem:s23], [sflag:$0x2] =	stream.indirect.gather [spmem:s3], $0x20, s6, s21, $0xb8;
	v63 =	vld [tilespmem:$0x0]  }
0xc7: {  	_ =	swait.ge [sflag:s0], $0x2000  }
0xc8: {  	s12 =	sadd.s32 $0x1, s12;
	[sflag:s0] =	ssyncset.done $0x0  }
0xc9: {  	s7 =	sadd.s32 $0x300, s13;
	p1 =	sne.s32 s12, $0x13;
	[sflag:s0] =	ssyncadd.s32 $0xFFFFE000  }
0xca: {  	[tilespmem:s25], [sflag:$0x3] =	stream.indirect.gather [spmem:s3], $0x20, s7, s21, $0xb8;
	v63 =	vld [tilespmem:$0x0]  }
.Ltmp8:
0xcb: {  	_ = 	snop;
	(pc) =	sbr.rel @p1 .LBB2_24-.Ltmp8, $4  }
0xcc: {  	_ =	swait.ge [sflag:s24], $0x2000  }
0xcd: {  	[sflag:s24] =	ssyncset.done $0x0  }
0xce: {  	s14 =	sadd.s32 $0x380, s13;
	[sflag:s24] =	ssyncadd.s32 $0xFFFFE000  }
0xcf: {  	[tilespmem:s28], [sflag:$0x4] =	stream.indirect.gather [spmem:s3], $0x20, s14, s21, $0xb8;
	v63 =	vld [tilespmem:$0x0]  }
0xd0: {  	_ =	swait.ge [sflag:s29], $0x1000  }
0xd1: {  	[sflag:s29] =	ssyncset.done $0x0  }
0xd2: {  	s1 =	simm.s32 $0x0;
	[sflag:s29] =	ssyncadd.s32 $0xFFFFF000  }
0xd3: {  	v1 =	vld [tilespmem:s1+$0xD000];
	_ =	sdelay $0x4  }
0xd4: {  	s12 =	simm.s32 $0x5020;
	v2 =	vshll.u32 v1, $0x10  }
0xd5: {  	v1 =	vand.u32 $0xFFFF0000, v1;
	[tilespmem:s12+$0xFFFFFFE0] =	vst v2  }
0xd6: {  	[tilespmem:s12+$0xFFFFFFF0] =	vst v1  }
0xd7: {  	s6 =	simm.s32 $0x80;
	v1 =	vld [tilespmem:s1+$0xD010];
	s1 =	simm.s32 $0x5020  }
.LBB2_34:
0xd8: {  	_ =	sdelay $0x2  }
0xd9: {  	p1 =	sne.s32 s6, $0x3F80  }
0xda: {  	s12 =	sadd.s32 $0x40, s12;
	s7 =	smov.u32 s6;
	s6 =	sadd.s32 $0x80, s6;
	v2 =	vshll.u32 v1, $0x10;
	v1 =	vand.u32 $0xFFFF0000, v1  }
0xdb: {  	[tilespmem:s1+$0x0] =	vst v2  }
0xdc: {  	s7 =	sshra.s32 s7, $0x2;
	[tilespmem:s1+$0x10] =	vst v1;
	s1 =	smov.u32 s12  }
0xdd: {  	v1 =	vld [tilespmem:s7+$0xD000];
	_ =	sdelay $0x3  }
.Ltmp9:
0xde: {  	(pc) =	sbr.rel @p1 .LBB2_34-.Ltmp9, $4  }
0xdf: {  	v2 =	vshll.u32 v1, $0x10;
	v1 =	vand.u32 $0xFFFF0000, v1  }
0xe0: {  	[tilespmem:s12+$0xFFFFFFE0] =	vst v2  }
0xe1: {  	[tilespmem:s12+$0xFFFFFFF0] =	vst v1  }
0xe2: {  	v1 =	vld [tilespmem:s7+$0xD010]  }
0xe3: {  	_ =	sdelay $0x3  }
0xe4: {  	v2 =	vshll.u32 v1, $0x10  }
0xe5: {  	v1 =	vand.u32 $0xFFFF0000, v1;
	[tilespmem:s1+$0x0] =	vst v2  }
0xe6: {  	s13 =	simm.s32 $0x4E00;
	[tilespmem:s1+$0x10] =	vst v1  }
0xe7: {  	[spmem:s2] =	stream.indirect.scatter.add.f32 [tilespmem:s17], [sflag:$0x1], $0x40, s13, s21, $0xb8;
	v63 =	vld [tilespmem:$0x0]  }
0xe8: {  	_ =	swait.ge [sflag:s30], $0x1000  }
0xe9: {  	[sflag:s30] =	ssyncset.done $0x0  }
0xea: {  	s14 =	simm.s32 $0x0;
	[sflag:s30] =	ssyncadd.s32 $0xFFFFF000  }
0xeb: {  	v1 =	vld [tilespmem:s14+$0xE000];
	_ =	sdelay $0x4  }
0xec: {  	s12 =	simm.s32 $0x7030;
	v2 =	vshll.u32 v1, $0x10  }
0xed: {  	v1 =	vand.u32 $0xFFFF0000, v1;
	[tilespmem:s12+$0xFFFFFFD0] =	vst v2  }
0xee: {  	[tilespmem:s12+$0xFFFFFFE0] =	vst v1  }
0xef: {  	s6 =	simm.s32 $0x80;
	s1 =	simm.s32 $0x7030;
	v1 =	vld [tilespmem:s14+$0xE010]  }
.LBB2_36:
0xf0: {  	_ =	sdelay $0x2  }
0xf1: {  	p1 =	sne.s32 s6, $0x3F80  }
0xf2: {  	s12 =	sadd.s32 $0x40, s12;
	s7 =	smov.u32 s6;
	s6 =	sadd.s32 $0x80, s6;
	v2 =	vshll.u32 v1, $0x10;
	v1 =	vand.u32 $0xFFFF0000, v1  }
0xf3: {  	[tilespmem:s1+$0xFFFFFFF0] =	vst v2  }
0xf4: {  	s7 =	sshra.s32 s7, $0x2;
	[tilespmem:s1+$0x0] =	vst v1;
	s1 =	smov.u32 s12  }
0xf5: {  	v1 =	vld [tilespmem:s7+$0xE000];
	_ =	sdelay $0x3  }
.Ltmp10:
0xf6: {  	(pc) =	sbr.rel @p1 .LBB2_36-.Ltmp10, $4  }
0xf7: {  	v2 =	vshll.u32 v1, $0x10;
	v1 =	vand.u32 $0xFFFF0000, v1  }
0xf8: {  	[tilespmem:s12+$0xFFFFFFD0] =	vst v2  }
0xf9: {  	[tilespmem:s12+$0xFFFFFFE0] =	vst v1  }
0xfa: {  	v1 =	vld [tilespmem:s7+$0xE010]  }
0xfb: {  	_ =	sdelay $0x3  }
0xfc: {  	v2 =	vshll.u32 v1, $0x10  }
0xfd: {  	v1 =	vand.u32 $0xFFFF0000, v1;
	[tilespmem:s1+$0xFFFFFFF0] =	vst v2  }
0xfe: {  	s14 =	simm.s32 $0x4E80;
	[tilespmem:s1+$0x0] =	vst v1  }
0xff: {  	[spmem:s2] =	stream.indirect.scatter.add.f32 [tilespmem:s31], [sflag:$0x2], $0x40, s14, s21, $0xb8;
	v63 =	vld [tilespmem:$0x0]  }
0x100: {  	_ =	swait.ge [sflag:s0], $0x1000  }
0x101: {  	[sflag:s0] =	ssyncset.done $0x0  }
0x102: {  	s12 =	simm.s32 $0xF010;
	[sflag:s0] =	ssyncadd.s32 $0xFFFFF000  }
0x103: {  	v1 =	vld [tilespmem:s12+$0xFFFFFFF0];
	_ =	sdelay $0x4  }
0x104: {  	s6 =	simm.s32 $0x0;
	v2 =	vshll.u32 v1, $0x10  }
0x105: {  	v1 =	vand.u32 $0xFFFF0000, v1;
	[tilespmem:s6+$0x9000] =	vst v2  }
0x106: {  	[tilespmem:s6+$0x9010] =	vst v1  }
0x107: {  	s1 =	simm.s32 $0x100;
	v1 =	vld [tilespmem:s12+$0x0]  }
.LBB2_38:
0x108: {  	_ =	sdelay $0x2  }
0x109: {  	p1 =	sne.s32 s1, $0x7F00  }
0x10a: {  	s12 =	sadd.s32 $0x20, s12;
	s7 =	smov.u32 s1;
	s1 =	sadd.s32 $0x100, s1;
	v2 =	vshll.u32 v1, $0x10;
	v1 =	vand.u32 $0xFFFF0000, v1  }
0x10b: {  	[tilespmem:s6+$0x9020] =	vst v2  }
0x10c: {  	[tilespmem:s6+$0x9030] =	vst v1  }
0x10d: {  	v1 =	vld [tilespmem:s12+$0xFFFFFFF0];
	_ =	sdelay $0x3  }
.Ltmp11:
0x10e: {  	(pc) =	sbr.rel @p1 .LBB2_38-.Ltmp11, $4  }
0x10f: {  	s6 =	sshra.s32 s7, $0x2;
	v2 =	vshll.u32 v1, $0x10;
	v1 =	vand.u32 $0xFFFF0000, v1  }
0x110: {  	[tilespmem:s6+$0x9000] =	vst v2  }
0x111: {  	[tilespmem:s6+$0x9010] =	vst v1  }
0x112: {  	v1 =	vld [tilespmem:s12+$0x0]  }
0x113: {  	_ =	sdelay $0x3  }
0x114: {  	v2 =	vshll.u32 v1, $0x10  }
0x115: {  	v1 =	vand.u32 $0xFFFF0000, v1;
	[tilespmem:s6+$0x9020] =	vst v2  }
0x116: {  	s1 =	simm.s32 $0x4F00;
	[tilespmem:s6+$0x9030] =	vst v1  }
0x117: {  	[spmem:s2] =	stream.indirect.scatter.add.f32 [tilespmem:s20], [sflag:$0x3], $0x40, s1, s21, $0xb8;
	v63 =	vld [tilespmem:$0x0]  }
0x118: {  	_ =	swait.ge [sflag:s24], $0x1000  }
0x119: {  	[sflag:s24] =	ssyncset.done $0x0  }
0x11a: {  	s12 =	simm.s32 $0x10010;
	[sflag:s24] =	ssyncadd.s32 $0xFFFFF000  }
0x11b: {  	v1 =	vld [tilespmem:s12+$0xFFFFFFF0];
	_ =	sdelay $0x4  }
0x11c: {  	s6 =	simm.s32 $0x0;
	v2 =	vshll.u32 v1, $0x10  }
0x11d: {  	v1 =	vand.u32 $0xFFFF0000, v1;
	[tilespmem:s6+$0xB000] =	vst v2  }
0x11e: {  	[tilespmem:s6+$0xB010] =	vst v1  }
0x11f: {  	s1 =	simm.s32 $0x100;
	v1 =	vld [tilespmem:s12+$0x0]  }
.LBB2_40:
0x120: {  	_ =	sdelay $0x2  }
0x121: {  	p1 =	sne.s32 s1, $0x7F00  }
0x122: {  	s12 =	sadd.s32 $0x20, s12;
	s7 =	smov.u32 s1;
	s1 =	sadd.s32 $0x100, s1;
	v2 =	vshll.u32 v1, $0x10;
	v1 =	vand.u32 $0xFFFF0000, v1  }
0x123: {  	[tilespmem:s6+$0xB020] =	vst v2  }
0x124: {  	[tilespmem:s6+$0xB030] =	vst v1  }
0x125: {  	v1 =	vld [tilespmem:s12+$0xFFFFFFF0];
	_ =	sdelay $0x3  }
.Ltmp12:
0x126: {  	(pc) =	sbr.rel @p1 .LBB2_40-.Ltmp12, $4  }
0x127: {  	s6 =	sshra.s32 s7, $0x2;
	v2 =	vshll.u32 v1, $0x10;
	v1 =	vand.u32 $0xFFFF0000, v1  }
0x128: {  	[tilespmem:s6+$0xB000] =	vst v2  }
0x129: {  	[tilespmem:s6+$0xB010] =	vst v1  }
0x12a: {  	v1 =	vld [tilespmem:s12+$0x0]  }
0x12b: {  	_ =	sdelay $0x1  }
.Ltmp13:
0x12c: {  	_ = 	snop;
	(pc) =	sbr.rel .LBB2_42-.Ltmp13, $4  }
0x12d: {  	_ = 	snop  }
0x12e: {  	v2 =	vshll.u32 v1, $0x10  }
0x12f: {  	v1 =	vand.u32 $0xFFFF0000, v1;
	[tilespmem:s6+$0xB020] =	vst v2  }
0x130: {  	[tilespmem:s6+$0xB030] =	vst v1  }
.LBB2_4:
0x131: {  	s1 =	rddreg [dreg:$0x6]  }
0x132: {  	[tilespmem:s12], [sflag:$0x5] =	stream.linear.gather [hbm4b:s1+s12], $0x2800, $0x38;
	v63 =	vld [tilespmem:$0x0]  }
0x133: {  	_ =	swait.ge [sflag:s18], $0x2800  }
0x134: {  	[sflag:s18] =	ssyncset.done $0x0  }
0x135: {  	s6 =	simm.s32 $0x2800;
	s7 =	rddreg [dreg:$0x7];
	[sflag:s18] =	ssyncadd.s32 $0xFFFFD800  }
0x136: {  	[tilespmem:s6], [sflag:$0x5] =	stream.linear.gather [hbm4b:s7+s12], $0x2800, $0x38;
	v63 =	vld [tilespmem:$0x0]  }
0x137: {  	_ =	swait.ge [sflag:s18], $0x2800  }
0x138: {  	[sflag:s18] =	ssyncset.done $0x0  }
0x139: {  	[sflag:s18] =	ssyncadd.s32 $0xFFFFD800  }
0x13a: {  	[tilespmem:s22], [sflag:$0x1] =	stream.indirect.gather [spmem:s3], $0x20, s12, s21, $0xb8;
	v63 =	vld [tilespmem:$0x0]  }
0x13b: {  	_ = 	snop  }
0x13c: {  	[tilespmem:s23], [sflag:$0x2] =	stream.indirect.gather [spmem:s3], $0x20, s21, s21, $0xb8;
	v63 =	vld [tilespmem:$0x0]  }
0x13d: {  	s13 =	simm.s32 $0x100  }
0x13e: {  	[tilespmem:s25], [sflag:$0x3] =	stream.indirect.gather [spmem:s3], $0x20, s13, s21, $0xb8;
	v63 =	vld [tilespmem:$0x0]  }
0x13f: {  	s14 =	simm.s32 $0x180  }
0x140: {  	[tilespmem:s28], [sflag:$0x4] =	stream.indirect.gather [spmem:s3], $0x20, s14, s21, $0xb8;
	v63 =	vld [tilespmem:$0x0]  }
.LBB2_5:
0x141: {  	_ =	swait.ge [sflag:s29], $0x1000  }
0x142: {  	[sflag:s29] =	ssyncset.done $0x0  }
0x143: {  	s6 =	simm.s32 $0x0;
	[sflag:s29] =	ssyncadd.s32 $0xFFFFF000  }
0x144: {  	v1 =	vld [tilespmem:s6+$0xD000];
	_ =	sdelay $0x4  }
0x145: {  	s13 =	simm.s32 $0x5020;
	v2 =	vshll.u32 v1, $0x10  }
0x146: {  	v1 =	vand.u32 $0xFFFF0000, v1;
	[tilespmem:s13+$0xFFFFFFE0] =	vst v2  }
0x147: {  	[tilespmem:s13+$0xFFFFFFF0] =	vst v1  }
0x148: {  	s1 =	simm.s32 $0x80;
	s14 =	simm.s32 $0x5020;
	v1 =	vld [tilespmem:s6+$0xD010]  }
.LBB2_6:
0x149: {  	_ =	sdelay $0x2  }
0x14a: {  	p1 =	sne.s32 s1, $0x3F80  }
0x14b: {  	s13 =	sadd.s32 $0x40, s13;
	s6 =	smov.u32 s1;
	s1 =	sadd.s32 $0x80, s1;
	v2 =	vshll.u32 v1, $0x10;
	v1 =	vand.u32 $0xFFFF0000, v1  }
0x14c: {  	[tilespmem:s14+$0x0] =	vst v2  }
0x14d: {  	s6 =	sshra.s32 s6, $0x2;
	[tilespmem:s14+$0x10] =	vst v1;
	s14 =	smov.u32 s13  }
0x14e: {  	v1 =	vld [tilespmem:s6+$0xD000];
	_ =	sdelay $0x3  }
.Ltmp14:
0x14f: {  	(pc) =	sbr.rel @p1 .LBB2_6-.Ltmp14, $4  }
0x150: {  	v2 =	vshll.u32 v1, $0x10;
	v1 =	vand.u32 $0xFFFF0000, v1  }
0x151: {  	[tilespmem:s13+$0xFFFFFFE0] =	vst v2  }
0x152: {  	[tilespmem:s13+$0xFFFFFFF0] =	vst v1  }
0x153: {  	v1 =	vld [tilespmem:s6+$0xD010]  }
0x154: {  	_ =	sdelay $0x3  }
0x155: {  	s1 =	sshll.u32 s12, $0xB;
	v2 =	vshll.u32 v1, $0x10  }
0x156: {  	s13 =	sshrl.u32 s1, $0x2;
	v1 =	vand.u32 $0xFFFF0000, v1;
	[tilespmem:s14+$0x0] =	vst v2  }
0x157: {  	s1 =	sadd.s32 $0x2800, s13;
	[tilespmem:s14+$0x10] =	vst v1  }
0x158: {  	[spmem:s2] =	stream.indirect.scatter.add.f32 [tilespmem:s17], [sflag:$0x1], $0x40, s1, s21, $0xb8;
	v63 =	vld [tilespmem:$0x0]  }
0x159: {  	_ =	swait.ge [sflag:s30], $0x1000  }
0x15a: {  	[sflag:s30] =	ssyncset.done $0x0  }
0x15b: {  	s7 =	simm.s32 $0x0;
	[sflag:s30] =	ssyncadd.s32 $0xFFFFF000  }
0x15c: {  	v1 =	vld [tilespmem:s7+$0xE000];
	_ =	sdelay $0x4  }
0x15d: {  	s14 =	simm.s32 $0x7030;
	v2 =	vshll.u32 v1, $0x10  }
0x15e: {  	v1 =	vand.u32 $0xFFFF0000, v1;
	[tilespmem:s14+$0xFFFFFFD0] =	vst v2  }
0x15f: {  	[tilespmem:s14+$0xFFFFFFE0] =	vst v1  }
0x160: {  	s6 =	simm.s32 $0x80;
	s1 =	simm.s32 $0x7030;
	v1 =	vld [tilespmem:s7+$0xE010]  }
.LBB2_8:
0x161: {  	_ =	sdelay $0x2  }
0x162: {  	p1 =	sne.s32 s6, $0x3F80  }
0x163: {  	s14 =	sadd.s32 $0x40, s14;
	s7 =	smov.u32 s6;
	s6 =	sadd.s32 $0x80, s6;
	v2 =	vshll.u32 v1, $0x10;
	v1 =	vand.u32 $0xFFFF0000, v1  }
0x164: {  	[tilespmem:s1+$0xFFFFFFF0] =	vst v2  }
0x165: {  	s7 =	sshra.s32 s7, $0x2;
	[tilespmem:s1+$0x0] =	vst v1;
	s1 =	smov.u32 s14  }
0x166: {  	v1 =	vld [tilespmem:s7+$0xE000];
	_ =	sdelay $0x3  }
.Ltmp15:
0x167: {  	(pc) =	sbr.rel @p1 .LBB2_8-.Ltmp15, $4  }
0x168: {  	v2 =	vshll.u32 v1, $0x10;
	v1 =	vand.u32 $0xFFFF0000, v1  }
0x169: {  	[tilespmem:s14+$0xFFFFFFD0] =	vst v2  }
0x16a: {  	[tilespmem:s14+$0xFFFFFFE0] =	vst v1  }
0x16b: {  	v1 =	vld [tilespmem:s7+$0xE010]  }
0x16c: {  	_ =	sdelay $0x3  }
0x16d: {  	v2 =	vshll.u32 v1, $0x10  }
0x16e: {  	v1 =	vand.u32 $0xFFFF0000, v1;
	[tilespmem:s1+$0xFFFFFFF0] =	vst v2  }
0x16f: {  	s14 =	sadd.s32 $0x2880, s13;
	[tilespmem:s1+$0x0] =	vst v1  }
0x170: {  	[spmem:s2] =	stream.indirect.scatter.add.f32 [tilespmem:s31], [sflag:$0x2], $0x40, s14, s21, $0xb8;
	v63 =	vld [tilespmem:$0x0]  }
0x171: {  	_ =	swait.ge [sflag:s0], $0x1000  }
0x172: {  	[sflag:s0] =	ssyncset.done $0x0  }
0x173: {  	s14 =	simm.s32 $0xF010;
	[sflag:s0] =	ssyncadd.s32 $0xFFFFF000  }
0x174: {  	v1 =	vld [tilespmem:s14+$0xFFFFFFF0];
	_ =	sdelay $0x4  }
0x175: {  	s6 =	simm.s32 $0x0;
	v2 =	vshll.u32 v1, $0x10  }
0x176: {  	v1 =	vand.u32 $0xFFFF0000, v1;
	[tilespmem:s6+$0x9000] =	vst v2  }
0x177: {  	[tilespmem:s6+$0x9010] =	vst v1  }
0x178: {  	s1 =	simm.s32 $0x100;
	v1 =	vld [tilespmem:s14+$0x0]  }
.LBB2_10:
0x179: {  	_ =	sdelay $0x2  }
0x17a: {  	p1 =	sne.s32 s1, $0x7F00  }
0x17b: {  	s14 =	sadd.s32 $0x20, s14;
	s7 =	smov.u32 s1;
	s1 =	sadd.s32 $0x100, s1;
	v2 =	vshll.u32 v1, $0x10;
	v1 =	vand.u32 $0xFFFF0000, v1  }
0x17c: {  	[tilespmem:s6+$0x9020] =	vst v2  }
0x17d: {  	[tilespmem:s6+$0x9030] =	vst v1  }
0x17e: {  	v1 =	vld [tilespmem:s14+$0xFFFFFFF0];
	_ =	sdelay $0x3  }
.Ltmp16:
0x17f: {  	(pc) =	sbr.rel @p1 .LBB2_10-.Ltmp16, $4  }
0x180: {  	s6 =	sshra.s32 s7, $0x2;
	v2 =	vshll.u32 v1, $0x10;
	v1 =	vand.u32 $0xFFFF0000, v1  }
0x181: {  	[tilespmem:s6+$0x9000] =	vst v2  }
0x182: {  	[tilespmem:s6+$0x9010] =	vst v1  }
0x183: {  	v1 =	vld [tilespmem:s14+$0x0]  }
0x184: {  	_ =	sdelay $0x3  }
0x185: {  	v2 =	vshll.u32 v1, $0x10  }
0x186: {  	v1 =	vand.u32 $0xFFFF0000, v1;
	[tilespmem:s6+$0x9020] =	vst v2  }
0x187: {  	s1 =	sadd.s32 $0x2900, s13;
	[tilespmem:s6+$0x9030] =	vst v1  }
0x188: {  	[spmem:s2] =	stream.indirect.scatter.add.f32 [tilespmem:s20], [sflag:$0x3], $0x40, s1, s21, $0xb8;
	v63 =	vld [tilespmem:$0x0]  }
0x189: {  	_ =	swait.ge [sflag:s24], $0x1000  }
0x18a: {  	[sflag:s24] =	ssyncset.done $0x0  }
0x18b: {  	s14 =	simm.s32 $0x10010;
	[sflag:s24] =	ssyncadd.s32 $0xFFFFF000  }
0x18c: {  	v1 =	vld [tilespmem:s14+$0xFFFFFFF0];
	_ =	sdelay $0x4  }
0x18d: {  	s6 =	simm.s32 $0x0;
	v2 =	vshll.u32 v1, $0x10  }
0x18e: {  	v1 =	vand.u32 $0xFFFF0000, v1;
	[tilespmem:s6+$0xB000] =	vst v2  }
0x18f: {  	[tilespmem:s6+$0xB010] =	vst v1  }
0x190: {  	s1 =	simm.s32 $0x100;
	v1 =	vld [tilespmem:s14+$0x0]  }
.LBB2_12:
0x191: {  	_ =	sdelay $0x2  }
0x192: {  	p1 =	sne.s32 s1, $0x7F00  }
0x193: {  	s14 =	sadd.s32 $0x20, s14;
	s7 =	smov.u32 s1;
	s1 =	sadd.s32 $0x100, s1;
	v2 =	vshll.u32 v1, $0x10;
	v1 =	vand.u32 $0xFFFF0000, v1  }
0x194: {  	[tilespmem:s6+$0xB020] =	vst v2  }
0x195: {  	[tilespmem:s6+$0xB030] =	vst v1  }
0x196: {  	v1 =	vld [tilespmem:s14+$0xFFFFFFF0];
	_ =	sdelay $0x3  }
.Ltmp17:
0x197: {  	(pc) =	sbr.rel @p1 .LBB2_12-.Ltmp17, $4  }
0x198: {  	s6 =	sshra.s32 s7, $0x2;
	v2 =	vshll.u32 v1, $0x10;
	v1 =	vand.u32 $0xFFFF0000, v1  }
0x199: {  	[tilespmem:s6+$0xB000] =	vst v2  }
0x19a: {  	[tilespmem:s6+$0xB010] =	vst v1  }
0x19b: {  	v1 =	vld [tilespmem:s14+$0x0]  }
0x19c: {  	_ =	sdelay $0x3  }
0x19d: {  	v2 =	vshll.u32 v1, $0x10  }
0x19e: {  	v1 =	vand.u32 $0xFFFF0000, v1;
	[tilespmem:s6+$0xB020] =	vst v2  }
0x19f: {  	s1 =	sadd.s32 $0x2980, s13;
	[tilespmem:s6+$0xB030] =	vst v1  }
0x1a0: {  	[spmem:s2] =	stream.indirect.scatter.add.f32 [tilespmem:s26], [sflag:$0x4], $0x40, s1, s21, $0xb8;
	v63 =	vld [tilespmem:$0x0]  }
0x1a1: {  	_ =	swait.ge [sflag:s29], $0x2000  }
0x1a2: {  	[sflag:s29] =	ssyncset.done $0x0  }
0x1a3: {  	s14 =	sadd.s32 $0x200, s13;
	[sflag:s29] =	ssyncadd.s32 $0xFFFFE000  }
0x1a4: {  	[tilespmem:s22], [sflag:$0x1] =	stream.indirect.gather [spmem:s3], $0x20, s14, s21, $0xb8;
	v63 =	vld [tilespmem:$0x0]  }
0x1a5: {  	_ =	swait.ge [sflag:s30], $0x2000  }
0x1a6: {  	[sflag:s30] =	ssyncset.done $0x0  }
0x1a7: {  	s6 =	sadd.s32 $0x280, s13;
	[sflag:s30] =	ssyncadd.s32 $0xFFFFE000  }
0x1a8: {  	[tilespmem:s23], [sflag:$0x2] =	stream.indirect.gather [spmem:s3], $0x20, s6, s21, $0xb8;
	v63 =	vld [tilespmem:$0x0]  }
0x1a9: {  	_ =	swait.ge [sflag:s0], $0x2000  }
0x1aa: {  	s12 =	sadd.s32 $0x1, s12;
	[sflag:s0] =	ssyncset.done $0x0  }
0x1ab: {  	s7 =	sadd.s32 $0x300, s13;
	p1 =	sne.s32 s12, $0x13;
	[sflag:s0] =	ssyncadd.s32 $0xFFFFE000  }
0x1ac: {  	[tilespmem:s25], [sflag:$0x3] =	stream.indirect.gather [spmem:s3], $0x20, s7, s21, $0xb8;
	v63 =	vld [tilespmem:$0x0]  }
.Ltmp18:
0x1ad: {  	_ = 	snop;
	(pc) =	sbr.rel @p1 .LBB2_5-.Ltmp18, $4  }
0x1ae: {  	_ =	swait.ge [sflag:s24], $0x2000  }
0x1af: {  	[sflag:s24] =	ssyncset.done $0x0  }
0x1b0: {  	s14 =	sadd.s32 $0x380, s13;
	[sflag:s24] =	ssyncadd.s32 $0xFFFFE000  }
0x1b1: {  	[tilespmem:s28], [sflag:$0x4] =	stream.indirect.gather [spmem:s3], $0x20, s14, s21, $0xb8;
	v63 =	vld [tilespmem:$0x0]  }
0x1b2: {  	_ =	swait.ge [sflag:s29], $0x1000  }
0x1b3: {  	[sflag:s29] =	ssyncset.done $0x0  }
0x1b4: {  	s1 =	simm.s32 $0x0;
	[sflag:s29] =	ssyncadd.s32 $0xFFFFF000  }
0x1b5: {  	v1 =	vld [tilespmem:s1+$0xD000];
	_ =	sdelay $0x4  }
0x1b6: {  	s12 =	simm.s32 $0x5020;
	v2 =	vshll.u32 v1, $0x10  }
0x1b7: {  	v1 =	vand.u32 $0xFFFF0000, v1;
	[tilespmem:s12+$0xFFFFFFE0] =	vst v2  }
0x1b8: {  	[tilespmem:s12+$0xFFFFFFF0] =	vst v1  }
0x1b9: {  	s6 =	simm.s32 $0x80;
	v1 =	vld [tilespmem:s1+$0xD010];
	s1 =	simm.s32 $0x5020  }
.LBB2_15:
0x1ba: {  	_ =	sdelay $0x2  }
0x1bb: {  	p1 =	sne.s32 s6, $0x3F80  }
0x1bc: {  	s12 =	sadd.s32 $0x40, s12;
	s7 =	smov.u32 s6;
	s6 =	sadd.s32 $0x80, s6;
	v2 =	vshll.u32 v1, $0x10;
	v1 =	vand.u32 $0xFFFF0000, v1  }
0x1bd: {  	[tilespmem:s1+$0x0] =	vst v2  }
0x1be: {  	s7 =	sshra.s32 s7, $0x2;
	[tilespmem:s1+$0x10] =	vst v1;
	s1 =	smov.u32 s12  }
0x1bf: {  	v1 =	vld [tilespmem:s7+$0xD000];
	_ =	sdelay $0x3  }
.Ltmp19:
0x1c0: {  	(pc) =	sbr.rel @p1 .LBB2_15-.Ltmp19, $4  }
0x1c1: {  	v2 =	vshll.u32 v1, $0x10;
	v1 =	vand.u32 $0xFFFF0000, v1  }
0x1c2: {  	[tilespmem:s12+$0xFFFFFFE0] =	vst v2  }
0x1c3: {  	[tilespmem:s12+$0xFFFFFFF0] =	vst v1  }
0x1c4: {  	v1 =	vld [tilespmem:s7+$0xD010]  }
0x1c5: {  	_ =	sdelay $0x3  }
0x1c6: {  	v2 =	vshll.u32 v1, $0x10  }
0x1c7: {  	v1 =	vand.u32 $0xFFFF0000, v1;
	[tilespmem:s1+$0x0] =	vst v2  }
0x1c8: {  	s13 =	simm.s32 $0x4E00;
	[tilespmem:s1+$0x10] =	vst v1  }
0x1c9: {  	[spmem:s2] =	stream.indirect.scatter.add.f32 [tilespmem:s17], [sflag:$0x1], $0x40, s13, s21, $0xb8;
	v63 =	vld [tilespmem:$0x0]  }
0x1ca: {  	_ =	swait.ge [sflag:s30], $0x1000  }
0x1cb: {  	[sflag:s30] =	ssyncset.done $0x0  }
0x1cc: {  	s14 =	simm.s32 $0x0;
	[sflag:s30] =	ssyncadd.s32 $0xFFFFF000  }
0x1cd: {  	v1 =	vld [tilespmem:s14+$0xE000];
	_ =	sdelay $0x4  }
0x1ce: {  	s12 =	simm.s32 $0x7030;
	v2 =	vshll.u32 v1, $0x10  }
0x1cf: {  	v1 =	vand.u32 $0xFFFF0000, v1;
	[tilespmem:s12+$0xFFFFFFD0] =	vst v2  }
0x1d0: {  	[tilespmem:s12+$0xFFFFFFE0] =	vst v1  }
0x1d1: {  	s6 =	simm.s32 $0x80;
	s1 =	simm.s32 $0x7030;
	v1 =	vld [tilespmem:s14+$0xE010]  }
.LBB2_17:
0x1d2: {  	_ =	sdelay $0x2  }
0x1d3: {  	p1 =	sne.s32 s6, $0x3F80  }
0x1d4: {  	s12 =	sadd.s32 $0x40, s12;
	s7 =	smov.u32 s6;
	s6 =	sadd.s32 $0x80, s6;
	v2 =	vshll.u32 v1, $0x10;
	v1 =	vand.u32 $0xFFFF0000, v1  }
0x1d5: {  	[tilespmem:s1+$0xFFFFFFF0] =	vst v2  }
0x1d6: {  	s7 =	sshra.s32 s7, $0x2;
	[tilespmem:s1+$0x0] =	vst v1;
	s1 =	smov.u32 s12  }
0x1d7: {  	v1 =	vld [tilespmem:s7+$0xE000];
	_ =	sdelay $0x3  }
.Ltmp20:
0x1d8: {  	(pc) =	sbr.rel @p1 .LBB2_17-.Ltmp20, $4  }
0x1d9: {  	v2 =	vshll.u32 v1, $0x10;
	v1 =	vand.u32 $0xFFFF0000, v1  }
0x1da: {  	[tilespmem:s12+$0xFFFFFFD0] =	vst v2  }
0x1db: {  	[tilespmem:s12+$0xFFFFFFE0] =	vst v1  }
0x1dc: {  	v1 =	vld [tilespmem:s7+$0xE010]  }
0x1dd: {  	_ =	sdelay $0x3  }
0x1de: {  	v2 =	vshll.u32 v1, $0x10  }
0x1df: {  	v1 =	vand.u32 $0xFFFF0000, v1;
	[tilespmem:s1+$0xFFFFFFF0] =	vst v2  }
0x1e0: {  	s14 =	simm.s32 $0x4E80;
	[tilespmem:s1+$0x0] =	vst v1  }
0x1e1: {  	[spmem:s2] =	stream.indirect.scatter.add.f32 [tilespmem:s31], [sflag:$0x2], $0x40, s14, s21, $0xb8;
	v63 =	vld [tilespmem:$0x0]  }
0x1e2: {  	_ =	swait.ge [sflag:s0], $0x1000  }
0x1e3: {  	[sflag:s0] =	ssyncset.done $0x0  }
0x1e4: {  	s12 =	simm.s32 $0xF010;
	[sflag:s0] =	ssyncadd.s32 $0xFFFFF000  }
0x1e5: {  	v1 =	vld [tilespmem:s12+$0xFFFFFFF0];
	_ =	sdelay $0x4  }
0x1e6: {  	s6 =	simm.s32 $0x0;
	v2 =	vshll.u32 v1, $0x10  }
0x1e7: {  	v1 =	vand.u32 $0xFFFF0000, v1;
	[tilespmem:s6+$0x9000] =	vst v2  }
0x1e8: {  	[tilespmem:s6+$0x9010] =	vst v1  }
0x1e9: {  	s1 =	simm.s32 $0x100;
	v1 =	vld [tilespmem:s12+$0x0]  }
.LBB2_19:
0x1ea: {  	_ =	sdelay $0x2  }
0x1eb: {  	p1 =	sne.s32 s1, $0x7F00  }
0x1ec: {  	s12 =	sadd.s32 $0x20, s12;
	s7 =	smov.u32 s1;
	s1 =	sadd.s32 $0x100, s1;
	v2 =	vshll.u32 v1, $0x10;
	v1 =	vand.u32 $0xFFFF0000, v1  }
0x1ed: {  	[tilespmem:s6+$0x9020] =	vst v2  }
0x1ee: {  	[tilespmem:s6+$0x9030] =	vst v1  }
0x1ef: {  	v1 =	vld [tilespmem:s12+$0xFFFFFFF0];
	_ =	sdelay $0x3  }
.Ltmp21:
0x1f0: {  	(pc) =	sbr.rel @p1 .LBB2_19-.Ltmp21, $4  }
0x1f1: {  	s6 =	sshra.s32 s7, $0x2;
	v2 =	vshll.u32 v1, $0x10;
	v1 =	vand.u32 $0xFFFF0000, v1  }
0x1f2: {  	[tilespmem:s6+$0x9000] =	vst v2  }
0x1f3: {  	[tilespmem:s6+$0x9010] =	vst v1  }
0x1f4: {  	v1 =	vld [tilespmem:s12+$0x0]  }
0x1f5: {  	_ =	sdelay $0x3  }
0x1f6: {  	v2 =	vshll.u32 v1, $0x10  }
0x1f7: {  	v1 =	vand.u32 $0xFFFF0000, v1;
	[tilespmem:s6+$0x9020] =	vst v2  }
0x1f8: {  	s1 =	simm.s32 $0x4F00;
	[tilespmem:s6+$0x9030] =	vst v1  }
0x1f9: {  	[spmem:s2] =	stream.indirect.scatter.add.f32 [tilespmem:s20], [sflag:$0x3], $0x40, s1, s21, $0xb8;
	v63 =	vld [tilespmem:$0x0]  }
0x1fa: {  	_ =	swait.ge [sflag:s24], $0x1000  }
0x1fb: {  	[sflag:s24] =	ssyncset.done $0x0  }
0x1fc: {  	s12 =	simm.s32 $0x10010;
	[sflag:s24] =	ssyncadd.s32 $0xFFFFF000  }
0x1fd: {  	v1 =	vld [tilespmem:s12+$0xFFFFFFF0];
	_ =	sdelay $0x4  }
0x1fe: {  	s6 =	simm.s32 $0x0;
	v2 =	vshll.u32 v1, $0x10  }
0x1ff: {  	v1 =	vand.u32 $0xFFFF0000, v1;
	[tilespmem:s6+$0xB000] =	vst v2  }
0x200: {  	[tilespmem:s6+$0xB010] =	vst v1  }
0x201: {  	s1 =	simm.s32 $0x100;
	v1 =	vld [tilespmem:s12+$0x0]  }
.LBB2_21:
0x202: {  	_ =	sdelay $0x2  }
0x203: {  	p1 =	seq.s32 s1, $0x7F00  }
0x204: {  	s12 =	sadd.s32 $0x20, s12;
	s7 =	smov.u32 s1;
	s1 =	sadd.s32 $0x100, s1;
	v2 =	vshll.u32 v1, $0x10;
	v1 =	vand.u32 $0xFFFF0000, v1  }
0x205: {  	[tilespmem:s6+$0xB020] =	vst v2  }
0x206: {  	[tilespmem:s6+$0xB030] =	vst v1  }
0x207: {  	v1 =	vld [tilespmem:s12+$0xFFFFFFF0];
	_ =	sdelay $0x3  }
.Ltmp22:
0x208: {  	(pc) =	sbr.rel @!p1 .LBB2_21-.Ltmp22, $4  }
0x209: {  	s6 =	sshra.s32 s7, $0x2;
	v2 =	vshll.u32 v1, $0x10;
	v1 =	vand.u32 $0xFFFF0000, v1  }
0x20a: {  	[tilespmem:s6+$0xB000] =	vst v2  }
0x20b: {  	[tilespmem:s6+$0xB010] =	vst v1  }
0x20c: {  	v1 =	vld [tilespmem:s12+$0x0]  }
0x20d: {  	_ =	sdelay $0x1  }
.Ltmp23:
0x20e: {  	_ = 	snop;
	(pc) =	sbr.rel .LBB2_42-.Ltmp23, $4  }
0x20f: {  	_ = 	snop  }
0x210: {  	v2 =	vshll.u32 v1, $0x10  }
0x211: {  	v1 =	vand.u32 $0xFFFF0000, v1;
	[tilespmem:s6+$0xB020] =	vst v2  }
0x212: {  	[tilespmem:s6+$0xB030] =	vst v1  }
.LBB2_43:
0x213: {  	_ =	sfence.sel $0x180000  }
0x214: {  	[bflag:$0x0] =	sbarrier.arrive $0xFFFF  }
0x215: {  	_ =	strace $0x9000004A  }
0x216: {  	s0 =	stileid.u32;
	[bflag:$0x2] =	sbarrier.arrive $0xFFFF  }
0x217: {  	p0 =	sne.s32 s0, $0x0;
	s0 =	rddreg [dreg:$0x3]  }
0x218: {  	s0 =	sadd.s32 @!p0 $0x100000, s0  }
0x219: {  	[sflag:s0] =	ssyncadd.tile.s32 @!p0 $0x1;
	_ =	shalt  }
.Lfunc_end2:
_tile_overlayer_lowered:
.L_overlay_start_2:
0x21a: {  	(tag) =	ssettag $0x2  }
0x21b: {  	s0 =	rddreg [dreg:$0x0];
	s2 =	stileid.u32  }
0x21c: {  	s1 =	rddreg [dreg:$0x1];
	p0 =	sne.s32 s2, $0x0  }
0x21d: {  	s3 =	rddreg [dreg:$0x2];
	[bflag:$0x3] =	sbarrier.arrive $0xFFFF;
	s2 =	simm.s32 @!p0 $0x1C05  }
0x21e: {  	[timem:s3], [sflag:s2] =	dma.local @!p0 [hbm:s0], s1  }
0x21f: {  	s0 =	simm.s32 @!p0 $0x5  }
0x220: {  	_ =	swait.ge @!p0 [sflag:s0], s1  }
0x221: {  	s1 =	ssub.s32 @!p0 $0x0, s1;
	[sflag:s0] =	ssyncset.done @!p0 $0x0  }
0x222: {  	[sflag:s0] =	ssyncadd.s32 @!p0 s1  }
0x223: {  	[bflag:$0x3] =	sbarrier.arrive $0xFFFF  }
0x224: {  	_ =	shalt  }

// kernel: kernel.15.cloned.1.call-start
scs
__scs_entry_jumppad:
0x0: {  	(pc) =	sbr.rel $0x88, $3  }
0x1: {  	(tag) =	ssettag $0x0;
	lr =	simm.s32 $0x1  }
0x2: {  	[smem:$0x3F9B] =	sst lr;
	_ =	strace $0xD0000000  }
0x3: {  	_ = 	snop  }
0x4: {  	_ = 	snop  }
0x5: {  	_ = 	snop  }
0x6: {  	_ = 	snop  }
0x7: {  	_ = 	snop  }
__scs_overlays_trampoline_lowered:
0x8: {  	[smem:$0x3FAA] =	sst s0  }
0x9: {  	[smem:$0x3FAB] =	sst s1  }
0xa: {  	[smem:$0x3FAC] =	sst s2  }
0xb: {  	[smem:$0x3FAD] =	sst s3  }
0xc: {  	[smem:$0x3FAE] =	sst s4  }
0xd: {  	[smem:$0x3FAF] =	sst s5  }
0xe: {  	[smem:$0x3FB0] =	sst s6  }
0xf: {  	[smem:$0x3FB1] =	sst s7  }
0x10: {  	[smem:$0x3FB2] =	sst s8  }
0x11: {  	[smem:$0x3FB3] =	sst s9;
	s0 =	simm.s32 @!p0 $0x0  }
0x12: {  	s1 =	sld [smem:$0x3F99];
	s0 =	simm.s32 @p0 $0x1  }
0x13: {  	[smem:$0x3FB4] =	sst s0;
	s0 =	simm.s32 @!p1 $0x0  }
0x14: {  	s2 =	sld [smem:$0x3F98];
	s0 =	simm.s32 @p1 $0x1  }
0x15: {  	[smem:$0x3FB5] =	sst s0;
	s0 =	simm.s32 @!p2 $0x0  }
0x16: {  	s3 =	sld [smem:$0x3FDB];
	s0 =	simm.s32 @p2 $0x1  }
0x17: {  	s4 =	simm.s32 $0x1BF5;
	[smem:$0x3FB7] =	sst s0  }
0x18: {  	s0 =	sld [smem:$0x3F9A];
	_ =	swait.ge [sflag:s4], $0x0  }
0x19: {  	s7 =	sld [smem:$0x3F9B]  }
0x1a: {  	s8 =	sadd.s32 $0xFFFFE003, lr  }
0x1b: {  	s9 =	sadd.s32 $0xFFFFFEF7, lr;
	s5 =	simm.s32 $0xFFFFFFFF;
	p2 =	slt.u32 s8, $0xFFFFF086  }
0x1c: {  	p1 =	slt.u32 s9, $0xF7A;
	s5 =	simm.s32 @!p2 $0x0  }
0x1d: {  	s5 =	simm.s32 @p1 $0x1;
	p0 =	seq.s32 s7, s2  }
0x1e: {  	s7 =	smul.u32 @!p0 $0xF7A, s2;
	p2 =	seq.s32 @!p0 s5, $0x0  }
0x1f: {  	s9 =	smul.u32 $0xF7A, s1;
	s8 =	simm.s32 @!p0 $0x1BF5;
	p2 =	por !p2, p0  }
0x20: {  	[sflag:s8] =	ssyncset.s32 @!p0 $0xFFFFF086;
	s6 =	sadd.s32 @!p0 s3, s7;
	s7 =	simm.s32 @!p0 $0x108  }
0x21: {  	s3 =	sadd.s32 s3, s9;
	s6 =	sadd.s32 @!p0 $0x88, s6;
	s7 =	simm.s32 @p2 $0x1082  }
0x22: {  	[simem:s7], [sflag:s8] =	dma.local @!p0 [hbm:s6], $0xF7A  }
0x23: {  	s9 =	sor.u32 $0xD0000000, s2;
	s6 =	simm.s32 $0x108;
	_ =	swait.ge @!p0 [sflag:s8], $0x0  }
0x24: {  	s3 =	sadd.s32 $0x88, s3;
	s6 =	simm.s32 @!p1 $0x1082;
	[sflag:s4] =	ssyncset.s32 $0xFFFFF086  }
0x25: {  	[simem:s6], [sflag:s4] =	dma.local [hbm:s3], $0xF7A  }
0x26: {  	[smem:$0x3F9B] =	sst s1;
	(tag) =	ssettag s2;
	_ =	strace s9  }
0x27: {  	s1 =	sld [smem:$0x3FAB]  }
0x28: {  	s2 =	sld [smem:$0x3FAC]  }
0x29: {  	s4 =	sld [smem:$0x3FAE]  }
0x2a: {  	p0 =	seq.s32 s5, $0x0;
	s5 =	sld [smem:$0x3FAF]  }
0x2b: {  	s6 =	sld [smem:$0x3FB0]  }
0x2c: {  	s7 =	sld [smem:$0x3FB1]  }
0x2d: {  	s3 =	simm.s32 $0x108;
	s8 =	sld [smem:$0x3FB2]  }
0x2e: {  	s3 =	simm.s32 @!p0 $0x1082;
	s9 =	sld [smem:$0x3FB3]  }
0x2f: {  	lr =	sadd.s32 s0, s3;
	s0 =	sld [smem:$0x3FAA]  }
0x30: {  	s3 =	sld [smem:$0x3FAD]  }
0x31: {  	[smem:$0x3FB6] =	sst s10  }
0x32: {  	s10 =	sld [smem:$0x3FB4];
	_ =	sdelay $0x3  }
0x33: {  	p0 =	seq.s32 s10, $0x1;
	s10 =	sld [smem:$0x3FB6];
	_ =	sdelay $0x3  }
0x34: {  	[smem:$0x3FB6] =	sst s10  }
0x35: {  	s10 =	sld [smem:$0x3FB5];
	_ =	sdelay $0x3  }
0x36: {  	p1 =	seq.s32 s10, $0x1;
	s10 =	sld [smem:$0x3FB6];
	_ =	sdelay $0x3  }
0x37: {  	[smem:$0x3FB6] =	sst s10  }
0x38: {  	s10 =	sld [smem:$0x3FB7]  }
0x39: {  	_ = 	snop;
	(pc) =	sbr.ind lr, $3  }
0x3a: {  	_ = 	snop  }
0x3b: {  	_ = 	snop  }
0x3c: {  	p2 =	seq.s32 s10, $0x1;
	s10 =	sld [smem:$0x3FB6]  }
0x3d: {  	_ =	shalt  }
0x3e: {  	_ =	shalt  }
0x3f: {  	_ =	shalt  }
0x40: {  	_ =	shalt  }
0x41: {  	_ =	shalt  }
0x42: {  	_ =	shalt  }
0x43: {  	_ =	shalt  }
0x44: {  	_ =	shalt  }
0x45: {  	_ =	shalt  }
0x46: {  	_ =	shalt  }
0x47: {  	_ =	shalt  }
0x48: {  	_ =	shalt  }
0x49: {  	_ =	shalt  }
0x4a: {  	_ =	shalt  }
0x4b: {  	_ =	shalt  }
0x4c: {  	_ =	shalt  }
0x4d: {  	_ =	shalt  }
0x4e: {  	_ =	shalt  }
0x4f: {  	_ =	shalt  }
0x50: {  	_ =	shalt  }
0x51: {  	_ =	shalt  }
0x52: {  	_ =	shalt  }
0x53: {  	_ =	shalt  }
0x54: {  	_ =	shalt  }
0x55: {  	_ =	shalt  }
0x56: {  	_ =	shalt  }
0x57: {  	_ =	shalt  }
0x58: {  	_ =	shalt  }
0x59: {  	_ =	shalt  }
0x5a: {  	_ =	shalt  }
0x5b: {  	_ =	shalt  }
0x5c: {  	_ =	shalt  }
0x5d: {  	_ =	shalt  }
0x5e: {  	_ =	shalt  }
0x5f: {  	_ =	shalt  }
0x60: {  	_ =	shalt  }
0x61: {  	_ =	shalt  }
0x62: {  	_ =	shalt  }
0x63: {  	_ =	shalt  }
0x64: {  	_ =	shalt  }
0x65: {  	_ =	shalt  }
0x66: {  	_ =	shalt  }
0x67: {  	_ =	shalt  }
0x68: {  	_ =	shalt  }
0x69: {  	_ =	shalt  }
0x6a: {  	_ =	shalt  }
0x6b: {  	_ =	shalt  }
0x6c: {  	_ =	shalt  }
0x6d: {  	_ =	shalt  }
0x6e: {  	_ =	shalt  }
0x6f: {  	_ =	shalt  }
0x70: {  	_ =	shalt  }
0x71: {  	_ =	shalt  }
0x72: {  	_ =	shalt  }
0x73: {  	_ =	shalt  }
0x74: {  	_ =	shalt  }
0x75: {  	_ =	shalt  }
0x76: {  	_ =	shalt  }
0x77: {  	_ =	shalt  }
0x78: {  	_ =	shalt  }
0x79: {  	_ =	shalt  }
0x7a: {  	_ =	shalt  }
0x7b: {  	_ =	shalt  }
0x7c: {  	_ =	shalt  }
0x7d: {  	_ =	shalt  }
0x7e: {  	_ =	shalt  }
0x7f: {  	_ =	shalt  }
0x80: {  	_ =	shalt  }
0x81: {  	_ =	shalt  }
0x82: {  	_ =	shalt  }
0x83: {  	_ =	shalt  }
0x84: {  	_ =	shalt  }
0x85: {  	_ =	shalt  }
0x86: {  	_ =	shalt  }
0x87: {  	_ =	shalt  }
.Lfunc_end0:
.L_simem_size_0:
called_computation.2_lowered:
.L_overlay_start_0:
0x88: {  	s2 =	sld [smem:$0x3FD9]  }
0x89: {  	s3 =	sld [smem:$0x3FFE];
	_ =	sdelay $0x1  }
0x8a: {  	s1 =	srdreg.scid  }
0x8b: {  	s0 =	sand.u32 $0x1, s1  }
0x8c: {  	s16 =	sshll.u32 s0, $0xA;
	s2 =	sadd.s32 s3, s2  }
0x8d: {  	s2 =	sadd.s32 s2, s16  }
0x8e: {  	[smem:$0x3FC2] =	sst s2  }
0x8f: {  	_ = 	snop  }
0x90: {  	(tm) =	ssettm $0x1  }
0x91: {  	s17 =	sld [smem:$0x3FFB];
	_ =	sdelay $0x3  }
0x92: {  	_ =	strace s17  }
0x93: {  	s2 =	sld [smem:$0x3FFC];
	_ =	sdelay $0x3  }
0x94: {  	_ =	strace s2  }
0x95: {  	s2 =	sld [smem:$0x3FFD];
	_ =	sdelay $0x3  }
0x96: {  	_ =	strace s2  }
0x97: {  	_ =	strace $0x8FFFFFFF  }
0x98: {  	s18 =	sld [smem:$0x3FDB];
	_ =	sdelay $0x1  }
0x99: {  	s19 =	simm.s32 $_scs_section_size  }
0x9a: {  	s4 =	simm.s32 $_size__tile_overlayer_lowered;
	s5 =	simm.s32 $_tile_overlayer_lowered  }
0x9b: {  	s22 =	simm.s32 $0x1BFF;
	s21 =	sshll.u32 s5, $0x1;
	s2 =	sadd.s32 s19, s18  }
0x9c: {  	s6 =	simm.s32 $0x0;
	s20 =	sshll.u32 s4, $0x1;
	s4 =	sadd.s32 s21, s2  }
0x9d: {  	[timem:s6], [sflag:s22] =	dma.local [hbm:s4], s20  }
0x9e: {  	_ =	swait.ge [sflag:s22], s20  }
0x9f: {  	s3 =	ssub.s32 $0x0, s20;
	[sflag:s22] =	ssyncset.done $0x0  }
0xa0: {  	[sflag:s22] =	ssyncadd.s32 s3;
	_ =	sdelay $0x1  }
0xa1: {  	s23 =	simm.s32 $0x1B8B  }
0xa2: {  	_ =	swait.ge [sflag:s23], $0x1  }
0xa3: {  	[sflag:s23] =	ssyncset.done $0x0  }
0xa4: {  	s25 =	simm.s32 $0x1B8E;
	s24 =	sld [smem:$0x3FFE];
	[sflag:s23] =	ssyncadd.s32 $0xFFFFFFFF  }
0xa5: {  	s26 =	simm.s32 $execute0_lowered;
	[smem:$0x3FD2] =	sst s25  }
0xa6: {  	s4 =	sshll.u32 s26, $0x1;
	_ =	strace $0x8000004C;
	[dreg:$0x1] =	wrdreg $0xFFFFFFFF  }
0xa7: {  	s28 =	simm.s32 $_size_execute0_lowered;
	s2 =	sadd.s32 s2, s4;
	[dreg:$0x0] =	wrdreg $0x0  }
0xa8: {  	s4 =	sshll.u32 s28, $0x1;
	[dreg:$0x2] =	wrdreg s2  }
0xa9: {  	[dreg:$0x3] =	wrdreg s4  }
0xaa: {  	[dreg:$0x4] =	wrdreg $0xC0  }
0xab: {  	_ =	task [dreg:s6], $0x5FFFF  }
0xac: {  	[dreg:$0x1] =	wrdreg $0xFFFFFFFF  }
0xad: {  	[dreg:$0x0] =	wrdreg $0x60  }
0xae: {  	[dreg:$0x2] =	wrdreg s24  }
0xaf: {  	[dreg:$0x3] =	wrdreg $0x70000  }
0xb0: {  	[dreg:$0x4] =	wrdreg $0x98000  }
0xb1: {  	[dreg:$0x5] =	wrdreg $0x9  }
0xb2: {  	_ =	task.clear_ibuf [dreg:s6], $0x6FFFF;
	_ =	strace $0x9000004C  }
0xb3: {  	s29 =	simm.s32 $0x9;
	_ =	strace $0x8000004E  }
0xb4: {  	_ =	swait.ge [sflag:s29], $0x1  }
0xb5: {  	[sflag:s29] =	ssyncadd.s32 $0xFFFFFFFF  }
0xb6: {  	_ =	strace $0x9000004E  }
0xb7: {  	_ =	sfence  }
0xb8: {  	s30 =	sld [smem:$0x0];
	_ =	sdelay $0x2  }
0xb9: {  	s31 =	sshll.u32 s1, $0xD;
	s1 =	sshrl.u32 s1, $0x2  }
0xba: {  	s3 =	sand.u32 $0x4000, s31;
	s1 =	sadd.s32 s1, s30  }
0xbb: {  	s0 =	sor.u32 s3, s0;
	s1 =	sshll.u32 s1, $0x11  }
0xbc: {  	s0 =	sor.u32 s1, s0  }
0xbd: {  	s0 =	sadd.s32 $0x8F2B, s0  }
0xbe: {  	[sflag:s0] =	ssyncadd.remote.s32 $0x1  }
0xbf: {  	_ =	sfence.sel $0xFFFF  }
0xc0: {  	[dreg:$0x0] =	wrdreg $0xFFFFFFFF;
	(pc) =	sbr.abs _section_cstart, $3  }
0xc1: {  	[dreg:$0x1] =	wrdreg $0xFFFFFFFF  }
0xc2: {  	_ =	task.clear_ibuf [dreg:s6], $0x2FFFF;
	_ =	strace $0x9FFFFFFF  }
0xc3: {  	(tm) =	ssettm $0x7FFFFFFF  }
tec
execute0_lowered:
.L_overlay_start_1:
0x0: {  	(tag) =	ssettag $0x1  }
0x1: {  	s0 =	rddreg [dreg:$0x0]  }
0x2: {  	s2 =	rddreg [dreg:$0x1]  }
0x3: {  	s3 =	rddreg [dreg:$0x2]  }
0x4: {  	s15 =	stileid.u32;
	s5 =	srdreg.scid  }
0x5: {  	s4 =	simm.s32 $0x0;
	s17 =	simm.s32 $0x5000;
	s18 =	simm.s32 $0x5  }
0x6: {  	s21 =	simm.s32 $0x80;
	s28 =	simm.s32 $0x1;
	s29 =	simm.s32 $0x2  }
0x7: {  	s30 =	simm.s32 $0x3;
	s31 =	simm.s32 $0x4;
	s1 =	smul.u32 $0x2800, s15  }
0x8: {  	s20 =	simm.s32 $0x4E80;
	s11 =	sand.u32 $0x1, s5;
	s6 =	smul.u32 $0xA000, s15  }
0x9: {  	[smem:$0x7FF] =	sst s4;
	s13 =	sadd.s32 $0x14A00, s0;
	s15 =	smul.u32 $0x500, s15  }
0xa: {  	s14 =	sadd.s32 $0xA00, s0;
	s5 =	smul.u32 $0x28000, s11;
	_ =	strace $0x8000004D  }
0xb: {  	s7 =	ssub.s32 $0x2, s11;
	p0 =	seq.s32 s11, $0x1;
	s12 =	sshrl.u32 s1, $0x3  }
0xc: {  	s22 =	sshrl.u32 s7, $0x1;
	s6 =	sshrl.u32 s6, $0x2;
	s24 =	sadd.s32 s13, s15  }
0xd: {  	s25 =	sadd.s32 s14, s15;
	s10 =	sadd.s32 s12, s0;
	s5 =	sadd.s32 s1, s5  }
0xe: {  	s16 =	ssub.s32 s7, s22;
	s9 =	sadd.s32 s6, s2;
	[dreg:$0x4] =	wrdreg s24  }
0xf: {  	s23 =	sadd.s32 $0x5000, s12;
	[dreg:$0x5] =	wrdreg s25;
	s22 =	simm.s32 $0x5800  }
0x10: {  	s24 =	simm.s32 $0x6000;
	s5 =	sshrl.u32 s5, $0x3;
	s6 =	sadd.s32 $0x800, s9  }
0x11: {  	s7 =	sadd.s32 $0x1000, s9;
	s8 =	sadd.s32 $0x1800, s9;
	s9 =	sadd.s32 $0x2000, s9  }
.Ltmp0:
0x12: {  	s10 =	sadd.s32 $0xAA00, s10;
	s26 =	sadd.s32 s13, s23;
	(pc) =	sbr.rel .LBB2_1-.Ltmp0, $4  }
0x13: {  	s14 =	sadd.s32 s14, s23;
	s16 =	smax.u32 s16, $0x1;
	s23 =	simm.s32 $0x4F80  }
0x14: {  	s0 =	sadd.s32 s5, s0;
	s5 =	sadd.s32 s1, s2;
	s1 =	sadd.s32 s1, s3  }
0x15: {  	[dreg:$0x6] =	wrdreg s26;
	s26 =	simm.s32 $0x6800;
	s15 =	sadd.s32 $0x1EA00, s0  }
0x16: {  	v0 =	vimm.f32 $0.0e+00;
	s19 =	sshrl.u32 s1, $0x3;
	s1 =	simm.s32 $0x4E00;
	s0 =	simm.s32 $0x4F00  }
.LBB2_6:
0x17: {  	[tilespmem:s26], [sflag:$0x4] =	stream.indirect.gather [spmem:s3], $0x10, s13, s21, $0xb8;
	[tilespmem:$0xC000] =	vst v63  }
.LBB2_10:
0x18: {  	_ =	swait.ge [sflag:s28], $0x800  }
0x19: {  	[sflag:s28] =	ssyncset.done $0x0  }
0x1a: {  	[sflag:s28] =	ssyncadd.s32 $0xFFFFF800  }
0x1b: {  	[spmem:s2] =	stream.indirect.scatter.add.f32 [tilespmem:s17], [sflag:$0x1], $0x10, s1, s21, $0xb8;
	[tilespmem:$0xC000] =	vst v63  }
0x1c: {  	_ =	swait.ge [sflag:s29], $0x800  }
0x1d: {  	[sflag:s29] =	ssyncset.done $0x0  }
0x1e: {  	[sflag:s29] =	ssyncadd.s32 $0xFFFFF800  }
0x1f: {  	[spmem:s2] =	stream.indirect.scatter.add.f32 [tilespmem:s22], [sflag:$0x2], $0x10, s20, s21, $0xb8;
	[tilespmem:$0xC000] =	vst v63  }
0x20: {  	_ =	swait.ge [sflag:s30], $0x800  }
0x21: {  	[sflag:s30] =	ssyncset.done $0x0  }
0x22: {  	[sflag:s30] =	ssyncadd.s32 $0xFFFFF800  }
0x23: {  	[spmem:s2] =	stream.indirect.scatter.add.f32 [tilespmem:s24], [sflag:$0x3], $0x10, s0, s21, $0xb8;
	[tilespmem:$0xC000] =	vst v63  }
0x24: {  	_ =	swait.ge [sflag:s31], $0x800  }
0x25: {  	[sflag:s31] =	ssyncset.done $0x0  }
0x26: {  	[sflag:s31] =	ssyncadd.s32 $0xFFFFF800  }
0x27: {  	[spmem:s2] =	stream.indirect.scatter.add.f32 [tilespmem:s26], [sflag:$0x4], $0x10, s23, s21, $0xb8;
	[tilespmem:$0xC000] =	vst v63  }
0x28: {  	_ =	swait.ge [sflag:s28], $0x800  }
0x29: {  	[sflag:s28] =	ssyncset.done $0x0  }
0x2a: {  	[sflag:s28] =	ssyncadd.s32 $0xFFFFF800  }
0x2b: {  	_ =	swait.ge [sflag:s29], $0x800  }
0x2c: {  	[sflag:s29] =	ssyncset.done $0x0  }
0x2d: {  	[sflag:s29] =	ssyncadd.s32 $0xFFFFF800  }
0x2e: {  	_ =	swait.ge [sflag:s30], $0x800  }
0x2f: {  	[sflag:s30] =	ssyncset.done $0x0  }
0x30: {  	[sflag:s30] =	ssyncadd.s32 $0xFFFFF800  }
0x31: {  	_ =	swait.ge [sflag:s31], $0x800  }
0x32: {  	s4 =	sadd.s32 $0x1, s4;
	[sflag:s31] =	ssyncset.done $0x0  }
0x33: {  	p1 =	sne.s32 s4, s16;
	[sflag:s31] =	ssyncadd.s32 $0xFFFFF800  }
.Ltmp1:
0x34: {  	s12 =	sshrl.u32 s5, $0x3;
	[bflag:$0x0] =	sbarrier.arrive $0xFFFF;
	(pc) =	sbr.rel @!p1 .LBB2_11-.Ltmp1, $4  }
0x35: {  	[hbm:s15], [sflag:s11] =	dma.local [spmem:s12], $0x500  }
0x36: {  	_ =	swait.ge [sflag:s18], $0x500  }
0x37: {  	[sflag:s18] =	ssyncset.done $0x0  }
0x38: {  	[sflag:s18] =	ssyncadd.s32 $0xFFFFFB00  }
.LBB2_1:
0x39: {  	s11 =	simm.s32 $0x40;
	s12 =	simm.s32 $0x0  }
.LBB2_2:
0x3a: {  	p1 =	sne.s32 s11, $0x1FC0;
	[tilespmem:s12+$0x5000] =	vst v0;
	s12 =	smov.u32 s11;
	s11 =	sadd.s32 $0x40, s11  }
.Ltmp2:
0x3b: {  	(pc) =	sbr.rel @p1 .LBB2_2-.Ltmp2, $2  }
0x3c: {  	_ =	sdelay $0x2  }
0x3d: {  	s12 =	sshra.s32 s12, $0x2  }
0x3e: {  	[tilespmem:s12+$0x5000] =	vst v0  }
0x3f: {  	[spmem:s5] =	stream.linear.scatter [tilespmem:s17], [sflag:$0x5], $0x800, $0x38;
	[tilespmem:$0xC000] =	vst v63  }
0x40: {  	_ =	swait.ge [sflag:s18], $0x800  }
0x41: {  	[sflag:s18] =	ssyncset.done $0x0  }
0x42: {  	[sflag:s18] =	ssyncadd.s32 $0xFFFFF800  }
0x43: {  	[spmem:s6] =	stream.linear.scatter [tilespmem:s17], [sflag:$0x5], $0x800, $0x38;
	[tilespmem:$0xC000] =	vst v63  }
0x44: {  	_ =	swait.ge [sflag:s18], $0x800  }
0x45: {  	[sflag:s18] =	ssyncset.done $0x0  }
0x46: {  	[sflag:s18] =	ssyncadd.s32 $0xFFFFF800  }
0x47: {  	[spmem:s7] =	stream.linear.scatter [tilespmem:s17], [sflag:$0x5], $0x800, $0x38;
	[tilespmem:$0xC000] =	vst v63  }
0x48: {  	_ =	swait.ge [sflag:s18], $0x800  }
0x49: {  	[sflag:s18] =	ssyncset.done $0x0  }
0x4a: {  	[sflag:s18] =	ssyncadd.s32 $0xFFFFF800  }
0x4b: {  	[spmem:s8] =	stream.linear.scatter [tilespmem:s17], [sflag:$0x5], $0x800, $0x38;
	[tilespmem:$0xC000] =	vst v63  }
0x4c: {  	_ =	swait.ge [sflag:s18], $0x800  }
0x4d: {  	[sflag:s18] =	ssyncset.done $0x0  }
0x4e: {  	[sflag:s18] =	ssyncadd.s32 $0xFFFFF800  }
0x4f: {  	[spmem:s9] =	stream.linear.scatter [tilespmem:s17], [sflag:$0x5], $0x800, $0x38;
	[tilespmem:$0xC000] =	vst v63  }
0x50: {  	s11 =	stileid.u32;
	_ =	swait.ge [sflag:s18], $0x800  }
0x51: {  	s11 =	sshll.u32 s11, $0x6;
	[sflag:s18] =	ssyncset.done $0x0  }
0x52: {  	s11 =	sor.u32 $0x1C05, s11;
	[sflag:s18] =	ssyncadd.s32 $0xFFFFF800  }
0x53: {  	[spmem:s19], [sflag:s11] =	dma.local [hbm:s10], $0x500  }
.Ltmp3:
0x54: {  	_ =	swait.ge [sflag:s18], $0x500;
	(pc) =	sbr.rel @!p0 .LBB2_4-.Ltmp3, $4  }
0x55: {  	[sflag:s18] =	ssyncset.done $0x0  }
0x56: {  	[sflag:s18] =	ssyncadd.s32 $0xFFFFFB00  }
0x57: {  	[bflag:$0x0] =	sbarrier.arrive $0xFFFF  }
0x58: {  	s12 =	simm.s32 $0x0  }
0x59: {  	s13 =	rddreg [dreg:$0x6]  }
0x5a: {  	[tilespmem:s12], [sflag:$0x5] =	stream.linear.gather [hbm4b:s13+s12], $0x2800, $0x38;
	[tilespmem:$0xC000] =	vst v63  }
0x5b: {  	_ =	swait.ge [sflag:s18], $0x2800  }
0x5c: {  	[sflag:s18] =	ssyncset.done $0x0  }
0x5d: {  	s25 =	simm.s32 $0x2800;
	[sflag:s18] =	ssyncadd.s32 $0xFFFFD800  }
0x5e: {  	[tilespmem:s25], [sflag:$0x5] =	stream.linear.gather [hbm4b:s14+s12], $0x2800, $0x38;
	[tilespmem:$0xC000] =	vst v63  }
0x5f: {  	_ =	swait.ge [sflag:s18], $0x2800  }
0x60: {  	[sflag:s18] =	ssyncset.done $0x0  }
0x61: {  	[sflag:s18] =	ssyncadd.s32 $0xFFFFD800  }
0x62: {  	[tilespmem:s17], [sflag:$0x1] =	stream.indirect.gather [spmem:s3], $0x10, s12, s21, $0xb8;
	[tilespmem:$0xC000] =	vst v63  }
0x63: {  	_ = 	snop  }
0x64: {  	[tilespmem:s22], [sflag:$0x2] =	stream.indirect.gather [spmem:s3], $0x10, s21, s21, $0xb8;
	[tilespmem:$0xC000] =	vst v63  }
0x65: {  	s25 =	simm.s32 $0x100  }
0x66: {  	[tilespmem:s24], [sflag:$0x3] =	stream.indirect.gather [spmem:s3], $0x10, s25, s21, $0xb8;
	[tilespmem:$0xC000] =	vst v63  }
0x67: {  	s13 =	simm.s32 $0x180  }
0x68: {  	[tilespmem:s26], [sflag:$0x4] =	stream.indirect.gather [spmem:s3], $0x10, s13, s21, $0xb8;
	[tilespmem:$0xC000] =	vst v63  }
0x69: {  	_ =	swait.ge [sflag:s28], $0x800  }
0x6a: {  	[sflag:s28] =	ssyncset.done $0x0  }
0x6b: {  	s25 =	simm.s32 $0x2800;
	[sflag:s28] =	ssyncadd.s32 $0xFFFFF800  }
0x6c: {  	[spmem:s2] =	stream.indirect.scatter.add.f32 [tilespmem:s17], [sflag:$0x1], $0x10, s25, s21, $0xb8;
	[tilespmem:$0xC000] =	vst v63  }
0x6d: {  	_ =	swait.ge [sflag:s29], $0x800  }
0x6e: {  	[sflag:s29] =	ssyncset.done $0x0  }
0x6f: {  	s13 =	simm.s32 $0x2880;
	[sflag:s29] =	ssyncadd.s32 $0xFFFFF800  }
0x70: {  	[spmem:s2] =	stream.indirect.scatter.add.f32 [tilespmem:s22], [sflag:$0x2], $0x10, s13, s21, $0xb8;
	[tilespmem:$0xC000] =	vst v63  }
0x71: {  	_ =	swait.ge [sflag:s30], $0x800  }
0x72: {  	[sflag:s30] =	ssyncset.done $0x0  }
0x73: {  	s25 =	simm.s32 $0x2900;
	[sflag:s30] =	ssyncadd.s32 $0xFFFFF800  }
0x74: {  	[spmem:s2] =	stream.indirect.scatter.add.f32 [tilespmem:s24], [sflag:$0x3], $0x10, s25, s21, $0xb8;
	[tilespmem:$0xC000] =	vst v63  }
0x75: {  	_ =	swait.ge [sflag:s31], $0x800  }
0x76: {  	[sflag:s31] =	ssyncset.done $0x0  }
0x77: {  	s13 =	simm.s32 $0x2980;
	[sflag:s31] =	ssyncadd.s32 $0xFFFFF800  }
0x78: {  	[spmem:s2] =	stream.indirect.scatter.add.f32 [tilespmem:s26], [sflag:$0x4], $0x10, s13, s21, $0xb8;
	[tilespmem:$0xC000] =	vst v63  }
0x79: {  	_ =	swait.ge [sflag:s28], $0x800  }
0x7a: {  	[sflag:s28] =	ssyncset.done $0x0  }
0x7b: {  	s25 =	simm.s32 $0x200;
	[sflag:s28] =	ssyncadd.s32 $0xFFFFF800  }
0x7c: {  	[tilespmem:s17], [sflag:$0x1] =	stream.indirect.gather [spmem:s3], $0x10, s25, s21, $0xb8;
	[tilespmem:$0xC000] =	vst v63  }
0x7d: {  	_ =	swait.ge [sflag:s29], $0x800  }
0x7e: {  	[sflag:s29] =	ssyncset.done $0x0  }
0x7f: {  	s13 =	simm.s32 $0x280;
	[sflag:s29] =	ssyncadd.s32 $0xFFFFF800  }
0x80: {  	[tilespmem:s22], [sflag:$0x2] =	stream.indirect.gather [spmem:s3], $0x10, s13, s21, $0xb8;
	[tilespmem:$0xC000] =	vst v63  }
0x81: {  	_ =	swait.ge [sflag:s30], $0x800  }
0x82: {  	[sflag:s30] =	ssyncset.done $0x0  }
0x83: {  	s25 =	simm.s32 $0x300;
	[sflag:s30] =	ssyncadd.s32 $0xFFFFF800  }
0x84: {  	[tilespmem:s24], [sflag:$0x3] =	stream.indirect.gather [spmem:s3], $0x10, s25, s21, $0xb8;
	[tilespmem:$0xC000] =	vst v63  }
0x85: {  	_ =	swait.ge [sflag:s31], $0x800  }
0x86: {  	[sflag:s31] =	ssyncset.done $0x0  }
0x87: {  	s12 =	simm.s32 $0x800;
	s13 =	simm.s32 $0x380;
	[sflag:s31] =	ssyncadd.s32 $0xFFFFF800  }
.LBB2_8:
0x88: {  	[tilespmem:s26], [sflag:$0x4] =	stream.indirect.gather [spmem:s3], $0x10, s13, s21, $0xb8;
	[tilespmem:$0xC000] =	vst v63  }
0x89: {  	s13 =	smov.u32 s12  }
0x8a: {  	p1 =	sne.s32 s12, $0x9000;
	s12 =	sadd.s32 $0x800, s12;
	_ =	swait.ge [sflag:s28], $0x800  }
0x8b: {  	s13 =	sshra.s32 s13, $0x2;
	[sflag:s28] =	ssyncset.done $0x0  }
0x8c: {  	s25 =	sadd.s32 $0x2800, s13;
	[sflag:s28] =	ssyncadd.s32 $0xFFFFF800  }
0x8d: {  	[spmem:s2] =	stream.indirect.scatter.add.f32 [tilespmem:s17], [sflag:$0x1], $0x10, s25, s21, $0xb8;
	[tilespmem:$0xC000] =	vst v63  }
0x8e: {  	_ =	swait.ge [sflag:s29], $0x800  }
0x8f: {  	[sflag:s29] =	ssyncset.done $0x0  }
0x90: {  	s25 =	sadd.s32 $0x2880, s13;
	[sflag:s29] =	ssyncadd.s32 $0xFFFFF800  }
0x91: {  	[spmem:s2] =	stream.indirect.scatter.add.f32 [tilespmem:s22], [sflag:$0x2], $0x10, s25, s21, $0xb8;
	[tilespmem:$0xC000] =	vst v63  }
0x92: {  	_ =	swait.ge [sflag:s30], $0x800  }
0x93: {  	[sflag:s30] =	ssyncset.done $0x0  }
0x94: {  	s25 =	sadd.s32 $0x2900, s13;
	[sflag:s30] =	ssyncadd.s32 $0xFFFFF800  }
0x95: {  	[spmem:s2] =	stream.indirect.scatter.add.f32 [tilespmem:s24], [sflag:$0x3], $0x10, s25, s21, $0xb8;
	[tilespmem:$0xC000] =	vst v63  }
0x96: {  	_ =	swait.ge [sflag:s31], $0x800  }
0x97: {  	[sflag:s31] =	ssyncset.done $0x0  }
0x98: {  	s25 =	sadd.s32 $0x2980, s13;
	[sflag:s31] =	ssyncadd.s32 $0xFFFFF800  }
0x99: {  	[spmem:s2] =	stream.indirect.scatter.add.f32 [tilespmem:s26], [sflag:$0x4], $0x10, s25, s21, $0xb8;
	[tilespmem:$0xC000] =	vst v63  }
0x9a: {  	_ =	swait.ge [sflag:s28], $0x800  }
0x9b: {  	[sflag:s28] =	ssyncset.done $0x0  }
0x9c: {  	s25 =	sadd.s32 $0x200, s13;
	[sflag:s28] =	ssyncadd.s32 $0xFFFFF800  }
0x9d: {  	[tilespmem:s17], [sflag:$0x1] =	stream.indirect.gather [spmem:s3], $0x10, s25, s21, $0xb8;
	[tilespmem:$0xC000] =	vst v63  }
0x9e: {  	_ =	swait.ge [sflag:s29], $0x800  }
0x9f: {  	[sflag:s29] =	ssyncset.done $0x0  }
0xa0: {  	s25 =	sadd.s32 $0x280, s13;
	[sflag:s29] =	ssyncadd.s32 $0xFFFFF800  }
0xa1: {  	[tilespmem:s22], [sflag:$0x2] =	stream.indirect.gather [spmem:s3], $0x10, s25, s21, $0xb8;
	[tilespmem:$0xC000] =	vst v63  }
0xa2: {  	_ =	swait.ge [sflag:s30], $0x800  }
0xa3: {  	[sflag:s30] =	ssyncset.done $0x0  }
.Ltmp4:
0xa4: {  	s25 =	sadd.s32 $0x300, s13;
	[sflag:s30] =	ssyncadd.s32 $0xFFFFF800;
	(pc) =	sbr.rel @p1 .LBB2_8-.Ltmp4, $4  }
0xa5: {  	[tilespmem:s24], [sflag:$0x3] =	stream.indirect.gather [spmem:s3], $0x10, s25, s21, $0xb8;
	[tilespmem:$0xC000] =	vst v63  }
0xa6: {  	_ =	swait.ge [sflag:s31], $0x800  }
0xa7: {  	[sflag:s31] =	ssyncset.done $0x0  }
0xa8: {  	s13 =	sadd.s32 $0x380, s13;
	[sflag:s31] =	ssyncadd.s32 $0xFFFFF800  }
.Ltmp5:
0xa9: {  	(pc) =	sbr.rel .LBB2_10-.Ltmp5, $2  }
0xaa: {  	_ =	sdelay $0x2  }
0xab: {  	[tilespmem:s26], [sflag:$0x4] =	stream.indirect.gather [spmem:s3], $0x10, s13, s21, $0xb8;
	[tilespmem:$0xC000] =	vst v63  }
.LBB2_4:
0xac: {  	s13 =	rddreg [dreg:$0x4]  }
0xad: {  	[tilespmem:s12], [sflag:$0x5] =	stream.linear.gather [hbm4b:s13+s12], $0x2800, $0x38;
	[tilespmem:$0xC000] =	vst v63  }
0xae: {  	_ =	swait.ge [sflag:s18], $0x2800  }
0xaf: {  	[sflag:s18] =	ssyncset.done $0x0  }
0xb0: {  	s25 =	simm.s32 $0x2800;
	s13 =	rddreg [dreg:$0x5];
	[sflag:s18] =	ssyncadd.s32 $0xFFFFD800  }
0xb1: {  	[tilespmem:s25], [sflag:$0x5] =	stream.linear.gather [hbm4b:s13+s12], $0x2800, $0x38;
	[tilespmem:$0xC000] =	vst v63  }
0xb2: {  	_ =	swait.ge [sflag:s18], $0x2800  }
0xb3: {  	[sflag:s18] =	ssyncset.done $0x0  }
0xb4: {  	[sflag:s18] =	ssyncadd.s32 $0xFFFFD800  }
0xb5: {  	[tilespmem:s17], [sflag:$0x1] =	stream.indirect.gather [spmem:s3], $0x10, s12, s21, $0xb8;
	[tilespmem:$0xC000] =	vst v63  }
0xb6: {  	_ = 	snop  }
0xb7: {  	[tilespmem:s22], [sflag:$0x2] =	stream.indirect.gather [spmem:s3], $0x10, s21, s21, $0xb8;
	[tilespmem:$0xC000] =	vst v63  }
0xb8: {  	s25 =	simm.s32 $0x100  }
0xb9: {  	[tilespmem:s24], [sflag:$0x3] =	stream.indirect.gather [spmem:s3], $0x10, s25, s21, $0xb8;
	[tilespmem:$0xC000] =	vst v63  }
0xba: {  	s13 =	simm.s32 $0x180  }
0xbb: {  	[tilespmem:s26], [sflag:$0x4] =	stream.indirect.gather [spmem:s3], $0x10, s13, s21, $0xb8;
	[tilespmem:$0xC000] =	vst v63  }
0xbc: {  	_ =	swait.ge [sflag:s28], $0x800  }
0xbd: {  	[sflag:s28] =	ssyncset.done $0x0  }
0xbe: {  	s25 =	simm.s32 $0x2800;
	[sflag:s28] =	ssyncadd.s32 $0xFFFFF800  }
0xbf: {  	[spmem:s2] =	stream.indirect.scatter.add.f32 [tilespmem:s17], [sflag:$0x1], $0x10, s25, s21, $0xb8;
	[tilespmem:$0xC000] =	vst v63  }
0xc0: {  	_ =	swait.ge [sflag:s29], $0x800  }
0xc1: {  	[sflag:s29] =	ssyncset.done $0x0  }
0xc2: {  	s13 =	simm.s32 $0x2880;
	[sflag:s29] =	ssyncadd.s32 $0xFFFFF800  }
0xc3: {  	[spmem:s2] =	stream.indirect.scatter.add.f32 [tilespmem:s22], [sflag:$0x2], $0x10, s13, s21, $0xb8;
	[tilespmem:$0xC000] =	vst v63  }
0xc4: {  	_ =	swait.ge [sflag:s30], $0x800  }
0xc5: {  	[sflag:s30] =	ssyncset.done $0x0  }
0xc6: {  	s25 =	simm.s32 $0x2900;
	[sflag:s30] =	ssyncadd.s32 $0xFFFFF800  }
0xc7: {  	[spmem:s2] =	stream.indirect.scatter.add.f32 [tilespmem:s24], [sflag:$0x3], $0x10, s25, s21, $0xb8;
	[tilespmem:$0xC000] =	vst v63  }
0xc8: {  	_ =	swait.ge [sflag:s31], $0x800  }
0xc9: {  	[sflag:s31] =	ssyncset.done $0x0  }
0xca: {  	s13 =	simm.s32 $0x2980;
	[sflag:s31] =	ssyncadd.s32 $0xFFFFF800  }
0xcb: {  	[spmem:s2] =	stream.indirect.scatter.add.f32 [tilespmem:s26], [sflag:$0x4], $0x10, s13, s21, $0xb8;
	[tilespmem:$0xC000] =	vst v63  }
0xcc: {  	_ =	swait.ge [sflag:s28], $0x800  }
0xcd: {  	[sflag:s28] =	ssyncset.done $0x0  }
0xce: {  	s25 =	simm.s32 $0x200;
	[sflag:s28] =	ssyncadd.s32 $0xFFFFF800  }
0xcf: {  	[tilespmem:s17], [sflag:$0x1] =	stream.indirect.gather [spmem:s3], $0x10, s25, s21, $0xb8;
	[tilespmem:$0xC000] =	vst v63  }
0xd0: {  	_ =	swait.ge [sflag:s29], $0x800  }
0xd1: {  	[sflag:s29] =	ssyncset.done $0x0  }
0xd2: {  	s13 =	simm.s32 $0x280;
	[sflag:s29] =	ssyncadd.s32 $0xFFFFF800  }
0xd3: {  	[tilespmem:s22], [sflag:$0x2] =	stream.indirect.gather [spmem:s3], $0x10, s13, s21, $0xb8;
	[tilespmem:$0xC000] =	vst v63  }
0xd4: {  	_ =	swait.ge [sflag:s30], $0x800  }
0xd5: {  	[sflag:s30] =	ssyncset.done $0x0  }
0xd6: {  	s25 =	simm.s32 $0x300;
	[sflag:s30] =	ssyncadd.s32 $0xFFFFF800  }
0xd7: {  	[tilespmem:s24], [sflag:$0x3] =	stream.indirect.gather [spmem:s3], $0x10, s25, s21, $0xb8;
	[tilespmem:$0xC000] =	vst v63  }
0xd8: {  	_ =	swait.ge [sflag:s31], $0x800  }
0xd9: {  	[sflag:s31] =	ssyncset.done $0x0  }
0xda: {  	s12 =	simm.s32 $0x800;
	s13 =	simm.s32 $0x380;
	[sflag:s31] =	ssyncadd.s32 $0xFFFFF800  }
.LBB2_5:
0xdb: {  	[tilespmem:s26], [sflag:$0x4] =	stream.indirect.gather [spmem:s3], $0x10, s13, s21, $0xb8;
	[tilespmem:$0xC000] =	vst v63  }
0xdc: {  	s13 =	smov.u32 s12  }
0xdd: {  	p1 =	seq.s32 s12, $0x9000;
	s12 =	sadd.s32 $0x800, s12;
	_ =	swait.ge [sflag:s28], $0x800  }
0xde: {  	s13 =	sshra.s32 s13, $0x2;
	[sflag:s28] =	ssyncset.done $0x0  }
0xdf: {  	s25 =	sadd.s32 $0x2800, s13;
	[sflag:s28] =	ssyncadd.s32 $0xFFFFF800  }
0xe0: {  	[spmem:s2] =	stream.indirect.scatter.add.f32 [tilespmem:s17], [sflag:$0x1], $0x10, s25, s21, $0xb8;
	[tilespmem:$0xC000] =	vst v63  }
0xe1: {  	_ =	swait.ge [sflag:s29], $0x800  }
0xe2: {  	[sflag:s29] =	ssyncset.done $0x0  }
0xe3: {  	s25 =	sadd.s32 $0x2880, s13;
	[sflag:s29] =	ssyncadd.s32 $0xFFFFF800  }
0xe4: {  	[spmem:s2] =	stream.indirect.scatter.add.f32 [tilespmem:s22], [sflag:$0x2], $0x10, s25, s21, $0xb8;
	[tilespmem:$0xC000] =	vst v63  }
0xe5: {  	_ =	swait.ge [sflag:s30], $0x800  }
0xe6: {  	[sflag:s30] =	ssyncset.done $0x0  }
0xe7: {  	s25 =	sadd.s32 $0x2900, s13;
	[sflag:s30] =	ssyncadd.s32 $0xFFFFF800  }
0xe8: {  	[spmem:s2] =	stream.indirect.scatter.add.f32 [tilespmem:s24], [sflag:$0x3], $0x10, s25, s21, $0xb8;
	[tilespmem:$0xC000] =	vst v63  }
0xe9: {  	_ =	swait.ge [sflag:s31], $0x800  }
0xea: {  	[sflag:s31] =	ssyncset.done $0x0  }
0xeb: {  	s25 =	sadd.s32 $0x2980, s13;
	[sflag:s31] =	ssyncadd.s32 $0xFFFFF800  }
0xec: {  	[spmem:s2] =	stream.indirect.scatter.add.f32 [tilespmem:s26], [sflag:$0x4], $0x10, s25, s21, $0xb8;
	[tilespmem:$0xC000] =	vst v63  }
0xed: {  	_ =	swait.ge [sflag:s28], $0x800  }
0xee: {  	[sflag:s28] =	ssyncset.done $0x0  }
0xef: {  	s25 =	sadd.s32 $0x200, s13;
	[sflag:s28] =	ssyncadd.s32 $0xFFFFF800  }
0xf0: {  	[tilespmem:s17], [sflag:$0x1] =	stream.indirect.gather [spmem:s3], $0x10, s25, s21, $0xb8;
	[tilespmem:$0xC000] =	vst v63  }
0xf1: {  	_ =	swait.ge [sflag:s29], $0x800  }
0xf2: {  	[sflag:s29] =	ssyncset.done $0x0  }
0xf3: {  	s25 =	sadd.s32 $0x280, s13;
	[sflag:s29] =	ssyncadd.s32 $0xFFFFF800  }
0xf4: {  	[tilespmem:s22], [sflag:$0x2] =	stream.indirect.gather [spmem:s3], $0x10, s25, s21, $0xb8;
	[tilespmem:$0xC000] =	vst v63  }
0xf5: {  	_ =	swait.ge [sflag:s30], $0x800  }
0xf6: {  	[sflag:s30] =	ssyncset.done $0x0  }
.Ltmp6:
0xf7: {  	s25 =	sadd.s32 $0x300, s13;
	[sflag:s30] =	ssyncadd.s32 $0xFFFFF800;
	(pc) =	sbr.rel @!p1 .LBB2_5-.Ltmp6, $4  }
0xf8: {  	[tilespmem:s24], [sflag:$0x3] =	stream.indirect.gather [spmem:s3], $0x10, s25, s21, $0xb8;
	[tilespmem:$0xC000] =	vst v63  }
0xf9: {  	_ =	swait.ge [sflag:s31], $0x800  }
0xfa: {  	[sflag:s31] =	ssyncset.done $0x0  }
0xfb: {  	s13 =	sadd.s32 $0x380, s13;
	[sflag:s31] =	ssyncadd.s32 $0xFFFFF800  }
.Ltmp7:
0xfc: {  	_ = 	snop;
	(pc) =	sbr.rel .LBB2_6-.Ltmp7, $1  }
0xfd: {  	_ =	sdelay $0x3  }
.LBB2_11:
0xfe: {  	_ =	sfence.sel $0x180000  }
0xff: {  	[bflag:$0x0] =	sbarrier.arrive $0xFFFF  }
0x100: {  	_ =	strace $0x9000004D  }
0x101: {  	s0 =	stileid.u32;
	[bflag:$0x2] =	sbarrier.arrive $0xFFFF  }
0x102: {  	p0 =	sne.s32 s0, $0x0;
	s0 =	rddreg [dreg:$0x3]  }
0x103: {  	s0 =	sadd.s32 @!p0 $0x100000, s0  }
0x104: {  	[sflag:s0] =	ssyncadd.tile.s32 @!p0 $0x1;
	_ =	shalt  }
.Lfunc_end2:
_tile_overlayer_lowered:
.L_overlay_start_2:
0x105: {  	(tag) =	ssettag $0x2  }
0x106: {  	s0 =	rddreg [dreg:$0x0];
	s2 =	stileid.u32  }
0x107: {  	s1 =	rddreg [dreg:$0x1];
	p0 =	sne.s32 s2, $0x0  }
0x108: {  	s3 =	rddreg [dreg:$0x2];
	[bflag:$0x3] =	sbarrier.arrive $0xFFFF;
	s2 =	simm.s32 @!p0 $0x1C05  }
0x109: {  	[timem:s3], [sflag:s2] =	dma.local @!p0 [hbm:s0], s1  }
0x10a: {  	s0 =	simm.s32 @!p0 $0x5  }
0x10b: {  	_ =	swait.ge @!p0 [sflag:s0], s1  }
0x10c: {  	s1 =	ssub.s32 @!p0 $0x0, s1;
	[sflag:s0] =	ssyncset.done @!p0 $0x0  }
0x10d: {  	[sflag:s0] =	ssyncadd.s32 @!p0 s1  }
0x10e: {  	[bflag:$0x3] =	sbarrier.arrive $0xFFFF  }
0x10f: {  	_ =	shalt  }

// kernel: kernel.9.cloned.1.call-start
scs
__scs_entry_jumppad:
0x0: {  	(pc) =	sbr.rel $0x88, $3  }
0x1: {  	(tag) =	ssettag $0x0;
	lr =	simm.s32 $0x1  }
0x2: {  	[smem:$0x3F9B] =	sst lr;
	_ =	strace $0xD0000000  }
0x3: {  	_ = 	snop  }
0x4: {  	_ = 	snop  }
0x5: {  	_ = 	snop  }
0x6: {  	_ = 	snop  }
0x7: {  	_ = 	snop  }
__scs_overlays_trampoline_lowered:
0x8: {  	[smem:$0x3FAA] =	sst s0  }
0x9: {  	[smem:$0x3FAB] =	sst s1  }
0xa: {  	[smem:$0x3FAC] =	sst s2  }
0xb: {  	[smem:$0x3FAD] =	sst s3  }
0xc: {  	[smem:$0x3FAE] =	sst s4  }
0xd: {  	[smem:$0x3FAF] =	sst s5  }
0xe: {  	[smem:$0x3FB0] =	sst s6  }
0xf: {  	[smem:$0x3FB1] =	sst s7  }
0x10: {  	[smem:$0x3FB2] =	sst s8  }
0x11: {  	[smem:$0x3FB3] =	sst s9;
	s0 =	simm.s32 @!p0 $0x0  }
0x12: {  	s1 =	sld [smem:$0x3F99];
	s0 =	simm.s32 @p0 $0x1  }
0x13: {  	[smem:$0x3FB4] =	sst s0;
	s0 =	simm.s32 @!p1 $0x0  }
0x14: {  	s2 =	sld [smem:$0x3F98];
	s0 =	simm.s32 @p1 $0x1  }
0x15: {  	[smem:$0x3FB5] =	sst s0;
	s0 =	simm.s32 @!p2 $0x0  }
0x16: {  	s3 =	sld [smem:$0x3FDB];
	s0 =	simm.s32 @p2 $0x1  }
0x17: {  	s4 =	simm.s32 $0x1BF5;
	[smem:$0x3FB7] =	sst s0  }
0x18: {  	s0 =	sld [smem:$0x3F9A];
	_ =	swait.ge [sflag:s4], $0x0  }
0x19: {  	s7 =	sld [smem:$0x3F9B]  }
0x1a: {  	s8 =	sadd.s32 $0xFFFFE003, lr  }
0x1b: {  	s9 =	sadd.s32 $0xFFFFFEF7, lr;
	s5 =	simm.s32 $0xFFFFFFFF;
	p2 =	slt.u32 s8, $0xFFFFF086  }
0x1c: {  	p1 =	slt.u32 s9, $0xF7A;
	s5 =	simm.s32 @!p2 $0x0  }
0x1d: {  	s5 =	simm.s32 @p1 $0x1;
	p0 =	seq.s32 s7, s2  }
0x1e: {  	s7 =	smul.u32 @!p0 $0xF7A, s2;
	p2 =	seq.s32 @!p0 s5, $0x0  }
0x1f: {  	s9 =	smul.u32 $0xF7A, s1;
	s8 =	simm.s32 @!p0 $0x1BF5;
	p2 =	por !p2, p0  }
0x20: {  	[sflag:s8] =	ssyncset.s32 @!p0 $0xFFFFF086;
	s6 =	sadd.s32 @!p0 s3, s7;
	s7 =	simm.s32 @!p0 $0x108  }
0x21: {  	s3 =	sadd.s32 s3, s9;
	s6 =	sadd.s32 @!p0 $0x88, s6;
	s7 =	simm.s32 @p2 $0x1082  }
0x22: {  	[simem:s7], [sflag:s8] =	dma.local @!p0 [hbm:s6], $0xF7A  }
0x23: {  	s9 =	sor.u32 $0xD0000000, s2;
	s6 =	simm.s32 $0x108;
	_ =	swait.ge @!p0 [sflag:s8], $0x0  }
0x24: {  	s3 =	sadd.s32 $0x88, s3;
	s6 =	simm.s32 @!p1 $0x1082;
	[sflag:s4] =	ssyncset.s32 $0xFFFFF086  }
0x25: {  	[simem:s6], [sflag:s4] =	dma.local [hbm:s3], $0xF7A  }
0x26: {  	[smem:$0x3F9B] =	sst s1;
	(tag) =	ssettag s2;
	_ =	strace s9  }
0x27: {  	s1 =	sld [smem:$0x3FAB]  }
0x28: {  	s2 =	sld [smem:$0x3FAC]  }
0x29: {  	s4 =	sld [smem:$0x3FAE]  }
0x2a: {  	p0 =	seq.s32 s5, $0x0;
	s5 =	sld [smem:$0x3FAF]  }
0x2b: {  	s6 =	sld [smem:$0x3FB0]  }
0x2c: {  	s7 =	sld [smem:$0x3FB1]  }
0x2d: {  	s3 =	simm.s32 $0x108;
	s8 =	sld [smem:$0x3FB2]  }
0x2e: {  	s3 =	simm.s32 @!p0 $0x1082;
	s9 =	sld [smem:$0x3FB3]  }
0x2f: {  	lr =	sadd.s32 s0, s3;
	s0 =	sld [smem:$0x3FAA]  }
0x30: {  	s3 =	sld [smem:$0x3FAD]  }
0x31: {  	[smem:$0x3FB6] =	sst s10  }
0x32: {  	s10 =	sld [smem:$0x3FB4];
	_ =	sdelay $0x3  }
0x33: {  	p0 =	seq.s32 s10, $0x1;
	s10 =	sld [smem:$0x3FB6];
	_ =	sdelay $0x3  }
0x34: {  	[smem:$0x3FB6] =	sst s10  }
0x35: {  	s10 =	sld [smem:$0x3FB5];
	_ =	sdelay $0x3  }
0x36: {  	p1 =	seq.s32 s10, $0x1;
	s10 =	sld [smem:$0x3FB6];
	_ =	sdelay $0x3  }
0x37: {  	[smem:$0x3FB6] =	sst s10  }
0x38: {  	s10 =	sld [smem:$0x3FB7]  }
0x39: {  	_ = 	snop;
	(pc) =	sbr.ind lr, $3  }
0x3a: {  	_ = 	snop  }
0x3b: {  	_ = 	snop  }
0x3c: {  	p2 =	seq.s32 s10, $0x1;
	s10 =	sld [smem:$0x3FB6]  }
0x3d: {  	_ =	shalt  }
0x3e: {  	_ =	shalt  }
0x3f: {  	_ =	shalt  }
0x40: {  	_ =	shalt  }
0x41: {  	_ =	shalt  }
0x42: {  	_ =	shalt  }
0x43: {  	_ =	shalt  }
0x44: {  	_ =	shalt  }
0x45: {  	_ =	shalt  }
0x46: {  	_ =	shalt  }
0x47: {  	_ =	shalt  }
0x48: {  	_ =	shalt  }
0x49: {  	_ =	shalt  }
0x4a: {  	_ =	shalt  }
0x4b: {  	_ =	shalt  }
0x4c: {  	_ =	shalt  }
0x4d: {  	_ =	shalt  }
0x4e: {  	_ =	shalt  }
0x4f: {  	_ =	shalt  }
0x50: {  	_ =	shalt  }
0x51: {  	_ =	shalt  }
0x52: {  	_ =	shalt  }
0x53: {  	_ =	shalt  }
0x54: {  	_ =	shalt  }
0x55: {  	_ =	shalt  }
0x56: {  	_ =	shalt  }
0x57: {  	_ =	shalt  }
0x58: {  	_ =	shalt  }
0x59: {  	_ =	shalt  }
0x5a: {  	_ =	shalt  }
0x5b: {  	_ =	shalt  }
0x5c: {  	_ =	shalt  }
0x5d: {  	_ =	shalt  }
0x5e: {  	_ =	shalt  }
0x5f: {  	_ =	shalt  }
0x60: {  	_ =	shalt  }
0x61: {  	_ =	shalt  }
0x62: {  	_ =	shalt  }
0x63: {  	_ =	shalt  }
0x64: {  	_ =	shalt  }
0x65: {  	_ =	shalt  }
0x66: {  	_ =	shalt  }
0x67: {  	_ =	shalt  }
0x68: {  	_ =	shalt  }
0x69: {  	_ =	shalt  }
0x6a: {  	_ =	shalt  }
0x6b: {  	_ =	shalt  }
0x6c: {  	_ =	shalt  }
0x6d: {  	_ =	shalt  }
0x6e: {  	_ =	shalt  }
0x6f: {  	_ =	shalt  }
0x70: {  	_ =	shalt  }
0x71: {  	_ =	shalt  }
0x72: {  	_ =	shalt  }
0x73: {  	_ =	shalt  }
0x74: {  	_ =	shalt  }
0x75: {  	_ =	shalt  }
0x76: {  	_ =	shalt  }
0x77: {  	_ =	shalt  }
0x78: {  	_ =	shalt  }
0x79: {  	_ =	shalt  }
0x7a: {  	_ =	shalt  }
0x7b: {  	_ =	shalt  }
0x7c: {  	_ =	shalt  }
0x7d: {  	_ =	shalt  }
0x7e: {  	_ =	shalt  }
0x7f: {  	_ =	shalt  }
0x80: {  	_ =	shalt  }
0x81: {  	_ =	shalt  }
0x82: {  	_ =	shalt  }
0x83: {  	_ =	shalt  }
0x84: {  	_ =	shalt  }
0x85: {  	_ =	shalt  }
0x86: {  	_ =	shalt  }
0x87: {  	_ =	shalt  }
.Lfunc_end0:
.L_simem_size_0:
called_computation_lowered:
.L_overlay_start_0:
0x88: {  	s2 =	sld [smem:$0x3FD9]  }
0x89: {  	s3 =	sld [smem:$0x3FFE];
	_ =	sdelay $0x1  }
0x8a: {  	s1 =	srdreg.scid  }
0x8b: {  	s0 =	sand.u32 $0x1, s1  }
0x8c: {  	s16 =	sshll.u32 s0, $0xA;
	s2 =	sadd.s32 s3, s2  }
0x8d: {  	s2 =	sadd.s32 s2, s16  }
0x8e: {  	[smem:$0x3FC2] =	sst s2  }
0x8f: {  	_ = 	snop  }
0x90: {  	(tm) =	ssettm $0x1  }
0x91: {  	s17 =	sld [smem:$0x3FFB];
	_ =	sdelay $0x3  }
0x92: {  	_ =	strace s17  }
0x93: {  	s2 =	sld [smem:$0x3FFC];
	_ =	sdelay $0x3  }
0x94: {  	_ =	strace s2  }
0x95: {  	s2 =	sld [smem:$0x3FFD];
	_ =	sdelay $0x3  }
0x96: {  	_ =	strace s2  }
0x97: {  	_ =	strace $0x8FFFFFFF  }
0x98: {  	s18 =	sld [smem:$0x3FDB];
	_ =	sdelay $0x1  }
0x99: {  	s19 =	simm.s32 $_scs_section_size  }
0x9a: {  	s4 =	simm.s32 $_size__tile_overlayer_lowered;
	s5 =	simm.s32 $_tile_overlayer_lowered  }
0x9b: {  	s22 =	simm.s32 $0x1BFF;
	s21 =	sshll.u32 s5, $0x1;
	s2 =	sadd.s32 s19, s18  }
0x9c: {  	s6 =	simm.s32 $0x0;
	s20 =	sshll.u32 s4, $0x1;
	s4 =	sadd.s32 s21, s2  }
0x9d: {  	[timem:s6], [sflag:s22] =	dma.local [hbm:s4], s20  }
0x9e: {  	_ =	swait.ge [sflag:s22], s20  }
0x9f: {  	s3 =	ssub.s32 $0x0, s20;
	[sflag:s22] =	ssyncset.done $0x0  }
0xa0: {  	[sflag:s22] =	ssyncadd.s32 s3;
	_ =	sdelay $0x1  }
0xa1: {  	s23 =	simm.s32 $0x1B8B  }
0xa2: {  	_ =	swait.ge [sflag:s23], $0x1  }
0xa3: {  	[sflag:s23] =	ssyncset.done $0x0  }
0xa4: {  	s25 =	simm.s32 $0x1B8E;
	s24 =	sld [smem:$0x3FFE];
	[sflag:s23] =	ssyncadd.s32 $0xFFFFFFFF  }
0xa5: {  	s26 =	simm.s32 $execute0_lowered;
	[smem:$0x3FD2] =	sst s25  }
0xa6: {  	s4 =	sshll.u32 s26, $0x1;
	_ =	strace $0x80000046;
	[dreg:$0x1] =	wrdreg $0xFFFFFFFF  }
0xa7: {  	s28 =	simm.s32 $_size_execute0_lowered;
	s2 =	sadd.s32 s2, s4;
	[dreg:$0x0] =	wrdreg $0x0  }
0xa8: {  	s4 =	sshll.u32 s28, $0x1;
	[dreg:$0x2] =	wrdreg s2  }
0xa9: {  	[dreg:$0x3] =	wrdreg s4  }
0xaa: {  	[dreg:$0x4] =	wrdreg $0xC0  }
0xab: {  	_ =	task [dreg:s6], $0x5FFFF  }
0xac: {  	[dreg:$0x1] =	wrdreg $0xFFFFFFFF  }
0xad: {  	[dreg:$0x0] =	wrdreg $0x60  }
0xae: {  	[dreg:$0x2] =	wrdreg s24  }
0xaf: {  	[dreg:$0x3] =	wrdreg $0x38000  }
0xb0: {  	[dreg:$0x4] =	wrdreg $0x9  }
0xb1: {  	_ =	task.clear_ibuf [dreg:s6], $0x5FFFF;
	_ =	strace $0x90000046  }
0xb2: {  	s29 =	simm.s32 $0x9;
	_ =	strace $0x80000048  }
0xb3: {  	_ =	swait.ge [sflag:s29], $0x1  }
0xb4: {  	[sflag:s29] =	ssyncadd.s32 $0xFFFFFFFF  }
0xb5: {  	_ =	strace $0x90000048  }
0xb6: {  	_ =	sfence  }
0xb7: {  	s30 =	sld [smem:$0x0];
	_ =	sdelay $0x2  }
0xb8: {  	s31 =	sshll.u32 s1, $0xD;
	s1 =	sshrl.u32 s1, $0x2  }
0xb9: {  	s3 =	sand.u32 $0x4000, s31;
	s1 =	sadd.s32 s1, s30  }
0xba: {  	s0 =	sor.u32 s3, s0;
	s1 =	sshll.u32 s1, $0x11  }
0xbb: {  	s0 =	sor.u32 s1, s0  }
0xbc: {  	s0 =	sadd.s32 $0x8F2B, s0  }
0xbd: {  	[sflag:s0] =	ssyncadd.remote.s32 $0x1  }
0xbe: {  	_ =	sfence.sel $0xFFFF  }
0xbf: {  	[dreg:$0x0] =	wrdreg $0xFFFFFFFF;
	(pc) =	sbr.abs _section_cstart, $3  }
0xc0: {  	[dreg:$0x1] =	wrdreg $0xFFFFFFFF  }
0xc1: {  	_ =	task.clear_ibuf [dreg:s6], $0x2FFFF;
	_ =	strace $0x9FFFFFFF  }
0xc2: {  	(tm) =	ssettm $0x7FFFFFFF  }
0xc3: {  	_ =	shalt  }
tec
execute0_lowered:
.L_overlay_start_1:
0x0: {  	(tag) =	ssettag $0x1  }
0x1: {  	s4 =	rddreg [dreg:$0x0];
	s0 =	srdreg.scid  }
0x2: {  	s2 =	rddreg [dreg:$0x1];
	s1 =	stileid.u32  }
0x3: {  	s3 =	simm.s32 $0x0;
	s13 =	simm.s32 $0x2;
	s14 =	simm.s32 $0x80  }
0x4: {  	s15 =	simm.s32 $0x2800;
	s5 =	sand.u32 $0x1, s0;
	s0 =	rddreg [dreg:$0x2]  }
0x5: {  	s16 =	simm.s32 $0x1;
	s7 =	smul.u32 $0x2800, s1;
	[smem:$0x7FF] =	sst s3  }
0x6: {  	s9 =	smul.u32 $0xA000, s1;
	s17 =	sshll.u32 s1, $0x6;
	s6 =	sshll.u32 s5, $0x4  }
0x7: {  	s8 =	smul.u32 $0x28000, s5;
	_ =	strace $0x80000047;
	s5 =	ssub.s32 $0x2, s5  }
0x8: {  	s17 =	sor.u32 $0x1C02, s17;
	s6 =	sor.u32 s1, s6;
	s29 =	sshrl.u32 s5, $0x1  }
0x9: {  	s30 =	sshrl.u32 s9, $0x2;
	s6 =	smul.u32 $0x500, s6;
	s8 =	sadd.s32 s7, s8  }
0xa: {  	s12 =	ssub.s32 s5, s29;
	s31 =	sadd.s32 s30, s2;
	s28 =	sshrl.u32 s8, $0x3  }
0xb: {  	s5 =	sadd.s32 $0x800, s31;
	s8 =	sadd.s32 $0x2000, s31;
	s10 =	sadd.s32 s6, s4  }
0xc: {  	s11 =	sadd.s32 s28, s4;
	s4 =	sadd.s32 s7, s2;
	s6 =	sadd.s32 $0x1000, s31  }
0xd: {  	s7 =	sadd.s32 $0x1800, s31;
	s9 =	sadd.s32 $0xA00, s10;
	s10 =	sadd.s32 $0xAA00, s11  }
0xe: {  	v0 =	vimm.f32 $0.0e+00;
	v1 =	vimm.f32 $1.000000000e+00;
	s11 =	smax.u32 s12, $0x1;
	s12 =	simm.s32 $0x3000;
	s18 =	sshrl.u32 s4, $0x3  }
.LBB2_1:
0xf: {  	s19 =	simm.s32 $0x0  }
.LBB2_2:
0x10: {  	p0 =	sne.s32 s19, $0x1FC0  }
.Ltmp0:
0x11: {  	_ = 	snop;
	(pc) =	sbr.rel @p0 .LBB2_2-.Ltmp0, $3  }
0x12: {  	_ =	sdelay $0x1  }
0x13: {  	s20 =	sshra.s32 s19, $0x2  }
0x14: {  	s19 =	sadd.s32 $0x40, s19;
	[tilespmem:s20+$0x3000] =	vst v0  }
0x15: {  	s19 =	simm.s32 $0x40;
	s20 =	simm.s32 $0x0  }
.LBB2_4:
0x16: {  	p0 =	sne.s32 s19, $0x1FC0;
	[tilespmem:s20+$0x2800] =	vst v1;
	s20 =	smov.u32 s19;
	s19 =	sadd.s32 $0x40, s19  }
.Ltmp1:
0x17: {  	(pc) =	sbr.rel @p0 .LBB2_4-.Ltmp1, $2  }
0x18: {  	_ =	sdelay $0x2  }
0x19: {  	s20 =	sshra.s32 s20, $0x2  }
0x1a: {  	[tilespmem:s20+$0x2800] =	vst v1  }
0x1b: {  	[spmem:s4] =	stream.linear.scatter [tilespmem:s12], [sflag:$0x2], $0x800, $0x38;
	[tilespmem:$0x6000] =	vst v63  }
0x1c: {  	_ =	swait.ge [sflag:s13], $0x800  }
0x1d: {  	[sflag:s13] =	ssyncset.done $0x0  }
0x1e: {  	[sflag:s13] =	ssyncadd.s32 $0xFFFFF800  }
0x1f: {  	[spmem:s5] =	stream.linear.scatter [tilespmem:s12], [sflag:$0x2], $0x800, $0x38;
	[tilespmem:$0x6000] =	vst v63  }
0x20: {  	_ =	swait.ge [sflag:s13], $0x800  }
0x21: {  	[sflag:s13] =	ssyncset.done $0x0  }
0x22: {  	[sflag:s13] =	ssyncadd.s32 $0xFFFFF800  }
0x23: {  	[spmem:s6] =	stream.linear.scatter [tilespmem:s12], [sflag:$0x2], $0x800, $0x38;
	[tilespmem:$0x6000] =	vst v63  }
0x24: {  	_ =	swait.ge [sflag:s13], $0x800  }
0x25: {  	[sflag:s13] =	ssyncset.done $0x0  }
0x26: {  	[sflag:s13] =	ssyncadd.s32 $0xFFFFF800  }
0x27: {  	[spmem:s7] =	stream.linear.scatter [tilespmem:s12], [sflag:$0x2], $0x800, $0x38;
	[tilespmem:$0x6000] =	vst v63  }
0x28: {  	_ =	swait.ge [sflag:s13], $0x800  }
0x29: {  	[sflag:s13] =	ssyncset.done $0x0  }
0x2a: {  	[sflag:s13] =	ssyncadd.s32 $0xFFFFF800  }
0x2b: {  	[spmem:s8] =	stream.linear.scatter [tilespmem:s12], [sflag:$0x2], $0x800, $0x38;
	[tilespmem:$0x6000] =	vst v63  }
0x2c: {  	_ =	swait.ge [sflag:s13], $0x800  }
0x2d: {  	[sflag:s13] =	ssyncset.done $0x0  }
0x2e: {  	[sflag:s13] =	ssyncadd.s32 $0xFFFFF800  }
0x2f: {  	s19 =	simm.s32 $0x0;
	[bflag:$0x0] =	sbarrier.arrive $0xFFFF  }
0x30: {  	[tilespmem:s19], [sflag:$0x2] =	stream.linear.gather [hbm4b:s9+s19], $0x2800, $0x38;
	[tilespmem:$0x6000] =	vst v63  }
0x31: {  	_ =	swait.ge [sflag:s13], $0x2800  }
0x32: {  	[sflag:s13] =	ssyncset.done $0x0  }
0x33: {  	[sflag:s13] =	ssyncadd.s32 $0xFFFFD800  }
.LBB2_6:
0x34: {  	p0 =	sne.s32 s19, $0x9E00  }
.Ltmp2:
0x35: {  	_ = 	snop;
	(pc) =	sbr.rel @p0 .LBB2_6-.Ltmp2, $3  }
0x36: {  	_ =	sdelay $0x1  }
0x37: {  	s20 =	sshra.s32 s19, $0x2;
	s19 =	sadd.s32 $0x200, s19  }
0x38: {  	[spmem:s2] =	stream.indirect.scatter.add.f32 [tilespmem:s15], [sflag:$0x1], $0x10, s20, s14, $0xb8;
	[tilespmem:$0x6000] =	vst v63  }
0x39: {  	_ =	swait.ge [sflag:s16], $0x800  }
0x3a: {  	s19 =	simm.s32 $0x4F;
	[sflag:s16] =	ssyncset.done $0x0  }
.LBB2_8:
0x3b: {  	p0 =	sne.s32 s19, $0x1;
	s19 =	sadd.s32 $0xFFFFFFFF, s19;
	[sflag:s16] =	ssyncadd.s32 $0xFFFFF800  }
.Ltmp3:
0x3c: {  	(pc) =	sbr.rel @p0 .LBB2_8-.Ltmp3, $3  }
0x3d: {  	_ =	sdelay $0x1  }
0x3e: {  	_ =	swait.ge [sflag:s16], $0x800  }
0x3f: {  	[sflag:s16] =	ssyncset.done $0x0  }
0x40: {  	s3 =	sadd.s32 $0x1, s3  }
0x41: {  	[sflag:s16] =	ssyncadd.s32 $0xFFFFF800;
	p0 =	sne.s32 s3, s11  }
.Ltmp4:
0x42: {  	[bflag:$0x0] =	sbarrier.arrive $0xFFFF;
	(pc) =	sbr.rel @p0 .LBB2_1-.Ltmp4, $4  }
0x43: {  	[hbm:s10], [sflag:s17] =	dma.local [spmem:s18], $0x500  }
0x44: {  	_ =	swait.ge [sflag:s13], $0x500  }
0x45: {  	[sflag:s13] =	ssyncset.done $0x0  }
0x46: {  	[sflag:s13] =	ssyncadd.s32 $0xFFFFFB00  }
0x47: {  	_ =	sfence.sel $0x180000  }
0x48: {  	[bflag:$0x0] =	sbarrier.arrive $0xFFFF  }
0x49: {  	p0 =	sne.s32 s1, $0x0;
	_ =	strace $0x90000047  }
0x4a: {  	s0 =	sadd.s32 @!p0 $0x100000, s0;
	[bflag:$0x2] =	sbarrier.arrive $0xFFFF  }
0x4b: {  	[sflag:s0] =	ssyncadd.tile.s32 @!p0 $0x1;
	_ =	shalt  }
.Lfunc_end2:
_tile_overlayer_lowered:
.L_overlay_start_2:
0x4c: {  	(tag) =	ssettag $0x2  }
0x4d: {  	s0 =	rddreg [dreg:$0x0];
	s2 =	stileid.u32  }
0x4e: {  	s1 =	rddreg [dreg:$0x1];
	p0 =	sne.s32 s2, $0x0  }
0x4f: {  	s3 =	rddreg [dreg:$0x2];
	[bflag:$0x3] =	sbarrier.arrive $0xFFFF;
	s2 =	simm.s32 @!p0 $0x1C02  }
0x50: {  	[timem:s3], [sflag:s2] =	dma.local @!p0 [hbm:s0], s1  }
0x51: {  	s0 =	simm.s32 @!p0 $0x2  }
0x52: {  	_ =	swait.ge @!p0 [sflag:s0], s1  }
0x53: {  	s1 =	ssub.s32 @!p0 $0x0, s1;
	[sflag:s0] =	ssyncset.done @!p0 $0x0  }
0x54: {  	[sflag:s0] =	ssyncadd.s32 @!p0 s1  }
0x55: {  	[bflag:$0x3] =	sbarrier.arrive $0xFFFF  }
0x56: {  	_ =	shalt  }

</sc_bundles>
